<compile_context>
chip_gen: v7x
topology: tpu7x:2x2x1
jax: 0.10.2.dev20260603
libtpu: 0.0.44.dev20260713+nightly
codegen_flags: <defaults>
</compile_context>

<pallas_src>
import functools

import jax
import jax.numpy as jnp
from jax import lax
from jax.experimental import pallas as pl
from jax.experimental.pallas import tpu as pltpu
from jax.experimental.pallas import tpu_sc as plsc

NUM_CORES = 2
NUM_SUBCORES = 16
NW = NUM_CORES * NUM_SUBCORES

ROWS = 128
SLAB = 40
NBUF = 4
LANES = 16


def _build_kernel(n_rows, d_model, n_blocks):
    mesh = plsc.VectorSubcoreMesh(core_axis_name="c", subcore_axis_name="s")
    n_slabs = n_blocks // SLAB

    @functools.partial(
        pl.kernel,
        out_type=jax.ShapeDtypeStruct((NW, n_blocks, ROWS, d_model), jnp.float32),
        mesh=mesh,
        scratch_types=[
            pltpu.VMEM_SHARED((n_rows, d_model), jnp.float32),
            pltpu.VMEM((n_rows, d_model), jnp.float32),
            [pltpu.VMEM((SLAB, ROWS), jnp.int32) for _ in range(2)],
            [pltpu.VMEM((ROWS, d_model), jnp.float32) for _ in range(NBUF)],
            [pltpu.SemaphoreType.DMA for _ in range(NBUF)],
            [pltpu.SemaphoreType.DMA for _ in range(NBUF)],
            pltpu.SemaphoreType.DMA,
        ],
    )
    def gather_kernel(idx_hbm, pe_hbm, out_hbm, table_sp, table_l, idx_bufs,
                      rows, gsems, wsems, isem):
        c = lax.axis_index("c")
        s = lax.axis_index("s")
        wid = c * NUM_SUBCORES + s

        @pl.when(s == 0)
        def _():
            pltpu.sync_copy(pe_hbm, table_sp)
        pltpu.sync_copy(pe_hbm, table_l)
        plsc.subcore_barrier()

        def compute_block(idx_v, jj, buf):
            def grp_body(g, _):
                v16 = idx_v[jj, pl.ds(LANES * g, LANES)]
                for li in range(LANES):
                    ri = v16[li]
                    row = LANES * g + li
                    for k in range(d_model // LANES):
                        buf[row, pl.ds(LANES * k, LANES)] = (
                            table_l[ri, pl.ds(LANES * k, LANES)])
                return 0

            lax.fori_loop(0, ROWS // LANES, grp_body, 0)

        def quad_body(si, idx_v, q):
            base = si * SLAB + NBUF * q
            for b in range(NBUF - 1):
                j = base + b

                @pl.when(j >= NBUF)
                def _():
                    pltpu.make_async_copy(
                        rows[b], out_hbm.at[wid, j], wsems[b]
                    ).wait()

                pltpu.async_copy(
                    table_sp.at[idx_v.at[NBUF * q + b]], rows[b], gsems[b]
                )

                if b > 0:
                    pb = b - 1
                    pj = j - 1
                else:
                    pb = NBUF - 2
                    pj = j - 2

                def flush_prev():
                    pltpu.make_async_copy(
                        table_sp.at[idx_v.at[0]], rows[pb], gsems[pb]
                    ).wait()
                    pltpu.async_copy(rows[pb], out_hbm.at[wid, pj], wsems[pb])

                if b > 0:
                    flush_prev()
                else:
                    pl.when(q >= 1)(flush_prev)

            bc = NBUF - 1
            jc = base + bc

            @pl.when(jc >= NBUF)
            def _():
                pltpu.make_async_copy(
                    rows[bc], out_hbm.at[wid, jc], wsems[bc]
                ).wait()

            compute_block(idx_v, NBUF * q + bc, rows[bc])
            pltpu.async_copy(rows[bc], out_hbm.at[wid, jc], wsems[bc])

        def slab_flush(si, idx_v):
            last = NBUF - 2
            pltpu.make_async_copy(
                table_sp.at[idx_v.at[0]], rows[last], gsems[last]
            ).wait()
            pltpu.async_copy(
                rows[last], out_hbm.at[wid, si * SLAB + SLAB - 2], wsems[last]
            )

        def slab_pair_body(sp, _):
            si0 = 2 * sp
            si1 = 2 * sp + 1

            pltpu.async_copy(
                idx_hbm.at[wid, pl.ds(si1 * SLAB, SLAB)], idx_bufs[1], isem
            )
            lax.fori_loop(0, SLAB // NBUF,
                          lambda q, _: (quad_body(si0, idx_bufs[0], q), 0)[1], 0)
            slab_flush(si0, idx_bufs[0])
            pltpu.make_async_copy(
                idx_hbm.at[wid, pl.ds(si1 * SLAB, SLAB)], idx_bufs[1], isem
            ).wait()

            @pl.when(sp + 1 < n_slabs // 2)
            def _():
                pltpu.async_copy(
                    idx_hbm.at[wid, pl.ds((si0 + 2) * SLAB, SLAB)],
                    idx_bufs[0], isem,
                )
            lax.fori_loop(0, SLAB // NBUF,
                          lambda q, _: (quad_body(si1, idx_bufs[1], q), 0)[1], 0)
            slab_flush(si1, idx_bufs[1])

            @pl.when(sp + 1 < n_slabs // 2)
            def _():
                pltpu.make_async_copy(
                    idx_hbm.at[wid, pl.ds((si0 + 2) * SLAB, SLAB)],
                    idx_bufs[0], isem,
                ).wait()
            return 0

        pltpu.sync_copy(idx_hbm.at[wid, pl.ds(0, SLAB)], idx_bufs[0])
        lax.fori_loop(0, n_slabs // 2, slab_pair_body, 0)

        for b in range(NBUF):
            pltpu.make_async_copy(
                rows[b], out_hbm.at[wid, n_blocks - 1], wsems[b]
            ).wait()

    return gather_kernel


def kernel(doy, pe):
    batch, hist = doy.shape
    n_rows, d_model = pe.shape
    total = batch * hist
    assert total % (NW * ROWS) == 0
    n_blocks = total // (NW * ROWS)
    assert n_blocks % (2 * SLAB) == 0 and SLAB % NBUF == 0

    idx = doy.reshape(NW, n_blocks, ROWS).astype(jnp.int32)
    out = _build_kernel(n_rows, d_model, n_blocks)(idx, pe)
    return out.reshape(batch, hist, d_model)

# --- scband reference (transcript-rebuilt; emitter-appended) ---
"""Pipeline reference for scband-positional-encoding-66992899883314 (READ-ONLY COPY).

The authoritative reference and input builder live on the scoring server;
editing this copy changes nothing except your own understanding.
"""

import jax, jax.numpy as jnp
import numpy as np
import math

D_MODEL = 128
MAX_LEN = 366
BATCH = 16384
HIST = 200


def make_pe(d_model, max_len):
    pe = np.zeros((max_len + 1, d_model), dtype=np.float32)
    position = np.arange(0, max_len, dtype=np.float32)[:, None]
    div_term = np.exp(np.arange(0, d_model, 2, dtype=np.float32) * -(math.log(10000.0) / d_model))
    pe[1:, 0::2] = np.sin(position * div_term)
    pe[1:, 1::2] = np.cos(position * div_term)
    return jnp.asarray(pe)


def setup_inputs(seed: int = 0) -> dict:
    key = jax.random.key(seed)
    k1, _ = jax.random.split(key)
    doy = jax.random.randint(k1, (BATCH, HIST), 0, MAX_LEN + 1, dtype=jnp.int64 if jax.config.jax_enable_x64 else jnp.int32)
    pe = make_pe(D_MODEL, MAX_LEN)
    return {"doy": doy, "pe": pe}


def reference(doy, pe):
    # Faithful translation of torch forward: self.pe[doy, :]
    return jnp.take(pe, doy, axis=0)

if __name__ == "__main__":
    import jax
    _d = setup_inputs()
    print(jax.jit(kernel)(*tuple(_d.values())))

</pallas_src>

<mosaic_0001>
#map = affine_map<(d0, d1) -> (0, 0, 0)>
#map1 = affine_map<(d0, d1) -> (0, 0)>
#map2 = affine_map<(d0, d1) -> (0, 0, 0, 0)>
module attributes {stable_mosaic.version = 14 : i64} {
  func.func @gather_kernel(%arg0: i32, %arg1: i32, %arg2: memref<32x800x128xi32, #tpu.memory_space<hbm>>, %arg3: memref<367x128xf32, #tpu.memory_space<hbm>>, %arg4: memref<32x800x128x128xf32, #tpu.memory_space<hbm>>, %arg5: memref<367x128xf32, #tpu.memory_space<vmem_shared>>, %arg6: memref<367x128xf32, #tpu.memory_space<vmem>>, %arg7: memref<40x128xi32, #tpu.memory_space<vmem>>, %arg8: memref<40x128xi32, #tpu.memory_space<vmem>>, %arg9: memref<128x128xf32, #tpu.memory_space<vmem>>, %arg10: memref<128x128xf32, #tpu.memory_space<vmem>>, %arg11: memref<128x128xf32, #tpu.memory_space<vmem>>, %arg12: memref<128x128xf32, #tpu.memory_space<vmem>>, %arg13: memref<!tpu.dma_semaphore, #tpu.memory_space<semaphore_mem>>, %arg14: memref<!tpu.dma_semaphore, #tpu.memory_space<semaphore_mem>>, %arg15: memref<!tpu.dma_semaphore, #tpu.memory_space<semaphore_mem>>, %arg16: memref<!tpu.dma_semaphore, #tpu.memory_space<semaphore_mem>>, %arg17: memref<!tpu.dma_semaphore, #tpu.memory_space<semaphore_mem>>, %arg18: memref<!tpu.dma_semaphore, #tpu.memory_space<semaphore_mem>>, %arg19: memref<!tpu.dma_semaphore, #tpu.memory_space<semaphore_mem>>, %arg20: memref<!tpu.dma_semaphore, #tpu.memory_space<semaphore_mem>>, %arg21: memref<!tpu.dma_semaphore, #tpu.memory_space<semaphore_mem>>) attributes {dimension_semantics = [#tpu.dimension_semantics<core_parallel>, #tpu.dimension_semantics<subcore_parallel>], iteration_bounds = array<i64: 2, 16>, scalar_prefetch = 0 : i64, scratch_operands = 17 : i64, tpu.core_type = #tpu.core_type<sc_vector_subcore>, window_params = [{transform_indices = #map}, {transform_indices = #map1}, {transform_indices = #map2}]} {
    %mul3A = arith.constant 16 : i32
    %mul3A_0 = arith.muli %arg0, %mul3A : i32
    %add3A = arith.addi %mul3A_0, %arg1 : i32
    %eq3A = arith.constant 0 : i32
    %eq3A_1 = arith.cmpi eq, %arg1, %eq3A : i32
    %convert_element_type3A = arith.extui %eq3A_1 : i1 to i32
    %cond3A = arith.constant 0 : i32
    %cond3A_2 = arith.cmpi ne, %convert_element_type3A, %cond3A : i32
    scf.if %cond3A_2 {
      "tpu.region"() ({
        %run_scoped3A = tpu.sem_alloc : memref<!tpu.dma_semaphore, #tpu.memory_space<semaphore_mem>>
        tpu.enqueue_dma source(%arg3 : memref<367x128xf32, #tpu.memory_space<hbm>>) target(%arg5 : memref<367x128xf32, #tpu.memory_space<vmem_shared>>) target_semaphore(%run_scoped3A : memref<!tpu.dma_semaphore, #tpu.memory_space<semaphore_mem>>)
        tpu.wait_dma2 semaphore(%run_scoped3A : memref<!tpu.dma_semaphore, #tpu.memory_space<semaphore_mem>>) src(%arg3 : memref<367x128xf32, #tpu.memory_space<hbm>>) dst(%arg5 : memref<367x128xf32, #tpu.memory_space<vmem_shared>>)
        tpu.yield
      }) : () -> ()
    } else {
    }
    "tpu.region"() ({
      %run_scoped3A = tpu.sem_alloc : memref<!tpu.dma_semaphore, #tpu.memory_space<semaphore_mem>>
      tpu.enqueue_dma source(%arg3 : memref<367x128xf32, #tpu.memory_space<hbm>>) target(%arg6 : memref<367x128xf32, #tpu.memory_space<vmem>>) target_semaphore(%run_scoped3A : memref<!tpu.dma_semaphore, #tpu.memory_space<semaphore_mem>>)
      tpu.wait_dma2 semaphore(%run_scoped3A : memref<!tpu.dma_semaphore, #tpu.memory_space<semaphore_mem>>) src(%arg3 : memref<367x128xf32, #tpu.memory_space<hbm>>) dst(%arg6 : memref<367x128xf32, #tpu.memory_space<vmem>>)
      tpu.yield
    }) : () -> ()
    %barrier3A = arith.constant 0 : index
    tpu.barrier barrier_id(%barrier3A)
    "tpu.region"() ({
      %run_scoped3A = tpu.sem_alloc : memref<!tpu.dma_semaphore, #tpu.memory_space<semaphore_mem>>
      %dma_start3A = arith.constant 0 : i32
      %dma_start3A_44 = arith.constant 0 : i32
      %dma_start3A_45 = tpu.memref_slice %arg2[%add3A, %dma_start3A, %dma_start3A_44] : memref<32x800x128xi32, #tpu.memory_space<hbm>> -> memref<1x40x128xi32, #tpu.memory_space<hbm>>
      %dma_start3A_46 = tpu.memref_squeeze %dma_start3A_45 : memref<1x40x128xi32, #tpu.memory_space<hbm>> -> memref<40x128xi32, #tpu.memory_space<hbm>>
      %dma_start3A_47 = arith.constant 0 : i32
      %dma_start3A_48 = arith.constant 0 : i32
      %dma_start3A_49 = tpu.memref_slice %arg2[%add3A, %dma_start3A_47, %dma_start3A_48] : memref<32x800x128xi32, #tpu.memory_space<hbm>> -> memref<1x40x128xi32, #tpu.memory_space<hbm>>
      %dma_start3A_50 = tpu.memref_squeeze %dma_start3A_49 : memref<1x40x128xi32, #tpu.memory_space<hbm>> -> memref<40x128xi32, #tpu.memory_space<hbm>>
      tpu.enqueue_dma source(%dma_start3A_50 : memref<40x128xi32, #tpu.memory_space<hbm>>) target(%arg7 : memref<40x128xi32, #tpu.memory_space<vmem>>) target_semaphore(%run_scoped3A : memref<!tpu.dma_semaphore, #tpu.memory_space<semaphore_mem>>)
      %dma_wait3A_51 = arith.constant 0 : i32
      %dma_wait3A_52 = arith.constant 0 : i32
      %dma_wait3A_53 = tpu.memref_slice %arg2[%add3A, %dma_wait3A_51, %dma_wait3A_52] : memref<32x800x128xi32, #tpu.memory_space<hbm>> -> memref<1x40x128xi32, #tpu.memory_space<hbm>>
      %dma_wait3A_54 = tpu.memref_squeeze %dma_wait3A_53 : memref<1x40x128xi32, #tpu.memory_space<hbm>> -> memref<40x128xi32, #tpu.memory_space<hbm>>
      %dma_wait3A_55 = arith.constant 0 : i32
      %dma_wait3A_56 = arith.constant 0 : i32
      %dma_wait3A_57 = tpu.memref_slice %arg2[%add3A, %dma_wait3A_55, %dma_wait3A_56] : memref<32x800x128xi32, #tpu.memory_space<hbm>> -> memref<1x40x128xi32, #tpu.memory_space<hbm>>
      %dma_wait3A_58 = tpu.memref_squeeze %dma_wait3A_57 : memref<1x40x128xi32, #tpu.memory_space<hbm>> -> memref<40x128xi32, #tpu.memory_space<hbm>>
      tpu.wait_dma2 semaphore(%run_scoped3A : memref<!tpu.dma_semaphore, #tpu.memory_space<semaphore_mem>>) src(%dma_wait3A_58 : memref<40x128xi32, #tpu.memory_space<hbm>>) dst(%arg7 : memref<40x128xi32, #tpu.memory_space<vmem>>)
      tpu.yield
    }) : () -> ()
    %scan3A = arith.constant 0 : i32
    %scan3A_3 = arith.constant 0 : i32
    %scan3A_4 = arith.constant 10 : i32
    %scan3A_5 = arith.addi %scan3A_3, %scan3A_4 : i32
    %scan3A_6 = arith.constant 1 : i32
    %scan3A_7 = scf.for %scan3A_44 = %scan3A_3 to %scan3A_5 step %scan3A_6 iter_args(%scan3A_45 = %scan3A) -> (i32)  : i32 {
      %mul3A_46 = arith.constant 2 : i32
      %mul3A_47 = arith.muli %mul3A_46, %scan3A_44 : i32
      %mul3A_48 = arith.constant 2 : i32
      %mul3A_49 = arith.muli %mul3A_48, %scan3A_44 : i32
      %add3A_50 = arith.constant 1 : i32
      %add3A_51 = arith.addi %mul3A_49, %add3A_50 : i32
      %mul3A_52 = arith.constant 40 : i32
      %mul3A_53 = arith.muli %add3A_51, %mul3A_52 : i32
      %dma_start3A = arith.constant 0 : i32
      %dma_start3A_54 = tpu.memref_slice %arg2[%add3A, %mul3A_53, %dma_start3A] : memref<32x800x128xi32, #tpu.memory_space<hbm>> -> memref<1x40x128xi32, #tpu.memory_space<hbm>>
      %dma_start3A_55 = tpu.memref_squeeze %dma_start3A_54 : memref<1x40x128xi32, #tpu.memory_space<hbm>> -> memref<40x128xi32, #tpu.memory_space<hbm>>
      %dma_start3A_56 = arith.constant 0 : i32
      %dma_start3A_57 = tpu.memref_slice %arg2[%add3A, %mul3A_53, %dma_start3A_56] : memref<32x800x128xi32, #tpu.memory_space<hbm>> -> memref<1x40x128xi32, #tpu.memory_space<hbm>>
      %dma_start3A_58 = tpu.memref_squeeze %dma_start3A_57 : memref<1x40x128xi32, #tpu.memory_space<hbm>> -> memref<40x128xi32, #tpu.memory_space<hbm>>
      tpu.enqueue_dma source(%dma_start3A_58 : memref<40x128xi32, #tpu.memory_space<hbm>>) target(%arg8 : memref<40x128xi32, #tpu.memory_space<vmem>>) target_semaphore(%arg21 : memref<!tpu.dma_semaphore, #tpu.memory_space<semaphore_mem>>)
      %scan3A_59 = arith.constant 0 : i32
      %scan3A_60 = arith.constant 0 : i32
      %scan3A_61 = arith.constant 10 : i32
      %scan3A_62 = arith.addi %scan3A_60, %scan3A_61 : i32
      %scan3A_63 = arith.constant 1 : i32
      %scan3A_64 = scf.for %scan3A_136 = %scan3A_60 to %scan3A_62 step %scan3A_63 iter_args(%scan3A_137 = %scan3A_59) -> (i32)  : i32 {
        %mul3A_138 = arith.constant 40 : i32
        %mul3A_139 = arith.muli %mul3A_47, %mul3A_138 : i32
        %mul3A_140 = arith.constant 4 : i32
        %mul3A_141 = arith.muli %mul3A_140, %scan3A_136 : i32
        %add3A_142 = arith.addi %mul3A_139, %mul3A_141 : i32
        %add3A_143 = arith.constant 0 : i32
        %add3A_144 = arith.addi %add3A_142, %add3A_143 : i32
        %ge3A = arith.constant 4 : i32
        %ge3A_145 = arith.cmpi sge, %add3A_144, %ge3A : i32
        %convert_element_type3A_146 = arith.extui %ge3A_145 : i1 to i32
        %cond3A_147 = arith.constant 0 : i32
        %cond3A_148 = arith.cmpi ne, %convert_element_type3A_146, %cond3A_147 : i32
        scf.if %cond3A_148 {
          %dma_wait3A_261 = arith.constant 0 : i32
          %dma_wait3A_262 = arith.constant 0 : i32
          %dma_wait3A_263 = tpu.memref_slice %arg4[%add3A, %add3A_144, %dma_wait3A_261, %dma_wait3A_262] : memref<32x800x128x128xf32, #tpu.memory_space<hbm>> -> memref<1x1x128x128xf32, #tpu.memory_space<hbm>>
          %dma_wait3A_264 = tpu.memref_squeeze %dma_wait3A_263 : memref<1x1x128x128xf32, #tpu.memory_space<hbm>> -> memref<128x128xf32, #tpu.memory_space<hbm>>
          %dma_wait3A_265 = arith.constant 0 : i32
          %dma_wait3A_266 = arith.constant 0 : i32
          %dma_wait3A_267 = tpu.memref_slice %arg4[%add3A, %add3A_144, %dma_wait3A_265, %dma_wait3A_266] : memref<32x800x128x128xf32, #tpu.memory_space<hbm>> -> memref<1x1x128x128xf32, #tpu.memory_space<hbm>>
          %dma_wait3A_268 = tpu.memref_squeeze %dma_wait3A_267 : memref<1x1x128x128xf32, #tpu.memory_space<hbm>> -> memref<128x128xf32, #tpu.memory_space<hbm>>
          tpu.wait_dma2 semaphore(%arg17 : memref<!tpu.dma_semaphore, #tpu.memory_space<semaphore_mem>>) src(%arg9 : memref<128x128xf32, #tpu.memory_space<vmem>>) dst(%dma_wait3A_268 : memref<128x128xf32, #tpu.memory_space<hbm>>)
        } else {
        }
        %mul3A_149 = arith.constant 4 : i32
        %mul3A_150 = arith.muli %mul3A_149, %scan3A_136 : i32
        %add3A_151 = arith.constant 0 : i32
        %add3A_152 = arith.addi %mul3A_150, %add3A_151 : i32
        %dma_start3A_153 = arith.constant 0 : i32
        %dma_start3A_154 = tpu.memref_slice %arg7[%add3A_152, %dma_start3A_153] : memref<40x128xi32, #tpu.memory_space<vmem>> -> memref<1x128xi32, #tpu.memory_space<vmem>>
        %dma_start3A_155 = tpu.memref_squeeze %dma_start3A_154 : memref<1x128xi32, #tpu.memory_space<vmem>> -> memref<128xi32, #tpu.memory_space<vmem>>
        %dma_start3A_156 = arith.constant 0 : i32
        %dma_start3A_157 = arith.constant 0 : i32
        %dma_start3A_158 = tpu.memref_slice %arg5[%dma_start3A_156, %dma_start3A_157] : memref<367x128xf32, #tpu.memory_space<vmem_shared>> -> memref<367x128xf32, #tpu.memory_space<vmem_shared>>
        tpu.enqueue_indirect_dma source(%dma_start3A_158 : memref<367x128xf32, #tpu.memory_space<vmem_shared>>) target(%arg9 : memref<128x128xf32, #tpu.memory_space<vmem>>) offsets(%dma_start3A_155 : memref<128xi32, #tpu.memory_space<vmem>>) semaphore(%arg13 : memref<!tpu.dma_semaphore, #tpu.memory_space<semaphore_mem>>)
        %sub3A_159 = arith.constant 2 : i32
        %sub3A_160 = arith.subi %add3A_144, %sub3A_159 : i32
        %ge3A_161 = arith.constant 1 : i32
        %ge3A_162 = arith.cmpi sge, %scan3A_136, %ge3A_161 : i32
        %convert_element_type3A_163 = arith.extui %ge3A_162 : i1 to i32
        %cond3A_164 = arith.constant 0 : i32
        %cond3A_165 = arith.cmpi ne, %convert_element_type3A_163, %cond3A_164 : i32
        scf.if %cond3A_165 {
          %dma_wait3A_261 = arith.constant 0 : i32
          %dma_wait3A_262 = arith.constant 0 : i32
          %dma_wait3A_263 = tpu.memref_slice %arg7[%dma_wait3A_261, %dma_wait3A_262] : memref<40x128xi32, #tpu.memory_space<vmem>> -> memref<1x128xi32, #tpu.memory_space<vmem>>
          %dma_wait3A_264 = tpu.memref_squeeze %dma_wait3A_263 : memref<1x128xi32, #tpu.memory_space<vmem>> -> memref<128xi32, #tpu.memory_space<vmem>>
          %dma_wait3A_265 = arith.constant 0 : i32
          %dma_wait3A_266 = arith.constant 0 : i32
          %dma_wait3A_267 = tpu.memref_slice %arg5[%dma_wait3A_265, %dma_wait3A_266] : memref<367x128xf32, #tpu.memory_space<vmem_shared>> -> memref<367x128xf32, #tpu.memory_space<vmem_shared>>
          tpu.wait_indirect_dma semaphore(%arg15 : memref<!tpu.dma_semaphore, #tpu.memory_space<semaphore_mem>>) src(%dma_wait3A_267 : memref<367x128xf32, #tpu.memory_space<vmem_shared>>) dst(%arg11 : memref<128x128xf32, #tpu.memory_space<vmem>>)
          %dma_start3A_268 = arith.constant 0 : i32
          %dma_start3A_269 = arith.constant 0 : i32
          %dma_start3A_270 = tpu.memref_slice %arg4[%add3A, %sub3A_160, %dma_start3A_268, %dma_start3A_269] : memref<32x800x128x128xf32, #tpu.memory_space<hbm>> -> memref<1x1x128x128xf32, #tpu.memory_space<hbm>>
          %dma_start3A_271 = tpu.memref_squeeze %dma_start3A_270 : memref<1x1x128x128xf32, #tpu.memory_space<hbm>> -> memref<128x128xf32, #tpu.memory_space<hbm>>
          %dma_start3A_272 = arith.constant 0 : i32
          %dma_start3A_273 = arith.constant 0 : i32
          %dma_start3A_274 = tpu.memref_slice %arg4[%add3A, %sub3A_160, %dma_start3A_272, %dma_start3A_273] : memref<32x800x128x128xf32, #tpu.memory_space<hbm>> -> memref<1x1x128x128xf32, #tpu.memory_space<hbm>>
          %dma_start3A_275 = tpu.memref_squeeze %dma_start3A_274 : memref<1x1x128x128xf32, #tpu.memory_space<hbm>> -> memref<128x128xf32, #tpu.memory_space<hbm>>
          tpu.enqueue_dma source(%arg11 : memref<128x128xf32, #tpu.memory_space<vmem>>) target(%dma_start3A_275 : memref<128x128xf32, #tpu.memory_space<hbm>>) target_semaphore(%arg19 : memref<!tpu.dma_semaphore, #tpu.memory_space<semaphore_mem>>)
        } else {
        }
        %add3A_166 = arith.constant 1 : i32
        %add3A_167 = arith.addi %add3A_142, %add3A_166 : i32
        %ge3A_168 = arith.constant 4 : i32
        %ge3A_169 = arith.cmpi sge, %add3A_167, %ge3A_168 : i32
        %convert_element_type3A_170 = arith.extui %ge3A_169 : i1 to i32
        %cond3A_171 = arith.constant 0 : i32
        %cond3A_172 = arith.cmpi ne, %convert_element_type3A_170, %cond3A_171 : i32
        scf.if %cond3A_172 {
          %dma_wait3A_261 = arith.constant 0 : i32
          %dma_wait3A_262 = arith.constant 0 : i32
          %dma_wait3A_263 = tpu.memref_slice %arg4[%add3A, %add3A_167, %dma_wait3A_261, %dma_wait3A_262] : memref<32x800x128x128xf32, #tpu.memory_space<hbm>> -> memref<1x1x128x128xf32, #tpu.memory_space<hbm>>
          %dma_wait3A_264 = tpu.memref_squeeze %dma_wait3A_263 : memref<1x1x128x128xf32, #tpu.memory_space<hbm>> -> memref<128x128xf32, #tpu.memory_space<hbm>>
          %dma_wait3A_265 = arith.constant 0 : i32
          %dma_wait3A_266 = arith.constant 0 : i32
          %dma_wait3A_267 = tpu.memref_slice %arg4[%add3A, %add3A_167, %dma_wait3A_265, %dma_wait3A_266] : memref<32x800x128x128xf32, #tpu.memory_space<hbm>> -> memref<1x1x128x128xf32, #tpu.memory_space<hbm>>
          %dma_wait3A_268 = tpu.memref_squeeze %dma_wait3A_267 : memref<1x1x128x128xf32, #tpu.memory_space<hbm>> -> memref<128x128xf32, #tpu.memory_space<hbm>>
          tpu.wait_dma2 semaphore(%arg18 : memref<!tpu.dma_semaphore, #tpu.memory_space<semaphore_mem>>) src(%arg10 : memref<128x128xf32, #tpu.memory_space<vmem>>) dst(%dma_wait3A_268 : memref<128x128xf32, #tpu.memory_space<hbm>>)
        } else {
        }
        %mul3A_173 = arith.constant 4 : i32
        %mul3A_174 = arith.muli %mul3A_173, %scan3A_136 : i32
        %add3A_175 = arith.constant 1 : i32
        %add3A_176 = arith.addi %mul3A_174, %add3A_175 : i32
        %dma_start3A_177 = arith.constant 0 : i32
        %dma_start3A_178 = tpu.memref_slice %arg7[%add3A_176, %dma_start3A_177] : memref<40x128xi32, #tpu.memory_space<vmem>> -> memref<1x128xi32, #tpu.memory_space<vmem>>
        %dma_start3A_179 = tpu.memref_squeeze %dma_start3A_178 : memref<1x128xi32, #tpu.memory_space<vmem>> -> memref<128xi32, #tpu.memory_space<vmem>>
        %dma_start3A_180 = arith.constant 0 : i32
        %dma_start3A_181 = arith.constant 0 : i32
        %dma_start3A_182 = tpu.memref_slice %arg5[%dma_start3A_180, %dma_start3A_181] : memref<367x128xf32, #tpu.memory_space<vmem_shared>> -> memref<367x128xf32, #tpu.memory_space<vmem_shared>>
        tpu.enqueue_indirect_dma source(%dma_start3A_182 : memref<367x128xf32, #tpu.memory_space<vmem_shared>>) target(%arg10 : memref<128x128xf32, #tpu.memory_space<vmem>>) offsets(%dma_start3A_179 : memref<128xi32, #tpu.memory_space<vmem>>) semaphore(%arg14 : memref<!tpu.dma_semaphore, #tpu.memory_space<semaphore_mem>>)
        %sub3A_183 = arith.constant 1 : i32
        %sub3A_184 = arith.subi %add3A_167, %sub3A_183 : i32
        %dma_wait3A_185 = arith.constant 0 : i32
        %dma_wait3A_186 = arith.constant 0 : i32
        %dma_wait3A_187 = tpu.memref_slice %arg7[%dma_wait3A_185, %dma_wait3A_186] : memref<40x128xi32, #tpu.memory_space<vmem>> -> memref<1x128xi32, #tpu.memory_space<vmem>>
        %dma_wait3A_188 = tpu.memref_squeeze %dma_wait3A_187 : memref<1x128xi32, #tpu.memory_space<vmem>> -> memref<128xi32, #tpu.memory_space<vmem>>
        %dma_wait3A_189 = arith.constant 0 : i32
        %dma_wait3A_190 = arith.constant 0 : i32
        %dma_wait3A_191 = tpu.memref_slice %arg5[%dma_wait3A_189, %dma_wait3A_190] : memref<367x128xf32, #tpu.memory_space<vmem_shared>> -> memref<367x128xf32, #tpu.memory_space<vmem_shared>>
        tpu.wait_indirect_dma semaphore(%arg13 : memref<!tpu.dma_semaphore, #tpu.memory_space<semaphore_mem>>) src(%dma_wait3A_191 : memref<367x128xf32, #tpu.memory_space<vmem_shared>>) dst(%arg9 : memref<128x128xf32, #tpu.memory_space<vmem>>)
        %dma_start3A_192 = arith.constant 0 : i32
        %dma_start3A_193 = arith.constant 0 : i32
        %dma_start3A_194 = tpu.memref_slice %arg4[%add3A, %sub3A_184, %dma_start3A_192, %dma_start3A_193] : memref<32x800x128x128xf32, #tpu.memory_space<hbm>> -> memref<1x1x128x128xf32, #tpu.memory_space<hbm>>
        %dma_start3A_195 = tpu.memref_squeeze %dma_start3A_194 : memref<1x1x128x128xf32, #tpu.memory_space<hbm>> -> memref<128x128xf32, #tpu.memory_space<hbm>>
        %dma_start3A_196 = arith.constant 0 : i32
        %dma_start3A_197 = arith.constant 0 : i32
        %dma_start3A_198 = tpu.memref_slice %arg4[%add3A, %sub3A_184, %dma_start3A_196, %dma_start3A_197] : memref<32x800x128x128xf32, #tpu.memory_space<hbm>> -> memref<1x1x128x128xf32, #tpu.memory_space<hbm>>
        %dma_start3A_199 = tpu.memref_squeeze %dma_start3A_198 : memref<1x1x128x128xf32, #tpu.memory_space<hbm>> -> memref<128x128xf32, #tpu.memory_space<hbm>>
        tpu.enqueue_dma source(%arg9 : memref<128x128xf32, #tpu.memory_space<vmem>>) target(%dma_start3A_199 : memref<128x128xf32, #tpu.memory_space<hbm>>) target_semaphore(%arg17 : memref<!tpu.dma_semaphore, #tpu.memory_space<semaphore_mem>>)
        %add3A_200 = arith.constant 2 : i32
        %add3A_201 = arith.addi %add3A_142, %add3A_200 : i32
        %ge3A_202 = arith.constant 4 : i32
        %ge3A_203 = arith.cmpi sge, %add3A_201, %ge3A_202 : i32
        %convert_element_type3A_204 = arith.extui %ge3A_203 : i1 to i32
        %cond3A_205 = arith.constant 0 : i32
        %cond3A_206 = arith.cmpi ne, %convert_element_type3A_204, %cond3A_205 : i32
        scf.if %cond3A_206 {
          %dma_wait3A_261 = arith.constant 0 : i32
          %dma_wait3A_262 = arith.constant 0 : i32
          %dma_wait3A_263 = tpu.memref_slice %arg4[%add3A, %add3A_201, %dma_wait3A_261, %dma_wait3A_262] : memref<32x800x128x128xf32, #tpu.memory_space<hbm>> -> memref<1x1x128x128xf32, #tpu.memory_space<hbm>>
          %dma_wait3A_264 = tpu.memref_squeeze %dma_wait3A_263 : memref<1x1x128x128xf32, #tpu.memory_space<hbm>> -> memref<128x128xf32, #tpu.memory_space<hbm>>
          %dma_wait3A_265 = arith.constant 0 : i32
          %dma_wait3A_266 = arith.constant 0 : i32
          %dma_wait3A_267 = tpu.memref_slice %arg4[%add3A, %add3A_201, %dma_wait3A_265, %dma_wait3A_266] : memref<32x800x128x128xf32, #tpu.memory_space<hbm>> -> memref<1x1x128x128xf32, #tpu.memory_space<hbm>>
          %dma_wait3A_268 = tpu.memref_squeeze %dma_wait3A_267 : memref<1x1x128x128xf32, #tpu.memory_space<hbm>> -> memref<128x128xf32, #tpu.memory_space<hbm>>
          tpu.wait_dma2 semaphore(%arg19 : memref<!tpu.dma_semaphore, #tpu.memory_space<semaphore_mem>>) src(%arg11 : memref<128x128xf32, #tpu.memory_space<vmem>>) dst(%dma_wait3A_268 : memref<128x128xf32, #tpu.memory_space<hbm>>)
        } else {
        }
        %mul3A_207 = arith.constant 4 : i32
        %mul3A_208 = arith.muli %mul3A_207, %scan3A_136 : i32
        %add3A_209 = arith.constant 2 : i32
        %add3A_210 = arith.addi %mul3A_208, %add3A_209 : i32
        %dma_start3A_211 = arith.constant 0 : i32
        %dma_start3A_212 = tpu.memref_slice %arg7[%add3A_210, %dma_start3A_211] : memref<40x128xi32, #tpu.memory_space<vmem>> -> memref<1x128xi32, #tpu.memory_space<vmem>>
        %dma_start3A_213 = tpu.memref_squeeze %dma_start3A_212 : memref<1x128xi32, #tpu.memory_space<vmem>> -> memref<128xi32, #tpu.memory_space<vmem>>
        %dma_start3A_214 = arith.constant 0 : i32
        %dma_start3A_215 = arith.constant 0 : i32
        %dma_start3A_216 = tpu.memref_slice %arg5[%dma_start3A_214, %dma_start3A_215] : memref<367x128xf32, #tpu.memory_space<vmem_shared>> -> memref<367x128xf32, #tpu.memory_space<vmem_shared>>
        tpu.enqueue_indirect_dma source(%dma_start3A_216 : memref<367x128xf32, #tpu.memory_space<vmem_shared>>) target(%arg11 : memref<128x128xf32, #tpu.memory_space<vmem>>) offsets(%dma_start3A_213 : memref<128xi32, #tpu.memory_space<vmem>>) semaphore(%arg15 : memref<!tpu.dma_semaphore, #tpu.memory_space<semaphore_mem>>)
        %sub3A_217 = arith.constant 1 : i32
        %sub3A_218 = arith.subi %add3A_201, %sub3A_217 : i32
        %dma_wait3A_219 = arith.constant 0 : i32
        %dma_wait3A_220 = arith.constant 0 : i32
        %dma_wait3A_221 = tpu.memref_slice %arg7[%dma_wait3A_219, %dma_wait3A_220] : memref<40x128xi32, #tpu.memory_space<vmem>> -> memref<1x128xi32, #tpu.memory_space<vmem>>
        %dma_wait3A_222 = tpu.memref_squeeze %dma_wait3A_221 : memref<1x128xi32, #tpu.memory_space<vmem>> -> memref<128xi32, #tpu.memory_space<vmem>>
        %dma_wait3A_223 = arith.constant 0 : i32
        %dma_wait3A_224 = arith.constant 0 : i32
        %dma_wait3A_225 = tpu.memref_slice %arg5[%dma_wait3A_223, %dma_wait3A_224] : memref<367x128xf32, #tpu.memory_space<vmem_shared>> -> memref<367x128xf32, #tpu.memory_space<vmem_shared>>
        tpu.wait_indirect_dma semaphore(%arg14 : memref<!tpu.dma_semaphore, #tpu.memory_space<semaphore_mem>>) src(%dma_wait3A_225 : memref<367x128xf32, #tpu.memory_space<vmem_shared>>) dst(%arg10 : memref<128x128xf32, #tpu.memory_space<vmem>>)
        %dma_start3A_226 = arith.constant 0 : i32
        %dma_start3A_227 = arith.constant 0 : i32
        %dma_start3A_228 = tpu.memref_slice %arg4[%add3A, %sub3A_218, %dma_start3A_226, %dma_start3A_227] : memref<32x800x128x128xf32, #tpu.memory_space<hbm>> -> memref<1x1x128x128xf32, #tpu.memory_space<hbm>>
        %dma_start3A_229 = tpu.memref_squeeze %dma_start3A_228 : memref<1x1x128x128xf32, #tpu.memory_space<hbm>> -> memref<128x128xf32, #tpu.memory_space<hbm>>
        %dma_start3A_230 = arith.constant 0 : i32
        %dma_start3A_231 = arith.constant 0 : i32
        %dma_start3A_232 = tpu.memref_slice %arg4[%add3A, %sub3A_218, %dma_start3A_230, %dma_start3A_231] : memref<32x800x128x128xf32, #tpu.memory_space<hbm>> -> memref<1x1x128x128xf32, #tpu.memory_space<hbm>>
        %dma_start3A_233 = tpu.memref_squeeze %dma_start3A_232 : memref<1x1x128x128xf32, #tpu.memory_space<hbm>> -> memref<128x128xf32, #tpu.memory_space<hbm>>
        tpu.enqueue_dma source(%arg10 : memref<128x128xf32, #tpu.memory_space<vmem>>) target(%dma_start3A_233 : memref<128x128xf32, #tpu.memory_space<hbm>>) target_semaphore(%arg18 : memref<!tpu.dma_semaphore, #tpu.memory_space<semaphore_mem>>)
        %add3A_234 = arith.constant 3 : i32
        %add3A_235 = arith.addi %add3A_142, %add3A_234 : i32
        %ge3A_236 = arith.constant 4 : i32
        %ge3A_237 = arith.cmpi sge, %add3A_235, %ge3A_236 : i32
        %convert_element_type3A_238 = arith.extui %ge3A_237 : i1 to i32
        %cond3A_239 = arith.constant 0 : i32
        %cond3A_240 = arith.cmpi ne, %convert_element_type3A_238, %cond3A_239 : i32
        scf.if %cond3A_240 {
          %dma_wait3A_261 = arith.constant 0 : i32
          %dma_wait3A_262 = arith.constant 0 : i32
          %dma_wait3A_263 = tpu.memref_slice %arg4[%add3A, %add3A_235, %dma_wait3A_261, %dma_wait3A_262] : memref<32x800x128x128xf32, #tpu.memory_space<hbm>> -> memref<1x1x128x128xf32, #tpu.memory_space<hbm>>
          %dma_wait3A_264 = tpu.memref_squeeze %dma_wait3A_263 : memref<1x1x128x128xf32, #tpu.memory_space<hbm>> -> memref<128x128xf32, #tpu.memory_space<hbm>>
          %dma_wait3A_265 = arith.constant 0 : i32
          %dma_wait3A_266 = arith.constant 0 : i32
          %dma_wait3A_267 = tpu.memref_slice %arg4[%add3A, %add3A_235, %dma_wait3A_265, %dma_wait3A_266] : memref<32x800x128x128xf32, #tpu.memory_space<hbm>> -> memref<1x1x128x128xf32, #tpu.memory_space<hbm>>
          %dma_wait3A_268 = tpu.memref_squeeze %dma_wait3A_267 : memref<1x1x128x128xf32, #tpu.memory_space<hbm>> -> memref<128x128xf32, #tpu.memory_space<hbm>>
          tpu.wait_dma2 semaphore(%arg20 : memref<!tpu.dma_semaphore, #tpu.memory_space<semaphore_mem>>) src(%arg12 : memref<128x128xf32, #tpu.memory_space<vmem>>) dst(%dma_wait3A_268 : memref<128x128xf32, #tpu.memory_space<hbm>>)
        } else {
        }
        %mul3A_241 = arith.constant 4 : i32
        %mul3A_242 = arith.muli %mul3A_241, %scan3A_136 : i32
        %add3A_243 = arith.constant 3 : i32
        %add3A_244 = arith.addi %mul3A_242, %add3A_243 : i32
        %scan3A_245 = arith.constant 0 : i32
        %scan3A_246 = arith.constant 0 : i32
        %scan3A_247 = arith.constant 8 : i32
        %scan3A_248 = arith.addi %scan3A_246, %scan3A_247 : i32
        %scan3A_249 = arith.constant 1 : i32
        %scan3A_250 = scf.for %scan3A_261 = %scan3A_246 to %scan3A_248 step %scan3A_249 iter_args(%scan3A_262 = %scan3A_245) -> (i32)  : i32 {
          %mul3A_263 = arith.constant 16 : i32
          %mul3A_264 = arith.muli %mul3A_263, %scan3A_261 : i32
          %get3A = arith.index_cast %add3A_244 : i32 to index
          %get3A_265 = arith.index_cast %mul3A_264 : i32 to index
          %get3A_266 = tpu.vector_load %arg7[%get3A, %get3A_265] {strides = array<i32>} : memref<40x128xi32, #tpu.memory_space<vmem>>, vector<1x16xi32>,
          %get3A_267 = vector.shape_cast %get3A_266 : vector<1x16xi32> to vector<16xi32>
          %slice3A = vector.extract_strided_slice %get3A_267 {offsets = [0], sizes = [1], strides = [1]} : vector<16xi32> to vector<1xi32>
          %squeeze3A = vector.extract %slice3A[0] : i32 from vector<1xi32>
          %mul3A_268 = arith.constant 16 : i32
          %mul3A_269 = arith.muli %mul3A_268, %scan3A_261 : i32
          %add3A_270 = arith.constant 0 : i32
          %add3A_271 = arith.addi %mul3A_269, %add3A_270 : i32
          %get3A_272 = arith.index_cast %squeeze3A : i32 to index
          %get3A_273 = arith.constant 0 : index
          %get3A_274 = tpu.vector_load %arg6[%get3A_272, %get3A_273] {strides = array<i32>} : memref<367x128xf32, #tpu.memory_space<vmem>>, vector<1x16xf32>,
          %get3A_275 = vector.shape_cast %get3A_274 : vector<1x16xf32> to vector<16xf32>
          %swap3A = arith.index_cast %add3A_271 : i32 to index
          %swap3A_276 = arith.constant 0 : index
          %swap3A_277 = tpu.vector_load %arg12[%swap3A, %swap3A_276] {strides = array<i32>} : memref<128x128xf32, #tpu.memory_space<vmem>>, vector<1x16xf32>,
          %swap3A_278 = vector.shape_cast %swap3A_277 : vector<1x16xf32> to vector<16xf32>
          %swap3A_279 = vector.shape_cast %get3A_275 : vector<16xf32> to vector<1x16xf32>
          tpu.vector_store %arg12[%swap3A, %swap3A_276], %swap3A_279 {strides = array<i32>} : memref<128x128xf32, #tpu.memory_space<vmem>>, vector<1x16xf32>,
          %get3A_280 = arith.index_cast %squeeze3A : i32 to index
          %get3A_281 = arith.constant 16 : index
          %get3A_282 = tpu.vector_load %arg6[%get3A_280, %get3A_281] {strides = array<i32>} : memref<367x128xf32, #tpu.memory_space<vmem>>, vector<1x16xf32>,
          %get3A_283 = vector.shape_cast %get3A_282 : vector<1x16xf32> to vector<16xf32>
          %swap3A_284 = arith.index_cast %add3A_271 : i32 to index
          %swap3A_285 = arith.constant 16 : index
          %swap3A_286 = tpu.vector_load %arg12[%swap3A_284, %swap3A_285] {strides = array<i32>} : memref<128x128xf32, #tpu.memory_space<vmem>>, vector<1x16xf32>,
          %swap3A_287 = vector.shape_cast %swap3A_286 : vector<1x16xf32> to vector<16xf32>
          %swap3A_288 = vector.shape_cast %get3A_283 : vector<16xf32> to vector<1x16xf32>
          tpu.vector_store %arg12[%swap3A_284, %swap3A_285], %swap3A_288 {strides = array<i32>} : memref<128x128xf32, #tpu.memory_space<vmem>>, vector<1x16xf32>,
          %get3A_289 = arith.index_cast %squeeze3A : i32 to index
          %get3A_290 = arith.constant 32 : index
          %get3A_291 = tpu.vector_load %arg6[%get3A_289, %get3A_290] {strides = array<i32>} : memref<367x128xf32, #tpu.memory_space<vmem>>, vector<1x16xf32>,
          %get3A_292 = vector.shape_cast %get3A_291 : vector<1x16xf32> to vector<16xf32>
          %swap3A_293 = arith.index_cast %add3A_271 : i32 to index
          %swap3A_294 = arith.constant 32 : index
          %swap3A_295 = tpu.vector_load %arg12[%swap3A_293, %swap3A_294] {strides = array<i32>} : memref<128x128xf32, #tpu.memory_space<vmem>>, vector<1x16xf32>,
          %swap3A_296 = vector.shape_cast %swap3A_295 : vector<1x16xf32> to vector<16xf32>
          %swap3A_297 = vector.shape_cast %get3A_292 : vector<16xf32> to vector<1x16xf32>
          tpu.vector_store %arg12[%swap3A_293, %swap3A_294], %swap3A_297 {strides = array<i32>} : memref<128x128xf32, #tpu.memory_space<vmem>>, vector<1x16xf32>,
          %get3A_298 = arith.index_cast %squeeze3A : i32 to index
          %get3A_299 = arith.constant 48 : index
          %get3A_300 = tpu.vector_load %arg6[%get3A_298, %get3A_299] {strides = array<i32>} : memref<367x128xf32, #tpu.memory_space<vmem>>, vector<1x16xf32>,
          %get3A_301 = vector.shape_cast %get3A_300 : vector<1x16xf32> to vector<16xf32>
          %swap3A_302 = arith.index_cast %add3A_271 : i32 to index
          %swap3A_303 = arith.constant 48 : index
          %swap3A_304 = tpu.vector_load %arg12[%swap3A_302, %swap3A_303] {strides = array<i32>} : memref<128x128xf32, #tpu.memory_space<vmem>>, vector<1x16xf32>,
          %swap3A_305 = vector.shape_cast %swap3A_304 : vector<1x16xf32> to vector<16xf32>
          %swap3A_306 = vector.shape_cast %get3A_301 : vector<16xf32> to vector<1x16xf32>
          tpu.vector_store %arg12[%swap3A_302, %swap3A_303], %swap3A_306 {strides = array<i32>} : memref<128x128xf32, #tpu.memory_space<vmem>>, vector<1x16xf32>,
          %get3A_307 = arith.index_cast %squeeze3A : i32 to index
          %get3A_308 = arith.constant 64 : index
          %get3A_309 = tpu.vector_load %arg6[%get3A_307, %get3A_308] {strides = array<i32>} : memref<367x128xf32, #tpu.memory_space<vmem>>, vector<1x16xf32>,
          %get3A_310 = vector.shape_cast %get3A_309 : vector<1x16xf32> to vector<16xf32>
          %swap3A_311 = arith.index_cast %add3A_271 : i32 to index
          %swap3A_312 = arith.constant 64 : index
          %swap3A_313 = tpu.vector_load %arg12[%swap3A_311, %swap3A_312] {strides = array<i32>} : memref<128x128xf32, #tpu.memory_space<vmem>>, vector<1x16xf32>,
          %swap3A_314 = vector.shape_cast %swap3A_313 : vector<1x16xf32> to vector<16xf32>
          %swap3A_315 = vector.shape_cast %get3A_310 : vector<16xf32> to vector<1x16xf32>
          tpu.vector_store %arg12[%swap3A_311, %swap3A_312], %swap3A_315 {strides = array<i32>} : memref<128x128xf32, #tpu.memory_space<vmem>>, vector<1x16xf32>,
          %get3A_316 = arith.index_cast %squeeze3A : i32 to index
          %get3A_317 = arith.constant 80 : index
          %get3A_318 = tpu.vector_load %arg6[%get3A_316, %get3A_317] {strides = array<i32>} : memref<367x128xf32, #tpu.memory_space<vmem>>, vector<1x16xf32>,
          %get3A_319 = vector.shape_cast %get3A_318 : vector<1x16xf32> to vector<16xf32>
          %swap3A_320 = arith.index_cast %add3A_271 : i32 to index
          %swap3A_321 = arith.constant 80 : index
          %swap3A_322 = tpu.vector_load %arg12[%swap3A_320, %swap3A_321] {strides = array<i32>} : memref<128x128xf32, #tpu.memory_space<vmem>>, vector<1x16xf32>,
          %swap3A_323 = vector.shape_cast %swap3A_322 : vector<1x16xf32> to vector<16xf32>
          %swap3A_324 = vector.shape_cast %get3A_319 : vector<16xf32> to vector<1x16xf32>
          tpu.vector_store %arg12[%swap3A_320, %swap3A_321], %swap3A_324 {strides = array<i32>} : memref<128x128xf32, #tpu.memory_space<vmem>>, vector<1x16xf32>,
          %get3A_325 = arith.index_cast %squeeze3A : i32 to index
          %get3A_326 = arith.constant 96 : index
          %get3A_327 = tpu.vector_load %arg6[%get3A_325, %get3A_326] {strides = array<i32>} : memref<367x128xf32, #tpu.memory_space<vmem>>, vector<1x16xf32>,
          %get3A_328 = vector.shape_cast %get3A_327 : vector<1x16xf32> to vector<16xf32>
          %swap3A_329 = arith.index_cast %add3A_271 : i32 to index
          %swap3A_330 = arith.constant 96 : index
          %swap3A_331 = tpu.vector_load %arg12[%swap3A_329, %swap3A_330] {strides = array<i32>} : memref<128x128xf32, #tpu.memory_space<vmem>>, vector<1x16xf32>,
          %swap3A_332 = vector.shape_cast %swap3A_331 : vector<1x16xf32> to vector<16xf32>
          %swap3A_333 = vector.shape_cast %get3A_328 : vector<16xf32> to vector<1x16xf32>
          tpu.vector_store %arg12[%swap3A_329, %swap3A_330], %swap3A_333 {strides = array<i32>} : memref<128x128xf32, #tpu.memory_space<vmem>>, vector<1x16xf32>,
          %get3A_334 = arith.index_cast %squeeze3A : i32 to index
          %get3A_335 = arith.constant 112 : index
          %get3A_336 = tpu.vector_load %arg6[%get3A_334, %get3A_335] {strides = array<i32>} : memref<367x128xf32, #tpu.memory_space<vmem>>, vector<1x16xf32>,
          %get3A_337 = vector.shape_cast %get3A_336 : vector<1x16xf32> to vector<16xf32>
          %swap3A_338 = arith.index_cast %add3A_271 : i32 to index
          %swap3A_339 = arith.constant 112 : index
          %swap3A_340 = tpu.vector_load %arg12[%swap3A_338, %swap3A_339] {strides = array<i32>} : memref<128x128xf32, #tpu.memory_space<vmem>>, vector<1x16xf32>,
          %swap3A_341 = vector.shape_cast %swap3A_340 : vector<1x16xf32> to vector<16xf32>
          %swap3A_342 = vector.shape_cast %get3A_337 : vector<16xf32> to vector<1x16xf32>
          tpu.vector_store %arg12[%swap3A_338, %swap3A_339], %swap3A_342 {strides = array<i32>} : memref<128x128xf32, #tpu.memory_space<vmem>>, vector<1x16xf32>,
          %slice3A_343 = vector.extract_strided_slice %get3A_267 {offsets = [1], sizes = [1], strides = [1]} : vector<16xi32> to vector<1xi32>
          %squeeze3A_344 = vector.extract %slice3A_343[0] : i32 from vector<1xi32>
          %mul3A_345 = arith.constant 16 : i32
          %mul3A_346 = arith.muli %mul3A_345, %scan3A_261 : i32
          %add3A_347 = arith.constant 1 : i32
          %add3A_348 = arith.addi %mul3A_346, %add3A_347 : i32
          %get3A_349 = arith.index_cast %squeeze3A_344 : i32 to index
          %get3A_350 = arith.constant 0 : index
          %get3A_351 = tpu.vector_load %arg6[%get3A_349, %get3A_350] {strides = array<i32>} : memref<367x128xf32, #tpu.memory_space<vmem>>, vector<1x16xf32>,
          %get3A_352 = vector.shape_cast %get3A_351 : vector<1x16xf32> to vector<16xf32>
          %swap3A_353 = arith.index_cast %add3A_348 : i32 to index
          %swap3A_354 = arith.constant 0 : index
          %swap3A_355 = tpu.vector_load %arg12[%swap3A_353, %swap3A_354] {strides = array<i32>} : memref<128x128xf32, #tpu.memory_space<vmem>>, vector<1x16xf32>,
          %swap3A_356 = vector.shape_cast %swap3A_355 : vector<1x16xf32> to vector<16xf32>
          %swap3A_357 = vector.shape_cast %get3A_352 : vector<16xf32> to vector<1x16xf32>
          tpu.vector_store %arg12[%swap3A_353, %swap3A_354], %swap3A_357 {strides = array<i32>} : memref<128x128xf32, #tpu.memory_space<vmem>>, vector<1x16xf32>,
          %get3A_358 = arith.index_cast %squeeze3A_344 : i32 to index
          %get3A_359 = arith.constant 16 : index
          %get3A_360 = tpu.vector_load %arg6[%get3A_358, %get3A_359] {strides = array<i32>} : memref<367x128xf32, #tpu.memory_space<vmem>>, vector<1x16xf32>,
          %get3A_361 = vector.shape_cast %get3A_360 : vector<1x16xf32> to vector<16xf32>
          %swap3A_362 = arith.index_cast %add3A_348 : i32 to index
          %swap3A_363 = arith.constant 16 : index
          %swap3A_364 = tpu.vector_load %arg12[%swap3A_362, %swap3A_363] {strides = array<i32>} : memref<128x128xf32, #tpu.memory_space<vmem>>, vector<1x16xf32>,
          %swap3A_365 = vector.shape_cast %swap3A_364 : vector<1x16xf32> to vector<16xf32>
          %swap3A_366 = vector.shape_cast %get3A_361 : vector<16xf32> to vector<1x16xf32>
          tpu.vector_store %arg12[%swap3A_362, %swap3A_363], %swap3A_366 {strides = array<i32>} : memref<128x128xf32, #tpu.memory_space<vmem>>, vector<1x16xf32>,
          %get3A_367 = arith.index_cast %squeeze3A_344 : i32 to index
          %get3A_368 = arith.constant 32 : index
          %get3A_369 = tpu.vector_load %arg6[%get3A_367, %get3A_368] {strides = array<i32>} : memref<367x128xf32, #tpu.memory_space<vmem>>, vector<1x16xf32>,
          %get3A_370 = vector.shape_cast %get3A_369 : vector<1x16xf32> to vector<16xf32>
          %swap3A_371 = arith.index_cast %add3A_348 : i32 to index
          %swap3A_372 = arith.constant 32 : index
          %swap3A_373 = tpu.vector_load %arg12[%swap3A_371, %swap3A_372] {strides = array<i32>} : memref<128x128xf32, #tpu.memory_space<vmem>>, vector<1x16xf32>,
          %swap3A_374 = vector.shape_cast %swap3A_373 : vector<1x16xf32> to vector<16xf32>
          %swap3A_375 = vector.shape_cast %get3A_370 : vector<16xf32> to vector<1x16xf32>
          tpu.vector_store %arg12[%swap3A_371, %swap3A_372], %swap3A_375 {strides = array<i32>} : memref<128x128xf32, #tpu.memory_space<vmem>>, vector<1x16xf32>,
          %get3A_376 = arith.index_cast %squeeze3A_344 : i32 to index
          %get3A_377 = arith.constant 48 : index
          %get3A_378 = tpu.vector_load %arg6[%get3A_376, %get3A_377] {strides = array<i32>} : memref<367x128xf32, #tpu.memory_space<vmem>>, vector<1x16xf32>,
          %get3A_379 = vector.shape_cast %get3A_378 : vector<1x16xf32> to vector<16xf32>
          %swap3A_380 = arith.index_cast %add3A_348 : i32 to index
          %swap3A_381 = arith.constant 48 : index
          %swap3A_382 = tpu.vector_load %arg12[%swap3A_380, %swap3A_381] {strides = array<i32>} : memref<128x128xf32, #tpu.memory_space<vmem>>, vector<1x16xf32>,
          %swap3A_383 = vector.shape_cast %swap3A_382 : vector<1x16xf32> to vector<16xf32>
          %swap3A_384 = vector.shape_cast %get3A_379 : vector<16xf32> to vector<1x16xf32>
          tpu.vector_store %arg12[%swap3A_380, %swap3A_381], %swap3A_384 {strides = array<i32>} : memref<128x128xf32, #tpu.memory_space<vmem>>, vector<1x16xf32>,
          %get3A_385 = arith.index_cast %squeeze3A_344 : i32 to index
          %get3A_386 = arith.constant 64 : index
          %get3A_387 = tpu.vector_load %arg6[%get3A_385, %get3A_386] {strides = array<i32>} : memref<367x128xf32, #tpu.memory_space<vmem>>, vector<1x16xf32>,
          %get3A_388 = vector.shape_cast %get3A_387 : vector<1x16xf32> to vector<16xf32>
          %swap3A_389 = arith.index_cast %add3A_348 : i32 to index
          %swap3A_390 = arith.constant 64 : index
          %swap3A_391 = tpu.vector_load %arg12[%swap3A_389, %swap3A_390] {strides = array<i32>} : memref<128x128xf32, #tpu.memory_space<vmem>>, vector<1x16xf32>,
          %swap3A_392 = vector.shape_cast %swap3A_391 : vector<1x16xf32> to vector<16xf32>
          %swap3A_393 = vector.shape_cast %get3A_388 : vector<16xf32> to vector<1x16xf32>
          tpu.vector_store %arg12[%swap3A_389, %swap3A_390], %swap3A_393 {strides = array<i32>} : memref<128x128xf32, #tpu.memory_space<vmem>>, vector<1x16xf32>,
          %get3A_394 = arith.index_cast %squeeze3A_344 : i32 to index
          %get3A_395 = arith.constant 80 : index
          %get3A_396 = tpu.vector_load %arg6[%get3A_394, %get3A_395] {strides = array<i32>} : memref<367x128xf32, #tpu.memory_space<vmem>>, vector<1x16xf32>,
          %get3A_397 = vector.shape_cast %get3A_396 : vector<1x16xf32> to vector<16xf32>
          %swap3A_398 = arith.index_cast %add3A_348 : i32 to index
          %swap3A_399 = arith.constant 80 : index
          %swap3A_400 = tpu.vector_load %arg12[%swap3A_398, %swap3A_399] {strides = array<i32>} : memref<128x128xf32, #tpu.memory_space<vmem>>, vector<1x16xf32>,
          %swap3A_401 = vector.shape_cast %swap3A_400 : vector<1x16xf32> to vector<16xf32>
          %swap3A_402 = vector.shape_cast %get3A_397 : vector<16xf32> to vector<1x16xf32>
          tpu.vector_store %arg12[%swap3A_398, %swap3A_399], %swap3A_402 {strides = array<i32>} : memref<128x128xf32, #tpu.memory_space<vmem>>, vector<1x16xf32>,
          %get3A_403 = arith.index_cast %squeeze3A_344 : i32 to index
          %get3A_404 = arith.constant 96 : index
          %get3A_405 = tpu.vector_load %arg6[%get3A_403, %get3A_404] {strides = array<i32>} : memref<367x128xf32, #tpu.memory_space<vmem>>, vector<1x16xf32>,
          %get3A_406 = vector.shape_cast %get3A_405 : vector<1x16xf32> to vector<16xf32>
          %swap3A_407 = arith.index_cast %add3A_348 : i32 to index
          %swap3A_408 = arith.constant 96 : index
          %swap3A_409 = tpu.vector_load %arg12[%swap3A_407, %swap3A_408] {strides = array<i32>} : memref<128x128xf32, #tpu.memory_space<vmem>>, vector<1x16xf32>,
          %swap3A_410 = vector.shape_cast %swap3A_409 : vector<1x16xf32> to vector<16xf32>
          %swap3A_411 = vector.shape_cast %get3A_406 : vector<16xf32> to vector<1x16xf32>
          tpu.vector_store %arg12[%swap3A_407, %swap3A_408], %swap3A_411 {strides = array<i32>} : memref<128x128xf32, #tpu.memory_space<vmem>>, vector<1x16xf32>,
          %get3A_412 = arith.index_cast %squeeze3A_344 : i32 to index
          %get3A_413 = arith.constant 112 : index
          %get3A_414 = tpu.vector_load %arg6[%get3A_412, %get3A_413] {strides = array<i32>} : memref<367x128xf32, #tpu.memory_space<vmem>>, vector<1x16xf32>,
          %get3A_415 = vector.shape_cast %get3A_414 : vector<1x16xf32> to vector<16xf32>
          %swap3A_416 = arith.index_cast %add3A_348 : i32 to index
          %swap3A_417 = arith.constant 112 : index
          %swap3A_418 = tpu.vector_load %arg12[%swap3A_416, %swap3A_417] {strides = array<i32>} : memref<128x128xf32, #tpu.memory_space<vmem>>, vector<1x16xf32>,
          %swap3A_419 = vector.shape_cast %swap3A_418 : vector<1x16xf32> to vector<16xf32>
          %swap3A_420 = vector.shape_cast %get3A_415 : vector<16xf32> to vector<1x16xf32>
          tpu.vector_store %arg12[%swap3A_416, %swap3A_417], %swap3A_420 {strides = array<i32>} : memref<128x128xf32, #tpu.memory_space<vmem>>, vector<1x16xf32>,
          %slice3A_421 = vector.extract_strided_slice %get3A_267 {offsets = [2], sizes = [1], strides = [1]} : vector<16xi32> to vector<1xi32>
          %squeeze3A_422 = vector.extract %slice3A_421[0] : i32 from vector<1xi32>
          %mul3A_423 = arith.constant 16 : i32
          %mul3A_424 = arith.muli %mul3A_423, %scan3A_261 : i32
          %add3A_425 = arith.constant 2 : i32
          %add3A_426 = arith.addi %mul3A_424, %add3A_425 : i32
          %get3A_427 = arith.index_cast %squeeze3A_422 : i32 to index
          %get3A_428 = arith.constant 0 : index
          %get3A_429 = tpu.vector_load %arg6[%get3A_427, %get3A_428] {strides = array<i32>} : memref<367x128xf32, #tpu.memory_space<vmem>>, vector<1x16xf32>,
          %get3A_430 = vector.shape_cast %get3A_429 : vector<1x16xf32> to vector<16xf32>
          %swap3A_431 = arith.index_cast %add3A_426 : i32 to index
          %swap3A_432 = arith.constant 0 : index
          %swap3A_433 = tpu.vector_load %arg12[%swap3A_431, %swap3A_432] {strides = array<i32>} : memref<128x128xf32, #tpu.memory_space<vmem>>, vector<1x16xf32>,
          %swap3A_434 = vector.shape_cast %swap3A_433 : vector<1x16xf32> to vector<16xf32>
          %swap3A_435 = vector.shape_cast %get3A_430 : vector<16xf32> to vector<1x16xf32>
          tpu.vector_store %arg12[%swap3A_431, %swap3A_432], %swap3A_435 {strides = array<i32>} : memref<128x128xf32, #tpu.memory_space<vmem>>, vector<1x16xf32>,
          %get3A_436 = arith.index_cast %squeeze3A_422 : i32 to index
          %get3A_437 = arith.constant 16 : index
          %get3A_438 = tpu.vector_load %arg6[%get3A_436, %get3A_437] {strides = array<i32>} : memref<367x128xf32, #tpu.memory_space<vmem>>, vector<1x16xf32>,
          %get3A_439 = vector.shape_cast %get3A_438 : vector<1x16xf32> to vector<16xf32>
          %swap3A_440 = arith.index_cast %add3A_426 : i32 to index
          %swap3A_441 = arith.constant 16 : index
          %swap3A_442 = tpu.vector_load %arg12[%swap3A_440, %swap3A_441] {strides = array<i32>} : memref<128x128xf32, #tpu.memory_space<vmem>>, vector<1x16xf32>,
          %swap3A_443 = vector.shape_cast %swap3A_442 : vector<1x16xf32> to vector<16xf32>
          %swap3A_444 = vector.shape_cast %get3A_439 : vector<16xf32> to vector<1x16xf32>
          tpu.vector_store %arg12[%swap3A_440, %swap3A_441], %swap3A_444 {strides = array<i32>} : memref<128x128xf32, #tpu.memory_space<vmem>>, vector<1x16xf32>,
          %get3A_445 = arith.index_cast %squeeze3A_422 : i32 to index
          %get3A_446 = arith.constant 32 : index
          %get3A_447 = tpu.vector_load %arg6[%get3A_445, %get3A_446] {strides = array<i32>} : memref<367x128xf32, #tpu.memory_space<vmem>>, vector<1x16xf32>,
          %get3A_448 = vector.shape_cast %get3A_447 : vector<1x16xf32> to vector<16xf32>
          %swap3A_449 = arith.index_cast %add3A_426 : i32 to index
          %swap3A_450 = arith.constant 32 : index
          %swap3A_451 = tpu.vector_load %arg12[%swap3A_449, %swap3A_450] {strides = array<i32>} : memref<128x128xf32, #tpu.memory_space<vmem>>, vector<1x16xf32>,
          %swap3A_452 = vector.shape_cast %swap3A_451 : vector<1x16xf32> to vector<16xf32>
          %swap3A_453 = vector.shape_cast %get3A_448 : vector<16xf32> to vector<1x16xf32>
          tpu.vector_store %arg12[%swap3A_449, %swap3A_450], %swap3A_453 {strides = array<i32>} : memref<128x128xf32, #tpu.memory_space<vmem>>, vector<1x16xf32>,
          %get3A_454 = arith.index_cast %squeeze3A_422 : i32 to index
          %get3A_455 = arith.constant 48 : index
          %get3A_456 = tpu.vector_load %arg6[%get3A_454, %get3A_455] {strides = array<i32>} : memref<367x128xf32, #tpu.memory_space<vmem>>, vector<1x16xf32>,
          %get3A_457 = vector.shape_cast %get3A_456 : vector<1x16xf32> to vector<16xf32>
          %swap3A_458 = arith.index_cast %add3A_426 : i32 to index
          %swap3A_459 = arith.constant 48 : index
          %swap3A_460 = tpu.vector_load %arg12[%swap3A_458, %swap3A_459] {strides = array<i32>} : memref<128x128xf32, #tpu.memory_space<vmem>>, vector<1x16xf32>,
          %swap3A_461 = vector.shape_cast %swap3A_460 : vector<1x16xf32> to vector<16xf32>
          %swap3A_462 = vector.shape_cast %get3A_457 : vector<16xf32> to vector<1x16xf32>
          tpu.vector_store %arg12[%swap3A_458, %swap3A_459], %swap3A_462 {strides = array<i32>} : memref<128x128xf32, #tpu.memory_space<vmem>>, vector<1x16xf32>,
          %get3A_463 = arith.index_cast %squeeze3A_422 : i32 to index
          %get3A_464 = arith.constant 64 : index
          %get3A_465 = tpu.vector_load %arg6[%get3A_463, %get3A_464] {strides = array<i32>} : memref<367x128xf32, #tpu.memory_space<vmem>>, vector<1x16xf32>,
          %get3A_466 = vector.shape_cast %get3A_465 : vector<1x16xf32> to vector<16xf32>
          %swap3A_467 = arith.index_cast %add3A_426 : i32 to index
          %swap3A_468 = arith.constant 64 : index
          %swap3A_469 = tpu.vector_load %arg12[%swap3A_467, %swap3A_468] {strides = array<i32>} : memref<128x128xf32, #tpu.memory_space<vmem>>, vector<1x16xf32>,
          %swap3A_470 = vector.shape_cast %swap3A_469 : vector<1x16xf32> to vector<16xf32>
          %swap3A_471 = vector.shape_cast %get3A_466 : vector<16xf32> to vector<1x16xf32>
          tpu.vector_store %arg12[%swap3A_467, %swap3A_468], %swap3A_471 {strides = array<i32>} : memref<128x128xf32, #tpu.memory_space<vmem>>, vector<1x16xf32>,
          %get3A_472 = arith.index_cast %squeeze3A_422 : i32 to index
          %get3A_473 = arith.constant 80 : index
          %get3A_474 = tpu.vector_load %arg6[%get3A_472, %get3A_473] {strides = array<i32>} : memref<367x128xf32, #tpu.memory_space<vmem>>, vector<1x16xf32>,
          %get3A_475 = vector.shape_cast %get3A_474 : vector<1x16xf32> to vector<16xf32>
          %swap3A_476 = arith.index_cast %add3A_426 : i32 to index
          %swap3A_477 = arith.constant 80 : index
          %swap3A_478 = tpu.vector_load %arg12[%swap3A_476, %swap3A_477] {strides = array<i32>} : memref<128x128xf32, #tpu.memory_space<vmem>>, vector<1x16xf32>,
          %swap3A_479 = vector.shape_cast %swap3A_478 : vector<1x16xf32> to vector<16xf32>
          %swap3A_480 = vector.shape_cast %get3A_475 : vector<16xf32> to vector<1x16xf32>
          tpu.vector_store %arg12[%swap3A_476, %swap3A_477], %swap3A_480 {strides = array<i32>} : memref<128x128xf32, #tpu.memory_space<vmem>>, vector<1x16xf32>,
          %get3A_481 = arith.index_cast %squeeze3A_422 : i32 to index
          %get3A_482 = arith.constant 96 : index
          %get3A_483 = tpu.vector_load %arg6[%get3A_481, %get3A_482] {strides = array<i32>} : memref<367x128xf32, #tpu.memory_space<vmem>>, vector<1x16xf32>,
          %get3A_484 = vector.shape_cast %get3A_483 : vector<1x16xf32> to vector<16xf32>
          %swap3A_485 = arith.index_cast %add3A_426 : i32 to index
          %swap3A_486 = arith.constant 96 : index
          %swap3A_487 = tpu.vector_load %arg12[%swap3A_485, %swap3A_486] {strides = array<i32>} : memref<128x128xf32, #tpu.memory_space<vmem>>, vector<1x16xf32>,
          %swap3A_488 = vector.shape_cast %swap3A_487 : vector<1x16xf32> to vector<16xf32>
          %swap3A_489 = vector.shape_cast %get3A_484 : vector<16xf32> to vector<1x16xf32>
          tpu.vector_store %arg12[%swap3A_485, %swap3A_486], %swap3A_489 {strides = array<i32>} : memref<128x128xf32, #tpu.memory_space<vmem>>, vector<1x16xf32>,
          %get3A_490 = arith.index_cast %squeeze3A_422 : i32 to index
          %get3A_491 = arith.constant 112 : index
          %get3A_492 = tpu.vector_load %arg6[%get3A_490, %get3A_491] {strides = array<i32>} : memref<367x128xf32, #tpu.memory_space<vmem>>, vector<1x16xf32>,
          %get3A_493 = vector.shape_cast %get3A_492 : vector<1x16xf32> to vector<16xf32>
          %swap3A_494 = arith.index_cast %add3A_426 : i32 to index
          %swap3A_495 = arith.constant 112 : index
          %swap3A_496 = tpu.vector_load %arg12[%swap3A_494, %swap3A_495] {strides = array<i32>} : memref<128x128xf32, #tpu.memory_space<vmem>>, vector<1x16xf32>,
          %swap3A_497 = vector.shape_cast %swap3A_496 : vector<1x16xf32> to vector<16xf32>
          %swap3A_498 = vector.shape_cast %get3A_493 : vector<16xf32> to vector<1x16xf32>
          tpu.vector_store %arg12[%swap3A_494, %swap3A_495], %swap3A_498 {strides = array<i32>} : memref<128x128xf32, #tpu.memory_space<vmem>>, vector<1x16xf32>,
          %slice3A_499 = vector.extract_strided_slice %get3A_267 {offsets = [3], sizes = [1], strides = [1]} : vector<16xi32> to vector<1xi32>
          %squeeze3A_500 = vector.extract %slice3A_499[0] : i32 from vector<1xi32>
          %mul3A_501 = arith.constant 16 : i32
          %mul3A_502 = arith.muli %mul3A_501, %scan3A_261 : i32
          %add3A_503 = arith.constant 3 : i32
          %add3A_504 = arith.addi %mul3A_502, %add3A_503 : i32
          %get3A_505 = arith.index_cast %squeeze3A_500 : i32 to index
          %get3A_506 = arith.constant 0 : index
          %get3A_507 = tpu.vector_load %arg6[%get3A_505, %get3A_506] {strides = array<i32>} : memref<367x128xf32, #tpu.memory_space<vmem>>, vector<1x16xf32>,
          %get3A_508 = vector.shape_cast %get3A_507 : vector<1x16xf32> to vector<16xf32>
          %swap3A_509 = arith.index_cast %add3A_504 : i32 to index
          %swap3A_510 = arith.constant 0 : index
          %swap3A_511 = tpu.vector_load %arg12[%swap3A_509, %swap3A_510] {strides = array<i32>} : memref<128x128xf32, #tpu.memory_space<vmem>>, vector<1x16xf32>,
          %swap3A_512 = vector.shape_cast %swap3A_511 : vector<1x16xf32> to vector<16xf32>
          %swap3A_513 = vector.shape_cast %get3A_508 : vector<16xf32> to vector<1x16xf32>
          tpu.vector_store %arg12[%swap3A_509, %swap3A_510], %swap3A_513 {strides = array<i32>} : memref<128x128xf32, #tpu.memory_space<vmem>>, vector<1x16xf32>,
          %get3A_514 = arith.index_cast %squeeze3A_500 : i32 to index
          %get3A_515 = arith.constant 16 : index
          %get3A_516 = tpu.vector_load %arg6[%get3A_514, %get3A_515] {strides = array<i32>} : memref<367x128xf32, #tpu.memory_space<vmem>>, vector<1x16xf32>,
          %get3A_517 = vector.shape_cast %get3A_516 : vector<1x16xf32> to vector<16xf32>
          %swap3A_518 = arith.index_cast %add3A_504 : i32 to index
          %swap3A_519 = arith.constant 16 : index
          %swap3A_520 = tpu.vector_load %arg12[%swap3A_518, %swap3A_519] {strides = array<i32>} : memref<128x128xf32, #tpu.memory_space<vmem>>, vector<1x16xf32>,
          %swap3A_521 = vector.shape_cast %swap3A_520 : vector<1x16xf32> to vector<16xf32>
          %swap3A_522 = vector.shape_cast %get3A_517 : vector<16xf32> to vector<1x16xf32>
          tpu.vector_store %arg12[%swap3A_518, %swap3A_519], %swap3A_522 {strides = array<i32>} : memref<128x128xf32, #tpu.memory_space<vmem>>, vector<1x16xf32>,
          %get3A_523 = arith.index_cast %squeeze3A_500 : i32 to index
          %get3A_524 = arith.constant 32 : index
          %get3A_525 = tpu.vector_load %arg6[%get3A_523, %get3A_524] {strides = array<i32>} : memref<367x128xf32, #tpu.memory_space<vmem>>, vector<1x16xf32>,
          %get3A_526 = vector.shape_cast %get3A_525 : vector<1x16xf32> to vector<16xf32>
          %swap3A_527 = arith.index_cast %add3A_504 : i32 to index
          %swap3A_528 = arith.constant 32 : index
          %swap3A_529 = tpu.vector_load %arg12[%swap3A_527, %swap3A_528] {strides = array<i32>} : memref<128x128xf32, #tpu.memory_space<vmem>>, vector<1x16xf32>,
          %swap3A_530 = vector.shape_cast %swap3A_529 : vector<1x16xf32> to vector<16xf32>
          %swap3A_531 = vector.shape_cast %get3A_526 : vector<16xf32> to vector<1x16xf32>
          tpu.vector_store %arg12[%swap3A_527, %swap3A_528], %swap3A_531 {strides = array<i32>} : memref<128x128xf32, #tpu.memory_space<vmem>>, vector<1x16xf32>,
          %get3A_532 = arith.index_cast %squeeze3A_500 : i32 to index
          %get3A_533 = arith.constant 48 : index
          %get3A_534 = tpu.vector_load %arg6[%get3A_532, %get3A_533] {strides = array<i32>} : memref<367x128xf32, #tpu.memory_space<vmem>>, vector<1x16xf32>,
          %get3A_535 = vector.shape_cast %get3A_534 : vector<1x16xf32> to vector<16xf32>
          %swap3A_536 = arith.index_cast %add3A_504 : i32 to index
          %swap3A_537 = arith.constant 48 : index
          %swap3A_538 = tpu.vector_load %arg12[%swap3A_536, %swap3A_537] {strides = array<i32>} : memref<128x128xf32, #tpu.memory_space<vmem>>, vector<1x16xf32>,
          %swap3A_539 = vector.shape_cast %swap3A_538 : vector<1x16xf32> to vector<16xf32>
          %swap3A_540 = vector.shape_cast %get3A_535 : vector<16xf32> to vector<1x16xf32>
          tpu.vector_store %arg12[%swap3A_536, %swap3A_537], %swap3A_540 {strides = array<i32>} : memref<128x128xf32, #tpu.memory_space<vmem>>, vector<1x16xf32>,
          %get3A_541 = arith.index_cast %squeeze3A_500 : i32 to index
          %get3A_542 = arith.constant 64 : index
          %get3A_543 = tpu.vector_load %arg6[%get3A_541, %get3A_542] {strides = array<i32>} : memref<367x128xf32, #tpu.memory_space<vmem>>, vector<1x16xf32>,
          %get3A_544 = vector.shape_cast %get3A_543 : vector<1x16xf32> to vector<16xf32>
          %swap3A_545 = arith.index_cast %add3A_504 : i32 to index
          %swap3A_546 = arith.constant 64 : index
          %swap3A_547 = tpu.vector_load %arg12[%swap3A_545, %swap3A_546] {strides = array<i32>} : memref<128x128xf32, #tpu.memory_space<vmem>>, vector<1x16xf32>,
          %swap3A_548 = vector.shape_cast %swap3A_547 : vector<1x16xf32> to vector<16xf32>
          %swap3A_549 = vector.shape_cast %get3A_544 : vector<16xf32> to vector<1x16xf32>
          tpu.vector_store %arg12[%swap3A_545, %swap3A_546], %swap3A_549 {strides = array<i32>} : memref<128x128xf32, #tpu.memory_space<vmem>>, vector<1x16xf32>,
          %get3A_550 = arith.index_cast %squeeze3A_500 : i32 to index
          %get3A_551 = arith.constant 80 : index
          %get3A_552 = tpu.vector_load %arg6[%get3A_550, %get3A_551] {strides = array<i32>} : memref<367x128xf32, #tpu.memory_space<vmem>>, vector<1x16xf32>,
          %get3A_553 = vector.shape_cast %get3A_552 : vector<1x16xf32> to vector<16xf32>
          %swap3A_554 = arith.index_cast %add3A_504 : i32 to index
          %swap3A_555 = arith.constant 80 : index
          %swap3A_556 = tpu.vector_load %arg12[%swap3A_554, %swap3A_555] {strides = array<i32>} : memref<128x128xf32, #tpu.memory_space<vmem>>, vector<1x16xf32>,
          %swap3A_557 = vector.shape_cast %swap3A_556 : vector<1x16xf32> to vector<16xf32>
          %swap3A_558 = vector.shape_cast %get3A_553 : vector<16xf32> to vector<1x16xf32>
          tpu.vector_store %arg12[%swap3A_554, %swap3A_555], %swap3A_558 {strides = array<i32>} : memref<128x128xf32, #tpu.memory_space<vmem>>, vector<1x16xf32>,
          %get3A_559 = arith.index_cast %squeeze3A_500 : i32 to index
          %get3A_560 = arith.constant 96 : index
          %get3A_561 = tpu.vector_load %arg6[%get3A_559, %get3A_560] {strides = array<i32>} : memref<367x128xf32, #tpu.memory_space<vmem>>, vector<1x16xf32>,
          %get3A_562 = vector.shape_cast %get3A_561 : vector<1x16xf32> to vector<16xf32>
          %swap3A_563 = arith.index_cast %add3A_504 : i32 to index
          %swap3A_564 = arith.constant 96 : index
          %swap3A_565 = tpu.vector_load %arg12[%swap3A_563, %swap3A_564] {strides = array<i32>} : memref<128x128xf32, #tpu.memory_space<vmem>>, vector<1x16xf32>,
          %swap3A_566 = vector.shape_cast %swap3A_565 : vector<1x16xf32> to vector<16xf32>
          %swap3A_567 = vector.shape_cast %get3A_562 : vector<16xf32> to vector<1x16xf32>
          tpu.vector_store %arg12[%swap3A_563, %swap3A_564], %swap3A_567 {strides = array<i32>} : memref<128x128xf32, #tpu.memory_space<vmem>>, vector<1x16xf32>,
          %get3A_568 = arith.index_cast %squeeze3A_500 : i32 to index
          %get3A_569 = arith.constant 112 : index
          %get3A_570 = tpu.vector_load %arg6[%get3A_568, %get3A_569] {strides = array<i32>} : memref<367x128xf32, #tpu.memory_space<vmem>>, vector<1x16xf32>,
          %get3A_571 = vector.shape_cast %get3A_570 : vector<1x16xf32> to vector<16xf32>
          %swap3A_572 = arith.index_cast %add3A_504 : i32 to index
          %swap3A_573 = arith.constant 112 : index
          %swap3A_574 = tpu.vector_load %arg12[%swap3A_572, %swap3A_573] {strides = array<i32>} : memref<128x128xf32, #tpu.memory_space<vmem>>, vector<1x16xf32>,
          %swap3A_575 = vector.shape_cast %swap3A_574 : vector<1x16xf32> to vector<16xf32>
          %swap3A_576 = vector.shape_cast %get3A_571 : vector<16xf32> to vector<1x16xf32>
          tpu.vector_store %arg12[%swap3A_572, %swap3A_573], %swap3A_576 {strides = array<i32>} : memref<128x128xf32, #tpu.memory_space<vmem>>, vector<1x16xf32>,
          %slice3A_577 = vector.extract_strided_slice %get3A_267 {offsets = [4], sizes = [1], strides = [1]} : vector<16xi32> to vector<1xi32>
          %squeeze3A_578 = vector.extract %slice3A_577[0] : i32 from vector<1xi32>
          %mul3A_579 = arith.constant 16 : i32
          %mul3A_580 = arith.muli %mul3A_579, %scan3A_261 : i32
          %add3A_581 = arith.constant 4 : i32
          %add3A_582 = arith.addi %mul3A_580, %add3A_581 : i32
          %get3A_583 = arith.index_cast %squeeze3A_578 : i32 to index
          %get3A_584 = arith.constant 0 : index
          %get3A_585 = tpu.vector_load %arg6[%get3A_583, %get3A_584] {strides = array<i32>} : memref<367x128xf32, #tpu.memory_space<vmem>>, vector<1x16xf32>,
          %get3A_586 = vector.shape_cast %get3A_585 : vector<1x16xf32> to vector<16xf32>
          %swap3A_587 = arith.index_cast %add3A_582 : i32 to index
          %swap3A_588 = arith.constant 0 : index
          %swap3A_589 = tpu.vector_load %arg12[%swap3A_587, %swap3A_588] {strides = array<i32>} : memref<128x128xf32, #tpu.memory_space<vmem>>, vector<1x16xf32>,
          %swap3A_590 = vector.shape_cast %swap3A_589 : vector<1x16xf32> to vector<16xf32>
          %swap3A_591 = vector.shape_cast %get3A_586 : vector<16xf32> to vector<1x16xf32>
          tpu.vector_store %arg12[%swap3A_587, %swap3A_588], %swap3A_591 {strides = array<i32>} : memref<128x128xf32, #tpu.memory_space<vmem>>, vector<1x16xf32>,
          %get3A_592 = arith.index_cast %squeeze3A_578 : i32 to index
          %get3A_593 = arith.constant 16 : index
          %get3A_594 = tpu.vector_load %arg6[%get3A_592, %get3A_593] {strides = array<i32>} : memref<367x128xf32, #tpu.memory_space<vmem>>, vector<1x16xf32>,
          %get3A_595 = vector.shape_cast %get3A_594 : vector<1x16xf32> to vector<16xf32>
          %swap3A_596 = arith.index_cast %add3A_582 : i32 to index
          %swap3A_597 = arith.constant 16 : index
          %swap3A_598 = tpu.vector_load %arg12[%swap3A_596, %swap3A_597] {strides = array<i32>} : memref<128x128xf32, #tpu.memory_space<vmem>>, vector<1x16xf32>,
          %swap3A_599 = vector.shape_cast %swap3A_598 : vector<1x16xf32> to vector<16xf32>
          %swap3A_600 = vector.shape_cast %get3A_595 : vector<16xf32> to vector<1x16xf32>
          tpu.vector_store %arg12[%swap3A_596, %swap3A_597], %swap3A_600 {strides = array<i32>} : memref<128x128xf32, #tpu.memory_space<vmem>>, vector<1x16xf32>,
          %get3A_601 = arith.index_cast %squeeze3A_578 : i32 to index
          %get3A_602 = arith.constant 32 : index
          %get3A_603 = tpu.vector_load %arg6[%get3A_601, %get3A_602] {strides = array<i32>} : memref<367x128xf32, #tpu.memory_space<vmem>>, vector<1x16xf32>,
          %get3A_604 = vector.shape_cast %get3A_603 : vector<1x16xf32> to vector<16xf32>
          %swap3A_605 = arith.index_cast %add3A_582 : i32 to index
          %swap3A_606 = arith.constant 32 : index
          %swap3A_607 = tpu.vector_load %arg12[%swap3A_605, %swap3A_606] {strides = array<i32>} : memref<128x128xf32, #tpu.memory_space<vmem>>, vector<1x16xf32>,
          %swap3A_608 = vector.shape_cast %swap3A_607 : vector<1x16xf32> to vector<16xf32>
          %swap3A_609 = vector.shape_cast %get3A_604 : vector<16xf32> to vector<1x16xf32>
          tpu.vector_store %arg12[%swap3A_605, %swap3A_606], %swap3A_609 {strides = array<i32>} : memref<128x128xf32, #tpu.memory_space<vmem>>, vector<1x16xf32>,
          %get3A_610 = arith.index_cast %squeeze3A_578 : i32 to index
          %get3A_611 = arith.constant 48 : index
          %get3A_612 = tpu.vector_load %arg6[%get3A_610, %get3A_611] {strides = array<i32>} : memref<367x128xf32, #tpu.memory_space<vmem>>, vector<1x16xf32>,
          %get3A_613 = vector.shape_cast %get3A_612 : vector<1x16xf32> to vector<16xf32>
          %swap3A_614 = arith.index_cast %add3A_582 : i32 to index
          %swap3A_615 = arith.constant 48 : index
          %swap3A_616 = tpu.vector_load %arg12[%swap3A_614, %swap3A_615] {strides = array<i32>} : memref<128x128xf32, #tpu.memory_space<vmem>>, vector<1x16xf32>,
          %swap3A_617 = vector.shape_cast %swap3A_616 : vector<1x16xf32> to vector<16xf32>
          %swap3A_618 = vector.shape_cast %get3A_613 : vector<16xf32> to vector<1x16xf32>
          tpu.vector_store %arg12[%swap3A_614, %swap3A_615], %swap3A_618 {strides = array<i32>} : memref<128x128xf32, #tpu.memory_space<vmem>>, vector<1x16xf32>,
          %get3A_619 = arith.index_cast %squeeze3A_578 : i32 to index
          %get3A_620 = arith.constant 64 : index
          %get3A_621 = tpu.vector_load %arg6[%get3A_619, %get3A_620] {strides = array<i32>} : memref<367x128xf32, #tpu.memory_space<vmem>>, vector<1x16xf32>,
          %get3A_622 = vector.shape_cast %get3A_621 : vector<1x16xf32> to vector<16xf32>
          %swap3A_623 = arith.index_cast %add3A_582 : i32 to index
          %swap3A_624 = arith.constant 64 : index
          %swap3A_625 = tpu.vector_load %arg12[%swap3A_623, %swap3A_624] {strides = array<i32>} : memref<128x128xf32, #tpu.memory_space<vmem>>, vector<1x16xf32>,
          %swap3A_626 = vector.shape_cast %swap3A_625 : vector<1x16xf32> to vector<16xf32>
          %swap3A_627 = vector.shape_cast %get3A_622 : vector<16xf32> to vector<1x16xf32>
          tpu.vector_store %arg12[%swap3A_623, %swap3A_624], %swap3A_627 {strides = array<i32>} : memref<128x128xf32, #tpu.memory_space<vmem>>, vector<1x16xf32>,
          %get3A_628 = arith.index_cast %squeeze3A_578 : i32 to index
          %get3A_629 = arith.constant 80 : index
          %get3A_630 = tpu.vector_load %arg6[%get3A_628, %get3A_629] {strides = array<i32>} : memref<367x128xf32, #tpu.memory_space<vmem>>, vector<1x16xf32>,
          %get3A_631 = vector.shape_cast %get3A_630 : vector<1x16xf32> to vector<16xf32>
          %swap3A_632 = arith.index_cast %add3A_582 : i32 to index
          %swap3A_633 = arith.constant 80 : index
          %swap3A_634 = tpu.vector_load %arg12[%swap3A_632, %swap3A_633] {strides = array<i32>} : memref<128x128xf32, #tpu.memory_space<vmem>>, vector<1x16xf32>,
          %swap3A_635 = vector.shape_cast %swap3A_634 : vector<1x16xf32> to vector<16xf32>
          %swap3A_636 = vector.shape_cast %get3A_631 : vector<16xf32> to vector<1x16xf32>
          tpu.vector_store %arg12[%swap3A_632, %swap3A_633], %swap3A_636 {strides = array<i32>} : memref<128x128xf32, #tpu.memory_space<vmem>>, vector<1x16xf32>,
          %get3A_637 = arith.index_cast %squeeze3A_578 : i32 to index
          %get3A_638 = arith.constant 96 : index
          %get3A_639 = tpu.vector_load %arg6[%get3A_637, %get3A_638] {strides = array<i32>} : memref<367x128xf32, #tpu.memory_space<vmem>>, vector<1x16xf32>,
          %get3A_640 = vector.shape_cast %get3A_639 : vector<1x16xf32> to vector<16xf32>
          %swap3A_641 = arith.index_cast %add3A_582 : i32 to index
          %swap3A_642 = arith.constant 96 : index
          %swap3A_643 = tpu.vector_load %arg12[%swap3A_641, %swap3A_642] {strides = array<i32>} : memref<128x128xf32, #tpu.memory_space<vmem>>, vector<1x16xf32>,
          %swap3A_644 = vector.shape_cast %swap3A_643 : vector<1x16xf32> to vector<16xf32>
          %swap3A_645 = vector.shape_cast %get3A_640 : vector<16xf32> to vector<1x16xf32>
          tpu.vector_store %arg12[%swap3A_641, %swap3A_642], %swap3A_645 {strides = array<i32>} : memref<128x128xf32, #tpu.memory_space<vmem>>, vector<1x16xf32>,
          %get3A_646 = arith.index_cast %squeeze3A_578 : i32 to index
          %get3A_647 = arith.constant 112 : index
          %get3A_648 = tpu.vector_load %arg6[%get3A_646, %get3A_647] {strides = array<i32>} : memref<367x128xf32, #tpu.memory_space<vmem>>, vector<1x16xf32>,
          %get3A_649 = vector.shape_cast %get3A_648 : vector<1x16xf32> to vector<16xf32>
          %swap3A_650 = arith.index_cast %add3A_582 : i32 to index
          %swap3A_651 = arith.constant 112 : index
          %swap3A_652 = tpu.vector_load %arg12[%swap3A_650, %swap3A_651] {strides = array<i32>} : memref<128x128xf32, #tpu.memory_space<vmem>>, vector<1x16xf32>,
          %swap3A_653 = vector.shape_cast %swap3A_652 : vector<1x16xf32> to vector<16xf32>
          %swap3A_654 = vector.shape_cast %get3A_649 : vector<16xf32> to vector<1x16xf32>
          tpu.vector_store %arg12[%swap3A_650, %swap3A_651], %swap3A_654 {strides = array<i32>} : memref<128x128xf32, #tpu.memory_space<vmem>>, vector<1x16xf32>,
          %slice3A_655 = vector.extract_strided_slice %get3A_267 {offsets = [5], sizes = [1], strides = [1]} : vector<16xi32> to vector<1xi32>
          %squeeze3A_656 = vector.extract %slice3A_655[0] : i32 from vector<1xi32>
          %mul3A_657 = arith.constant 16 : i32
          %mul3A_658 = arith.muli %mul3A_657, %scan3A_261 : i32
          %add3A_659 = arith.constant 5 : i32
          %add3A_660 = arith.addi %mul3A_658, %add3A_659 : i32
          %get3A_661 = arith.index_cast %squeeze3A_656 : i32 to index
          %get3A_662 = arith.constant 0 : index
          %get3A_663 = tpu.vector_load %arg6[%get3A_661, %get3A_662] {strides = array<i32>} : memref<367x128xf32, #tpu.memory_space<vmem>>, vector<1x16xf32>,
          %get3A_664 = vector.shape_cast %get3A_663 : vector<1x16xf32> to vector<16xf32>
          %swap3A_665 = arith.index_cast %add3A_660 : i32 to index
          %swap3A_666 = arith.constant 0 : index
          %swap3A_667 = tpu.vector_load %arg12[%swap3A_665, %swap3A_666] {strides = array<i32>} : memref<128x128xf32, #tpu.memory_space<vmem>>, vector<1x16xf32>,
          %swap3A_668 = vector.shape_cast %swap3A_667 : vector<1x16xf32> to vector<16xf32>
          %swap3A_669 = vector.shape_cast %get3A_664 : vector<16xf32> to vector<1x16xf32>
          tpu.vector_store %arg12[%swap3A_665, %swap3A_666], %swap3A_669 {strides = array<i32>} : memref<128x128xf32, #tpu.memory_space<vmem>>, vector<1x16xf32>,
          %get3A_670 = arith.index_cast %squeeze3A_656 : i32 to index
          %get3A_671 = arith.constant 16 : index
          %get3A_672 = tpu.vector_load %arg6[%get3A_670, %get3A_671] {strides = array<i32>} : memref<367x128xf32, #tpu.memory_space<vmem>>, vector<1x16xf32>,
          %get3A_673 = vector.shape_cast %get3A_672 : vector<1x16xf32> to vector<16xf32>
          %swap3A_674 = arith.index_cast %add3A_660 : i32 to index
          %swap3A_675 = arith.constant 16 : index
          %swap3A_676 = tpu.vector_load %arg12[%swap3A_674, %swap3A_675] {strides = array<i32>} : memref<128x128xf32, #tpu.memory_space<vmem>>, vector<1x16xf32>,
          %swap3A_677 = vector.shape_cast %swap3A_676 : vector<1x16xf32> to vector<16xf32>
          %swap3A_678 = vector.shape_cast %get3A_673 : vector<16xf32> to vector<1x16xf32>
          tpu.vector_store %arg12[%swap3A_674, %swap3A_675], %swap3A_678 {strides = array<i32>} : memref<128x128xf32, #tpu.memory_space<vmem>>, vector<1x16xf32>,
          %get3A_679 = arith.index_cast %squeeze3A_656 : i32 to index
          %get3A_680 = arith.constant 32 : index
          %get3A_681 = tpu.vector_load %arg6[%get3A_679, %get3A_680] {strides = array<i32>} : memref<367x128xf32, #tpu.memory_space<vmem>>, vector<1x16xf32>,
          %get3A_682 = vector.shape_cast %get3A_681 : vector<1x16xf32> to vector<16xf32>
          %swap3A_683 = arith.index_cast %add3A_660 : i32 to index
          %swap3A_684 = arith.constant 32 : index
          %swap3A_685 = tpu.vector_load %arg12[%swap3A_683, %swap3A_684] {strides = array<i32>} : memref<128x128xf32, #tpu.memory_space<vmem>>, vector<1x16xf32>,
          %swap3A_686 = vector.shape_cast %swap3A_685 : vector<1x16xf32> to vector<16xf32>
          %swap3A_687 = vector.shape_cast %get3A_682 : vector<16xf32> to vector<1x16xf32>
          tpu.vector_store %arg12[%swap3A_683, %swap3A_684], %swap3A_687 {strides = array<i32>} : memref<128x128xf32, #tpu.memory_space<vmem>>, vector<1x16xf32>,
          %get3A_688 = arith.index_cast %squeeze3A_656 : i32 to index
          %get3A_689 = arith.constant 48 : index
          %get3A_690 = tpu.vector_load %arg6[%get3A_688, %get3A_689] {strides = array<i32>} : memref<367x128xf32, #tpu.memory_space<vmem>>, vector<1x16xf32>,
          %get3A_691 = vector.shape_cast %get3A_690 : vector<1x16xf32> to vector<16xf32>
          %swap3A_692 = arith.index_cast %add3A_660 : i32 to index
          %swap3A_693 = arith.constant 48 : index
          %swap3A_694 = tpu.vector_load %arg12[%swap3A_692, %swap3A_693] {strides = array<i32>} : memref<128x128xf32, #tpu.memory_space<vmem>>, vector<1x16xf32>,
          %swap3A_695 = vector.shape_cast %swap3A_694 : vector<1x16xf32> to vector<16xf32>
          %swap3A_696 = vector.shape_cast %get3A_691 : vector<16xf32> to vector<1x16xf32>
          tpu.vector_store %arg12[%swap3A_692, %swap3A_693], %swap3A_696 {strides = array<i32>} : memref<128x128xf32, #tpu.memory_space<vmem>>, vector<1x16xf32>,
          %get3A_697 = arith.index_cast %squeeze3A_656 : i32 to index
          %get3A_698 = arith.constant 64 : index
          %get3A_699 = tpu.vector_load %arg6[%get3A_697, %get3A_698] {strides = array<i32>} : memref<367x128xf32, #tpu.memory_space<vmem>>, vector<1x16xf32>,
          %get3A_700 = vector.shape_cast %get3A_699 : vector<1x16xf32> to vector<16xf32>
          %swap3A_701 = arith.index_cast %add3A_660 : i32 to index
          %swap3A_702 = arith.constant 64 : index
          %swap3A_703 = tpu.vector_load %arg12[%swap3A_701, %swap3A_702] {strides = array<i32>} : memref<128x128xf32, #tpu.memory_space<vmem>>, vector<1x16xf32>,
          %swap3A_704 = vector.shape_cast %swap3A_703 : vector<1x16xf32> to vector<16xf32>
          %swap3A_705 = vector.shape_cast %get3A_700 : vector<16xf32> to vector<1x16xf32>
          tpu.vector_store %arg12[%swap3A_701, %swap3A_702], %swap3A_705 {strides = array<i32>} : memref<128x128xf32, #tpu.memory_space<vmem>>, vector<1x16xf32>,
          %get3A_706 = arith.index_cast %squeeze3A_656 : i32 to index
          %get3A_707 = arith.constant 80 : index
          %get3A_708 = tpu.vector_load %arg6[%get3A_706, %get3A_707] {strides = array<i32>} : memref<367x128xf32, #tpu.memory_space<vmem>>, vector<1x16xf32>,
          %get3A_709 = vector.shape_cast %get3A_708 : vector<1x16xf32> to vector<16xf32>
          %swap3A_710 = arith.index_cast %add3A_660 : i32 to index
          %swap3A_711 = arith.constant 80 : index
          %swap3A_712 = tpu.vector_load %arg12[%swap3A_710, %swap3A_711] {strides = array<i32>} : memref<128x128xf32, #tpu.memory_space<vmem>>, vector<1x16xf32>,
          %swap3A_713 = vector.shape_cast %swap3A_712 : vector<1x16xf32> to vector<16xf32>
          %swap3A_714 = vector.shape_cast %get3A_709 : vector<16xf32> to vector<1x16xf32>
          tpu.vector_store %arg12[%swap3A_710, %swap3A_711], %swap3A_714 {strides = array<i32>} : memref<128x128xf32, #tpu.memory_space<vmem>>, vector<1x16xf32>,
          %get3A_715 = arith.index_cast %squeeze3A_656 : i32 to index
          %get3A_716 = arith.constant 96 : index
          %get3A_717 = tpu.vector_load %arg6[%get3A_715, %get3A_716] {strides = array<i32>} : memref<367x128xf32, #tpu.memory_space<vmem>>, vector<1x16xf32>,
          %get3A_718 = vector.shape_cast %get3A_717 : vector<1x16xf32> to vector<16xf32>
          %swap3A_719 = arith.index_cast %add3A_660 : i32 to index
          %swap3A_720 = arith.constant 96 : index
          %swap3A_721 = tpu.vector_load %arg12[%swap3A_719, %swap3A_720] {strides = array<i32>} : memref<128x128xf32, #tpu.memory_space<vmem>>, vector<1x16xf32>,
          %swap3A_722 = vector.shape_cast %swap3A_721 : vector<1x16xf32> to vector<16xf32>
          %swap3A_723 = vector.shape_cast %get3A_718 : vector<16xf32> to vector<1x16xf32>
          tpu.vector_store %arg12[%swap3A_719, %swap3A_720], %swap3A_723 {strides = array<i32>} : memref<128x128xf32, #tpu.memory_space<vmem>>, vector<1x16xf32>,
          %get3A_724 = arith.index_cast %squeeze3A_656 : i32 to index
          %get3A_725 = arith.constant 112 : index
          %get3A_726 = tpu.vector_load %arg6[%get3A_724, %get3A_725] {strides = array<i32>} : memref<367x128xf32, #tpu.memory_space<vmem>>, vector<1x16xf32>,
          %get3A_727 = vector.shape_cast %get3A_726 : vector<1x16xf32> to vector<16xf32>
          %swap3A_728 = arith.index_cast %add3A_660 : i32 to index
          %swap3A_729 = arith.constant 112 : index
          %swap3A_730 = tpu.vector_load %arg12[%swap3A_728, %swap3A_729] {strides = array<i32>} : memref<128x128xf32, #tpu.memory_space<vmem>>, vector<1x16xf32>,
          %swap3A_731 = vector.shape_cast %swap3A_730 : vector<1x16xf32> to vector<16xf32>
          %swap3A_732 = vector.shape_cast %get3A_727 : vector<16xf32> to vector<1x16xf32>
          tpu.vector_store %arg12[%swap3A_728, %swap3A_729], %swap3A_732 {strides = array<i32>} : memref<128x128xf32, #tpu.memory_space<vmem>>, vector<1x16xf32>,
          %slice3A_733 = vector.extract_strided_slice %get3A_267 {offsets = [6], sizes = [1], strides = [1]} : vector<16xi32> to vector<1xi32>
          %squeeze3A_734 = vector.extract %slice3A_733[0] : i32 from vector<1xi32>
          %mul3A_735 = arith.constant 16 : i32
          %mul3A_736 = arith.muli %mul3A_735, %scan3A_261 : i32
          %add3A_737 = arith.constant 6 : i32
          %add3A_738 = arith.addi %mul3A_736, %add3A_737 : i32
          %get3A_739 = arith.index_cast %squeeze3A_734 : i32 to index
          %get3A_740 = arith.constant 0 : index
          %get3A_741 = tpu.vector_load %arg6[%get3A_739, %get3A_740] {strides = array<i32>} : memref<367x128xf32, #tpu.memory_space<vmem>>, vector<1x16xf32>,
          %get3A_742 = vector.shape_cast %get3A_741 : vector<1x16xf32> to vector<16xf32>
          %swap3A_743 = arith.index_cast %add3A_738 : i32 to index
          %swap3A_744 = arith.constant 0 : index
          %swap3A_745 = tpu.vector_load %arg12[%swap3A_743, %swap3A_744] {strides = array<i32>} : memref<128x128xf32, #tpu.memory_space<vmem>>, vector<1x16xf32>,
          %swap3A_746 = vector.shape_cast %swap3A_745 : vector<1x16xf32> to vector<16xf32>
          %swap3A_747 = vector.shape_cast %get3A_742 : vector<16xf32> to vector<1x16xf32>
          tpu.vector_store %arg12[%swap3A_743, %swap3A_744], %swap3A_747 {strides = array<i32>} : memref<128x128xf32, #tpu.memory_space<vmem>>, vector<1x16xf32>,
          %get3A_748 = arith.index_cast %squeeze3A_734 : i32 to index
          %get3A_749 = arith.constant 16 : index
          %get3A_750 = tpu.vector_load %arg6[%get3A_748, %get3A_749] {strides = array<i32>} : memref<367x128xf32, #tpu.memory_space<vmem>>, vector<1x16xf32>,
          %get3A_751 = vector.shape_cast %get3A_750 : vector<1x16xf32> to vector<16xf32>
          %swap3A_752 = arith.index_cast %add3A_738 : i32 to index
          %swap3A_753 = arith.constant 16 : index
          %swap3A_754 = tpu.vector_load %arg12[%swap3A_752, %swap3A_753] {strides = array<i32>} : memref<128x128xf32, #tpu.memory_space<vmem>>, vector<1x16xf32>,
          %swap3A_755 = vector.shape_cast %swap3A_754 : vector<1x16xf32> to vector<16xf32>
          %swap3A_756 = vector.shape_cast %get3A_751 : vector<16xf32> to vector<1x16xf32>
          tpu.vector_store %arg12[%swap3A_752, %swap3A_753], %swap3A_756 {strides = array<i32>} : memref<128x128xf32, #tpu.memory_space<vmem>>, vector<1x16xf32>,
          %get3A_757 = arith.index_cast %squeeze3A_734 : i32 to index
          %get3A_758 = arith.constant 32 : index
          %get3A_759 = tpu.vector_load %arg6[%get3A_757, %get3A_758] {strides = array<i32>} : memref<367x128xf32, #tpu.memory_space<vmem>>, vector<1x16xf32>,
          %get3A_760 = vector.shape_cast %get3A_759 : vector<1x16xf32> to vector<16xf32>
          %swap3A_761 = arith.index_cast %add3A_738 : i32 to index
          %swap3A_762 = arith.constant 32 : index
          %swap3A_763 = tpu.vector_load %arg12[%swap3A_761, %swap3A_762] {strides = array<i32>} : memref<128x128xf32, #tpu.memory_space<vmem>>, vector<1x16xf32>,
          %swap3A_764 = vector.shape_cast %swap3A_763 : vector<1x16xf32> to vector<16xf32>
          %swap3A_765 = vector.shape_cast %get3A_760 : vector<16xf32> to vector<1x16xf32>
          tpu.vector_store %arg12[%swap3A_761, %swap3A_762], %swap3A_765 {strides = array<i32>} : memref<128x128xf32, #tpu.memory_space<vmem>>, vector<1x16xf32>,
          %get3A_766 = arith.index_cast %squeeze3A_734 : i32 to index
          %get3A_767 = arith.constant 48 : index
          %get3A_768 = tpu.vector_load %arg6[%get3A_766, %get3A_767] {strides = array<i32>} : memref<367x128xf32, #tpu.memory_space<vmem>>, vector<1x16xf32>,
          %get3A_769 = vector.shape_cast %get3A_768 : vector<1x16xf32> to vector<16xf32>
          %swap3A_770 = arith.index_cast %add3A_738 : i32 to index
          %swap3A_771 = arith.constant 48 : index
          %swap3A_772 = tpu.vector_load %arg12[%swap3A_770, %swap3A_771] {strides = array<i32>} : memref<128x128xf32, #tpu.memory_space<vmem>>, vector<1x16xf32>,
          %swap3A_773 = vector.shape_cast %swap3A_772 : vector<1x16xf32> to vector<16xf32>
          %swap3A_774 = vector.shape_cast %get3A_769 : vector<16xf32> to vector<1x16xf32>
          tpu.vector_store %arg12[%swap3A_770, %swap3A_771], %swap3A_774 {strides = array<i32>} : memref<128x128xf32, #tpu.memory_space<vmem>>, vector<1x16xf32>,
          %get3A_775 = arith.index_cast %squeeze3A_734 : i32 to index
          %get3A_776 = arith.constant 64 : index
          %get3A_777 = tpu.vector_load %arg6[%get3A_775, %get3A_776] {strides = array<i32>} : memref<367x128xf32, #tpu.memory_space<vmem>>, vector<1x16xf32>,
          %get3A_778 = vector.shape_cast %get3A_777 : vector<1x16xf32> to vector<16xf32>
          %swap3A_779 = arith.index_cast %add3A_738 : i32 to index
          %swap3A_780 = arith.constant 64 : index
          %swap3A_781 = tpu.vector_load %arg12[%swap3A_779, %swap3A_780] {strides = array<i32>} : memref<128x128xf32, #tpu.memory_space<vmem>>, vector<1x16xf32>,
          %swap3A_782 = vector.shape_cast %swap3A_781 : vector<1x16xf32> to vector<16xf32>
          %swap3A_783 = vector.shape_cast %get3A_778 : vector<16xf32> to vector<1x16xf32>
          tpu.vector_store %arg12[%swap3A_779, %swap3A_780], %swap3A_783 {strides = array<i32>} : memref<128x128xf32, #tpu.memory_space<vmem>>, vector<1x16xf32>,
          %get3A_784 = arith.index_cast %squeeze3A_734 : i32 to index
          %get3A_785 = arith.constant 80 : index
          %get3A_786 = tpu.vector_load %arg6[%get3A_784, %get3A_785] {strides = array<i32>} : memref<367x128xf32, #tpu.memory_space<vmem>>, vector<1x16xf32>,
          %get3A_787 = vector.shape_cast %get3A_786 : vector<1x16xf32> to vector<16xf32>
          %swap3A_788 = arith.index_cast %add3A_738 : i32 to index
          %swap3A_789 = arith.constant 80 : index
          %swap3A_790 = tpu.vector_load %arg12[%swap3A_788, %swap3A_789] {strides = array<i32>} : memref<128x128xf32, #tpu.memory_space<vmem>>, vector<1x16xf32>,
          %swap3A_791 = vector.shape_cast %swap3A_790 : vector<1x16xf32> to vector<16xf32>
          %swap3A_792 = vector.shape_cast %get3A_787 : vector<16xf32> to vector<1x16xf32>
          tpu.vector_store %arg12[%swap3A_788, %swap3A_789], %swap3A_792 {strides = array<i32>} : memref<128x128xf32, #tpu.memory_space<vmem>>, vector<1x16xf32>,
          %get3A_793 = arith.index_cast %squeeze3A_734 : i32 to index
          %get3A_794 = arith.constant 96 : index
          %get3A_795 = tpu.vector_load %arg6[%get3A_793, %get3A_794] {strides = array<i32>} : memref<367x128xf32, #tpu.memory_space<vmem>>, vector<1x16xf32>,
          %get3A_796 = vector.shape_cast %get3A_795 : vector<1x16xf32> to vector<16xf32>
          %swap3A_797 = arith.index_cast %add3A_738 : i32 to index
          %swap3A_798 = arith.constant 96 : index
          %swap3A_799 = tpu.vector_load %arg12[%swap3A_797, %swap3A_798] {strides = array<i32>} : memref<128x128xf32, #tpu.memory_space<vmem>>, vector<1x16xf32>,
          %swap3A_800 = vector.shape_cast %swap3A_799 : vector<1x16xf32> to vector<16xf32>
          %swap3A_801 = vector.shape_cast %get3A_796 : vector<16xf32> to vector<1x16xf32>
          tpu.vector_store %arg12[%swap3A_797, %swap3A_798], %swap3A_801 {strides = array<i32>} : memref<128x128xf32, #tpu.memory_space<vmem>>, vector<1x16xf32>,
          %get3A_802 = arith.index_cast %squeeze3A_734 : i32 to index
          %get3A_803 = arith.constant 112 : index
          %get3A_804 = tpu.vector_load %arg6[%get3A_802, %get3A_803] {strides = array<i32>} : memref<367x128xf32, #tpu.memory_space<vmem>>, vector<1x16xf32>,
          %get3A_805 = vector.shape_cast %get3A_804 : vector<1x16xf32> to vector<16xf32>
          %swap3A_806 = arith.index_cast %add3A_738 : i32 to index
          %swap3A_807 = arith.constant 112 : index
          %swap3A_808 = tpu.vector_load %arg12[%swap3A_806, %swap3A_807] {strides = array<i32>} : memref<128x128xf32, #tpu.memory_space<vmem>>, vector<1x16xf32>,
          %swap3A_809 = vector.shape_cast %swap3A_808 : vector<1x16xf32> to vector<16xf32>
          %swap3A_810 = vector.shape_cast %get3A_805 : vector<16xf32> to vector<1x16xf32>
          tpu.vector_store %arg12[%swap3A_806, %swap3A_807], %swap3A_810 {strides = array<i32>} : memref<128x128xf32, #tpu.memory_space<vmem>>, vector<1x16xf32>,
          %slice3A_811 = vector.extract_strided_slice %get3A_267 {offsets = [7], sizes = [1], strides = [1]} : vector<16xi32> to vector<1xi32>
          %squeeze3A_812 = vector.extract %slice3A_811[0] : i32 from vector<1xi32>
          %mul3A_813 = arith.constant 16 : i32
          %mul3A_814 = arith.muli %mul3A_813, %scan3A_261 : i32
          %add3A_815 = arith.constant 7 : i32
          %add3A_816 = arith.addi %mul3A_814, %add3A_815 : i32
          %get3A_817 = arith.index_cast %squeeze3A_812 : i32 to index
          %get3A_818 = arith.constant 0 : index
          %get3A_819 = tpu.vector_load %arg6[%get3A_817, %get3A_818] {strides = array<i32>} : memref<367x128xf32, #tpu.memory_space<vmem>>, vector<1x16xf32>,
          %get3A_820 = vector.shape_cast %get3A_819 : vector<1x16xf32> to vector<16xf32>
          %swap3A_821 = arith.index_cast %add3A_816 : i32 to index
          %swap3A_822 = arith.constant 0 : index
          %swap3A_823 = tpu.vector_load %arg12[%swap3A_821, %swap3A_822] {strides = array<i32>} : memref<128x128xf32, #tpu.memory_space<vmem>>, vector<1x16xf32>,
          %swap3A_824 = vector.shape_cast %swap3A_823 : vector<1x16xf32> to vector<16xf32>
          %swap3A_825 = vector.shape_cast %get3A_820 : vector<16xf32> to vector<1x16xf32>
          tpu.vector_store %arg12[%swap3A_821, %swap3A_822], %swap3A_825 {strides = array<i32>} : memref<128x128xf32, #tpu.memory_space<vmem>>, vector<1x16xf32>,
          %get3A_826 = arith.index_cast %squeeze3A_812 : i32 to index
          %get3A_827 = arith.constant 16 : index
          %get3A_828 = tpu.vector_load %arg6[%get3A_826, %get3A_827] {strides = array<i32>} : memref<367x128xf32, #tpu.memory_space<vmem>>, vector<1x16xf32>,
          %get3A_829 = vector.shape_cast %get3A_828 : vector<1x16xf32> to vector<16xf32>
          %swap3A_830 = arith.index_cast %add3A_816 : i32 to index
          %swap3A_831 = arith.constant 16 : index
          %swap3A_832 = tpu.vector_load %arg12[%swap3A_830, %swap3A_831] {strides = array<i32>} : memref<128x128xf32, #tpu.memory_space<vmem>>, vector<1x16xf32>,
          %swap3A_833 = vector.shape_cast %swap3A_832 : vector<1x16xf32> to vector<16xf32>
          %swap3A_834 = vector.shape_cast %get3A_829 : vector<16xf32> to vector<1x16xf32>
          tpu.vector_store %arg12[%swap3A_830, %swap3A_831], %swap3A_834 {strides = array<i32>} : memref<128x128xf32, #tpu.memory_space<vmem>>, vector<1x16xf32>,
          %get3A_835 = arith.index_cast %squeeze3A_812 : i32 to index
          %get3A_836 = arith.constant 32 : index
          %get3A_837 = tpu.vector_load %arg6[%get3A_835, %get3A_836] {strides = array<i32>} : memref<367x128xf32, #tpu.memory_space<vmem>>, vector<1x16xf32>,
          %get3A_838 = vector.shape_cast %get3A_837 : vector<1x16xf32> to vector<16xf32>
          %swap3A_839 = arith.index_cast %add3A_816 : i32 to index
          %swap3A_840 = arith.constant 32 : index
          %swap3A_841 = tpu.vector_load %arg12[%swap3A_839, %swap3A_840] {strides = array<i32>} : memref<128x128xf32, #tpu.memory_space<vmem>>, vector<1x16xf32>,
          %swap3A_842 = vector.shape_cast %swap3A_841 : vector<1x16xf32> to vector<16xf32>
          %swap3A_843 = vector.shape_cast %get3A_838 : vector<16xf32> to vector<1x16xf32>
          tpu.vector_store %arg12[%swap3A_839, %swap3A_840], %swap3A_843 {strides = array<i32>} : memref<128x128xf32, #tpu.memory_space<vmem>>, vector<1x16xf32>,
          %get3A_844 = arith.index_cast %squeeze3A_812 : i32 to index
          %get3A_845 = arith.constant 48 : index
          %get3A_846 = tpu.vector_load %arg6[%get3A_844, %get3A_845] {strides = array<i32>} : memref<367x128xf32, #tpu.memory_space<vmem>>, vector<1x16xf32>,
          %get3A_847 = vector.shape_cast %get3A_846 : vector<1x16xf32> to vector<16xf32>
          %swap3A_848 = arith.index_cast %add3A_816 : i32 to index
          %swap3A_849 = arith.constant 48 : index
          %swap3A_850 = tpu.vector_load %arg12[%swap3A_848, %swap3A_849] {strides = array<i32>} : memref<128x128xf32, #tpu.memory_space<vmem>>, vector<1x16xf32>,
          %swap3A_851 = vector.shape_cast %swap3A_850 : vector<1x16xf32> to vector<16xf32>
          %swap3A_852 = vector.shape_cast %get3A_847 : vector<16xf32> to vector<1x16xf32>
          tpu.vector_store %arg12[%swap3A_848, %swap3A_849], %swap3A_852 {strides = array<i32>} : memref<128x128xf32, #tpu.memory_space<vmem>>, vector<1x16xf32>,
          %get3A_853 = arith.index_cast %squeeze3A_812 : i32 to index
          %get3A_854 = arith.constant 64 : index
          %get3A_855 = tpu.vector_load %arg6[%get3A_853, %get3A_854] {strides = array<i32>} : memref<367x128xf32, #tpu.memory_space<vmem>>, vector<1x16xf32>,
          %get3A_856 = vector.shape_cast %get3A_855 : vector<1x16xf32> to vector<16xf32>
          %swap3A_857 = arith.index_cast %add3A_816 : i32 to index
          %swap3A_858 = arith.constant 64 : index
          %swap3A_859 = tpu.vector_load %arg12[%swap3A_857, %swap3A_858] {strides = array<i32>} : memref<128x128xf32, #tpu.memory_space<vmem>>, vector<1x16xf32>,
          %swap3A_860 = vector.shape_cast %swap3A_859 : vector<1x16xf32> to vector<16xf32>
          %swap3A_861 = vector.shape_cast %get3A_856 : vector<16xf32> to vector<1x16xf32>
          tpu.vector_store %arg12[%swap3A_857, %swap3A_858], %swap3A_861 {strides = array<i32>} : memref<128x128xf32, #tpu.memory_space<vmem>>, vector<1x16xf32>,
          %get3A_862 = arith.index_cast %squeeze3A_812 : i32 to index
          %get3A_863 = arith.constant 80 : index
          %get3A_864 = tpu.vector_load %arg6[%get3A_862, %get3A_863] {strides = array<i32>} : memref<367x128xf32, #tpu.memory_space<vmem>>, vector<1x16xf32>,
          %get3A_865 = vector.shape_cast %get3A_864 : vector<1x16xf32> to vector<16xf32>
          %swap3A_866 = arith.index_cast %add3A_816 : i32 to index
          %swap3A_867 = arith.constant 80 : index
          %swap3A_868 = tpu.vector_load %arg12[%swap3A_866, %swap3A_867] {strides = array<i32>} : memref<128x128xf32, #tpu.memory_space<vmem>>, vector<1x16xf32>,
          %swap3A_869 = vector.shape_cast %swap3A_868 : vector<1x16xf32> to vector<16xf32>
          %swap3A_870 = vector.shape_cast %get3A_865 : vector<16xf32> to vector<1x16xf32>
          tpu.vector_store %arg12[%swap3A_866, %swap3A_867], %swap3A_870 {strides = array<i32>} : memref<128x128xf32, #tpu.memory_space<vmem>>, vector<1x16xf32>,
          %get3A_871 = arith.index_cast %squeeze3A_812 : i32 to index
          %get3A_872 = arith.constant 96 : index
          %get3A_873 = tpu.vector_load %arg6[%get3A_871, %get3A_872] {strides = array<i32>} : memref<367x128xf32, #tpu.memory_space<vmem>>, vector<1x16xf32>,
          %get3A_874 = vector.shape_cast %get3A_873 : vector<1x16xf32> to vector<16xf32>
          %swap3A_875 = arith.index_cast %add3A_816 : i32 to index
          %swap3A_876 = arith.constant 96 : index
          %swap3A_877 = tpu.vector_load %arg12[%swap3A_875, %swap3A_876] {strides = array<i32>} : memref<128x128xf32, #tpu.memory_space<vmem>>, vector<1x16xf32>,
          %swap3A_878 = vector.shape_cast %swap3A_877 : vector<1x16xf32> to vector<16xf32>
          %swap3A_879 = vector.shape_cast %get3A_874 : vector<16xf32> to vector<1x16xf32>
          tpu.vector_store %arg12[%swap3A_875, %swap3A_876], %swap3A_879 {strides = array<i32>} : memref<128x128xf32, #tpu.memory_space<vmem>>, vector<1x16xf32>,
          %get3A_880 = arith.index_cast %squeeze3A_812 : i32 to index
          %get3A_881 = arith.constant 112 : index
          %get3A_882 = tpu.vector_load %arg6[%get3A_880, %get3A_881] {strides = array<i32>} : memref<367x128xf32, #tpu.memory_space<vmem>>, vector<1x16xf32>,
          %get3A_883 = vector.shape_cast %get3A_882 : vector<1x16xf32> to vector<16xf32>
          %swap3A_884 = arith.index_cast %add3A_816 : i32 to index
          %swap3A_885 = arith.constant 112 : index
          %swap3A_886 = tpu.vector_load %arg12[%swap3A_884, %swap3A_885] {strides = array<i32>} : memref<128x128xf32, #tpu.memory_space<vmem>>, vector<1x16xf32>,
          %swap3A_887 = vector.shape_cast %swap3A_886 : vector<1x16xf32> to vector<16xf32>
          %swap3A_888 = vector.shape_cast %get3A_883 : vector<16xf32> to vector<1x16xf32>
          tpu.vector_store %arg12[%swap3A_884, %swap3A_885], %swap3A_888 {strides = array<i32>} : memref<128x128xf32, #tpu.memory_space<vmem>>, vector<1x16xf32>,
          %slice3A_889 = vector.extract_strided_slice %get3A_267 {offsets = [8], sizes = [1], strides = [1]} : vector<16xi32> to vector<1xi32>
          %squeeze3A_890 = vector.extract %slice3A_889[0] : i32 from vector<1xi32>
          %mul3A_891 = arith.constant 16 : i32
          %mul3A_892 = arith.muli %mul3A_891, %scan3A_261 : i32
          %add3A_893 = arith.constant 8 : i32
          %add3A_894 = arith.addi %mul3A_892, %add3A_893 : i32
          %get3A_895 = arith.index_cast %squeeze3A_890 : i32 to index
          %get3A_896 = arith.constant 0 : index
          %get3A_897 = tpu.vector_load %arg6[%get3A_895, %get3A_896] {strides = array<i32>} : memref<367x128xf32, #tpu.memory_space<vmem>>, vector<1x16xf32>,
          %get3A_898 = vector.shape_cast %get3A_897 : vector<1x16xf32> to vector<16xf32>
          %swap3A_899 = arith.index_cast %add3A_894 : i32 to index
          %swap3A_900 = arith.constant 0 : index
          %swap3A_901 = tpu.vector_load %arg12[%swap3A_899, %swap3A_900] {strides = array<i32>} : memref<128x128xf32, #tpu.memory_space<vmem>>, vector<1x16xf32>,
          %swap3A_902 = vector.shape_cast %swap3A_901 : vector<1x16xf32> to vector<16xf32>
          %swap3A_903 = vector.shape_cast %get3A_898 : vector<16xf32> to vector<1x16xf32>
          tpu.vector_store %arg12[%swap3A_899, %swap3A_900], %swap3A_903 {strides = array<i32>} : memref<128x128xf32, #tpu.memory_space<vmem>>, vector<1x16xf32>,
          %get3A_904 = arith.index_cast %squeeze3A_890 : i32 to index
          %get3A_905 = arith.constant 16 : index
          %get3A_906 = tpu.vector_load %arg6[%get3A_904, %get3A_905] {strides = array<i32>} : memref<367x128xf32, #tpu.memory_space<vmem>>, vector<1x16xf32>,
          %get3A_907 = vector.shape_cast %get3A_906 : vector<1x16xf32> to vector<16xf32>
          %swap3A_908 = arith.index_cast %add3A_894 : i32 to index
          %swap3A_909 = arith.constant 16 : index
          %swap3A_910 = tpu.vector_load %arg12[%swap3A_908, %swap3A_909] {strides = array<i32>} : memref<128x128xf32, #tpu.memory_space<vmem>>, vector<1x16xf32>,
          %swap3A_911 = vector.shape_cast %swap3A_910 : vector<1x16xf32> to vector<16xf32>
          %swap3A_912 = vector.shape_cast %get3A_907 : vector<16xf32> to vector<1x16xf32>
          tpu.vector_store %arg12[%swap3A_908, %swap3A_909], %swap3A_912 {strides = array<i32>} : memref<128x128xf32, #tpu.memory_space<vmem>>, vector<1x16xf32>,
          %get3A_913 = arith.index_cast %squeeze3A_890 : i32 to index
          %get3A_914 = arith.constant 32 : index
          %get3A_915 = tpu.vector_load %arg6[%get3A_913, %get3A_914] {strides = array<i32>} : memref<367x128xf32, #tpu.memory_space<vmem>>, vector<1x16xf32>,
          %get3A_916 = vector.shape_cast %get3A_915 : vector<1x16xf32> to vector<16xf32>
          %swap3A_917 = arith.index_cast %add3A_894 : i32 to index
          %swap3A_918 = arith.constant 32 : index
          %swap3A_919 = tpu.vector_load %arg12[%swap3A_917, %swap3A_918] {strides = array<i32>} : memref<128x128xf32, #tpu.memory_space<vmem>>, vector<1x16xf32>,
          %swap3A_920 = vector.shape_cast %swap3A_919 : vector<1x16xf32> to vector<16xf32>
          %swap3A_921 = vector.shape_cast %get3A_916 : vector<16xf32> to vector<1x16xf32>
          tpu.vector_store %arg12[%swap3A_917, %swap3A_918], %swap3A_921 {strides = array<i32>} : memref<128x128xf32, #tpu.memory_space<vmem>>, vector<1x16xf32>,
          %get3A_922 = arith.index_cast %squeeze3A_890 : i32 to index
          %get3A_923 = arith.constant 48 : index
          %get3A_924 = tpu.vector_load %arg6[%get3A_922, %get3A_923] {strides = array<i32>} : memref<367x128xf32, #tpu.memory_space<vmem>>, vector<1x16xf32>,
          %get3A_925 = vector.shape_cast %get3A_924 : vector<1x16xf32> to vector<16xf32>
          %swap3A_926 = arith.index_cast %add3A_894 : i32 to index
          %swap3A_927 = arith.constant 48 : index
          %swap3A_928 = tpu.vector_load %arg12[%swap3A_926, %swap3A_927] {strides = array<i32>} : memref<128x128xf32, #tpu.memory_space<vmem>>, vector<1x16xf32>,
          %swap3A_929 = vector.shape_cast %swap3A_928 : vector<1x16xf32> to vector<16xf32>
          %swap3A_930 = vector.shape_cast %get3A_925 : vector<16xf32> to vector<1x16xf32>
          tpu.vector_store %arg12[%swap3A_926, %swap3A_927], %swap3A_930 {strides = array<i32>} : memref<128x128xf32, #tpu.memory_space<vmem>>, vector<1x16xf32>,
          %get3A_931 = arith.index_cast %squeeze3A_890 : i32 to index
          %get3A_932 = arith.constant 64 : index
          %get3A_933 = tpu.vector_load %arg6[%get3A_931, %get3A_932] {strides = array<i32>} : memref<367x128xf32, #tpu.memory_space<vmem>>, vector<1x16xf32>,
          %get3A_934 = vector.shape_cast %get3A_933 : vector<1x16xf32> to vector<16xf32>
          %swap3A_935 = arith.index_cast %add3A_894 : i32 to index
          %swap3A_936 = arith.constant 64 : index
          %swap3A_937 = tpu.vector_load %arg12[%swap3A_935, %swap3A_936] {strides = array<i32>} : memref<128x128xf32, #tpu.memory_space<vmem>>, vector<1x16xf32>,
          %swap3A_938 = vector.shape_cast %swap3A_937 : vector<1x16xf32> to vector<16xf32>
          %swap3A_939 = vector.shape_cast %get3A_934 : vector<16xf32> to vector<1x16xf32>
          tpu.vector_store %arg12[%swap3A_935, %swap3A_936], %swap3A_939 {strides = array<i32>} : memref<128x128xf32, #tpu.memory_space<vmem>>, vector<1x16xf32>,
          %get3A_940 = arith.index_cast %squeeze3A_890 : i32 to index
          %get3A_941 = arith.constant 80 : index
          %get3A_942 = tpu.vector_load %arg6[%get3A_940, %get3A_941] {strides = array<i32>} : memref<367x128xf32, #tpu.memory_space<vmem>>, vector<1x16xf32>,
          %get3A_943 = vector.shape_cast %get3A_942 : vector<1x16xf32> to vector<16xf32>
          %swap3A_944 = arith.index_cast %add3A_894 : i32 to index
          %swap3A_945 = arith.constant 80 : index
          %swap3A_946 = tpu.vector_load %arg12[%swap3A_944, %swap3A_945] {strides = array<i32>} : memref<128x128xf32, #tpu.memory_space<vmem>>, vector<1x16xf32>,
          %swap3A_947 = vector.shape_cast %swap3A_946 : vector<1x16xf32> to vector<16xf32>
          %swap3A_948 = vector.shape_cast %get3A_943 : vector<16xf32> to vector<1x16xf32>
          tpu.vector_store %arg12[%swap3A_944, %swap3A_945], %swap3A_948 {strides = array<i32>} : memref<128x128xf32, #tpu.memory_space<vmem>>, vector<1x16xf32>,
          %get3A_949 = arith.index_cast %squeeze3A_890 : i32 to index
          %get3A_950 = arith.constant 96 : index
          %get3A_951 = tpu.vector_load %arg6[%get3A_949, %get3A_950] {strides = array<i32>} : memref<367x128xf32, #tpu.memory_space<vmem>>, vector<1x16xf32>,
          %get3A_952 = vector.shape_cast %get3A_951 : vector<1x16xf32> to vector<16xf32>
          %swap3A_953 = arith.index_cast %add3A_894 : i32 to index
          %swap3A_954 = arith.constant 96 : index
          %swap3A_955 = tpu.vector_load %arg12[%swap3A_953, %swap3A_954] {strides = array<i32>} : memref<128x128xf32, #tpu.memory_space<vmem>>, vector<1x16xf32>,
          %swap3A_956 = vector.shape_cast %swap3A_955 : vector<1x16xf32> to vector<16xf32>
          %swap3A_957 = vector.shape_cast %get3A_952 : vector<16xf32> to vector<1x16xf32>
          tpu.vector_store %arg12[%swap3A_953, %swap3A_954], %swap3A_957 {strides = array<i32>} : memref<128x128xf32, #tpu.memory_space<vmem>>, vector<1x16xf32>,
          %get3A_958 = arith.index_cast %squeeze3A_890 : i32 to index
          %get3A_959 = arith.constant 112 : index
          %get3A_960 = tpu.vector_load %arg6[%get3A_958, %get3A_959] {strides = array<i32>} : memref<367x128xf32, #tpu.memory_space<vmem>>, vector<1x16xf32>,
          %get3A_961 = vector.shape_cast %get3A_960 : vector<1x16xf32> to vector<16xf32>
          %swap3A_962 = arith.index_cast %add3A_894 : i32 to index
          %swap3A_963 = arith.constant 112 : index
          %swap3A_964 = tpu.vector_load %arg12[%swap3A_962, %swap3A_963] {strides = array<i32>} : memref<128x128xf32, #tpu.memory_space<vmem>>, vector<1x16xf32>,
          %swap3A_965 = vector.shape_cast %swap3A_964 : vector<1x16xf32> to vector<16xf32>
          %swap3A_966 = vector.shape_cast %get3A_961 : vector<16xf32> to vector<1x16xf32>
          tpu.vector_store %arg12[%swap3A_962, %swap3A_963], %swap3A_966 {strides = array<i32>} : memref<128x128xf32, #tpu.memory_space<vmem>>, vector<1x16xf32>,
          %slice3A_967 = vector.extract_strided_slice %get3A_267 {offsets = [9], sizes = [1], strides = [1]} : vector<16xi32> to vector<1xi32>
          %squeeze3A_968 = vector.extract %slice3A_967[0] : i32 from vector<1xi32>
          %mul3A_969 = arith.constant 16 : i32
          %mul3A_970 = arith.muli %mul3A_969, %scan3A_261 : i32
          %add3A_971 = arith.constant 9 : i32
          %add3A_972 = arith.addi %mul3A_970, %add3A_971 : i32
          %get3A_973 = arith.index_cast %squeeze3A_968 : i32 to index
          %get3A_974 = arith.constant 0 : index
          %get3A_975 = tpu.vector_load %arg6[%get3A_973, %get3A_974] {strides = array<i32>} : memref<367x128xf32, #tpu.memory_space<vmem>>, vector<1x16xf32>,
          %get3A_976 = vector.shape_cast %get3A_975 : vector<1x16xf32> to vector<16xf32>
          %swap3A_977 = arith.index_cast %add3A_972 : i32 to index
          %swap3A_978 = arith.constant 0 : index
          %swap3A_979 = tpu.vector_load %arg12[%swap3A_977, %swap3A_978] {strides = array<i32>} : memref<128x128xf32, #tpu.memory_space<vmem>>, vector<1x16xf32>,
          %swap3A_980 = vector.shape_cast %swap3A_979 : vector<1x16xf32> to vector<16xf32>
          %swap3A_981 = vector.shape_cast %get3A_976 : vector<16xf32> to vector<1x16xf32>
          tpu.vector_store %arg12[%swap3A_977, %swap3A_978], %swap3A_981 {strides = array<i32>} : memref<128x128xf32, #tpu.memory_space<vmem>>, vector<1x16xf32>,
          %get3A_982 = arith.index_cast %squeeze3A_968 : i32 to index
          %get3A_983 = arith.constant 16 : index
          %get3A_984 = tpu.vector_load %arg6[%get3A_982, %get3A_983] {strides = array<i32>} : memref<367x128xf32, #tpu.memory_space<vmem>>, vector<1x16xf32>,
          %get3A_985 = vector.shape_cast %get3A_984 : vector<1x16xf32> to vector<16xf32>
          %swap3A_986 = arith.index_cast %add3A_972 : i32 to index
          %swap3A_987 = arith.constant 16 : index
          %swap3A_988 = tpu.vector_load %arg12[%swap3A_986, %swap3A_987] {strides = array<i32>} : memref<128x128xf32, #tpu.memory_space<vmem>>, vector<1x16xf32>,
          %swap3A_989 = vector.shape_cast %swap3A_988 : vector<1x16xf32> to vector<16xf32>
          %swap3A_990 = vector.shape_cast %get3A_985 : vector<16xf32> to vector<1x16xf32>
          tpu.vector_store %arg12[%swap3A_986, %swap3A_987], %swap3A_990 {strides = array<i32>} : memref<128x128xf32, #tpu.memory_space<vmem>>, vector<1x16xf32>,
          %get3A_991 = arith.index_cast %squeeze3A_968 : i32 to index
          %get3A_992 = arith.constant 32 : index
          %get3A_993 = tpu.vector_load %arg6[%get3A_991, %get3A_992] {strides = array<i32>} : memref<367x128xf32, #tpu.memory_space<vmem>>, vector<1x16xf32>,
          %get3A_994 = vector.shape_cast %get3A_993 : vector<1x16xf32> to vector<16xf32>
          %swap3A_995 = arith.index_cast %add3A_972 : i32 to index
          %swap3A_996 = arith.constant 32 : index
          %swap3A_997 = tpu.vector_load %arg12[%swap3A_995, %swap3A_996] {strides = array<i32>} : memref<128x128xf32, #tpu.memory_space<vmem>>, vector<1x16xf32>,
          %swap3A_998 = vector.shape_cast %swap3A_997 : vector<1x16xf32> to vector<16xf32>
          %swap3A_999 = vector.shape_cast %get3A_994 : vector<16xf32> to vector<1x16xf32>
          tpu.vector_store %arg12[%swap3A_995, %swap3A_996], %swap3A_999 {strides = array<i32>} : memref<128x128xf32, #tpu.memory_space<vmem>>, vector<1x16xf32>,
          %get3A_1000 = arith.index_cast %squeeze3A_968 : i32 to index
          %get3A_1001 = arith.constant 48 : index
          %get3A_1002 = tpu.vector_load %arg6[%get3A_1000, %get3A_1001] {strides = array<i32>} : memref<367x128xf32, #tpu.memory_space<vmem>>, vector<1x16xf32>,
          %get3A_1003 = vector.shape_cast %get3A_1002 : vector<1x16xf32> to vector<16xf32>
          %swap3A_1004 = arith.index_cast %add3A_972 : i32 to index
          %swap3A_1005 = arith.constant 48 : index
          %swap3A_1006 = tpu.vector_load %arg12[%swap3A_1004, %swap3A_1005] {strides = array<i32>} : memref<128x128xf32, #tpu.memory_space<vmem>>, vector<1x16xf32>,
          %swap3A_1007 = vector.shape_cast %swap3A_1006 : vector<1x16xf32> to vector<16xf32>
          %swap3A_1008 = vector.shape_cast %get3A_1003 : vector<16xf32> to vector<1x16xf32>
          tpu.vector_store %arg12[%swap3A_1004, %swap3A_1005], %swap3A_1008 {strides = array<i32>} : memref<128x128xf32, #tpu.memory_space<vmem>>, vector<1x16xf32>,
          %get3A_1009 = arith.index_cast %squeeze3A_968 : i32 to index
          %get3A_1010 = arith.constant 64 : index
          %get3A_1011 = tpu.vector_load %arg6[%get3A_1009, %get3A_1010] {strides = array<i32>} : memref<367x128xf32, #tpu.memory_space<vmem>>, vector<1x16xf32>,
          %get3A_1012 = vector.shape_cast %get3A_1011 : vector<1x16xf32> to vector<16xf32>
          %swap3A_1013 = arith.index_cast %add3A_972 : i32 to index
          %swap3A_1014 = arith.constant 64 : index
          %swap3A_1015 = tpu.vector_load %arg12[%swap3A_1013, %swap3A_1014] {strides = array<i32>} : memref<128x128xf32, #tpu.memory_space<vmem>>, vector<1x16xf32>,
          %swap3A_1016 = vector.shape_cast %swap3A_1015 : vector<1x16xf32> to vector<16xf32>
          %swap3A_1017 = vector.shape_cast %get3A_1012 : vector<16xf32> to vector<1x16xf32>
          tpu.vector_store %arg12[%swap3A_1013, %swap3A_1014], %swap3A_1017 {strides = array<i32>} : memref<128x128xf32, #tpu.memory_space<vmem>>, vector<1x16xf32>,
          %get3A_1018 = arith.index_cast %squeeze3A_968 : i32 to index
          %get3A_1019 = arith.constant 80 : index
          %get3A_1020 = tpu.vector_load %arg6[%get3A_1018, %get3A_1019] {strides = array<i32>} : memref<367x128xf32, #tpu.memory_space<vmem>>, vector<1x16xf32>,
          %get3A_1021 = vector.shape_cast %get3A_1020 : vector<1x16xf32> to vector<16xf32>
          %swap3A_1022 = arith.index_cast %add3A_972 : i32 to index
          %swap3A_1023 = arith.constant 80 : index
          %swap3A_1024 = tpu.vector_load %arg12[%swap3A_1022, %swap3A_1023] {strides = array<i32>} : memref<128x128xf32, #tpu.memory_space<vmem>>, vector<1x16xf32>,
          %swap3A_1025 = vector.shape_cast %swap3A_1024 : vector<1x16xf32> to vector<16xf32>
          %swap3A_1026 = vector.shape_cast %get3A_1021 : vector<16xf32> to vector<1x16xf32>
          tpu.vector_store %arg12[%swap3A_1022, %swap3A_1023], %swap3A_1026 {strides = array<i32>} : memref<128x128xf32, #tpu.memory_space<vmem>>, vector<1x16xf32>,
          %get3A_1027 = arith.index_cast %squeeze3A_968 : i32 to index
          %get3A_1028 = arith.constant 96 : index
          %get3A_1029 = tpu.vector_load %arg6[%get3A_1027, %get3A_1028] {strides = array<i32>} : memref<367x128xf32, #tpu.memory_space<vmem>>, vector<1x16xf32>,
          %get3A_1030 = vector.shape_cast %get3A_1029 : vector<1x16xf32> to vector<16xf32>
          %swap3A_1031 = arith.index_cast %add3A_972 : i32 to index
          %swap3A_1032 = arith.constant 96 : index
          %swap3A_1033 = tpu.vector_load %arg12[%swap3A_1031, %swap3A_1032] {strides = array<i32>} : memref<128x128xf32, #tpu.memory_space<vmem>>, vector<1x16xf32>,
          %swap3A_1034 = vector.shape_cast %swap3A_1033 : vector<1x16xf32> to vector<16xf32>
          %swap3A_1035 = vector.shape_cast %get3A_1030 : vector<16xf32> to vector<1x16xf32>
          tpu.vector_store %arg12[%swap3A_1031, %swap3A_1032], %swap3A_1035 {strides = array<i32>} : memref<128x128xf32, #tpu.memory_space<vmem>>, vector<1x16xf32>,
          %get3A_1036 = arith.index_cast %squeeze3A_968 : i32 to index
          %get3A_1037 = arith.constant 112 : index
          %get3A_1038 = tpu.vector_load %arg6[%get3A_1036, %get3A_1037] {strides = array<i32>} : memref<367x128xf32, #tpu.memory_space<vmem>>, vector<1x16xf32>,
          %get3A_1039 = vector.shape_cast %get3A_1038 : vector<1x16xf32> to vector<16xf32>
          %swap3A_1040 = arith.index_cast %add3A_972 : i32 to index
          %swap3A_1041 = arith.constant 112 : index
          %swap3A_1042 = tpu.vector_load %arg12[%swap3A_1040, %swap3A_1041] {strides = array<i32>} : memref<128x128xf32, #tpu.memory_space<vmem>>, vector<1x16xf32>,
          %swap3A_1043 = vector.shape_cast %swap3A_1042 : vector<1x16xf32> to vector<16xf32>
          %swap3A_1044 = vector.shape_cast %get3A_1039 : vector<16xf32> to vector<1x16xf32>
          tpu.vector_store %arg12[%swap3A_1040, %swap3A_1041], %swap3A_1044 {strides = array<i32>} : memref<128x128xf32, #tpu.memory_space<vmem>>, vector<1x16xf32>,
          %slice3A_1045 = vector.extract_strided_slice %get3A_267 {offsets = [10], sizes = [1], strides = [1]} : vector<16xi32> to vector<1xi32>
          %squeeze3A_1046 = vector.extract %slice3A_1045[0] : i32 from vector<1xi32>
          %mul3A_1047 = arith.constant 16 : i32
          %mul3A_1048 = arith.muli %mul3A_1047, %scan3A_261 : i32
          %add3A_1049 = arith.constant 10 : i32
          %add3A_1050 = arith.addi %mul3A_1048, %add3A_1049 : i32
          %get3A_1051 = arith.index_cast %squeeze3A_1046 : i32 to index
          %get3A_1052 = arith.constant 0 : index
          %get3A_1053 = tpu.vector_load %arg6[%get3A_1051, %get3A_1052] {strides = array<i32>} : memref<367x128xf32, #tpu.memory_space<vmem>>, vector<1x16xf32>,
          %get3A_1054 = vector.shape_cast %get3A_1053 : vector<1x16xf32> to vector<16xf32>
          %swap3A_1055 = arith.index_cast %add3A_1050 : i32 to index
          %swap3A_1056 = arith.constant 0 : index
          %swap3A_1057 = tpu.vector_load %arg12[%swap3A_1055, %swap3A_1056] {strides = array<i32>} : memref<128x128xf32, #tpu.memory_space<vmem>>, vector<1x16xf32>,
          %swap3A_1058 = vector.shape_cast %swap3A_1057 : vector<1x16xf32> to vector<16xf32>
          %swap3A_1059 = vector.shape_cast %get3A_1054 : vector<16xf32> to vector<1x16xf32>
          tpu.vector_store %arg12[%swap3A_1055, %swap3A_1056], %swap3A_1059 {strides = array<i32>} : memref<128x128xf32, #tpu.memory_space<vmem>>, vector<1x16xf32>,
          %get3A_1060 = arith.index_cast %squeeze3A_1046 : i32 to index
          %get3A_1061 = arith.constant 16 : index
          %get3A_1062 = tpu.vector_load %arg6[%get3A_1060, %get3A_1061] {strides = array<i32>} : memref<367x128xf32, #tpu.memory_space<vmem>>, vector<1x16xf32>,
          %get3A_1063 = vector.shape_cast %get3A_1062 : vector<1x16xf32> to vector<16xf32>
          %swap3A_1064 = arith.index_cast %add3A_1050 : i32 to index
          %swap3A_1065 = arith.constant 16 : index
          %swap3A_1066 = tpu.vector_load %arg12[%swap3A_1064, %swap3A_1065] {strides = array<i32>} : memref<128x128xf32, #tpu.memory_space<vmem>>, vector<1x16xf32>,
          %swap3A_1067 = vector.shape_cast %swap3A_1066 : vector<1x16xf32> to vector<16xf32>
          %swap3A_1068 = vector.shape_cast %get3A_1063 : vector<16xf32> to vector<1x16xf32>
          tpu.vector_store %arg12[%swap3A_1064, %swap3A_1065], %swap3A_1068 {strides = array<i32>} : memref<128x128xf32, #tpu.memory_space<vmem>>, vector<1x16xf32>,
          %get3A_1069 = arith.index_cast %squeeze3A_1046 : i32 to index
          %get3A_1070 = arith.constant 32 : index
          %get3A_1071 = tpu.vector_load %arg6[%get3A_1069, %get3A_1070] {strides = array<i32>} : memref<367x128xf32, #tpu.memory_space<vmem>>, vector<1x16xf32>,
          %get3A_1072 = vector.shape_cast %get3A_1071 : vector<1x16xf32> to vector<16xf32>
          %swap3A_1073 = arith.index_cast %add3A_1050 : i32 to index
          %swap3A_1074 = arith.constant 32 : index
          %swap3A_1075 = tpu.vector_load %arg12[%swap3A_1073, %swap3A_1074] {strides = array<i32>} : memref<128x128xf32, #tpu.memory_space<vmem>>, vector<1x16xf32>,
          %swap3A_1076 = vector.shape_cast %swap3A_1075 : vector<1x16xf32> to vector<16xf32>
          %swap3A_1077 = vector.shape_cast %get3A_1072 : vector<16xf32> to vector<1x16xf32>
          tpu.vector_store %arg12[%swap3A_1073, %swap3A_1074], %swap3A_1077 {strides = array<i32>} : memref<128x128xf32, #tpu.memory_space<vmem>>, vector<1x16xf32>,
          %get3A_1078 = arith.index_cast %squeeze3A_1046 : i32 to index
          %get3A_1079 = arith.constant 48 : index
          %get3A_1080 = tpu.vector_load %arg6[%get3A_1078, %get3A_1079] {strides = array<i32>} : memref<367x128xf32, #tpu.memory_space<vmem>>, vector<1x16xf32>,
          %get3A_1081 = vector.shape_cast %get3A_1080 : vector<1x16xf32> to vector<16xf32>
          %swap3A_1082 = arith.index_cast %add3A_1050 : i32 to index
          %swap3A_1083 = arith.constant 48 : index
          %swap3A_1084 = tpu.vector_load %arg12[%swap3A_1082, %swap3A_1083] {strides = array<i32>} : memref<128x128xf32, #tpu.memory_space<vmem>>, vector<1x16xf32>,
          %swap3A_1085 = vector.shape_cast %swap3A_1084 : vector<1x16xf32> to vector<16xf32>
          %swap3A_1086 = vector.shape_cast %get3A_1081 : vector<16xf32> to vector<1x16xf32>
          tpu.vector_store %arg12[%swap3A_1082, %swap3A_1083], %swap3A_1086 {strides = array<i32>} : memref<128x128xf32, #tpu.memory_space<vmem>>, vector<1x16xf32>,
          %get3A_1087 = arith.index_cast %squeeze3A_1046 : i32 to index
          %get3A_1088 = arith.constant 64 : index
          %get3A_1089 = tpu.vector_load %arg6[%get3A_1087, %get3A_1088] {strides = array<i32>} : memref<367x128xf32, #tpu.memory_space<vmem>>, vector<1x16xf32>,
          %get3A_1090 = vector.shape_cast %get3A_1089 : vector<1x16xf32> to vector<16xf32>
          %swap3A_1091 = arith.index_cast %add3A_1050 : i32 to index
          %swap3A_1092 = arith.constant 64 : index
          %swap3A_1093 = tpu.vector_load %arg12[%swap3A_1091, %swap3A_1092] {strides = array<i32>} : memref<128x128xf32, #tpu.memory_space<vmem>>, vector<1x16xf32>,
          %swap3A_1094 = vector.shape_cast %swap3A_1093 : vector<1x16xf32> to vector<16xf32>
          %swap3A_1095 = vector.shape_cast %get3A_1090 : vector<16xf32> to vector<1x16xf32>
          tpu.vector_store %arg12[%swap3A_1091, %swap3A_1092], %swap3A_1095 {strides = array<i32>} : memref<128x128xf32, #tpu.memory_space<vmem>>, vector<1x16xf32>,
          %get3A_1096 = arith.index_cast %squeeze3A_1046 : i32 to index
          %get3A_1097 = arith.constant 80 : index
          %get3A_1098 = tpu.vector_load %arg6[%get3A_1096, %get3A_1097] {strides = array<i32>} : memref<367x128xf32, #tpu.memory_space<vmem>>, vector<1x16xf32>,
          %get3A_1099 = vector.shape_cast %get3A_1098 : vector<1x16xf32> to vector<16xf32>
          %swap3A_1100 = arith.index_cast %add3A_1050 : i32 to index
          %swap3A_1101 = arith.constant 80 : index
          %swap3A_1102 = tpu.vector_load %arg12[%swap3A_1100, %swap3A_1101] {strides = array<i32>} : memref<128x128xf32, #tpu.memory_space<vmem>>, vector<1x16xf32>,
          %swap3A_1103 = vector.shape_cast %swap3A_1102 : vector<1x16xf32> to vector<16xf32>
          %swap3A_1104 = vector.shape_cast %get3A_1099 : vector<16xf32> to vector<1x16xf32>
          tpu.vector_store %arg12[%swap3A_1100, %swap3A_1101], %swap3A_1104 {strides = array<i32>} : memref<128x128xf32, #tpu.memory_space<vmem>>, vector<1x16xf32>,
          %get3A_1105 = arith.index_cast %squeeze3A_1046 : i32 to index
          %get3A_1106 = arith.constant 96 : index
          %get3A_1107 = tpu.vector_load %arg6[%get3A_1105, %get3A_1106] {strides = array<i32>} : memref<367x128xf32, #tpu.memory_space<vmem>>, vector<1x16xf32>,
          %get3A_1108 = vector.shape_cast %get3A_1107 : vector<1x16xf32> to vector<16xf32>
          %swap3A_1109 = arith.index_cast %add3A_1050 : i32 to index
          %swap3A_1110 = arith.constant 96 : index
          %swap3A_1111 = tpu.vector_load %arg12[%swap3A_1109, %swap3A_1110] {strides = array<i32>} : memref<128x128xf32, #tpu.memory_space<vmem>>, vector<1x16xf32>,
          %swap3A_1112 = vector.shape_cast %swap3A_1111 : vector<1x16xf32> to vector<16xf32>
          %swap3A_1113 = vector.shape_cast %get3A_1108 : vector<16xf32> to vector<1x16xf32>
          tpu.vector_store %arg12[%swap3A_1109, %swap3A_1110], %swap3A_1113 {strides = array<i32>} : memref<128x128xf32, #tpu.memory_space<vmem>>, vector<1x16xf32>,
          %get3A_1114 = arith.index_cast %squeeze3A_1046 : i32 to index
          %get3A_1115 = arith.constant 112 : index
          %get3A_1116 = tpu.vector_load %arg6[%get3A_1114, %get3A_1115] {strides = array<i32>} : memref<367x128xf32, #tpu.memory_space<vmem>>, vector<1x16xf32>,
          %get3A_1117 = vector.shape_cast %get3A_1116 : vector<1x16xf32> to vector<16xf32>
          %swap3A_1118 = arith.index_cast %add3A_1050 : i32 to index
          %swap3A_1119 = arith.constant 112 : index
          %swap3A_1120 = tpu.vector_load %arg12[%swap3A_1118, %swap3A_1119] {strides = array<i32>} : memref<128x128xf32, #tpu.memory_space<vmem>>, vector<1x16xf32>,
          %swap3A_1121 = vector.shape_cast %swap3A_1120 : vector<1x16xf32> to vector<16xf32>
          %swap3A_1122 = vector.shape_cast %get3A_1117 : vector<16xf32> to vector<1x16xf32>
          tpu.vector_store %arg12[%swap3A_1118, %swap3A_1119], %swap3A_1122 {strides = array<i32>} : memref<128x128xf32, #tpu.memory_space<vmem>>, vector<1x16xf32>,
          %slice3A_1123 = vector.extract_strided_slice %get3A_267 {offsets = [11], sizes = [1], strides = [1]} : vector<16xi32> to vector<1xi32>
          %squeeze3A_1124 = vector.extract %slice3A_1123[0] : i32 from vector<1xi32>
          %mul3A_1125 = arith.constant 16 : i32
          %mul3A_1126 = arith.muli %mul3A_1125, %scan3A_261 : i32
          %add3A_1127 = arith.constant 11 : i32
          %add3A_1128 = arith.addi %mul3A_1126, %add3A_1127 : i32
          %get3A_1129 = arith.index_cast %squeeze3A_1124 : i32 to index
          %get3A_1130 = arith.constant 0 : index
          %get3A_1131 = tpu.vector_load %arg6[%get3A_1129, %get3A_1130] {strides = array<i32>} : memref<367x128xf32, #tpu.memory_space<vmem>>, vector<1x16xf32>,
          %get3A_1132 = vector.shape_cast %get3A_1131 : vector<1x16xf32> to vector<16xf32>
          %swap3A_1133 = arith.index_cast %add3A_1128 : i32 to index
          %swap3A_1134 = arith.constant 0 : index
          %swap3A_1135 = tpu.vector_load %arg12[%swap3A_1133, %swap3A_1134] {strides = array<i32>} : memref<128x128xf32, #tpu.memory_space<vmem>>, vector<1x16xf32>,
          %swap3A_1136 = vector.shape_cast %swap3A_1135 : vector<1x16xf32> to vector<16xf32>
          %swap3A_1137 = vector.shape_cast %get3A_1132 : vector<16xf32> to vector<1x16xf32>
          tpu.vector_store %arg12[%swap3A_1133, %swap3A_1134], %swap3A_1137 {strides = array<i32>} : memref<128x128xf32, #tpu.memory_space<vmem>>, vector<1x16xf32>,
          %get3A_1138 = arith.index_cast %squeeze3A_1124 : i32 to index
          %get3A_1139 = arith.constant 16 : index
          %get3A_1140 = tpu.vector_load %arg6[%get3A_1138, %get3A_1139] {strides = array<i32>} : memref<367x128xf32, #tpu.memory_space<vmem>>, vector<1x16xf32>,
          %get3A_1141 = vector.shape_cast %get3A_1140 : vector<1x16xf32> to vector<16xf32>
          %swap3A_1142 = arith.index_cast %add3A_1128 : i32 to index
          %swap3A_1143 = arith.constant 16 : index
          %swap3A_1144 = tpu.vector_load %arg12[%swap3A_1142, %swap3A_1143] {strides = array<i32>} : memref<128x128xf32, #tpu.memory_space<vmem>>, vector<1x16xf32>,
          %swap3A_1145 = vector.shape_cast %swap3A_1144 : vector<1x16xf32> to vector<16xf32>
          %swap3A_1146 = vector.shape_cast %get3A_1141 : vector<16xf32> to vector<1x16xf32>
          tpu.vector_store %arg12[%swap3A_1142, %swap3A_1143], %swap3A_1146 {strides = array<i32>} : memref<128x128xf32, #tpu.memory_space<vmem>>, vector<1x16xf32>,
          %get3A_1147 = arith.index_cast %squeeze3A_1124 : i32 to index
          %get3A_1148 = arith.constant 32 : index
          %get3A_1149 = tpu.vector_load %arg6[%get3A_1147, %get3A_1148] {strides = array<i32>} : memref<367x128xf32, #tpu.memory_space<vmem>>, vector<1x16xf32>,
          %get3A_1150 = vector.shape_cast %get3A_1149 : vector<1x16xf32> to vector<16xf32>
          %swap3A_1151 = arith.index_cast %add3A_1128 : i32 to index
          %swap3A_1152 = arith.constant 32 : index
          %swap3A_1153 = tpu.vector_load %arg12[%swap3A_1151, %swap3A_1152] {strides = array<i32>} : memref<128x128xf32, #tpu.memory_space<vmem>>, vector<1x16xf32>,
          %swap3A_1154 = vector.shape_cast %swap3A_1153 : vector<1x16xf32> to vector<16xf32>
          %swap3A_1155 = vector.shape_cast %get3A_1150 : vector<16xf32> to vector<1x16xf32>
          tpu.vector_store %arg12[%swap3A_1151, %swap3A_1152], %swap3A_1155 {strides = array<i32>} : memref<128x128xf32, #tpu.memory_space<vmem>>, vector<1x16xf32>,
          %get3A_1156 = arith.index_cast %squeeze3A_1124 : i32 to index
          %get3A_1157 = arith.constant 48 : index
          %get3A_1158 = tpu.vector_load %arg6[%get3A_1156, %get3A_1157] {strides = array<i32>} : memref<367x128xf32, #tpu.memory_space<vmem>>, vector<1x16xf32>,
          %get3A_1159 = vector.shape_cast %get3A_1158 : vector<1x16xf32> to vector<16xf32>
          %swap3A_1160 = arith.index_cast %add3A_1128 : i32 to index
          %swap3A_1161 = arith.constant 48 : index
          %swap3A_1162 = tpu.vector_load %arg12[%swap3A_1160, %swap3A_1161] {strides = array<i32>} : memref<128x128xf32, #tpu.memory_space<vmem>>, vector<1x16xf32>,
          %swap3A_1163 = vector.shape_cast %swap3A_1162 : vector<1x16xf32> to vector<16xf32>
          %swap3A_1164 = vector.shape_cast %get3A_1159 : vector<16xf32> to vector<1x16xf32>
          tpu.vector_store %arg12[%swap3A_1160, %swap3A_1161], %swap3A_1164 {strides = array<i32>} : memref<128x128xf32, #tpu.memory_space<vmem>>, vector<1x16xf32>,
          %get3A_1165 = arith.index_cast %squeeze3A_1124 : i32 to index
          %get3A_1166 = arith.constant 64 : index
          %get3A_1167 = tpu.vector_load %arg6[%get3A_1165, %get3A_1166] {strides = array<i32>} : memref<367x128xf32, #tpu.memory_space<vmem>>, vector<1x16xf32>,
          %get3A_1168 = vector.shape_cast %get3A_1167 : vector<1x16xf32> to vector<16xf32>
          %swap3A_1169 = arith.index_cast %add3A_1128 : i32 to index
          %swap3A_1170 = arith.constant 64 : index
          %swap3A_1171 = tpu.vector_load %arg12[%swap3A_1169, %swap3A_1170] {strides = array<i32>} : memref<128x128xf32, #tpu.memory_space<vmem>>, vector<1x16xf32>,
          %swap3A_1172 = vector.shape_cast %swap3A_1171 : vector<1x16xf32> to vector<16xf32>
          %swap3A_1173 = vector.shape_cast %get3A_1168 : vector<16xf32> to vector<1x16xf32>
          tpu.vector_store %arg12[%swap3A_1169, %swap3A_1170], %swap3A_1173 {strides = array<i32>} : memref<128x128xf32, #tpu.memory_space<vmem>>, vector<1x16xf32>,
          %get3A_1174 = arith.index_cast %squeeze3A_1124 : i32 to index
          %get3A_1175 = arith.constant 80 : index
          %get3A_1176 = tpu.vector_load %arg6[%get3A_1174, %get3A_1175] {strides = array<i32>} : memref<367x128xf32, #tpu.memory_space<vmem>>, vector<1x16xf32>,
          %get3A_1177 = vector.shape_cast %get3A_1176 : vector<1x16xf32> to vector<16xf32>
          %swap3A_1178 = arith.index_cast %add3A_1128 : i32 to index
          %swap3A_1179 = arith.constant 80 : index
          %swap3A_1180 = tpu.vector_load %arg12[%swap3A_1178, %swap3A_1179] {strides = array<i32>} : memref<128x128xf32, #tpu.memory_space<vmem>>, vector<1x16xf32>,
          %swap3A_1181 = vector.shape_cast %swap3A_1180 : vector<1x16xf32> to vector<16xf32>
          %swap3A_1182 = vector.shape_cast %get3A_1177 : vector<16xf32> to vector<1x16xf32>
          tpu.vector_store %arg12[%swap3A_1178, %swap3A_1179], %swap3A_1182 {strides = array<i32>} : memref<128x128xf32, #tpu.memory_space<vmem>>, vector<1x16xf32>,
          %get3A_1183 = arith.index_cast %squeeze3A_1124 : i32 to index
          %get3A_1184 = arith.constant 96 : index
          %get3A_1185 = tpu.vector_load %arg6[%get3A_1183, %get3A_1184] {strides = array<i32>} : memref<367x128xf32, #tpu.memory_space<vmem>>, vector<1x16xf32>,
          %get3A_1186 = vector.shape_cast %get3A_1185 : vector<1x16xf32> to vector<16xf32>
          %swap3A_1187 = arith.index_cast %add3A_1128 : i32 to index
          %swap3A_1188 = arith.constant 96 : index
          %swap3A_1189 = tpu.vector_load %arg12[%swap3A_1187, %swap3A_1188] {strides = array<i32>} : memref<128x128xf32, #tpu.memory_space<vmem>>, vector<1x16xf32>,
          %swap3A_1190 = vector.shape_cast %swap3A_1189 : vector<1x16xf32> to vector<16xf32>
          %swap3A_1191 = vector.shape_cast %get3A_1186 : vector<16xf32> to vector<1x16xf32>
          tpu.vector_store %arg12[%swap3A_1187, %swap3A_1188], %swap3A_1191 {strides = array<i32>} : memref<128x128xf32, #tpu.memory_space<vmem>>, vector<1x16xf32>,
          %get3A_1192 = arith.index_cast %squeeze3A_1124 : i32 to index
          %get3A_1193 = arith.constant 112 : index
          %get3A_1194 = tpu.vector_load %arg6[%get3A_1192, %get3A_1193] {strides = array<i32>} : memref<367x128xf32, #tpu.memory_space<vmem>>, vector<1x16xf32>,
          %get3A_1195 = vector.shape_cast %get3A_1194 : vector<1x16xf32> to vector<16xf32>
          %swap3A_1196 = arith.index_cast %add3A_1128 : i32 to index
          %swap3A_1197 = arith.constant 112 : index
          %swap3A_1198 = tpu.vector_load %arg12[%swap3A_1196, %swap3A_1197] {strides = array<i32>} : memref<128x128xf32, #tpu.memory_space<vmem>>, vector<1x16xf32>,
          %swap3A_1199 = vector.shape_cast %swap3A_1198 : vector<1x16xf32> to vector<16xf32>
          %swap3A_1200 = vector.shape_cast %get3A_1195 : vector<16xf32> to vector<1x16xf32>
          tpu.vector_store %arg12[%swap3A_1196, %swap3A_1197], %swap3A_1200 {strides = array<i32>} : memref<128x128xf32, #tpu.memory_space<vmem>>, vector<1x16xf32>,
          %slice3A_1201 = vector.extract_strided_slice %get3A_267 {offsets = [12], sizes = [1], strides = [1]} : vector<16xi32> to vector<1xi32>
          %squeeze3A_1202 = vector.extract %slice3A_1201[0] : i32 from vector<1xi32>
          %mul3A_1203 = arith.constant 16 : i32
          %mul3A_1204 = arith.muli %mul3A_1203, %scan3A_261 : i32
          %add3A_1205 = arith.constant 12 : i32
          %add3A_1206 = arith.addi %mul3A_1204, %add3A_1205 : i32
          %get3A_1207 = arith.index_cast %squeeze3A_1202 : i32 to index
          %get3A_1208 = arith.constant 0 : index
          %get3A_1209 = tpu.vector_load %arg6[%get3A_1207, %get3A_1208] {strides = array<i32>} : memref<367x128xf32, #tpu.memory_space<vmem>>, vector<1x16xf32>,
          %get3A_1210 = vector.shape_cast %get3A_1209 : vector<1x16xf32> to vector<16xf32>
          %swap3A_1211 = arith.index_cast %add3A_1206 : i32 to index
          %swap3A_1212 = arith.constant 0 : index
          %swap3A_1213 = tpu.vector_load %arg12[%swap3A_1211, %swap3A_1212] {strides = array<i32>} : memref<128x128xf32, #tpu.memory_space<vmem>>, vector<1x16xf32>,
          %swap3A_1214 = vector.shape_cast %swap3A_1213 : vector<1x16xf32> to vector<16xf32>
          %swap3A_1215 = vector.shape_cast %get3A_1210 : vector<16xf32> to vector<1x16xf32>
          tpu.vector_store %arg12[%swap3A_1211, %swap3A_1212], %swap3A_1215 {strides = array<i32>} : memref<128x128xf32, #tpu.memory_space<vmem>>, vector<1x16xf32>,
          %get3A_1216 = arith.index_cast %squeeze3A_1202 : i32 to index
          %get3A_1217 = arith.constant 16 : index
          %get3A_1218 = tpu.vector_load %arg6[%get3A_1216, %get3A_1217] {strides = array<i32>} : memref<367x128xf32, #tpu.memory_space<vmem>>, vector<1x16xf32>,
          %get3A_1219 = vector.shape_cast %get3A_1218 : vector<1x16xf32> to vector<16xf32>
          %swap3A_1220 = arith.index_cast %add3A_1206 : i32 to index
          %swap3A_1221 = arith.constant 16 : index
          %swap3A_1222 = tpu.vector_load %arg12[%swap3A_1220, %swap3A_1221] {strides = array<i32>} : memref<128x128xf32, #tpu.memory_space<vmem>>, vector<1x16xf32>,
          %swap3A_1223 = vector.shape_cast %swap3A_1222 : vector<1x16xf32> to vector<16xf32>
          %swap3A_1224 = vector.shape_cast %get3A_1219 : vector<16xf32> to vector<1x16xf32>
          tpu.vector_store %arg12[%swap3A_1220, %swap3A_1221], %swap3A_1224 {strides = array<i32>} : memref<128x128xf32, #tpu.memory_space<vmem>>, vector<1x16xf32>,
          %get3A_1225 = arith.index_cast %squeeze3A_1202 : i32 to index
          %get3A_1226 = arith.constant 32 : index
          %get3A_1227 = tpu.vector_load %arg6[%get3A_1225, %get3A_1226] {strides = array<i32>} : memref<367x128xf32, #tpu.memory_space<vmem>>, vector<1x16xf32>,
          %get3A_1228 = vector.shape_cast %get3A_1227 : vector<1x16xf32> to vector<16xf32>
          %swap3A_1229 = arith.index_cast %add3A_1206 : i32 to index
          %swap3A_1230 = arith.constant 32 : index
          %swap3A_1231 = tpu.vector_load %arg12[%swap3A_1229, %swap3A_1230] {strides = array<i32>} : memref<128x128xf32, #tpu.memory_space<vmem>>, vector<1x16xf32>,
          %swap3A_1232 = vector.shape_cast %swap3A_1231 : vector<1x16xf32> to vector<16xf32>
          %swap3A_1233 = vector.shape_cast %get3A_1228 : vector<16xf32> to vector<1x16xf32>
          tpu.vector_store %arg12[%swap3A_1229, %swap3A_1230], %swap3A_1233 {strides = array<i32>} : memref<128x128xf32, #tpu.memory_space<vmem>>, vector<1x16xf32>,
          %get3A_1234 = arith.index_cast %squeeze3A_1202 : i32 to index
          %get3A_1235 = arith.constant 48 : index
          %get3A_1236 = tpu.vector_load %arg6[%get3A_1234, %get3A_1235] {strides = array<i32>} : memref<367x128xf32, #tpu.memory_space<vmem>>, vector<1x16xf32>,
          %get3A_1237 = vector.shape_cast %get3A_1236 : vector<1x16xf32> to vector<16xf32>
          %swap3A_1238 = arith.index_cast %add3A_1206 : i32 to index
          %swap3A_1239 = arith.constant 48 : index
          %swap3A_1240 = tpu.vector_load %arg12[%swap3A_1238, %swap3A_1239] {strides = array<i32>} : memref<128x128xf32, #tpu.memory_space<vmem>>, vector<1x16xf32>,
          %swap3A_1241 = vector.shape_cast %swap3A_1240 : vector<1x16xf32> to vector<16xf32>
          %swap3A_1242 = vector.shape_cast %get3A_1237 : vector<16xf32> to vector<1x16xf32>
          tpu.vector_store %arg12[%swap3A_1238, %swap3A_1239], %swap3A_1242 {strides = array<i32>} : memref<128x128xf32, #tpu.memory_space<vmem>>, vector<1x16xf32>,
          %get3A_1243 = arith.index_cast %squeeze3A_1202 : i32 to index
          %get3A_1244 = arith.constant 64 : index
          %get3A_1245 = tpu.vector_load %arg6[%get3A_1243, %get3A_1244] {strides = array<i32>} : memref<367x128xf32, #tpu.memory_space<vmem>>, vector<1x16xf32>,
          %get3A_1246 = vector.shape_cast %get3A_1245 : vector<1x16xf32> to vector<16xf32>
          %swap3A_1247 = arith.index_cast %add3A_1206 : i32 to index
          %swap3A_1248 = arith.constant 64 : index
          %swap3A_1249 = tpu.vector_load %arg12[%swap3A_1247, %swap3A_1248] {strides = array<i32>} : memref<128x128xf32, #tpu.memory_space<vmem>>, vector<1x16xf32>,
          %swap3A_1250 = vector.shape_cast %swap3A_1249 : vector<1x16xf32> to vector<16xf32>
          %swap3A_1251 = vector.shape_cast %get3A_1246 : vector<16xf32> to vector<1x16xf32>
          tpu.vector_store %arg12[%swap3A_1247, %swap3A_1248], %swap3A_1251 {strides = array<i32>} : memref<128x128xf32, #tpu.memory_space<vmem>>, vector<1x16xf32>,
          %get3A_1252 = arith.index_cast %squeeze3A_1202 : i32 to index
          %get3A_1253 = arith.constant 80 : index
          %get3A_1254 = tpu.vector_load %arg6[%get3A_1252, %get3A_1253] {strides = array<i32>} : memref<367x128xf32, #tpu.memory_space<vmem>>, vector<1x16xf32>,
          %get3A_1255 = vector.shape_cast %get3A_1254 : vector<1x16xf32> to vector<16xf32>
          %swap3A_1256 = arith.index_cast %add3A_1206 : i32 to index
          %swap3A_1257 = arith.constant 80 : index
          %swap3A_1258 = tpu.vector_load %arg12[%swap3A_1256, %swap3A_1257] {strides = array<i32>} : memref<128x128xf32, #tpu.memory_space<vmem>>, vector<1x16xf32>,
          %swap3A_1259 = vector.shape_cast %swap3A_1258 : vector<1x16xf32> to vector<16xf32>
          %swap3A_1260 = vector.shape_cast %get3A_1255 : vector<16xf32> to vector<1x16xf32>
          tpu.vector_store %arg12[%swap3A_1256, %swap3A_1257], %swap3A_1260 {strides = array<i32>} : memref<128x128xf32, #tpu.memory_space<vmem>>, vector<1x16xf32>,
          %get3A_1261 = arith.index_cast %squeeze3A_1202 : i32 to index
          %get3A_1262 = arith.constant 96 : index
          %get3A_1263 = tpu.vector_load %arg6[%get3A_1261, %get3A_1262] {strides = array<i32>} : memref<367x128xf32, #tpu.memory_space<vmem>>, vector<1x16xf32>,
          %get3A_1264 = vector.shape_cast %get3A_1263 : vector<1x16xf32> to vector<16xf32>
          %swap3A_1265 = arith.index_cast %add3A_1206 : i32 to index
          %swap3A_1266 = arith.constant 96 : index
          %swap3A_1267 = tpu.vector_load %arg12[%swap3A_1265, %swap3A_1266] {strides = array<i32>} : memref<128x128xf32, #tpu.memory_space<vmem>>, vector<1x16xf32>,
          %swap3A_1268 = vector.shape_cast %swap3A_1267 : vector<1x16xf32> to vector<16xf32>
          %swap3A_1269 = vector.shape_cast %get3A_1264 : vector<16xf32> to vector<1x16xf32>
          tpu.vector_store %arg12[%swap3A_1265, %swap3A_1266], %swap3A_1269 {strides = array<i32>} : memref<128x128xf32, #tpu.memory_space<vmem>>, vector<1x16xf32>,
          %get3A_1270 = arith.index_cast %squeeze3A_1202 : i32 to index
          %get3A_1271 = arith.constant 112 : index
          %get3A_1272 = tpu.vector_load %arg6[%get3A_1270, %get3A_1271] {strides = array<i32>} : memref<367x128xf32, #tpu.memory_space<vmem>>, vector<1x16xf32>,
          %get3A_1273 = vector.shape_cast %get3A_1272 : vector<1x16xf32> to vector<16xf32>
          %swap3A_1274 = arith.index_cast %add3A_1206 : i32 to index
          %swap3A_1275 = arith.constant 112 : index
          %swap3A_1276 = tpu.vector_load %arg12[%swap3A_1274, %swap3A_1275] {strides = array<i32>} : memref<128x128xf32, #tpu.memory_space<vmem>>, vector<1x16xf32>,
          %swap3A_1277 = vector.shape_cast %swap3A_1276 : vector<1x16xf32> to vector<16xf32>
          %swap3A_1278 = vector.shape_cast %get3A_1273 : vector<16xf32> to vector<1x16xf32>
          tpu.vector_store %arg12[%swap3A_1274, %swap3A_1275], %swap3A_1278 {strides = array<i32>} : memref<128x128xf32, #tpu.memory_space<vmem>>, vector<1x16xf32>,
          %slice3A_1279 = vector.extract_strided_slice %get3A_267 {offsets = [13], sizes = [1], strides = [1]} : vector<16xi32> to vector<1xi32>
          %squeeze3A_1280 = vector.extract %slice3A_1279[0] : i32 from vector<1xi32>
          %mul3A_1281 = arith.constant 16 : i32
          %mul3A_1282 = arith.muli %mul3A_1281, %scan3A_261 : i32
          %add3A_1283 = arith.constant 13 : i32
          %add3A_1284 = arith.addi %mul3A_1282, %add3A_1283 : i32
          %get3A_1285 = arith.index_cast %squeeze3A_1280 : i32 to index
          %get3A_1286 = arith.constant 0 : index
          %get3A_1287 = tpu.vector_load %arg6[%get3A_1285, %get3A_1286] {strides = array<i32>} : memref<367x128xf32, #tpu.memory_space<vmem>>, vector<1x16xf32>,
          %get3A_1288 = vector.shape_cast %get3A_1287 : vector<1x16xf32> to vector<16xf32>
          %swap3A_1289 = arith.index_cast %add3A_1284 : i32 to index
          %swap3A_1290 = arith.constant 0 : index
          %swap3A_1291 = tpu.vector_load %arg12[%swap3A_1289, %swap3A_1290] {strides = array<i32>} : memref<128x128xf32, #tpu.memory_space<vmem>>, vector<1x16xf32>,
          %swap3A_1292 = vector.shape_cast %swap3A_1291 : vector<1x16xf32> to vector<16xf32>
          %swap3A_1293 = vector.shape_cast %get3A_1288 : vector<16xf32> to vector<1x16xf32>
          tpu.vector_store %arg12[%swap3A_1289, %swap3A_1290], %swap3A_1293 {strides = array<i32>} : memref<128x128xf32, #tpu.memory_space<vmem>>, vector<1x16xf32>,
          %get3A_1294 = arith.index_cast %squeeze3A_1280 : i32 to index
          %get3A_1295 = arith.constant 16 : index
          %get3A_1296 = tpu.vector_load %arg6[%get3A_1294, %get3A_1295] {strides = array<i32>} : memref<367x128xf32, #tpu.memory_space<vmem>>, vector<1x16xf32>,
          %get3A_1297 = vector.shape_cast %get3A_1296 : vector<1x16xf32> to vector<16xf32>
          %swap3A_1298 = arith.index_cast %add3A_1284 : i32 to index
          %swap3A_1299 = arith.constant 16 : index
          %swap3A_1300 = tpu.vector_load %arg12[%swap3A_1298, %swap3A_1299] {strides = array<i32>} : memref<128x128xf32, #tpu.memory_space<vmem>>, vector<1x16xf32>,
          %swap3A_1301 = vector.shape_cast %swap3A_1300 : vector<1x16xf32> to vector<16xf32>
          %swap3A_1302 = vector.shape_cast %get3A_1297 : vector<16xf32> to vector<1x16xf32>
          tpu.vector_store %arg12[%swap3A_1298, %swap3A_1299], %swap3A_1302 {strides = array<i32>} : memref<128x128xf32, #tpu.memory_space<vmem>>, vector<1x16xf32>,
          %get3A_1303 = arith.index_cast %squeeze3A_1280 : i32 to index
          %get3A_1304 = arith.constant 32 : index
          %get3A_1305 = tpu.vector_load %arg6[%get3A_1303, %get3A_1304] {strides = array<i32>} : memref<367x128xf32, #tpu.memory_space<vmem>>, vector<1x16xf32>,
          %get3A_1306 = vector.shape_cast %get3A_1305 : vector<1x16xf32> to vector<16xf32>
          %swap3A_1307 = arith.index_cast %add3A_1284 : i32 to index
          %swap3A_1308 = arith.constant 32 : index
          %swap3A_1309 = tpu.vector_load %arg12[%swap3A_1307, %swap3A_1308] {strides = array<i32>} : memref<128x128xf32, #tpu.memory_space<vmem>>, vector<1x16xf32>,
          %swap3A_1310 = vector.shape_cast %swap3A_1309 : vector<1x16xf32> to vector<16xf32>
          %swap3A_1311 = vector.shape_cast %get3A_1306 : vector<16xf32> to vector<1x16xf32>
          tpu.vector_store %arg12[%swap3A_1307, %swap3A_1308], %swap3A_1311 {strides = array<i32>} : memref<128x128xf32, #tpu.memory_space<vmem>>, vector<1x16xf32>,
          %get3A_1312 = arith.index_cast %squeeze3A_1280 : i32 to index
          %get3A_1313 = arith.constant 48 : index
          %get3A_1314 = tpu.vector_load %arg6[%get3A_1312, %get3A_1313] {strides = array<i32>} : memref<367x128xf32, #tpu.memory_space<vmem>>, vector<1x16xf32>,
          %get3A_1315 = vector.shape_cast %get3A_1314 : vector<1x16xf32> to vector<16xf32>
          %swap3A_1316 = arith.index_cast %add3A_1284 : i32 to index
          %swap3A_1317 = arith.constant 48 : index
          %swap3A_1318 = tpu.vector_load %arg12[%swap3A_1316, %swap3A_1317] {strides = array<i32>} : memref<128x128xf32, #tpu.memory_space<vmem>>, vector<1x16xf32>,
          %swap3A_1319 = vector.shape_cast %swap3A_1318 : vector<1x16xf32> to vector<16xf32>
          %swap3A_1320 = vector.shape_cast %get3A_1315 : vector<16xf32> to vector<1x16xf32>
          tpu.vector_store %arg12[%swap3A_1316, %swap3A_1317], %swap3A_1320 {strides = array<i32>} : memref<128x128xf32, #tpu.memory_space<vmem>>, vector<1x16xf32>,
          %get3A_1321 = arith.index_cast %squeeze3A_1280 : i32 to index
          %get3A_1322 = arith.constant 64 : index
          %get3A_1323 = tpu.vector_load %arg6[%get3A_1321, %get3A_1322] {strides = array<i32>} : memref<367x128xf32, #tpu.memory_space<vmem>>, vector<1x16xf32>,
          %get3A_1324 = vector.shape_cast %get3A_1323 : vector<1x16xf32> to vector<16xf32>
          %swap3A_1325 = arith.index_cast %add3A_1284 : i32 to index
          %swap3A_1326 = arith.constant 64 : index
          %swap3A_1327 = tpu.vector_load %arg12[%swap3A_1325, %swap3A_1326] {strides = array<i32>} : memref<128x128xf32, #tpu.memory_space<vmem>>, vector<1x16xf32>,
          %swap3A_1328 = vector.shape_cast %swap3A_1327 : vector<1x16xf32> to vector<16xf32>
          %swap3A_1329 = vector.shape_cast %get3A_1324 : vector<16xf32> to vector<1x16xf32>
          tpu.vector_store %arg12[%swap3A_1325, %swap3A_1326], %swap3A_1329 {strides = array<i32>} : memref<128x128xf32, #tpu.memory_space<vmem>>, vector<1x16xf32>,
          %get3A_1330 = arith.index_cast %squeeze3A_1280 : i32 to index
          %get3A_1331 = arith.constant 80 : index
          %get3A_1332 = tpu.vector_load %arg6[%get3A_1330, %get3A_1331] {strides = array<i32>} : memref<367x128xf32, #tpu.memory_space<vmem>>, vector<1x16xf32>,
          %get3A_1333 = vector.shape_cast %get3A_1332 : vector<1x16xf32> to vector<16xf32>
          %swap3A_1334 = arith.index_cast %add3A_1284 : i32 to index
          %swap3A_1335 = arith.constant 80 : index
          %swap3A_1336 = tpu.vector_load %arg12[%swap3A_1334, %swap3A_1335] {strides = array<i32>} : memref<128x128xf32, #tpu.memory_space<vmem>>, vector<1x16xf32>,
          %swap3A_1337 = vector.shape_cast %swap3A_1336 : vector<1x16xf32> to vector<16xf32>
          %swap3A_1338 = vector.shape_cast %get3A_1333 : vector<16xf32> to vector<1x16xf32>
          tpu.vector_store %arg12[%swap3A_1334, %swap3A_1335], %swap3A_1338 {strides = array<i32>} : memref<128x128xf32, #tpu.memory_space<vmem>>, vector<1x16xf32>,
          %get3A_1339 = arith.index_cast %squeeze3A_1280 : i32 to index
          %get3A_1340 = arith.constant 96 : index
          %get3A_1341 = tpu.vector_load %arg6[%get3A_1339, %get3A_1340] {strides = array<i32>} : memref<367x128xf32, #tpu.memory_space<vmem>>, vector<1x16xf32>,
          %get3A_1342 = vector.shape_cast %get3A_1341 : vector<1x16xf32> to vector<16xf32>
          %swap3A_1343 = arith.index_cast %add3A_1284 : i32 to index
          %swap3A_1344 = arith.constant 96 : index
          %swap3A_1345 = tpu.vector_load %arg12[%swap3A_1343, %swap3A_1344] {strides = array<i32>} : memref<128x128xf32, #tpu.memory_space<vmem>>, vector<1x16xf32>,
          %swap3A_1346 = vector.shape_cast %swap3A_1345 : vector<1x16xf32> to vector<16xf32>
          %swap3A_1347 = vector.shape_cast %get3A_1342 : vector<16xf32> to vector<1x16xf32>
          tpu.vector_store %arg12[%swap3A_1343, %swap3A_1344], %swap3A_1347 {strides = array<i32>} : memref<128x128xf32, #tpu.memory_space<vmem>>, vector<1x16xf32>,
          %get3A_1348 = arith.index_cast %squeeze3A_1280 : i32 to index
          %get3A_1349 = arith.constant 112 : index
          %get3A_1350 = tpu.vector_load %arg6[%get3A_1348, %get3A_1349] {strides = array<i32>} : memref<367x128xf32, #tpu.memory_space<vmem>>, vector<1x16xf32>,
          %get3A_1351 = vector.shape_cast %get3A_1350 : vector<1x16xf32> to vector<16xf32>
          %swap3A_1352 = arith.index_cast %add3A_1284 : i32 to index
          %swap3A_1353 = arith.constant 112 : index
          %swap3A_1354 = tpu.vector_load %arg12[%swap3A_1352, %swap3A_1353] {strides = array<i32>} : memref<128x128xf32, #tpu.memory_space<vmem>>, vector<1x16xf32>,
          %swap3A_1355 = vector.shape_cast %swap3A_1354 : vector<1x16xf32> to vector<16xf32>
          %swap3A_1356 = vector.shape_cast %get3A_1351 : vector<16xf32> to vector<1x16xf32>
          tpu.vector_store %arg12[%swap3A_1352, %swap3A_1353], %swap3A_1356 {strides = array<i32>} : memref<128x128xf32, #tpu.memory_space<vmem>>, vector<1x16xf32>,
          %slice3A_1357 = vector.extract_strided_slice %get3A_267 {offsets = [14], sizes = [1], strides = [1]} : vector<16xi32> to vector<1xi32>
          %squeeze3A_1358 = vector.extract %slice3A_1357[0] : i32 from vector<1xi32>
          %mul3A_1359 = arith.constant 16 : i32
          %mul3A_1360 = arith.muli %mul3A_1359, %scan3A_261 : i32
          %add3A_1361 = arith.constant 14 : i32
          %add3A_1362 = arith.addi %mul3A_1360, %add3A_1361 : i32
          %get3A_1363 = arith.index_cast %squeeze3A_1358 : i32 to index
          %get3A_1364 = arith.constant 0 : index
          %get3A_1365 = tpu.vector_load %arg6[%get3A_1363, %get3A_1364] {strides = array<i32>} : memref<367x128xf32, #tpu.memory_space<vmem>>, vector<1x16xf32>,
          %get3A_1366 = vector.shape_cast %get3A_1365 : vector<1x16xf32> to vector<16xf32>
          %swap3A_1367 = arith.index_cast %add3A_1362 : i32 to index
          %swap3A_1368 = arith.constant 0 : index
          %swap3A_1369 = tpu.vector_load %arg12[%swap3A_1367, %swap3A_1368] {strides = array<i32>} : memref<128x128xf32, #tpu.memory_space<vmem>>, vector<1x16xf32>,
          %swap3A_1370 = vector.shape_cast %swap3A_1369 : vector<1x16xf32> to vector<16xf32>
          %swap3A_1371 = vector.shape_cast %get3A_1366 : vector<16xf32> to vector<1x16xf32>
          tpu.vector_store %arg12[%swap3A_1367, %swap3A_1368], %swap3A_1371 {strides = array<i32>} : memref<128x128xf32, #tpu.memory_space<vmem>>, vector<1x16xf32>,
          %get3A_1372 = arith.index_cast %squeeze3A_1358 : i32 to index
          %get3A_1373 = arith.constant 16 : index
          %get3A_1374 = tpu.vector_load %arg6[%get3A_1372, %get3A_1373] {strides = array<i32>} : memref<367x128xf32, #tpu.memory_space<vmem>>, vector<1x16xf32>,
          %get3A_1375 = vector.shape_cast %get3A_1374 : vector<1x16xf32> to vector<16xf32>
          %swap3A_1376 = arith.index_cast %add3A_1362 : i32 to index
          %swap3A_1377 = arith.constant 16 : index
          %swap3A_1378 = tpu.vector_load %arg12[%swap3A_1376, %swap3A_1377] {strides = array<i32>} : memref<128x128xf32, #tpu.memory_space<vmem>>, vector<1x16xf32>,
          %swap3A_1379 = vector.shape_cast %swap3A_1378 : vector<1x16xf32> to vector<16xf32>
          %swap3A_1380 = vector.shape_cast %get3A_1375 : vector<16xf32> to vector<1x16xf32>
          tpu.vector_store %arg12[%swap3A_1376, %swap3A_1377], %swap3A_1380 {strides = array<i32>} : memref<128x128xf32, #tpu.memory_space<vmem>>, vector<1x16xf32>,
          %get3A_1381 = arith.index_cast %squeeze3A_1358 : i32 to index
          %get3A_1382 = arith.constant 32 : index
          %get3A_1383 = tpu.vector_load %arg6[%get3A_1381, %get3A_1382] {strides = array<i32>} : memref<367x128xf32, #tpu.memory_space<vmem>>, vector<1x16xf32>,
          %get3A_1384 = vector.shape_cast %get3A_1383 : vector<1x16xf32> to vector<16xf32>
          %swap3A_1385 = arith.index_cast %add3A_1362 : i32 to index
          %swap3A_1386 = arith.constant 32 : index
          %swap3A_1387 = tpu.vector_load %arg12[%swap3A_1385, %swap3A_1386] {strides = array<i32>} : memref<128x128xf32, #tpu.memory_space<vmem>>, vector<1x16xf32>,
          %swap3A_1388 = vector.shape_cast %swap3A_1387 : vector<1x16xf32> to vector<16xf32>
          %swap3A_1389 = vector.shape_cast %get3A_1384 : vector<16xf32> to vector<1x16xf32>
          tpu.vector_store %arg12[%swap3A_1385, %swap3A_1386], %swap3A_1389 {strides = array<i32>} : memref<128x128xf32, #tpu.memory_space<vmem>>, vector<1x16xf32>,
          %get3A_1390 = arith.index_cast %squeeze3A_1358 : i32 to index
          %get3A_1391 = arith.constant 48 : index
          %get3A_1392 = tpu.vector_load %arg6[%get3A_1390, %get3A_1391] {strides = array<i32>} : memref<367x128xf32, #tpu.memory_space<vmem>>, vector<1x16xf32>,
          %get3A_1393 = vector.shape_cast %get3A_1392 : vector<1x16xf32> to vector<16xf32>
          %swap3A_1394 = arith.index_cast %add3A_1362 : i32 to index
          %swap3A_1395 = arith.constant 48 : index
          %swap3A_1396 = tpu.vector_load %arg12[%swap3A_1394, %swap3A_1395] {strides = array<i32>} : memref<128x128xf32, #tpu.memory_space<vmem>>, vector<1x16xf32>,
          %swap3A_1397 = vector.shape_cast %swap3A_1396 : vector<1x16xf32> to vector<16xf32>
          %swap3A_1398 = vector.shape_cast %get3A_1393 : vector<16xf32> to vector<1x16xf32>
          tpu.vector_store %arg12[%swap3A_1394, %swap3A_1395], %swap3A_1398 {strides = array<i32>} : memref<128x128xf32, #tpu.memory_space<vmem>>, vector<1x16xf32>,
          %get3A_1399 = arith.index_cast %squeeze3A_1358 : i32 to index
          %get3A_1400 = arith.constant 64 : index
          %get3A_1401 = tpu.vector_load %arg6[%get3A_1399, %get3A_1400] {strides = array<i32>} : memref<367x128xf32, #tpu.memory_space<vmem>>, vector<1x16xf32>,
          %get3A_1402 = vector.shape_cast %get3A_1401 : vector<1x16xf32> to vector<16xf32>
          %swap3A_1403 = arith.index_cast %add3A_1362 : i32 to index
          %swap3A_1404 = arith.constant 64 : index
          %swap3A_1405 = tpu.vector_load %arg12[%swap3A_1403, %swap3A_1404] {strides = array<i32>} : memref<128x128xf32, #tpu.memory_space<vmem>>, vector<1x16xf32>,
          %swap3A_1406 = vector.shape_cast %swap3A_1405 : vector<1x16xf32> to vector<16xf32>
          %swap3A_1407 = vector.shape_cast %get3A_1402 : vector<16xf32> to vector<1x16xf32>
          tpu.vector_store %arg12[%swap3A_1403, %swap3A_1404], %swap3A_1407 {strides = array<i32>} : memref<128x128xf32, #tpu.memory_space<vmem>>, vector<1x16xf32>,
          %get3A_1408 = arith.index_cast %squeeze3A_1358 : i32 to index
          %get3A_1409 = arith.constant 80 : index
          %get3A_1410 = tpu.vector_load %arg6[%get3A_1408, %get3A_1409] {strides = array<i32>} : memref<367x128xf32, #tpu.memory_space<vmem>>, vector<1x16xf32>,
          %get3A_1411 = vector.shape_cast %get3A_1410 : vector<1x16xf32> to vector<16xf32>
          %swap3A_1412 = arith.index_cast %add3A_1362 : i32 to index
          %swap3A_1413 = arith.constant 80 : index
          %swap3A_1414 = tpu.vector_load %arg12[%swap3A_1412, %swap3A_1413] {strides = array<i32>} : memref<128x128xf32, #tpu.memory_space<vmem>>, vector<1x16xf32>,
          %swap3A_1415 = vector.shape_cast %swap3A_1414 : vector<1x16xf32> to vector<16xf32>
          %swap3A_1416 = vector.shape_cast %get3A_1411 : vector<16xf32> to vector<1x16xf32>
          tpu.vector_store %arg12[%swap3A_1412, %swap3A_1413], %swap3A_1416 {strides = array<i32>} : memref<128x128xf32, #tpu.memory_space<vmem>>, vector<1x16xf32>,
          %get3A_1417 = arith.index_cast %squeeze3A_1358 : i32 to index
          %get3A_1418 = arith.constant 96 : index
          %get3A_1419 = tpu.vector_load %arg6[%get3A_1417, %get3A_1418] {strides = array<i32>} : memref<367x128xf32, #tpu.memory_space<vmem>>, vector<1x16xf32>,
          %get3A_1420 = vector.shape_cast %get3A_1419 : vector<1x16xf32> to vector<16xf32>
          %swap3A_1421 = arith.index_cast %add3A_1362 : i32 to index
          %swap3A_1422 = arith.constant 96 : index
          %swap3A_1423 = tpu.vector_load %arg12[%swap3A_1421, %swap3A_1422] {strides = array<i32>} : memref<128x128xf32, #tpu.memory_space<vmem>>, vector<1x16xf32>,
          %swap3A_1424 = vector.shape_cast %swap3A_1423 : vector<1x16xf32> to vector<16xf32>
          %swap3A_1425 = vector.shape_cast %get3A_1420 : vector<16xf32> to vector<1x16xf32>
          tpu.vector_store %arg12[%swap3A_1421, %swap3A_1422], %swap3A_1425 {strides = array<i32>} : memref<128x128xf32, #tpu.memory_space<vmem>>, vector<1x16xf32>,
          %get3A_1426 = arith.index_cast %squeeze3A_1358 : i32 to index
          %get3A_1427 = arith.constant 112 : index
          %get3A_1428 = tpu.vector_load %arg6[%get3A_1426, %get3A_1427] {strides = array<i32>} : memref<367x128xf32, #tpu.memory_space<vmem>>, vector<1x16xf32>,
          %get3A_1429 = vector.shape_cast %get3A_1428 : vector<1x16xf32> to vector<16xf32>
          %swap3A_1430 = arith.index_cast %add3A_1362 : i32 to index
          %swap3A_1431 = arith.constant 112 : index
          %swap3A_1432 = tpu.vector_load %arg12[%swap3A_1430, %swap3A_1431] {strides = array<i32>} : memref<128x128xf32, #tpu.memory_space<vmem>>, vector<1x16xf32>,
          %swap3A_1433 = vector.shape_cast %swap3A_1432 : vector<1x16xf32> to vector<16xf32>
          %swap3A_1434 = vector.shape_cast %get3A_1429 : vector<16xf32> to vector<1x16xf32>
          tpu.vector_store %arg12[%swap3A_1430, %swap3A_1431], %swap3A_1434 {strides = array<i32>} : memref<128x128xf32, #tpu.memory_space<vmem>>, vector<1x16xf32>,
          %slice3A_1435 = vector.extract_strided_slice %get3A_267 {offsets = [15], sizes = [1], strides = [1]} : vector<16xi32> to vector<1xi32>
          %squeeze3A_1436 = vector.extract %slice3A_1435[0] : i32 from vector<1xi32>
          %mul3A_1437 = arith.constant 16 : i32
          %mul3A_1438 = arith.muli %mul3A_1437, %scan3A_261 : i32
          %add3A_1439 = arith.constant 15 : i32
          %add3A_1440 = arith.addi %mul3A_1438, %add3A_1439 : i32
          %get3A_1441 = arith.index_cast %squeeze3A_1436 : i32 to index
          %get3A_1442 = arith.constant 0 : index
          %get3A_1443 = tpu.vector_load %arg6[%get3A_1441, %get3A_1442] {strides = array<i32>} : memref<367x128xf32, #tpu.memory_space<vmem>>, vector<1x16xf32>,
          %get3A_1444 = vector.shape_cast %get3A_1443 : vector<1x16xf32> to vector<16xf32>
          %swap3A_1445 = arith.index_cast %add3A_1440 : i32 to index
          %swap3A_1446 = arith.constant 0 : index
          %swap3A_1447 = tpu.vector_load %arg12[%swap3A_1445, %swap3A_1446] {strides = array<i32>} : memref<128x128xf32, #tpu.memory_space<vmem>>, vector<1x16xf32>,
          %swap3A_1448 = vector.shape_cast %swap3A_1447 : vector<1x16xf32> to vector<16xf32>
          %swap3A_1449 = vector.shape_cast %get3A_1444 : vector<16xf32> to vector<1x16xf32>
          tpu.vector_store %arg12[%swap3A_1445, %swap3A_1446], %swap3A_1449 {strides = array<i32>} : memref<128x128xf32, #tpu.memory_space<vmem>>, vector<1x16xf32>,
          %get3A_1450 = arith.index_cast %squeeze3A_1436 : i32 to index
          %get3A_1451 = arith.constant 16 : index
          %get3A_1452 = tpu.vector_load %arg6[%get3A_1450, %get3A_1451] {strides = array<i32>} : memref<367x128xf32, #tpu.memory_space<vmem>>, vector<1x16xf32>,
          %get3A_1453 = vector.shape_cast %get3A_1452 : vector<1x16xf32> to vector<16xf32>
          %swap3A_1454 = arith.index_cast %add3A_1440 : i32 to index
          %swap3A_1455 = arith.constant 16 : index
          %swap3A_1456 = tpu.vector_load %arg12[%swap3A_1454, %swap3A_1455] {strides = array<i32>} : memref<128x128xf32, #tpu.memory_space<vmem>>, vector<1x16xf32>,
          %swap3A_1457 = vector.shape_cast %swap3A_1456 : vector<1x16xf32> to vector<16xf32>
          %swap3A_1458 = vector.shape_cast %get3A_1453 : vector<16xf32> to vector<1x16xf32>
          tpu.vector_store %arg12[%swap3A_1454, %swap3A_1455], %swap3A_1458 {strides = array<i32>} : memref<128x128xf32, #tpu.memory_space<vmem>>, vector<1x16xf32>,
          %get3A_1459 = arith.index_cast %squeeze3A_1436 : i32 to index
          %get3A_1460 = arith.constant 32 : index
          %get3A_1461 = tpu.vector_load %arg6[%get3A_1459, %get3A_1460] {strides = array<i32>} : memref<367x128xf32, #tpu.memory_space<vmem>>, vector<1x16xf32>,
          %get3A_1462 = vector.shape_cast %get3A_1461 : vector<1x16xf32> to vector<16xf32>
          %swap3A_1463 = arith.index_cast %add3A_1440 : i32 to index
          %swap3A_1464 = arith.constant 32 : index
          %swap3A_1465 = tpu.vector_load %arg12[%swap3A_1463, %swap3A_1464] {strides = array<i32>} : memref<128x128xf32, #tpu.memory_space<vmem>>, vector<1x16xf32>,
          %swap3A_1466 = vector.shape_cast %swap3A_1465 : vector<1x16xf32> to vector<16xf32>
          %swap3A_1467 = vector.shape_cast %get3A_1462 : vector<16xf32> to vector<1x16xf32>
          tpu.vector_store %arg12[%swap3A_1463, %swap3A_1464], %swap3A_1467 {strides = array<i32>} : memref<128x128xf32, #tpu.memory_space<vmem>>, vector<1x16xf32>,
          %get3A_1468 = arith.index_cast %squeeze3A_1436 : i32 to index
          %get3A_1469 = arith.constant 48 : index
          %get3A_1470 = tpu.vector_load %arg6[%get3A_1468, %get3A_1469] {strides = array<i32>} : memref<367x128xf32, #tpu.memory_space<vmem>>, vector<1x16xf32>,
          %get3A_1471 = vector.shape_cast %get3A_1470 : vector<1x16xf32> to vector<16xf32>
          %swap3A_1472 = arith.index_cast %add3A_1440 : i32 to index
          %swap3A_1473 = arith.constant 48 : index
          %swap3A_1474 = tpu.vector_load %arg12[%swap3A_1472, %swap3A_1473] {strides = array<i32>} : memref<128x128xf32, #tpu.memory_space<vmem>>, vector<1x16xf32>,
          %swap3A_1475 = vector.shape_cast %swap3A_1474 : vector<1x16xf32> to vector<16xf32>
          %swap3A_1476 = vector.shape_cast %get3A_1471 : vector<16xf32> to vector<1x16xf32>
          tpu.vector_store %arg12[%swap3A_1472, %swap3A_1473], %swap3A_1476 {strides = array<i32>} : memref<128x128xf32, #tpu.memory_space<vmem>>, vector<1x16xf32>,
          %get3A_1477 = arith.index_cast %squeeze3A_1436 : i32 to index
          %get3A_1478 = arith.constant 64 : index
          %get3A_1479 = tpu.vector_load %arg6[%get3A_1477, %get3A_1478] {strides = array<i32>} : memref<367x128xf32, #tpu.memory_space<vmem>>, vector<1x16xf32>,
          %get3A_1480 = vector.shape_cast %get3A_1479 : vector<1x16xf32> to vector<16xf32>
          %swap3A_1481 = arith.index_cast %add3A_1440 : i32 to index
          %swap3A_1482 = arith.constant 64 : index
          %swap3A_1483 = tpu.vector_load %arg12[%swap3A_1481, %swap3A_1482] {strides = array<i32>} : memref<128x128xf32, #tpu.memory_space<vmem>>, vector<1x16xf32>,
          %swap3A_1484 = vector.shape_cast %swap3A_1483 : vector<1x16xf32> to vector<16xf32>
          %swap3A_1485 = vector.shape_cast %get3A_1480 : vector<16xf32> to vector<1x16xf32>
          tpu.vector_store %arg12[%swap3A_1481, %swap3A_1482], %swap3A_1485 {strides = array<i32>} : memref<128x128xf32, #tpu.memory_space<vmem>>, vector<1x16xf32>,
          %get3A_1486 = arith.index_cast %squeeze3A_1436 : i32 to index
          %get3A_1487 = arith.constant 80 : index
          %get3A_1488 = tpu.vector_load %arg6[%get3A_1486, %get3A_1487] {strides = array<i32>} : memref<367x128xf32, #tpu.memory_space<vmem>>, vector<1x16xf32>,
          %get3A_1489 = vector.shape_cast %get3A_1488 : vector<1x16xf32> to vector<16xf32>
          %swap3A_1490 = arith.index_cast %add3A_1440 : i32 to index
          %swap3A_1491 = arith.constant 80 : index
          %swap3A_1492 = tpu.vector_load %arg12[%swap3A_1490, %swap3A_1491] {strides = array<i32>} : memref<128x128xf32, #tpu.memory_space<vmem>>, vector<1x16xf32>,
          %swap3A_1493 = vector.shape_cast %swap3A_1492 : vector<1x16xf32> to vector<16xf32>
          %swap3A_1494 = vector.shape_cast %get3A_1489 : vector<16xf32> to vector<1x16xf32>
          tpu.vector_store %arg12[%swap3A_1490, %swap3A_1491], %swap3A_1494 {strides = array<i32>} : memref<128x128xf32, #tpu.memory_space<vmem>>, vector<1x16xf32>,
          %get3A_1495 = arith.index_cast %squeeze3A_1436 : i32 to index
          %get3A_1496 = arith.constant 96 : index
          %get3A_1497 = tpu.vector_load %arg6[%get3A_1495, %get3A_1496] {strides = array<i32>} : memref<367x128xf32, #tpu.memory_space<vmem>>, vector<1x16xf32>,
          %get3A_1498 = vector.shape_cast %get3A_1497 : vector<1x16xf32> to vector<16xf32>
          %swap3A_1499 = arith.index_cast %add3A_1440 : i32 to index
          %swap3A_1500 = arith.constant 96 : index
          %swap3A_1501 = tpu.vector_load %arg12[%swap3A_1499, %swap3A_1500] {strides = array<i32>} : memref<128x128xf32, #tpu.memory_space<vmem>>, vector<1x16xf32>,
          %swap3A_1502 = vector.shape_cast %swap3A_1501 : vector<1x16xf32> to vector<16xf32>
          %swap3A_1503 = vector.shape_cast %get3A_1498 : vector<16xf32> to vector<1x16xf32>
          tpu.vector_store %arg12[%swap3A_1499, %swap3A_1500], %swap3A_1503 {strides = array<i32>} : memref<128x128xf32, #tpu.memory_space<vmem>>, vector<1x16xf32>,
          %get3A_1504 = arith.index_cast %squeeze3A_1436 : i32 to index
          %get3A_1505 = arith.constant 112 : index
          %get3A_1506 = tpu.vector_load %arg6[%get3A_1504, %get3A_1505] {strides = array<i32>} : memref<367x128xf32, #tpu.memory_space<vmem>>, vector<1x16xf32>,
          %get3A_1507 = vector.shape_cast %get3A_1506 : vector<1x16xf32> to vector<16xf32>
          %swap3A_1508 = arith.index_cast %add3A_1440 : i32 to index
          %swap3A_1509 = arith.constant 112 : index
          %swap3A_1510 = tpu.vector_load %arg12[%swap3A_1508, %swap3A_1509] {strides = array<i32>} : memref<128x128xf32, #tpu.memory_space<vmem>>, vector<1x16xf32>,
          %swap3A_1511 = vector.shape_cast %swap3A_1510 : vector<1x16xf32> to vector<16xf32>
          %swap3A_1512 = vector.shape_cast %get3A_1507 : vector<16xf32> to vector<1x16xf32>
          tpu.vector_store %arg12[%swap3A_1508, %swap3A_1509], %swap3A_1512 {strides = array<i32>} : memref<128x128xf32, #tpu.memory_space<vmem>>, vector<1x16xf32>,
          %scan3A_1513 = arith.constant 0 : i32
          scf.yield %scan3A_1513 : i32
        }
        %scan3A_251 = arith.constant 8 : i32
        %dma_start3A_252 = arith.constant 0 : i32
        %dma_start3A_253 = arith.constant 0 : i32
        %dma_start3A_254 = tpu.memref_slice %arg4[%add3A, %add3A_235, %dma_start3A_252, %dma_start3A_253] : memref<32x800x128x128xf32, #tpu.memory_space<hbm>> -> memref<1x1x128x128xf32, #tpu.memory_space<hbm>>
        %dma_start3A_255 = tpu.memref_squeeze %dma_start3A_254 : memref<1x1x128x128xf32, #tpu.memory_space<hbm>> -> memref<128x128xf32, #tpu.memory_space<hbm>>
        %dma_start3A_256 = arith.constant 0 : i32
        %dma_start3A_257 = arith.constant 0 : i32
        %dma_start3A_258 = tpu.memref_slice %arg4[%add3A, %add3A_235, %dma_start3A_256, %dma_start3A_257] : memref<32x800x128x128xf32, #tpu.memory_space<hbm>> -> memref<1x1x128x128xf32, #tpu.memory_space<hbm>>
        %dma_start3A_259 = tpu.memref_squeeze %dma_start3A_258 : memref<1x1x128x128xf32, #tpu.memory_space<hbm>> -> memref<128x128xf32, #tpu.memory_space<hbm>>
        tpu.enqueue_dma source(%arg12 : memref<128x128xf32, #tpu.memory_space<vmem>>) target(%dma_start3A_259 : memref<128x128xf32, #tpu.memory_space<hbm>>) target_semaphore(%arg20 : memref<!tpu.dma_semaphore, #tpu.memory_space<semaphore_mem>>)
        %scan3A_260 = arith.constant 0 : i32
        scf.yield %scan3A_260 : i32
      }
      %scan3A_65 = arith.constant 10 : i32
      %dma_wait3A_66 = arith.constant 0 : i32
      %dma_wait3A_67 = arith.constant 0 : i32
      %dma_wait3A_68 = tpu.memref_slice %arg7[%dma_wait3A_66, %dma_wait3A_67] : memref<40x128xi32, #tpu.memory_space<vmem>> -> memref<1x128xi32, #tpu.memory_space<vmem>>
      %dma_wait3A_69 = tpu.memref_squeeze %dma_wait3A_68 : memref<1x128xi32, #tpu.memory_space<vmem>> -> memref<128xi32, #tpu.memory_space<vmem>>
      %dma_wait3A_70 = arith.constant 0 : i32
      %dma_wait3A_71 = arith.constant 0 : i32
      %dma_wait3A_72 = tpu.memref_slice %arg5[%dma_wait3A_70, %dma_wait3A_71] : memref<367x128xf32, #tpu.memory_space<vmem_shared>> -> memref<367x128xf32, #tpu.memory_space<vmem_shared>>
      tpu.wait_indirect_dma semaphore(%arg15 : memref<!tpu.dma_semaphore, #tpu.memory_space<semaphore_mem>>) src(%dma_wait3A_72 : memref<367x128xf32, #tpu.memory_space<vmem_shared>>) dst(%arg11 : memref<128x128xf32, #tpu.memory_space<vmem>>)
      %mul3A_73 = arith.constant 40 : i32
      %mul3A_74 = arith.muli %mul3A_47, %mul3A_73 : i32
      %add3A_75 = arith.constant 40 : i32
      %add3A_76 = arith.addi %mul3A_74, %add3A_75 : i32
      %sub3A = arith.constant 2 : i32
      %sub3A_77 = arith.subi %add3A_76, %sub3A : i32
      %dma_start3A_78 = arith.constant 0 : i32
      %dma_start3A_79 = arith.constant 0 : i32
      %dma_start3A_80 = tpu.memref_slice %arg4[%add3A, %sub3A_77, %dma_start3A_78, %dma_start3A_79] : memref<32x800x128x128xf32, #tpu.memory_space<hbm>> -> memref<1x1x128x128xf32, #tpu.memory_space<hbm>>
      %dma_start3A_81 = tpu.memref_squeeze %dma_start3A_80 : memref<1x1x128x128xf32, #tpu.memory_space<hbm>> -> memref<128x128xf32, #tpu.memory_space<hbm>>
      %dma_start3A_82 = arith.constant 0 : i32
      %dma_start3A_83 = arith.constant 0 : i32
      %dma_start3A_84 = tpu.memref_slice %arg4[%add3A, %sub3A_77, %dma_start3A_82, %dma_start3A_83] : memref<32x800x128x128xf32, #tpu.memory_space<hbm>> -> memref<1x1x128x128xf32, #tpu.memory_space<hbm>>
      %dma_start3A_85 = tpu.memref_squeeze %dma_start3A_84 : memref<1x1x128x128xf32, #tpu.memory_space<hbm>> -> memref<128x128xf32, #tpu.memory_space<hbm>>
      tpu.enqueue_dma source(%arg11 : memref<128x128xf32, #tpu.memory_space<vmem>>) target(%dma_start3A_85 : memref<128x128xf32, #tpu.memory_space<hbm>>) target_semaphore(%arg19 : memref<!tpu.dma_semaphore, #tpu.memory_space<semaphore_mem>>)
      %mul3A_86 = arith.constant 40 : i32
      %mul3A_87 = arith.muli %add3A_51, %mul3A_86 : i32
      %dma_wait3A_88 = arith.constant 0 : i32
      %dma_wait3A_89 = tpu.memref_slice %arg2[%add3A, %mul3A_87, %dma_wait3A_88] : memref<32x800x128xi32, #tpu.memory_space<hbm>> -> memref<1x40x128xi32, #tpu.memory_space<hbm>>
      %dma_wait3A_90 = tpu.memref_squeeze %dma_wait3A_89 : memref<1x40x128xi32, #tpu.memory_space<hbm>> -> memref<40x128xi32, #tpu.memory_space<hbm>>
      %dma_wait3A_91 = arith.constant 0 : i32
      %dma_wait3A_92 = tpu.memref_slice %arg2[%add3A, %mul3A_87, %dma_wait3A_91] : memref<32x800x128xi32, #tpu.memory_space<hbm>> -> memref<1x40x128xi32, #tpu.memory_space<hbm>>
      %dma_wait3A_93 = tpu.memref_squeeze %dma_wait3A_92 : memref<1x40x128xi32, #tpu.memory_space<hbm>> -> memref<40x128xi32, #tpu.memory_space<hbm>>
      tpu.wait_dma2 semaphore(%arg21 : memref<!tpu.dma_semaphore, #tpu.memory_space<semaphore_mem>>) src(%dma_wait3A_93 : memref<40x128xi32, #tpu.memory_space<hbm>>) dst(%arg8 : memref<40x128xi32, #tpu.memory_space<vmem>>)
      %add3A_94 = arith.constant 1 : i32
      %add3A_95 = arith.addi %scan3A_44, %add3A_94 : i32
      %lt3A = arith.constant 10 : i32
      %lt3A_96 = arith.cmpi slt, %add3A_95, %lt3A : i32
      %convert_element_type3A_97 = arith.extui %lt3A_96 : i1 to i32
      %cond3A_98 = arith.constant 0 : i32
      %cond3A_99 = arith.cmpi ne, %convert_element_type3A_97, %cond3A_98 : i32
      scf.if %cond3A_99 {
        %add3A_136 = arith.constant 2 : i32
        %add3A_137 = arith.addi %mul3A_47, %add3A_136 : i32
        %mul3A_138 = arith.constant 40 : i32
        %mul3A_139 = arith.muli %add3A_137, %mul3A_138 : i32
        %dma_start3A_140 = arith.constant 0 : i32
        %dma_start3A_141 = tpu.memref_slice %arg2[%add3A, %mul3A_139, %dma_start3A_140] : memref<32x800x128xi32, #tpu.memory_space<hbm>> -> memref<1x40x128xi32, #tpu.memory_space<hbm>>
        %dma_start3A_142 = tpu.memref_squeeze %dma_start3A_141 : memref<1x40x128xi32, #tpu.memory_space<hbm>> -> memref<40x128xi32, #tpu.memory_space<hbm>>
        %dma_start3A_143 = arith.constant 0 : i32
        %dma_start3A_144 = tpu.memref_slice %arg2[%add3A, %mul3A_139, %dma_start3A_143] : memref<32x800x128xi32, #tpu.memory_space<hbm>> -> memref<1x40x128xi32, #tpu.memory_space<hbm>>
        %dma_start3A_145 = tpu.memref_squeeze %dma_start3A_144 : memref<1x40x128xi32, #tpu.memory_space<hbm>> -> memref<40x128xi32, #tpu.memory_space<hbm>>
        tpu.enqueue_dma source(%dma_start3A_145 : memref<40x128xi32, #tpu.memory_space<hbm>>) target(%arg7 : memref<40x128xi32, #tpu.memory_space<vmem>>) target_semaphore(%arg21 : memref<!tpu.dma_semaphore, #tpu.memory_space<semaphore_mem>>)
      } else {
      }
      %scan3A_100 = arith.constant 0 : i32
      %scan3A_101 = arith.constant 0 : i32
      %scan3A_102 = arith.constant 10 : i32
      %scan3A_103 = arith.addi %scan3A_101, %scan3A_102 : i32
      %scan3A_104 = arith.constant 1 : i32
      %scan3A_105 = scf.for %scan3A_136 = %scan3A_101 to %scan3A_103 step %scan3A_104 iter_args(%scan3A_137 = %scan3A_100) -> (i32)  : i32 {
        %mul3A_138 = arith.constant 40 : i32
        %mul3A_139 = arith.muli %add3A_51, %mul3A_138 : i32
        %mul3A_140 = arith.constant 4 : i32
        %mul3A_141 = arith.muli %mul3A_140, %scan3A_136 : i32
        %add3A_142 = arith.addi %mul3A_139, %mul3A_141 : i32
        %add3A_143 = arith.constant 0 : i32
        %add3A_144 = arith.addi %add3A_142, %add3A_143 : i32
        %ge3A = arith.constant 4 : i32
        %ge3A_145 = arith.cmpi sge, %add3A_144, %ge3A : i32
        %convert_element_type3A_146 = arith.extui %ge3A_145 : i1 to i32
        %cond3A_147 = arith.constant 0 : i32
        %cond3A_148 = arith.cmpi ne, %convert_element_type3A_146, %cond3A_147 : i32
        scf.if %cond3A_148 {
          %dma_wait3A_261 = arith.constant 0 : i32
          %dma_wait3A_262 = arith.constant 0 : i32
          %dma_wait3A_263 = tpu.memref_slice %arg4[%add3A, %add3A_144, %dma_wait3A_261, %dma_wait3A_262] : memref<32x800x128x128xf32, #tpu.memory_space<hbm>> -> memref<1x1x128x128xf32, #tpu.memory_space<hbm>>
          %dma_wait3A_264 = tpu.memref_squeeze %dma_wait3A_263 : memref<1x1x128x128xf32, #tpu.memory_space<hbm>> -> memref<128x128xf32, #tpu.memory_space<hbm>>
          %dma_wait3A_265 = arith.constant 0 : i32
          %dma_wait3A_266 = arith.constant 0 : i32
          %dma_wait3A_267 = tpu.memref_slice %arg4[%add3A, %add3A_144, %dma_wait3A_265, %dma_wait3A_266] : memref<32x800x128x128xf32, #tpu.memory_space<hbm>> -> memref<1x1x128x128xf32, #tpu.memory_space<hbm>>
          %dma_wait3A_268 = tpu.memref_squeeze %dma_wait3A_267 : memref<1x1x128x128xf32, #tpu.memory_space<hbm>> -> memref<128x128xf32, #tpu.memory_space<hbm>>
          tpu.wait_dma2 semaphore(%arg17 : memref<!tpu.dma_semaphore, #tpu.memory_space<semaphore_mem>>) src(%arg9 : memref<128x128xf32, #tpu.memory_space<vmem>>) dst(%dma_wait3A_268 : memref<128x128xf32, #tpu.memory_space<hbm>>)
        } else {
        }
        %mul3A_149 = arith.constant 4 : i32
        %mul3A_150 = arith.muli %mul3A_149, %scan3A_136 : i32
        %add3A_151 = arith.constant 0 : i32
        %add3A_152 = arith.addi %mul3A_150, %add3A_151 : i32
        %dma_start3A_153 = arith.constant 0 : i32
        %dma_start3A_154 = tpu.memref_slice %arg8[%add3A_152, %dma_start3A_153] : memref<40x128xi32, #tpu.memory_space<vmem>> -> memref<1x128xi32, #tpu.memory_space<vmem>>
        %dma_start3A_155 = tpu.memref_squeeze %dma_start3A_154 : memref<1x128xi32, #tpu.memory_space<vmem>> -> memref<128xi32, #tpu.memory_space<vmem>>
        %dma_start3A_156 = arith.constant 0 : i32
        %dma_start3A_157 = arith.constant 0 : i32
        %dma_start3A_158 = tpu.memref_slice %arg5[%dma_start3A_156, %dma_start3A_157] : memref<367x128xf32, #tpu.memory_space<vmem_shared>> -> memref<367x128xf32, #tpu.memory_space<vmem_shared>>
        tpu.enqueue_indirect_dma source(%dma_start3A_158 : memref<367x128xf32, #tpu.memory_space<vmem_shared>>) target(%arg9 : memref<128x128xf32, #tpu.memory_space<vmem>>) offsets(%dma_start3A_155 : memref<128xi32, #tpu.memory_space<vmem>>) semaphore(%arg13 : memref<!tpu.dma_semaphore, #tpu.memory_space<semaphore_mem>>)
        %sub3A_159 = arith.constant 2 : i32
        %sub3A_160 = arith.subi %add3A_144, %sub3A_159 : i32
        %ge3A_161 = arith.constant 1 : i32
        %ge3A_162 = arith.cmpi sge, %scan3A_136, %ge3A_161 : i32
        %convert_element_type3A_163 = arith.extui %ge3A_162 : i1 to i32
        %cond3A_164 = arith.constant 0 : i32
        %cond3A_165 = arith.cmpi ne, %convert_element_type3A_163, %cond3A_164 : i32
        scf.if %cond3A_165 {
          %dma_wait3A_261 = arith.constant 0 : i32
          %dma_wait3A_262 = arith.constant 0 : i32
          %dma_wait3A_263 = tpu.memref_slice %arg8[%dma_wait3A_261, %dma_wait3A_262] : memref<40x128xi32, #tpu.memory_space<vmem>> -> memref<1x128xi32, #tpu.memory_space<vmem>>
          %dma_wait3A_264 = tpu.memref_squeeze %dma_wait3A_263 : memref<1x128xi32, #tpu.memory_space<vmem>> -> memref<128xi32, #tpu.memory_space<vmem>>
          %dma_wait3A_265 = arith.constant 0 : i32
          %dma_wait3A_266 = arith.constant 0 : i32
          %dma_wait3A_267 = tpu.memref_slice %arg5[%dma_wait3A_265, %dma_wait3A_266] : memref<367x128xf32, #tpu.memory_space<vmem_shared>> -> memref<367x128xf32, #tpu.memory_space<vmem_shared>>
          tpu.wait_indirect_dma semaphore(%arg15 : memref<!tpu.dma_semaphore, #tpu.memory_space<semaphore_mem>>) src(%dma_wait3A_267 : memref<367x128xf32, #tpu.memory_space<vmem_shared>>) dst(%arg11 : memref<128x128xf32, #tpu.memory_space<vmem>>)
          %dma_start3A_268 = arith.constant 0 : i32
          %dma_start3A_269 = arith.constant 0 : i32
          %dma_start3A_270 = tpu.memref_slice %arg4[%add3A, %sub3A_160, %dma_start3A_268, %dma_start3A_269] : memref<32x800x128x128xf32, #tpu.memory_space<hbm>> -> memref<1x1x128x128xf32, #tpu.memory_space<hbm>>
          %dma_start3A_271 = tpu.memref_squeeze %dma_start3A_270 : memref<1x1x128x128xf32, #tpu.memory_space<hbm>> -> memref<128x128xf32, #tpu.memory_space<hbm>>
          %dma_start3A_272 = arith.constant 0 : i32
          %dma_start3A_273 = arith.constant 0 : i32
          %dma_start3A_274 = tpu.memref_slice %arg4[%add3A, %sub3A_160, %dma_start3A_272, %dma_start3A_273] : memref<32x800x128x128xf32, #tpu.memory_space<hbm>> -> memref<1x1x128x128xf32, #tpu.memory_space<hbm>>
          %dma_start3A_275 = tpu.memref_squeeze %dma_start3A_274 : memref<1x1x128x128xf32, #tpu.memory_space<hbm>> -> memref<128x128xf32, #tpu.memory_space<hbm>>
          tpu.enqueue_dma source(%arg11 : memref<128x128xf32, #tpu.memory_space<vmem>>) target(%dma_start3A_275 : memref<128x128xf32, #tpu.memory_space<hbm>>) target_semaphore(%arg19 : memref<!tpu.dma_semaphore, #tpu.memory_space<semaphore_mem>>)
        } else {
        }
        %add3A_166 = arith.constant 1 : i32
        %add3A_167 = arith.addi %add3A_142, %add3A_166 : i32
        %ge3A_168 = arith.constant 4 : i32
        %ge3A_169 = arith.cmpi sge, %add3A_167, %ge3A_168 : i32
        %convert_element_type3A_170 = arith.extui %ge3A_169 : i1 to i32
        %cond3A_171 = arith.constant 0 : i32
        %cond3A_172 = arith.cmpi ne, %convert_element_type3A_170, %cond3A_171 : i32
        scf.if %cond3A_172 {
          %dma_wait3A_261 = arith.constant 0 : i32
          %dma_wait3A_262 = arith.constant 0 : i32
          %dma_wait3A_263 = tpu.memref_slice %arg4[%add3A, %add3A_167, %dma_wait3A_261, %dma_wait3A_262] : memref<32x800x128x128xf32, #tpu.memory_space<hbm>> -> memref<1x1x128x128xf32, #tpu.memory_space<hbm>>
          %dma_wait3A_264 = tpu.memref_squeeze %dma_wait3A_263 : memref<1x1x128x128xf32, #tpu.memory_space<hbm>> -> memref<128x128xf32, #tpu.memory_space<hbm>>
          %dma_wait3A_265 = arith.constant 0 : i32
          %dma_wait3A_266 = arith.constant 0 : i32
          %dma_wait3A_267 = tpu.memref_slice %arg4[%add3A, %add3A_167, %dma_wait3A_265, %dma_wait3A_266] : memref<32x800x128x128xf32, #tpu.memory_space<hbm>> -> memref<1x1x128x128xf32, #tpu.memory_space<hbm>>
          %dma_wait3A_268 = tpu.memref_squeeze %dma_wait3A_267 : memref<1x1x128x128xf32, #tpu.memory_space<hbm>> -> memref<128x128xf32, #tpu.memory_space<hbm>>
          tpu.wait_dma2 semaphore(%arg18 : memref<!tpu.dma_semaphore, #tpu.memory_space<semaphore_mem>>) src(%arg10 : memref<128x128xf32, #tpu.memory_space<vmem>>) dst(%dma_wait3A_268 : memref<128x128xf32, #tpu.memory_space<hbm>>)
        } else {
        }
        %mul3A_173 = arith.constant 4 : i32
        %mul3A_174 = arith.muli %mul3A_173, %scan3A_136 : i32
        %add3A_175 = arith.constant 1 : i32
        %add3A_176 = arith.addi %mul3A_174, %add3A_175 : i32
        %dma_start3A_177 = arith.constant 0 : i32
        %dma_start3A_178 = tpu.memref_slice %arg8[%add3A_176, %dma_start3A_177] : memref<40x128xi32, #tpu.memory_space<vmem>> -> memref<1x128xi32, #tpu.memory_space<vmem>>
        %dma_start3A_179 = tpu.memref_squeeze %dma_start3A_178 : memref<1x128xi32, #tpu.memory_space<vmem>> -> memref<128xi32, #tpu.memory_space<vmem>>
        %dma_start3A_180 = arith.constant 0 : i32
        %dma_start3A_181 = arith.constant 0 : i32
        %dma_start3A_182 = tpu.memref_slice %arg5[%dma_start3A_180, %dma_start3A_181] : memref<367x128xf32, #tpu.memory_space<vmem_shared>> -> memref<367x128xf32, #tpu.memory_space<vmem_shared>>
        tpu.enqueue_indirect_dma source(%dma_start3A_182 : memref<367x128xf32, #tpu.memory_space<vmem_shared>>) target(%arg10 : memref<128x128xf32, #tpu.memory_space<vmem>>) offsets(%dma_start3A_179 : memref<128xi32, #tpu.memory_space<vmem>>) semaphore(%arg14 : memref<!tpu.dma_semaphore, #tpu.memory_space<semaphore_mem>>)
        %sub3A_183 = arith.constant 1 : i32
        %sub3A_184 = arith.subi %add3A_167, %sub3A_183 : i32
        %dma_wait3A_185 = arith.constant 0 : i32
        %dma_wait3A_186 = arith.constant 0 : i32
        %dma_wait3A_187 = tpu.memref_slice %arg8[%dma_wait3A_185, %dma_wait3A_186] : memref<40x128xi32, #tpu.memory_space<vmem>> -> memref<1x128xi32, #tpu.memory_space<vmem>>
        %dma_wait3A_188 = tpu.memref_squeeze %dma_wait3A_187 : memref<1x128xi32, #tpu.memory_space<vmem>> -> memref<128xi32, #tpu.memory_space<vmem>>
        %dma_wait3A_189 = arith.constant 0 : i32
        %dma_wait3A_190 = arith.constant 0 : i32
        %dma_wait3A_191 = tpu.memref_slice %arg5[%dma_wait3A_189, %dma_wait3A_190] : memref<367x128xf32, #tpu.memory_space<vmem_shared>> -> memref<367x128xf32, #tpu.memory_space<vmem_shared>>
        tpu.wait_indirect_dma semaphore(%arg13 : memref<!tpu.dma_semaphore, #tpu.memory_space<semaphore_mem>>) src(%dma_wait3A_191 : memref<367x128xf32, #tpu.memory_space<vmem_shared>>) dst(%arg9 : memref<128x128xf32, #tpu.memory_space<vmem>>)
        %dma_start3A_192 = arith.constant 0 : i32
        %dma_start3A_193 = arith.constant 0 : i32
        %dma_start3A_194 = tpu.memref_slice %arg4[%add3A, %sub3A_184, %dma_start3A_192, %dma_start3A_193] : memref<32x800x128x128xf32, #tpu.memory_space<hbm>> -> memref<1x1x128x128xf32, #tpu.memory_space<hbm>>
        %dma_start3A_195 = tpu.memref_squeeze %dma_start3A_194 : memref<1x1x128x128xf32, #tpu.memory_space<hbm>> -> memref<128x128xf32, #tpu.memory_space<hbm>>
        %dma_start3A_196 = arith.constant 0 : i32
        %dma_start3A_197 = arith.constant 0 : i32
        %dma_start3A_198 = tpu.memref_slice %arg4[%add3A, %sub3A_184, %dma_start3A_196, %dma_start3A_197] : memref<32x800x128x128xf32, #tpu.memory_space<hbm>> -> memref<1x1x128x128xf32, #tpu.memory_space<hbm>>
        %dma_start3A_199 = tpu.memref_squeeze %dma_start3A_198 : memref<1x1x128x128xf32, #tpu.memory_space<hbm>> -> memref<128x128xf32, #tpu.memory_space<hbm>>
        tpu.enqueue_dma source(%arg9 : memref<128x128xf32, #tpu.memory_space<vmem>>) target(%dma_start3A_199 : memref<128x128xf32, #tpu.memory_space<hbm>>) target_semaphore(%arg17 : memref<!tpu.dma_semaphore, #tpu.memory_space<semaphore_mem>>)
        %add3A_200 = arith.constant 2 : i32
        %add3A_201 = arith.addi %add3A_142, %add3A_200 : i32
        %ge3A_202 = arith.constant 4 : i32
        %ge3A_203 = arith.cmpi sge, %add3A_201, %ge3A_202 : i32
        %convert_element_type3A_204 = arith.extui %ge3A_203 : i1 to i32
        %cond3A_205 = arith.constant 0 : i32
        %cond3A_206 = arith.cmpi ne, %convert_element_type3A_204, %cond3A_205 : i32
        scf.if %cond3A_206 {
          %dma_wait3A_261 = arith.constant 0 : i32
          %dma_wait3A_262 = arith.constant 0 : i32
          %dma_wait3A_263 = tpu.memref_slice %arg4[%add3A, %add3A_201, %dma_wait3A_261, %dma_wait3A_262] : memref<32x800x128x128xf32, #tpu.memory_space<hbm>> -> memref<1x1x128x128xf32, #tpu.memory_space<hbm>>
          %dma_wait3A_264 = tpu.memref_squeeze %dma_wait3A_263 : memref<1x1x128x128xf32, #tpu.memory_space<hbm>> -> memref<128x128xf32, #tpu.memory_space<hbm>>
          %dma_wait3A_265 = arith.constant 0 : i32
          %dma_wait3A_266 = arith.constant 0 : i32
          %dma_wait3A_267 = tpu.memref_slice %arg4[%add3A, %add3A_201, %dma_wait3A_265, %dma_wait3A_266] : memref<32x800x128x128xf32, #tpu.memory_space<hbm>> -> memref<1x1x128x128xf32, #tpu.memory_space<hbm>>
          %dma_wait3A_268 = tpu.memref_squeeze %dma_wait3A_267 : memref<1x1x128x128xf32, #tpu.memory_space<hbm>> -> memref<128x128xf32, #tpu.memory_space<hbm>>
          tpu.wait_dma2 semaphore(%arg19 : memref<!tpu.dma_semaphore, #tpu.memory_space<semaphore_mem>>) src(%arg11 : memref<128x128xf32, #tpu.memory_space<vmem>>) dst(%dma_wait3A_268 : memref<128x128xf32, #tpu.memory_space<hbm>>)
        } else {
        }
        %mul3A_207 = arith.constant 4 : i32
        %mul3A_208 = arith.muli %mul3A_207, %scan3A_136 : i32
        %add3A_209 = arith.constant 2 : i32
        %add3A_210 = arith.addi %mul3A_208, %add3A_209 : i32
        %dma_start3A_211 = arith.constant 0 : i32
        %dma_start3A_212 = tpu.memref_slice %arg8[%add3A_210, %dma_start3A_211] : memref<40x128xi32, #tpu.memory_space<vmem>> -> memref<1x128xi32, #tpu.memory_space<vmem>>
        %dma_start3A_213 = tpu.memref_squeeze %dma_start3A_212 : memref<1x128xi32, #tpu.memory_space<vmem>> -> memref<128xi32, #tpu.memory_space<vmem>>
        %dma_start3A_214 = arith.constant 0 : i32
        %dma_start3A_215 = arith.constant 0 : i32
        %dma_start3A_216 = tpu.memref_slice %arg5[%dma_start3A_214, %dma_start3A_215] : memref<367x128xf32, #tpu.memory_space<vmem_shared>> -> memref<367x128xf32, #tpu.memory_space<vmem_shared>>
        tpu.enqueue_indirect_dma source(%dma_start3A_216 : memref<367x128xf32, #tpu.memory_space<vmem_shared>>) target(%arg11 : memref<128x128xf32, #tpu.memory_space<vmem>>) offsets(%dma_start3A_213 : memref<128xi32, #tpu.memory_space<vmem>>) semaphore(%arg15 : memref<!tpu.dma_semaphore, #tpu.memory_space<semaphore_mem>>)
        %sub3A_217 = arith.constant 1 : i32
        %sub3A_218 = arith.subi %add3A_201, %sub3A_217 : i32
        %dma_wait3A_219 = arith.constant 0 : i32
        %dma_wait3A_220 = arith.constant 0 : i32
        %dma_wait3A_221 = tpu.memref_slice %arg8[%dma_wait3A_219, %dma_wait3A_220] : memref<40x128xi32, #tpu.memory_space<vmem>> -> memref<1x128xi32, #tpu.memory_space<vmem>>
        %dma_wait3A_222 = tpu.memref_squeeze %dma_wait3A_221 : memref<1x128xi32, #tpu.memory_space<vmem>> -> memref<128xi32, #tpu.memory_space<vmem>>
        %dma_wait3A_223 = arith.constant 0 : i32
        %dma_wait3A_224 = arith.constant 0 : i32
        %dma_wait3A_225 = tpu.memref_slice %arg5[%dma_wait3A_223, %dma_wait3A_224] : memref<367x128xf32, #tpu.memory_space<vmem_shared>> -> memref<367x128xf32, #tpu.memory_space<vmem_shared>>
        tpu.wait_indirect_dma semaphore(%arg14 : memref<!tpu.dma_semaphore, #tpu.memory_space<semaphore_mem>>) src(%dma_wait3A_225 : memref<367x128xf32, #tpu.memory_space<vmem_shared>>) dst(%arg10 : memref<128x128xf32, #tpu.memory_space<vmem>>)
        %dma_start3A_226 = arith.constant 0 : i32
        %dma_start3A_227 = arith.constant 0 : i32
        %dma_start3A_228 = tpu.memref_slice %arg4[%add3A, %sub3A_218, %dma_start3A_226, %dma_start3A_227] : memref<32x800x128x128xf32, #tpu.memory_space<hbm>> -> memref<1x1x128x128xf32, #tpu.memory_space<hbm>>
        %dma_start3A_229 = tpu.memref_squeeze %dma_start3A_228 : memref<1x1x128x128xf32, #tpu.memory_space<hbm>> -> memref<128x128xf32, #tpu.memory_space<hbm>>
        %dma_start3A_230 = arith.constant 0 : i32
        %dma_start3A_231 = arith.constant 0 : i32
        %dma_start3A_232 = tpu.memref_slice %arg4[%add3A, %sub3A_218, %dma_start3A_230, %dma_start3A_231] : memref<32x800x128x128xf32, #tpu.memory_space<hbm>> -> memref<1x1x128x128xf32, #tpu.memory_space<hbm>>
        %dma_start3A_233 = tpu.memref_squeeze %dma_start3A_232 : memref<1x1x128x128xf32, #tpu.memory_space<hbm>> -> memref<128x128xf32, #tpu.memory_space<hbm>>
        tpu.enqueue_dma source(%arg10 : memref<128x128xf32, #tpu.memory_space<vmem>>) target(%dma_start3A_233 : memref<128x128xf32, #tpu.memory_space<hbm>>) target_semaphore(%arg18 : memref<!tpu.dma_semaphore, #tpu.memory_space<semaphore_mem>>)
        %add3A_234 = arith.constant 3 : i32
        %add3A_235 = arith.addi %add3A_142, %add3A_234 : i32
        %ge3A_236 = arith.constant 4 : i32
        %ge3A_237 = arith.cmpi sge, %add3A_235, %ge3A_236 : i32
        %convert_element_type3A_238 = arith.extui %ge3A_237 : i1 to i32
        %cond3A_239 = arith.constant 0 : i32
        %cond3A_240 = arith.cmpi ne, %convert_element_type3A_238, %cond3A_239 : i32
        scf.if %cond3A_240 {
          %dma_wait3A_261 = arith.constant 0 : i32
          %dma_wait3A_262 = arith.constant 0 : i32
          %dma_wait3A_263 = tpu.memref_slice %arg4[%add3A, %add3A_235, %dma_wait3A_261, %dma_wait3A_262] : memref<32x800x128x128xf32, #tpu.memory_space<hbm>> -> memref<1x1x128x128xf32, #tpu.memory_space<hbm>>
          %dma_wait3A_264 = tpu.memref_squeeze %dma_wait3A_263 : memref<1x1x128x128xf32, #tpu.memory_space<hbm>> -> memref<128x128xf32, #tpu.memory_space<hbm>>
          %dma_wait3A_265 = arith.constant 0 : i32
          %dma_wait3A_266 = arith.constant 0 : i32
          %dma_wait3A_267 = tpu.memref_slice %arg4[%add3A, %add3A_235, %dma_wait3A_265, %dma_wait3A_266] : memref<32x800x128x128xf32, #tpu.memory_space<hbm>> -> memref<1x1x128x128xf32, #tpu.memory_space<hbm>>
          %dma_wait3A_268 = tpu.memref_squeeze %dma_wait3A_267 : memref<1x1x128x128xf32, #tpu.memory_space<hbm>> -> memref<128x128xf32, #tpu.memory_space<hbm>>
          tpu.wait_dma2 semaphore(%arg20 : memref<!tpu.dma_semaphore, #tpu.memory_space<semaphore_mem>>) src(%arg12 : memref<128x128xf32, #tpu.memory_space<vmem>>) dst(%dma_wait3A_268 : memref<128x128xf32, #tpu.memory_space<hbm>>)
        } else {
        }
        %mul3A_241 = arith.constant 4 : i32
        %mul3A_242 = arith.muli %mul3A_241, %scan3A_136 : i32
        %add3A_243 = arith.constant 3 : i32
        %add3A_244 = arith.addi %mul3A_242, %add3A_243 : i32
        %scan3A_245 = arith.constant 0 : i32
        %scan3A_246 = arith.constant 0 : i32
        %scan3A_247 = arith.constant 8 : i32
        %scan3A_248 = arith.addi %scan3A_246, %scan3A_247 : i32
        %scan3A_249 = arith.constant 1 : i32
        %scan3A_250 = scf.for %scan3A_261 = %scan3A_246 to %scan3A_248 step %scan3A_249 iter_args(%scan3A_262 = %scan3A_245) -> (i32)  : i32 {
          %mul3A_263 = arith.constant 16 : i32
          %mul3A_264 = arith.muli %mul3A_263, %scan3A_261 : i32
          %get3A = arith.index_cast %add3A_244 : i32 to index
          %get3A_265 = arith.index_cast %mul3A_264 : i32 to index
          %get3A_266 = tpu.vector_load %arg8[%get3A, %get3A_265] {strides = array<i32>} : memref<40x128xi32, #tpu.memory_space<vmem>>, vector<1x16xi32>,
          %get3A_267 = vector.shape_cast %get3A_266 : vector<1x16xi32> to vector<16xi32>
          %slice3A = vector.extract_strided_slice %get3A_267 {offsets = [0], sizes = [1], strides = [1]} : vector<16xi32> to vector<1xi32>
          %squeeze3A = vector.extract %slice3A[0] : i32 from vector<1xi32>
          %mul3A_268 = arith.constant 16 : i32
          %mul3A_269 = arith.muli %mul3A_268, %scan3A_261 : i32
          %add3A_270 = arith.constant 0 : i32
          %add3A_271 = arith.addi %mul3A_269, %add3A_270 : i32
          %get3A_272 = arith.index_cast %squeeze3A : i32 to index
          %get3A_273 = arith.constant 0 : index
          %get3A_274 = tpu.vector_load %arg6[%get3A_272, %get3A_273] {strides = array<i32>} : memref<367x128xf32, #tpu.memory_space<vmem>>, vector<1x16xf32>,
          %get3A_275 = vector.shape_cast %get3A_274 : vector<1x16xf32> to vector<16xf32>
          %swap3A = arith.index_cast %add3A_271 : i32 to index
          %swap3A_276 = arith.constant 0 : index
          %swap3A_277 = tpu.vector_load %arg12[%swap3A, %swap3A_276] {strides = array<i32>} : memref<128x128xf32, #tpu.memory_space<vmem>>, vector<1x16xf32>,
          %swap3A_278 = vector.shape_cast %swap3A_277 : vector<1x16xf32> to vector<16xf32>
          %swap3A_279 = vector.shape_cast %get3A_275 : vector<16xf32> to vector<1x16xf32>
          tpu.vector_store %arg12[%swap3A, %swap3A_276], %swap3A_279 {strides = array<i32>} : memref<128x128xf32, #tpu.memory_space<vmem>>, vector<1x16xf32>,
          %get3A_280 = arith.index_cast %squeeze3A : i32 to index
          %get3A_281 = arith.constant 16 : index
          %get3A_282 = tpu.vector_load %arg6[%get3A_280, %get3A_281] {strides = array<i32>} : memref<367x128xf32, #tpu.memory_space<vmem>>, vector<1x16xf32>,
          %get3A_283 = vector.shape_cast %get3A_282 : vector<1x16xf32> to vector<16xf32>
          %swap3A_284 = arith.index_cast %add3A_271 : i32 to index
          %swap3A_285 = arith.constant 16 : index
          %swap3A_286 = tpu.vector_load %arg12[%swap3A_284, %swap3A_285] {strides = array<i32>} : memref<128x128xf32, #tpu.memory_space<vmem>>, vector<1x16xf32>,
          %swap3A_287 = vector.shape_cast %swap3A_286 : vector<1x16xf32> to vector<16xf32>
          %swap3A_288 = vector.shape_cast %get3A_283 : vector<16xf32> to vector<1x16xf32>
          tpu.vector_store %arg12[%swap3A_284, %swap3A_285], %swap3A_288 {strides = array<i32>} : memref<128x128xf32, #tpu.memory_space<vmem>>, vector<1x16xf32>,
          %get3A_289 = arith.index_cast %squeeze3A : i32 to index
          %get3A_290 = arith.constant 32 : index
          %get3A_291 = tpu.vector_load %arg6[%get3A_289, %get3A_290] {strides = array<i32>} : memref<367x128xf32, #tpu.memory_space<vmem>>, vector<1x16xf32>,
          %get3A_292 = vector.shape_cast %get3A_291 : vector<1x16xf32> to vector<16xf32>
          %swap3A_293 = arith.index_cast %add3A_271 : i32 to index
          %swap3A_294 = arith.constant 32 : index
          %swap3A_295 = tpu.vector_load %arg12[%swap3A_293, %swap3A_294] {strides = array<i32>} : memref<128x128xf32, #tpu.memory_space<vmem>>, vector<1x16xf32>,
          %swap3A_296 = vector.shape_cast %swap3A_295 : vector<1x16xf32> to vector<16xf32>
          %swap3A_297 = vector.shape_cast %get3A_292 : vector<16xf32> to vector<1x16xf32>
          tpu.vector_store %arg12[%swap3A_293, %swap3A_294], %swap3A_297 {strides = array<i32>} : memref<128x128xf32, #tpu.memory_space<vmem>>, vector<1x16xf32>,
          %get3A_298 = arith.index_cast %squeeze3A : i32 to index
          %get3A_299 = arith.constant 48 : index
          %get3A_300 = tpu.vector_load %arg6[%get3A_298, %get3A_299] {strides = array<i32>} : memref<367x128xf32, #tpu.memory_space<vmem>>, vector<1x16xf32>,
          %get3A_301 = vector.shape_cast %get3A_300 : vector<1x16xf32> to vector<16xf32>
          %swap3A_302 = arith.index_cast %add3A_271 : i32 to index
          %swap3A_303 = arith.constant 48 : index
          %swap3A_304 = tpu.vector_load %arg12[%swap3A_302, %swap3A_303] {strides = array<i32>} : memref<128x128xf32, #tpu.memory_space<vmem>>, vector<1x16xf32>,
          %swap3A_305 = vector.shape_cast %swap3A_304 : vector<1x16xf32> to vector<16xf32>
          %swap3A_306 = vector.shape_cast %get3A_301 : vector<16xf32> to vector<1x16xf32>
          tpu.vector_store %arg12[%swap3A_302, %swap3A_303], %swap3A_306 {strides = array<i32>} : memref<128x128xf32, #tpu.memory_space<vmem>>, vector<1x16xf32>,
          %get3A_307 = arith.index_cast %squeeze3A : i32 to index
          %get3A_308 = arith.constant 64 : index
          %get3A_309 = tpu.vector_load %arg6[%get3A_307, %get3A_308] {strides = array<i32>} : memref<367x128xf32, #tpu.memory_space<vmem>>, vector<1x16xf32>,
          %get3A_310 = vector.shape_cast %get3A_309 : vector<1x16xf32> to vector<16xf32>
          %swap3A_311 = arith.index_cast %add3A_271 : i32 to index
          %swap3A_312 = arith.constant 64 : index
          %swap3A_313 = tpu.vector_load %arg12[%swap3A_311, %swap3A_312] {strides = array<i32>} : memref<128x128xf32, #tpu.memory_space<vmem>>, vector<1x16xf32>,
          %swap3A_314 = vector.shape_cast %swap3A_313 : vector<1x16xf32> to vector<16xf32>
          %swap3A_315 = vector.shape_cast %get3A_310 : vector<16xf32> to vector<1x16xf32>
          tpu.vector_store %arg12[%swap3A_311, %swap3A_312], %swap3A_315 {strides = array<i32>} : memref<128x128xf32, #tpu.memory_space<vmem>>, vector<1x16xf32>,
          %get3A_316 = arith.index_cast %squeeze3A : i32 to index
          %get3A_317 = arith.constant 80 : index
          %get3A_318 = tpu.vector_load %arg6[%get3A_316, %get3A_317] {strides = array<i32>} : memref<367x128xf32, #tpu.memory_space<vmem>>, vector<1x16xf32>,
          %get3A_319 = vector.shape_cast %get3A_318 : vector<1x16xf32> to vector<16xf32>
          %swap3A_320 = arith.index_cast %add3A_271 : i32 to index
          %swap3A_321 = arith.constant 80 : index
          %swap3A_322 = tpu.vector_load %arg12[%swap3A_320, %swap3A_321] {strides = array<i32>} : memref<128x128xf32, #tpu.memory_space<vmem>>, vector<1x16xf32>,
          %swap3A_323 = vector.shape_cast %swap3A_322 : vector<1x16xf32> to vector<16xf32>
          %swap3A_324 = vector.shape_cast %get3A_319 : vector<16xf32> to vector<1x16xf32>
          tpu.vector_store %arg12[%swap3A_320, %swap3A_321], %swap3A_324 {strides = array<i32>} : memref<128x128xf32, #tpu.memory_space<vmem>>, vector<1x16xf32>,
          %get3A_325 = arith.index_cast %squeeze3A : i32 to index
          %get3A_326 = arith.constant 96 : index
          %get3A_327 = tpu.vector_load %arg6[%get3A_325, %get3A_326] {strides = array<i32>} : memref<367x128xf32, #tpu.memory_space<vmem>>, vector<1x16xf32>,
          %get3A_328 = vector.shape_cast %get3A_327 : vector<1x16xf32> to vector<16xf32>
          %swap3A_329 = arith.index_cast %add3A_271 : i32 to index
          %swap3A_330 = arith.constant 96 : index
          %swap3A_331 = tpu.vector_load %arg12[%swap3A_329, %swap3A_330] {strides = array<i32>} : memref<128x128xf32, #tpu.memory_space<vmem>>, vector<1x16xf32>,
          %swap3A_332 = vector.shape_cast %swap3A_331 : vector<1x16xf32> to vector<16xf32>
          %swap3A_333 = vector.shape_cast %get3A_328 : vector<16xf32> to vector<1x16xf32>
          tpu.vector_store %arg12[%swap3A_329, %swap3A_330], %swap3A_333 {strides = array<i32>} : memref<128x128xf32, #tpu.memory_space<vmem>>, vector<1x16xf32>,
          %get3A_334 = arith.index_cast %squeeze3A : i32 to index
          %get3A_335 = arith.constant 112 : index
          %get3A_336 = tpu.vector_load %arg6[%get3A_334, %get3A_335] {strides = array<i32>} : memref<367x128xf32, #tpu.memory_space<vmem>>, vector<1x16xf32>,
          %get3A_337 = vector.shape_cast %get3A_336 : vector<1x16xf32> to vector<16xf32>
          %swap3A_338 = arith.index_cast %add3A_271 : i32 to index
          %swap3A_339 = arith.constant 112 : index
          %swap3A_340 = tpu.vector_load %arg12[%swap3A_338, %swap3A_339] {strides = array<i32>} : memref<128x128xf32, #tpu.memory_space<vmem>>, vector<1x16xf32>,
          %swap3A_341 = vector.shape_cast %swap3A_340 : vector<1x16xf32> to vector<16xf32>
          %swap3A_342 = vector.shape_cast %get3A_337 : vector<16xf32> to vector<1x16xf32>
          tpu.vector_store %arg12[%swap3A_338, %swap3A_339], %swap3A_342 {strides = array<i32>} : memref<128x128xf32, #tpu.memory_space<vmem>>, vector<1x16xf32>,
          %slice3A_343 = vector.extract_strided_slice %get3A_267 {offsets = [1], sizes = [1], strides = [1]} : vector<16xi32> to vector<1xi32>
          %squeeze3A_344 = vector.extract %slice3A_343[0] : i32 from vector<1xi32>
          %mul3A_345 = arith.constant 16 : i32
          %mul3A_346 = arith.muli %mul3A_345, %scan3A_261 : i32
          %add3A_347 = arith.constant 1 : i32
          %add3A_348 = arith.addi %mul3A_346, %add3A_347 : i32
          %get3A_349 = arith.index_cast %squeeze3A_344 : i32 to index
          %get3A_350 = arith.constant 0 : index
          %get3A_351 = tpu.vector_load %arg6[%get3A_349, %get3A_350] {strides = array<i32>} : memref<367x128xf32, #tpu.memory_space<vmem>>, vector<1x16xf32>,
          %get3A_352 = vector.shape_cast %get3A_351 : vector<1x16xf32> to vector<16xf32>
          %swap3A_353 = arith.index_cast %add3A_348 : i32 to index
          %swap3A_354 = arith.constant 0 : index
          %swap3A_355 = tpu.vector_load %arg12[%swap3A_353, %swap3A_354] {strides = array<i32>} : memref<128x128xf32, #tpu.memory_space<vmem>>, vector<1x16xf32>,
          %swap3A_356 = vector.shape_cast %swap3A_355 : vector<1x16xf32> to vector<16xf32>
          %swap3A_357 = vector.shape_cast %get3A_352 : vector<16xf32> to vector<1x16xf32>
          tpu.vector_store %arg12[%swap3A_353, %swap3A_354], %swap3A_357 {strides = array<i32>} : memref<128x128xf32, #tpu.memory_space<vmem>>, vector<1x16xf32>,
          %get3A_358 = arith.index_cast %squeeze3A_344 : i32 to index
          %get3A_359 = arith.constant 16 : index
          %get3A_360 = tpu.vector_load %arg6[%get3A_358, %get3A_359] {strides = array<i32>} : memref<367x128xf32, #tpu.memory_space<vmem>>, vector<1x16xf32>,
          %get3A_361 = vector.shape_cast %get3A_360 : vector<1x16xf32> to vector<16xf32>
          %swap3A_362 = arith.index_cast %add3A_348 : i32 to index
          %swap3A_363 = arith.constant 16 : index
          %swap3A_364 = tpu.vector_load %arg12[%swap3A_362, %swap3A_363] {strides = array<i32>} : memref<128x128xf32, #tpu.memory_space<vmem>>, vector<1x16xf32>,
          %swap3A_365 = vector.shape_cast %swap3A_364 : vector<1x16xf32> to vector<16xf32>
          %swap3A_366 = vector.shape_cast %get3A_361 : vector<16xf32> to vector<1x16xf32>
          tpu.vector_store %arg12[%swap3A_362, %swap3A_363], %swap3A_366 {strides = array<i32>} : memref<128x128xf32, #tpu.memory_space<vmem>>, vector<1x16xf32>,
          %get3A_367 = arith.index_cast %squeeze3A_344 : i32 to index
          %get3A_368 = arith.constant 32 : index
          %get3A_369 = tpu.vector_load %arg6[%get3A_367, %get3A_368] {strides = array<i32>} : memref<367x128xf32, #tpu.memory_space<vmem>>, vector<1x16xf32>,
          %get3A_370 = vector.shape_cast %get3A_369 : vector<1x16xf32> to vector<16xf32>
          %swap3A_371 = arith.index_cast %add3A_348 : i32 to index
          %swap3A_372 = arith.constant 32 : index
          %swap3A_373 = tpu.vector_load %arg12[%swap3A_371, %swap3A_372] {strides = array<i32>} : memref<128x128xf32, #tpu.memory_space<vmem>>, vector<1x16xf32>,
          %swap3A_374 = vector.shape_cast %swap3A_373 : vector<1x16xf32> to vector<16xf32>
          %swap3A_375 = vector.shape_cast %get3A_370 : vector<16xf32> to vector<1x16xf32>
          tpu.vector_store %arg12[%swap3A_371, %swap3A_372], %swap3A_375 {strides = array<i32>} : memref<128x128xf32, #tpu.memory_space<vmem>>, vector<1x16xf32>,
          %get3A_376 = arith.index_cast %squeeze3A_344 : i32 to index
          %get3A_377 = arith.constant 48 : index
          %get3A_378 = tpu.vector_load %arg6[%get3A_376, %get3A_377] {strides = array<i32>} : memref<367x128xf32, #tpu.memory_space<vmem>>, vector<1x16xf32>,
          %get3A_379 = vector.shape_cast %get3A_378 : vector<1x16xf32> to vector<16xf32>
          %swap3A_380 = arith.index_cast %add3A_348 : i32 to index
          %swap3A_381 = arith.constant 48 : index
          %swap3A_382 = tpu.vector_load %arg12[%swap3A_380, %swap3A_381] {strides = array<i32>} : memref<128x128xf32, #tpu.memory_space<vmem>>, vector<1x16xf32>,
          %swap3A_383 = vector.shape_cast %swap3A_382 : vector<1x16xf32> to vector<16xf32>
          %swap3A_384 = vector.shape_cast %get3A_379 : vector<16xf32> to vector<1x16xf32>
          tpu.vector_store %arg12[%swap3A_380, %swap3A_381], %swap3A_384 {strides = array<i32>} : memref<128x128xf32, #tpu.memory_space<vmem>>, vector<1x16xf32>,
          %get3A_385 = arith.index_cast %squeeze3A_344 : i32 to index
          %get3A_386 = arith.constant 64 : index
          %get3A_387 = tpu.vector_load %arg6[%get3A_385, %get3A_386] {strides = array<i32>} : memref<367x128xf32, #tpu.memory_space<vmem>>, vector<1x16xf32>,
          %get3A_388 = vector.shape_cast %get3A_387 : vector<1x16xf32> to vector<16xf32>
          %swap3A_389 = arith.index_cast %add3A_348 : i32 to index
          %swap3A_390 = arith.constant 64 : index
          %swap3A_391 = tpu.vector_load %arg12[%swap3A_389, %swap3A_390] {strides = array<i32>} : memref<128x128xf32, #tpu.memory_space<vmem>>, vector<1x16xf32>,
          %swap3A_392 = vector.shape_cast %swap3A_391 : vector<1x16xf32> to vector<16xf32>
          %swap3A_393 = vector.shape_cast %get3A_388 : vector<16xf32> to vector<1x16xf32>
          tpu.vector_store %arg12[%swap3A_389, %swap3A_390], %swap3A_393 {strides = array<i32>} : memref<128x128xf32, #tpu.memory_space<vmem>>, vector<1x16xf32>,
          %get3A_394 = arith.index_cast %squeeze3A_344 : i32 to index
          %get3A_395 = arith.constant 80 : index
          %get3A_396 = tpu.vector_load %arg6[%get3A_394, %get3A_395] {strides = array<i32>} : memref<367x128xf32, #tpu.memory_space<vmem>>, vector<1x16xf32>,
          %get3A_397 = vector.shape_cast %get3A_396 : vector<1x16xf32> to vector<16xf32>
          %swap3A_398 = arith.index_cast %add3A_348 : i32 to index
          %swap3A_399 = arith.constant 80 : index
          %swap3A_400 = tpu.vector_load %arg12[%swap3A_398, %swap3A_399] {strides = array<i32>} : memref<128x128xf32, #tpu.memory_space<vmem>>, vector<1x16xf32>,
          %swap3A_401 = vector.shape_cast %swap3A_400 : vector<1x16xf32> to vector<16xf32>
          %swap3A_402 = vector.shape_cast %get3A_397 : vector<16xf32> to vector<1x16xf32>
          tpu.vector_store %arg12[%swap3A_398, %swap3A_399], %swap3A_402 {strides = array<i32>} : memref<128x128xf32, #tpu.memory_space<vmem>>, vector<1x16xf32>,
          %get3A_403 = arith.index_cast %squeeze3A_344 : i32 to index
          %get3A_404 = arith.constant 96 : index
          %get3A_405 = tpu.vector_load %arg6[%get3A_403, %get3A_404] {strides = array<i32>} : memref<367x128xf32, #tpu.memory_space<vmem>>, vector<1x16xf32>,
          %get3A_406 = vector.shape_cast %get3A_405 : vector<1x16xf32> to vector<16xf32>
          %swap3A_407 = arith.index_cast %add3A_348 : i32 to index
          %swap3A_408 = arith.constant 96 : index
          %swap3A_409 = tpu.vector_load %arg12[%swap3A_407, %swap3A_408] {strides = array<i32>} : memref<128x128xf32, #tpu.memory_space<vmem>>, vector<1x16xf32>,
          %swap3A_410 = vector.shape_cast %swap3A_409 : vector<1x16xf32> to vector<16xf32>
          %swap3A_411 = vector.shape_cast %get3A_406 : vector<16xf32> to vector<1x16xf32>
          tpu.vector_store %arg12[%swap3A_407, %swap3A_408], %swap3A_411 {strides = array<i32>} : memref<128x128xf32, #tpu.memory_space<vmem>>, vector<1x16xf32>,
          %get3A_412 = arith.index_cast %squeeze3A_344 : i32 to index
          %get3A_413 = arith.constant 112 : index
          %get3A_414 = tpu.vector_load %arg6[%get3A_412, %get3A_413] {strides = array<i32>} : memref<367x128xf32, #tpu.memory_space<vmem>>, vector<1x16xf32>,
          %get3A_415 = vector.shape_cast %get3A_414 : vector<1x16xf32> to vector<16xf32>
          %swap3A_416 = arith.index_cast %add3A_348 : i32 to index
          %swap3A_417 = arith.constant 112 : index
          %swap3A_418 = tpu.vector_load %arg12[%swap3A_416, %swap3A_417] {strides = array<i32>} : memref<128x128xf32, #tpu.memory_space<vmem>>, vector<1x16xf32>,
          %swap3A_419 = vector.shape_cast %swap3A_418 : vector<1x16xf32> to vector<16xf32>
          %swap3A_420 = vector.shape_cast %get3A_415 : vector<16xf32> to vector<1x16xf32>
          tpu.vector_store %arg12[%swap3A_416, %swap3A_417], %swap3A_420 {strides = array<i32>} : memref<128x128xf32, #tpu.memory_space<vmem>>, vector<1x16xf32>,
          %slice3A_421 = vector.extract_strided_slice %get3A_267 {offsets = [2], sizes = [1], strides = [1]} : vector<16xi32> to vector<1xi32>
          %squeeze3A_422 = vector.extract %slice3A_421[0] : i32 from vector<1xi32>
          %mul3A_423 = arith.constant 16 : i32
          %mul3A_424 = arith.muli %mul3A_423, %scan3A_261 : i32
          %add3A_425 = arith.constant 2 : i32
          %add3A_426 = arith.addi %mul3A_424, %add3A_425 : i32
          %get3A_427 = arith.index_cast %squeeze3A_422 : i32 to index
          %get3A_428 = arith.constant 0 : index
          %get3A_429 = tpu.vector_load %arg6[%get3A_427, %get3A_428] {strides = array<i32>} : memref<367x128xf32, #tpu.memory_space<vmem>>, vector<1x16xf32>,
          %get3A_430 = vector.shape_cast %get3A_429 : vector<1x16xf32> to vector<16xf32>
          %swap3A_431 = arith.index_cast %add3A_426 : i32 to index
          %swap3A_432 = arith.constant 0 : index
          %swap3A_433 = tpu.vector_load %arg12[%swap3A_431, %swap3A_432] {strides = array<i32>} : memref<128x128xf32, #tpu.memory_space<vmem>>, vector<1x16xf32>,
          %swap3A_434 = vector.shape_cast %swap3A_433 : vector<1x16xf32> to vector<16xf32>
          %swap3A_435 = vector.shape_cast %get3A_430 : vector<16xf32> to vector<1x16xf32>
          tpu.vector_store %arg12[%swap3A_431, %swap3A_432], %swap3A_435 {strides = array<i32>} : memref<128x128xf32, #tpu.memory_space<vmem>>, vector<1x16xf32>,
          %get3A_436 = arith.index_cast %squeeze3A_422 : i32 to index
          %get3A_437 = arith.constant 16 : index
          %get3A_438 = tpu.vector_load %arg6[%get3A_436, %get3A_437] {strides = array<i32>} : memref<367x128xf32, #tpu.memory_space<vmem>>, vector<1x16xf32>,
          %get3A_439 = vector.shape_cast %get3A_438 : vector<1x16xf32> to vector<16xf32>
          %swap3A_440 = arith.index_cast %add3A_426 : i32 to index
          %swap3A_441 = arith.constant 16 : index
          %swap3A_442 = tpu.vector_load %arg12[%swap3A_440, %swap3A_441] {strides = array<i32>} : memref<128x128xf32, #tpu.memory_space<vmem>>, vector<1x16xf32>,
          %swap3A_443 = vector.shape_cast %swap3A_442 : vector<1x16xf32> to vector<16xf32>
          %swap3A_444 = vector.shape_cast %get3A_439 : vector<16xf32> to vector<1x16xf32>
          tpu.vector_store %arg12[%swap3A_440, %swap3A_441], %swap3A_444 {strides = array<i32>} : memref<128x128xf32, #tpu.memory_space<vmem>>, vector<1x16xf32>,
          %get3A_445 = arith.index_cast %squeeze3A_422 : i32 to index
          %get3A_446 = arith.constant 32 : index
          %get3A_447 = tpu.vector_load %arg6[%get3A_445, %get3A_446] {strides = array<i32>} : memref<367x128xf32, #tpu.memory_space<vmem>>, vector<1x16xf32>,
          %get3A_448 = vector.shape_cast %get3A_447 : vector<1x16xf32> to vector<16xf32>
          %swap3A_449 = arith.index_cast %add3A_426 : i32 to index
          %swap3A_450 = arith.constant 32 : index
          %swap3A_451 = tpu.vector_load %arg12[%swap3A_449, %swap3A_450] {strides = array<i32>} : memref<128x128xf32, #tpu.memory_space<vmem>>, vector<1x16xf32>,
          %swap3A_452 = vector.shape_cast %swap3A_451 : vector<1x16xf32> to vector<16xf32>
          %swap3A_453 = vector.shape_cast %get3A_448 : vector<16xf32> to vector<1x16xf32>
          tpu.vector_store %arg12[%swap3A_449, %swap3A_450], %swap3A_453 {strides = array<i32>} : memref<128x128xf32, #tpu.memory_space<vmem>>, vector<1x16xf32>,
          %get3A_454 = arith.index_cast %squeeze3A_422 : i32 to index
          %get3A_455 = arith.constant 48 : index
          %get3A_456 = tpu.vector_load %arg6[%get3A_454, %get3A_455] {strides = array<i32>} : memref<367x128xf32, #tpu.memory_space<vmem>>, vector<1x16xf32>,
          %get3A_457 = vector.shape_cast %get3A_456 : vector<1x16xf32> to vector<16xf32>
          %swap3A_458 = arith.index_cast %add3A_426 : i32 to index
          %swap3A_459 = arith.constant 48 : index
          %swap3A_460 = tpu.vector_load %arg12[%swap3A_458, %swap3A_459] {strides = array<i32>} : memref<128x128xf32, #tpu.memory_space<vmem>>, vector<1x16xf32>,
          %swap3A_461 = vector.shape_cast %swap3A_460 : vector<1x16xf32> to vector<16xf32>
          %swap3A_462 = vector.shape_cast %get3A_457 : vector<16xf32> to vector<1x16xf32>
          tpu.vector_store %arg12[%swap3A_458, %swap3A_459], %swap3A_462 {strides = array<i32>} : memref<128x128xf32, #tpu.memory_space<vmem>>, vector<1x16xf32>,
          %get3A_463 = arith.index_cast %squeeze3A_422 : i32 to index
          %get3A_464 = arith.constant 64 : index
          %get3A_465 = tpu.vector_load %arg6[%get3A_463, %get3A_464] {strides = array<i32>} : memref<367x128xf32, #tpu.memory_space<vmem>>, vector<1x16xf32>,
          %get3A_466 = vector.shape_cast %get3A_465 : vector<1x16xf32> to vector<16xf32>
          %swap3A_467 = arith.index_cast %add3A_426 : i32 to index
          %swap3A_468 = arith.constant 64 : index
          %swap3A_469 = tpu.vector_load %arg12[%swap3A_467, %swap3A_468] {strides = array<i32>} : memref<128x128xf32, #tpu.memory_space<vmem>>, vector<1x16xf32>,
          %swap3A_470 = vector.shape_cast %swap3A_469 : vector<1x16xf32> to vector<16xf32>
          %swap3A_471 = vector.shape_cast %get3A_466 : vector<16xf32> to vector<1x16xf32>
          tpu.vector_store %arg12[%swap3A_467, %swap3A_468], %swap3A_471 {strides = array<i32>} : memref<128x128xf32, #tpu.memory_space<vmem>>, vector<1x16xf32>,
          %get3A_472 = arith.index_cast %squeeze3A_422 : i32 to index
          %get3A_473 = arith.constant 80 : index
          %get3A_474 = tpu.vector_load %arg6[%get3A_472, %get3A_473] {strides = array<i32>} : memref<367x128xf32, #tpu.memory_space<vmem>>, vector<1x16xf32>,
          %get3A_475 = vector.shape_cast %get3A_474 : vector<1x16xf32> to vector<16xf32>
          %swap3A_476 = arith.index_cast %add3A_426 : i32 to index
          %swap3A_477 = arith.constant 80 : index
          %swap3A_478 = tpu.vector_load %arg12[%swap3A_476, %swap3A_477] {strides = array<i32>} : memref<128x128xf32, #tpu.memory_space<vmem>>, vector<1x16xf32>,
          %swap3A_479 = vector.shape_cast %swap3A_478 : vector<1x16xf32> to vector<16xf32>
          %swap3A_480 = vector.shape_cast %get3A_475 : vector<16xf32> to vector<1x16xf32>
          tpu.vector_store %arg12[%swap3A_476, %swap3A_477], %swap3A_480 {strides = array<i32>} : memref<128x128xf32, #tpu.memory_space<vmem>>, vector<1x16xf32>,
          %get3A_481 = arith.index_cast %squeeze3A_422 : i32 to index
          %get3A_482 = arith.constant 96 : index
          %get3A_483 = tpu.vector_load %arg6[%get3A_481, %get3A_482] {strides = array<i32>} : memref<367x128xf32, #tpu.memory_space<vmem>>, vector<1x16xf32>,
          %get3A_484 = vector.shape_cast %get3A_483 : vector<1x16xf32> to vector<16xf32>
          %swap3A_485 = arith.index_cast %add3A_426 : i32 to index
          %swap3A_486 = arith.constant 96 : index
          %swap3A_487 = tpu.vector_load %arg12[%swap3A_485, %swap3A_486] {strides = array<i32>} : memref<128x128xf32, #tpu.memory_space<vmem>>, vector<1x16xf32>,
          %swap3A_488 = vector.shape_cast %swap3A_487 : vector<1x16xf32> to vector<16xf32>
          %swap3A_489 = vector.shape_cast %get3A_484 : vector<16xf32> to vector<1x16xf32>
          tpu.vector_store %arg12[%swap3A_485, %swap3A_486], %swap3A_489 {strides = array<i32>} : memref<128x128xf32, #tpu.memory_space<vmem>>, vector<1x16xf32>,
          %get3A_490 = arith.index_cast %squeeze3A_422 : i32 to index
          %get3A_491 = arith.constant 112 : index
          %get3A_492 = tpu.vector_load %arg6[%get3A_490, %get3A_491] {strides = array<i32>} : memref<367x128xf32, #tpu.memory_space<vmem>>, vector<1x16xf32>,
          %get3A_493 = vector.shape_cast %get3A_492 : vector<1x16xf32> to vector<16xf32>
          %swap3A_494 = arith.index_cast %add3A_426 : i32 to index
          %swap3A_495 = arith.constant 112 : index
          %swap3A_496 = tpu.vector_load %arg12[%swap3A_494, %swap3A_495] {strides = array<i32>} : memref<128x128xf32, #tpu.memory_space<vmem>>, vector<1x16xf32>,
          %swap3A_497 = vector.shape_cast %swap3A_496 : vector<1x16xf32> to vector<16xf32>
          %swap3A_498 = vector.shape_cast %get3A_493 : vector<16xf32> to vector<1x16xf32>
          tpu.vector_store %arg12[%swap3A_494, %swap3A_495], %swap3A_498 {strides = array<i32>} : memref<128x128xf32, #tpu.memory_space<vmem>>, vector<1x16xf32>,
          %slice3A_499 = vector.extract_strided_slice %get3A_267 {offsets = [3], sizes = [1], strides = [1]} : vector<16xi32> to vector<1xi32>
          %squeeze3A_500 = vector.extract %slice3A_499[0] : i32 from vector<1xi32>
          %mul3A_501 = arith.constant 16 : i32
          %mul3A_502 = arith.muli %mul3A_501, %scan3A_261 : i32
          %add3A_503 = arith.constant 3 : i32
          %add3A_504 = arith.addi %mul3A_502, %add3A_503 : i32
          %get3A_505 = arith.index_cast %squeeze3A_500 : i32 to index
          %get3A_506 = arith.constant 0 : index
          %get3A_507 = tpu.vector_load %arg6[%get3A_505, %get3A_506] {strides = array<i32>} : memref<367x128xf32, #tpu.memory_space<vmem>>, vector<1x16xf32>,
          %get3A_508 = vector.shape_cast %get3A_507 : vector<1x16xf32> to vector<16xf32>
          %swap3A_509 = arith.index_cast %add3A_504 : i32 to index
          %swap3A_510 = arith.constant 0 : index
          %swap3A_511 = tpu.vector_load %arg12[%swap3A_509, %swap3A_510] {strides = array<i32>} : memref<128x128xf32, #tpu.memory_space<vmem>>, vector<1x16xf32>,
          %swap3A_512 = vector.shape_cast %swap3A_511 : vector<1x16xf32> to vector<16xf32>
          %swap3A_513 = vector.shape_cast %get3A_508 : vector<16xf32> to vector<1x16xf32>
          tpu.vector_store %arg12[%swap3A_509, %swap3A_510], %swap3A_513 {strides = array<i32>} : memref<128x128xf32, #tpu.memory_space<vmem>>, vector<1x16xf32>,
          %get3A_514 = arith.index_cast %squeeze3A_500 : i32 to index
          %get3A_515 = arith.constant 16 : index
          %get3A_516 = tpu.vector_load %arg6[%get3A_514, %get3A_515] {strides = array<i32>} : memref<367x128xf32, #tpu.memory_space<vmem>>, vector<1x16xf32>,
          %get3A_517 = vector.shape_cast %get3A_516 : vector<1x16xf32> to vector<16xf32>
          %swap3A_518 = arith.index_cast %add3A_504 : i32 to index
          %swap3A_519 = arith.constant 16 : index
          %swap3A_520 = tpu.vector_load %arg12[%swap3A_518, %swap3A_519] {strides = array<i32>} : memref<128x128xf32, #tpu.memory_space<vmem>>, vector<1x16xf32>,
          %swap3A_521 = vector.shape_cast %swap3A_520 : vector<1x16xf32> to vector<16xf32>
          %swap3A_522 = vector.shape_cast %get3A_517 : vector<16xf32> to vector<1x16xf32>
          tpu.vector_store %arg12[%swap3A_518, %swap3A_519], %swap3A_522 {strides = array<i32>} : memref<128x128xf32, #tpu.memory_space<vmem>>, vector<1x16xf32>,
          %get3A_523 = arith.index_cast %squeeze3A_500 : i32 to index
          %get3A_524 = arith.constant 32 : index
          %get3A_525 = tpu.vector_load %arg6[%get3A_523, %get3A_524] {strides = array<i32>} : memref<367x128xf32, #tpu.memory_space<vmem>>, vector<1x16xf32>,
          %get3A_526 = vector.shape_cast %get3A_525 : vector<1x16xf32> to vector<16xf32>
          %swap3A_527 = arith.index_cast %add3A_504 : i32 to index
          %swap3A_528 = arith.constant 32 : index
          %swap3A_529 = tpu.vector_load %arg12[%swap3A_527, %swap3A_528] {strides = array<i32>} : memref<128x128xf32, #tpu.memory_space<vmem>>, vector<1x16xf32>,
          %swap3A_530 = vector.shape_cast %swap3A_529 : vector<1x16xf32> to vector<16xf32>
          %swap3A_531 = vector.shape_cast %get3A_526 : vector<16xf32> to vector<1x16xf32>
          tpu.vector_store %arg12[%swap3A_527, %swap3A_528], %swap3A_531 {strides = array<i32>} : memref<128x128xf32, #tpu.memory_space<vmem>>, vector<1x16xf32>,
          %get3A_532 = arith.index_cast %squeeze3A_500 : i32 to index
          %get3A_533 = arith.constant 48 : index
          %get3A_534 = tpu.vector_load %arg6[%get3A_532, %get3A_533] {strides = array<i32>} : memref<367x128xf32, #tpu.memory_space<vmem>>, vector<1x16xf32>,
          %get3A_535 = vector.shape_cast %get3A_534 : vector<1x16xf32> to vector<16xf32>
          %swap3A_536 = arith.index_cast %add3A_504 : i32 to index
          %swap3A_537 = arith.constant 48 : index
          %swap3A_538 = tpu.vector_load %arg12[%swap3A_536, %swap3A_537] {strides = array<i32>} : memref<128x128xf32, #tpu.memory_space<vmem>>, vector<1x16xf32>,
          %swap3A_539 = vector.shape_cast %swap3A_538 : vector<1x16xf32> to vector<16xf32>
          %swap3A_540 = vector.shape_cast %get3A_535 : vector<16xf32> to vector<1x16xf32>
          tpu.vector_store %arg12[%swap3A_536, %swap3A_537], %swap3A_540 {strides = array<i32>} : memref<128x128xf32, #tpu.memory_space<vmem>>, vector<1x16xf32>,
          %get3A_541 = arith.index_cast %squeeze3A_500 : i32 to index
          %get3A_542 = arith.constant 64 : index
          %get3A_543 = tpu.vector_load %arg6[%get3A_541, %get3A_542] {strides = array<i32>} : memref<367x128xf32, #tpu.memory_space<vmem>>, vector<1x16xf32>,
          %get3A_544 = vector.shape_cast %get3A_543 : vector<1x16xf32> to vector<16xf32>
          %swap3A_545 = arith.index_cast %add3A_504 : i32 to index
          %swap3A_546 = arith.constant 64 : index
          %swap3A_547 = tpu.vector_load %arg12[%swap3A_545, %swap3A_546] {strides = array<i32>} : memref<128x128xf32, #tpu.memory_space<vmem>>, vector<1x16xf32>,
          %swap3A_548 = vector.shape_cast %swap3A_547 : vector<1x16xf32> to vector<16xf32>
          %swap3A_549 = vector.shape_cast %get3A_544 : vector<16xf32> to vector<1x16xf32>
          tpu.vector_store %arg12[%swap3A_545, %swap3A_546], %swap3A_549 {strides = array<i32>} : memref<128x128xf32, #tpu.memory_space<vmem>>, vector<1x16xf32>,
          %get3A_550 = arith.index_cast %squeeze3A_500 : i32 to index
          %get3A_551 = arith.constant 80 : index
          %get3A_552 = tpu.vector_load %arg6[%get3A_550, %get3A_551] {strides = array<i32>} : memref<367x128xf32, #tpu.memory_space<vmem>>, vector<1x16xf32>,
          %get3A_553 = vector.shape_cast %get3A_552 : vector<1x16xf32> to vector<16xf32>
          %swap3A_554 = arith.index_cast %add3A_504 : i32 to index
          %swap3A_555 = arith.constant 80 : index
          %swap3A_556 = tpu.vector_load %arg12[%swap3A_554, %swap3A_555] {strides = array<i32>} : memref<128x128xf32, #tpu.memory_space<vmem>>, vector<1x16xf32>,
          %swap3A_557 = vector.shape_cast %swap3A_556 : vector<1x16xf32> to vector<16xf32>
          %swap3A_558 = vector.shape_cast %get3A_553 : vector<16xf32> to vector<1x16xf32>
          tpu.vector_store %arg12[%swap3A_554, %swap3A_555], %swap3A_558 {strides = array<i32>} : memref<128x128xf32, #tpu.memory_space<vmem>>, vector<1x16xf32>,
          %get3A_559 = arith.index_cast %squeeze3A_500 : i32 to index
          %get3A_560 = arith.constant 96 : index
          %get3A_561 = tpu.vector_load %arg6[%get3A_559, %get3A_560] {strides = array<i32>} : memref<367x128xf32, #tpu.memory_space<vmem>>, vector<1x16xf32>,
          %get3A_562 = vector.shape_cast %get3A_561 : vector<1x16xf32> to vector<16xf32>
          %swap3A_563 = arith.index_cast %add3A_504 : i32 to index
          %swap3A_564 = arith.constant 96 : index
          %swap3A_565 = tpu.vector_load %arg12[%swap3A_563, %swap3A_564] {strides = array<i32>} : memref<128x128xf32, #tpu.memory_space<vmem>>, vector<1x16xf32>,
          %swap3A_566 = vector.shape_cast %swap3A_565 : vector<1x16xf32> to vector<16xf32>
          %swap3A_567 = vector.shape_cast %get3A_562 : vector<16xf32> to vector<1x16xf32>
          tpu.vector_store %arg12[%swap3A_563, %swap3A_564], %swap3A_567 {strides = array<i32>} : memref<128x128xf32, #tpu.memory_space<vmem>>, vector<1x16xf32>,
          %get3A_568 = arith.index_cast %squeeze3A_500 : i32 to index
          %get3A_569 = arith.constant 112 : index
          %get3A_570 = tpu.vector_load %arg6[%get3A_568, %get3A_569] {strides = array<i32>} : memref<367x128xf32, #tpu.memory_space<vmem>>, vector<1x16xf32>,
          %get3A_571 = vector.shape_cast %get3A_570 : vector<1x16xf32> to vector<16xf32>
          %swap3A_572 = arith.index_cast %add3A_504 : i32 to index
          %swap3A_573 = arith.constant 112 : index
          %swap3A_574 = tpu.vector_load %arg12[%swap3A_572, %swap3A_573] {strides = array<i32>} : memref<128x128xf32, #tpu.memory_space<vmem>>, vector<1x16xf32>,
          %swap3A_575 = vector.shape_cast %swap3A_574 : vector<1x16xf32> to vector<16xf32>
          %swap3A_576 = vector.shape_cast %get3A_571 : vector<16xf32> to vector<1x16xf32>
          tpu.vector_store %arg12[%swap3A_572, %swap3A_573], %swap3A_576 {strides = array<i32>} : memref<128x128xf32, #tpu.memory_space<vmem>>, vector<1x16xf32>,
          %slice3A_577 = vector.extract_strided_slice %get3A_267 {offsets = [4], sizes = [1], strides = [1]} : vector<16xi32> to vector<1xi32>
          %squeeze3A_578 = vector.extract %slice3A_577[0] : i32 from vector<1xi32>
          %mul3A_579 = arith.constant 16 : i32
          %mul3A_580 = arith.muli %mul3A_579, %scan3A_261 : i32
          %add3A_581 = arith.constant 4 : i32
          %add3A_582 = arith.addi %mul3A_580, %add3A_581 : i32
          %get3A_583 = arith.index_cast %squeeze3A_578 : i32 to index
          %get3A_584 = arith.constant 0 : index
          %get3A_585 = tpu.vector_load %arg6[%get3A_583, %get3A_584] {strides = array<i32>} : memref<367x128xf32, #tpu.memory_space<vmem>>, vector<1x16xf32>,
          %get3A_586 = vector.shape_cast %get3A_585 : vector<1x16xf32> to vector<16xf32>
          %swap3A_587 = arith.index_cast %add3A_582 : i32 to index
          %swap3A_588 = arith.constant 0 : index
          %swap3A_589 = tpu.vector_load %arg12[%swap3A_587, %swap3A_588] {strides = array<i32>} : memref<128x128xf32, #tpu.memory_space<vmem>>, vector<1x16xf32>,
          %swap3A_590 = vector.shape_cast %swap3A_589 : vector<1x16xf32> to vector<16xf32>
          %swap3A_591 = vector.shape_cast %get3A_586 : vector<16xf32> to vector<1x16xf32>
          tpu.vector_store %arg12[%swap3A_587, %swap3A_588], %swap3A_591 {strides = array<i32>} : memref<128x128xf32, #tpu.memory_space<vmem>>, vector<1x16xf32>,
          %get3A_592 = arith.index_cast %squeeze3A_578 : i32 to index
          %get3A_593 = arith.constant 16 : index
          %get3A_594 = tpu.vector_load %arg6[%get3A_592, %get3A_593] {strides = array<i32>} : memref<367x128xf32, #tpu.memory_space<vmem>>, vector<1x16xf32>,
          %get3A_595 = vector.shape_cast %get3A_594 : vector<1x16xf32> to vector<16xf32>
          %swap3A_596 = arith.index_cast %add3A_582 : i32 to index
          %swap3A_597 = arith.constant 16 : index
          %swap3A_598 = tpu.vector_load %arg12[%swap3A_596, %swap3A_597] {strides = array<i32>} : memref<128x128xf32, #tpu.memory_space<vmem>>, vector<1x16xf32>,
          %swap3A_599 = vector.shape_cast %swap3A_598 : vector<1x16xf32> to vector<16xf32>
          %swap3A_600 = vector.shape_cast %get3A_595 : vector<16xf32> to vector<1x16xf32>
          tpu.vector_store %arg12[%swap3A_596, %swap3A_597], %swap3A_600 {strides = array<i32>} : memref<128x128xf32, #tpu.memory_space<vmem>>, vector<1x16xf32>,
          %get3A_601 = arith.index_cast %squeeze3A_578 : i32 to index
          %get3A_602 = arith.constant 32 : index
          %get3A_603 = tpu.vector_load %arg6[%get3A_601, %get3A_602] {strides = array<i32>} : memref<367x128xf32, #tpu.memory_space<vmem>>, vector<1x16xf32>,
          %get3A_604 = vector.shape_cast %get3A_603 : vector<1x16xf32> to vector<16xf32>
          %swap3A_605 = arith.index_cast %add3A_582 : i32 to index
          %swap3A_606 = arith.constant 32 : index
          %swap3A_607 = tpu.vector_load %arg12[%swap3A_605, %swap3A_606] {strides = array<i32>} : memref<128x128xf32, #tpu.memory_space<vmem>>, vector<1x16xf32>,
          %swap3A_608 = vector.shape_cast %swap3A_607 : vector<1x16xf32> to vector<16xf32>
          %swap3A_609 = vector.shape_cast %get3A_604 : vector<16xf32> to vector<1x16xf32>
          tpu.vector_store %arg12[%swap3A_605, %swap3A_606], %swap3A_609 {strides = array<i32>} : memref<128x128xf32, #tpu.memory_space<vmem>>, vector<1x16xf32>,
          %get3A_610 = arith.index_cast %squeeze3A_578 : i32 to index
          %get3A_611 = arith.constant 48 : index
          %get3A_612 = tpu.vector_load %arg6[%get3A_610, %get3A_611] {strides = array<i32>} : memref<367x128xf32, #tpu.memory_space<vmem>>, vector<1x16xf32>,
          %get3A_613 = vector.shape_cast %get3A_612 : vector<1x16xf32> to vector<16xf32>
          %swap3A_614 = arith.index_cast %add3A_582 : i32 to index
          %swap3A_615 = arith.constant 48 : index
          %swap3A_616 = tpu.vector_load %arg12[%swap3A_614, %swap3A_615] {strides = array<i32>} : memref<128x128xf32, #tpu.memory_space<vmem>>, vector<1x16xf32>,
          %swap3A_617 = vector.shape_cast %swap3A_616 : vector<1x16xf32> to vector<16xf32>
          %swap3A_618 = vector.shape_cast %get3A_613 : vector<16xf32> to vector<1x16xf32>
          tpu.vector_store %arg12[%swap3A_614, %swap3A_615], %swap3A_618 {strides = array<i32>} : memref<128x128xf32, #tpu.memory_space<vmem>>, vector<1x16xf32>,
          %get3A_619 = arith.index_cast %squeeze3A_578 : i32 to index
          %get3A_620 = arith.constant 64 : index
          %get3A_621 = tpu.vector_load %arg6[%get3A_619, %get3A_620] {strides = array<i32>} : memref<367x128xf32, #tpu.memory_space<vmem>>, vector<1x16xf32>,
          %get3A_622 = vector.shape_cast %get3A_621 : vector<1x16xf32> to vector<16xf32>
          %swap3A_623 = arith.index_cast %add3A_582 : i32 to index
          %swap3A_624 = arith.constant 64 : index
          %swap3A_625 = tpu.vector_load %arg12[%swap3A_623, %swap3A_624] {strides = array<i32>} : memref<128x128xf32, #tpu.memory_space<vmem>>, vector<1x16xf32>,
          %swap3A_626 = vector.shape_cast %swap3A_625 : vector<1x16xf32> to vector<16xf32>
          %swap3A_627 = vector.shape_cast %get3A_622 : vector<16xf32> to vector<1x16xf32>
          tpu.vector_store %arg12[%swap3A_623, %swap3A_624], %swap3A_627 {strides = array<i32>} : memref<128x128xf32, #tpu.memory_space<vmem>>, vector<1x16xf32>,
          %get3A_628 = arith.index_cast %squeeze3A_578 : i32 to index
          %get3A_629 = arith.constant 80 : index
          %get3A_630 = tpu.vector_load %arg6[%get3A_628, %get3A_629] {strides = array<i32>} : memref<367x128xf32, #tpu.memory_space<vmem>>, vector<1x16xf32>,
          %get3A_631 = vector.shape_cast %get3A_630 : vector<1x16xf32> to vector<16xf32>
          %swap3A_632 = arith.index_cast %add3A_582 : i32 to index
          %swap3A_633 = arith.constant 80 : index
          %swap3A_634 = tpu.vector_load %arg12[%swap3A_632, %swap3A_633] {strides = array<i32>} : memref<128x128xf32, #tpu.memory_space<vmem>>, vector<1x16xf32>,
          %swap3A_635 = vector.shape_cast %swap3A_634 : vector<1x16xf32> to vector<16xf32>
          %swap3A_636 = vector.shape_cast %get3A_631 : vector<16xf32> to vector<1x16xf32>
          tpu.vector_store %arg12[%swap3A_632, %swap3A_633], %swap3A_636 {strides = array<i32>} : memref<128x128xf32, #tpu.memory_space<vmem>>, vector<1x16xf32>,
          %get3A_637 = arith.index_cast %squeeze3A_578 : i32 to index
          %get3A_638 = arith.constant 96 : index
          %get3A_639 = tpu.vector_load %arg6[%get3A_637, %get3A_638] {strides = array<i32>} : memref<367x128xf32, #tpu.memory_space<vmem>>, vector<1x16xf32>,
          %get3A_640 = vector.shape_cast %get3A_639 : vector<1x16xf32> to vector<16xf32>
          %swap3A_641 = arith.index_cast %add3A_582 : i32 to index
          %swap3A_642 = arith.constant 96 : index
          %swap3A_643 = tpu.vector_load %arg12[%swap3A_641, %swap3A_642] {strides = array<i32>} : memref<128x128xf32, #tpu.memory_space<vmem>>, vector<1x16xf32>,
          %swap3A_644 = vector.shape_cast %swap3A_643 : vector<1x16xf32> to vector<16xf32>
          %swap3A_645 = vector.shape_cast %get3A_640 : vector<16xf32> to vector<1x16xf32>
          tpu.vector_store %arg12[%swap3A_641, %swap3A_642], %swap3A_645 {strides = array<i32>} : memref<128x128xf32, #tpu.memory_space<vmem>>, vector<1x16xf32>,
          %get3A_646 = arith.index_cast %squeeze3A_578 : i32 to index
          %get3A_647 = arith.constant 112 : index
          %get3A_648 = tpu.vector_load %arg6[%get3A_646, %get3A_647] {strides = array<i32>} : memref<367x128xf32, #tpu.memory_space<vmem>>, vector<1x16xf32>,
          %get3A_649 = vector.shape_cast %get3A_648 : vector<1x16xf32> to vector<16xf32>
          %swap3A_650 = arith.index_cast %add3A_582 : i32 to index
          %swap3A_651 = arith.constant 112 : index
          %swap3A_652 = tpu.vector_load %arg12[%swap3A_650, %swap3A_651] {strides = array<i32>} : memref<128x128xf32, #tpu.memory_space<vmem>>, vector<1x16xf32>,
          %swap3A_653 = vector.shape_cast %swap3A_652 : vector<1x16xf32> to vector<16xf32>
          %swap3A_654 = vector.shape_cast %get3A_649 : vector<16xf32> to vector<1x16xf32>
          tpu.vector_store %arg12[%swap3A_650, %swap3A_651], %swap3A_654 {strides = array<i32>} : memref<128x128xf32, #tpu.memory_space<vmem>>, vector<1x16xf32>,
          %slice3A_655 = vector.extract_strided_slice %get3A_267 {offsets = [5], sizes = [1], strides = [1]} : vector<16xi32> to vector<1xi32>
          %squeeze3A_656 = vector.extract %slice3A_655[0] : i32 from vector<1xi32>
          %mul3A_657 = arith.constant 16 : i32
          %mul3A_658 = arith.muli %mul3A_657, %scan3A_261 : i32
          %add3A_659 = arith.constant 5 : i32
          %add3A_660 = arith.addi %mul3A_658, %add3A_659 : i32
          %get3A_661 = arith.index_cast %squeeze3A_656 : i32 to index
          %get3A_662 = arith.constant 0 : index
          %get3A_663 = tpu.vector_load %arg6[%get3A_661, %get3A_662] {strides = array<i32>} : memref<367x128xf32, #tpu.memory_space<vmem>>, vector<1x16xf32>,
          %get3A_664 = vector.shape_cast %get3A_663 : vector<1x16xf32> to vector<16xf32>
          %swap3A_665 = arith.index_cast %add3A_660 : i32 to index
          %swap3A_666 = arith.constant 0 : index
          %swap3A_667 = tpu.vector_load %arg12[%swap3A_665, %swap3A_666] {strides = array<i32>} : memref<128x128xf32, #tpu.memory_space<vmem>>, vector<1x16xf32>,
          %swap3A_668 = vector.shape_cast %swap3A_667 : vector<1x16xf32> to vector<16xf32>
          %swap3A_669 = vector.shape_cast %get3A_664 : vector<16xf32> to vector<1x16xf32>
          tpu.vector_store %arg12[%swap3A_665, %swap3A_666], %swap3A_669 {strides = array<i32>} : memref<128x128xf32, #tpu.memory_space<vmem>>, vector<1x16xf32>,
          %get3A_670 = arith.index_cast %squeeze3A_656 : i32 to index
          %get3A_671 = arith.constant 16 : index
          %get3A_672 = tpu.vector_load %arg6[%get3A_670, %get3A_671] {strides = array<i32>} : memref<367x128xf32, #tpu.memory_space<vmem>>, vector<1x16xf32>,
          %get3A_673 = vector.shape_cast %get3A_672 : vector<1x16xf32> to vector<16xf32>
          %swap3A_674 = arith.index_cast %add3A_660 : i32 to index
          %swap3A_675 = arith.constant 16 : index
          %swap3A_676 = tpu.vector_load %arg12[%swap3A_674, %swap3A_675] {strides = array<i32>} : memref<128x128xf32, #tpu.memory_space<vmem>>, vector<1x16xf32>,
          %swap3A_677 = vector.shape_cast %swap3A_676 : vector<1x16xf32> to vector<16xf32>
          %swap3A_678 = vector.shape_cast %get3A_673 : vector<16xf32> to vector<1x16xf32>
          tpu.vector_store %arg12[%swap3A_674, %swap3A_675], %swap3A_678 {strides = array<i32>} : memref<128x128xf32, #tpu.memory_space<vmem>>, vector<1x16xf32>,
          %get3A_679 = arith.index_cast %squeeze3A_656 : i32 to index
          %get3A_680 = arith.constant 32 : index
          %get3A_681 = tpu.vector_load %arg6[%get3A_679, %get3A_680] {strides = array<i32>} : memref<367x128xf32, #tpu.memory_space<vmem>>, vector<1x16xf32>,
          %get3A_682 = vector.shape_cast %get3A_681 : vector<1x16xf32> to vector<16xf32>
          %swap3A_683 = arith.index_cast %add3A_660 : i32 to index
          %swap3A_684 = arith.constant 32 : index
          %swap3A_685 = tpu.vector_load %arg12[%swap3A_683, %swap3A_684] {strides = array<i32>} : memref<128x128xf32, #tpu.memory_space<vmem>>, vector<1x16xf32>,
          %swap3A_686 = vector.shape_cast %swap3A_685 : vector<1x16xf32> to vector<16xf32>
          %swap3A_687 = vector.shape_cast %get3A_682 : vector<16xf32> to vector<1x16xf32>
          tpu.vector_store %arg12[%swap3A_683, %swap3A_684], %swap3A_687 {strides = array<i32>} : memref<128x128xf32, #tpu.memory_space<vmem>>, vector<1x16xf32>,
          %get3A_688 = arith.index_cast %squeeze3A_656 : i32 to index
          %get3A_689 = arith.constant 48 : index
          %get3A_690 = tpu.vector_load %arg6[%get3A_688, %get3A_689] {strides = array<i32>} : memref<367x128xf32, #tpu.memory_space<vmem>>, vector<1x16xf32>,
          %get3A_691 = vector.shape_cast %get3A_690 : vector<1x16xf32> to vector<16xf32>
          %swap3A_692 = arith.index_cast %add3A_660 : i32 to index
          %swap3A_693 = arith.constant 48 : index
          %swap3A_694 = tpu.vector_load %arg12[%swap3A_692, %swap3A_693] {strides = array<i32>} : memref<128x128xf32, #tpu.memory_space<vmem>>, vector<1x16xf32>,
          %swap3A_695 = vector.shape_cast %swap3A_694 : vector<1x16xf32> to vector<16xf32>
          %swap3A_696 = vector.shape_cast %get3A_691 : vector<16xf32> to vector<1x16xf32>
          tpu.vector_store %arg12[%swap3A_692, %swap3A_693], %swap3A_696 {strides = array<i32>} : memref<128x128xf32, #tpu.memory_space<vmem>>, vector<1x16xf32>,
          %get3A_697 = arith.index_cast %squeeze3A_656 : i32 to index
          %get3A_698 = arith.constant 64 : index
          %get3A_699 = tpu.vector_load %arg6[%get3A_697, %get3A_698] {strides = array<i32>} : memref<367x128xf32, #tpu.memory_space<vmem>>, vector<1x16xf32>,
          %get3A_700 = vector.shape_cast %get3A_699 : vector<1x16xf32> to vector<16xf32>
          %swap3A_701 = arith.index_cast %add3A_660 : i32 to index
          %swap3A_702 = arith.constant 64 : index
          %swap3A_703 = tpu.vector_load %arg12[%swap3A_701, %swap3A_702] {strides = array<i32>} : memref<128x128xf32, #tpu.memory_space<vmem>>, vector<1x16xf32>,
          %swap3A_704 = vector.shape_cast %swap3A_703 : vector<1x16xf32> to vector<16xf32>
          %swap3A_705 = vector.shape_cast %get3A_700 : vector<16xf32> to vector<1x16xf32>
          tpu.vector_store %arg12[%swap3A_701, %swap3A_702], %swap3A_705 {strides = array<i32>} : memref<128x128xf32, #tpu.memory_space<vmem>>, vector<1x16xf32>,
          %get3A_706 = arith.index_cast %squeeze3A_656 : i32 to index
          %get3A_707 = arith.constant 80 : index
          %get3A_708 = tpu.vector_load %arg6[%get3A_706, %get3A_707] {strides = array<i32>} : memref<367x128xf32, #tpu.memory_space<vmem>>, vector<1x16xf32>,
          %get3A_709 = vector.shape_cast %get3A_708 : vector<1x16xf32> to vector<16xf32>
          %swap3A_710 = arith.index_cast %add3A_660 : i32 to index
          %swap3A_711 = arith.constant 80 : index
          %swap3A_712 = tpu.vector_load %arg12[%swap3A_710, %swap3A_711] {strides = array<i32>} : memref<128x128xf32, #tpu.memory_space<vmem>>, vector<1x16xf32>,
          %swap3A_713 = vector.shape_cast %swap3A_712 : vector<1x16xf32> to vector<16xf32>
          %swap3A_714 = vector.shape_cast %get3A_709 : vector<16xf32> to vector<1x16xf32>
          tpu.vector_store %arg12[%swap3A_710, %swap3A_711], %swap3A_714 {strides = array<i32>} : memref<128x128xf32, #tpu.memory_space<vmem>>, vector<1x16xf32>,
          %get3A_715 = arith.index_cast %squeeze3A_656 : i32 to index
          %get3A_716 = arith.constant 96 : index
          %get3A_717 = tpu.vector_load %arg6[%get3A_715, %get3A_716] {strides = array<i32>} : memref<367x128xf32, #tpu.memory_space<vmem>>, vector<1x16xf32>,
          %get3A_718 = vector.shape_cast %get3A_717 : vector<1x16xf32> to vector<16xf32>
          %swap3A_719 = arith.index_cast %add3A_660 : i32 to index
          %swap3A_720 = arith.constant 96 : index
          %swap3A_721 = tpu.vector_load %arg12[%swap3A_719, %swap3A_720] {strides = array<i32>} : memref<128x128xf32, #tpu.memory_space<vmem>>, vector<1x16xf32>,
          %swap3A_722 = vector.shape_cast %swap3A_721 : vector<1x16xf32> to vector<16xf32>
          %swap3A_723 = vector.shape_cast %get3A_718 : vector<16xf32> to vector<1x16xf32>
          tpu.vector_store %arg12[%swap3A_719, %swap3A_720], %swap3A_723 {strides = array<i32>} : memref<128x128xf32, #tpu.memory_space<vmem>>, vector<1x16xf32>,
          %get3A_724 = arith.index_cast %squeeze3A_656 : i32 to index
          %get3A_725 = arith.constant 112 : index
          %get3A_726 = tpu.vector_load %arg6[%get3A_724, %get3A_725] {strides = array<i32>} : memref<367x128xf32, #tpu.memory_space<vmem>>, vector<1x16xf32>,
          %get3A_727 = vector.shape_cast %get3A_726 : vector<1x16xf32> to vector<16xf32>
          %swap3A_728 = arith.index_cast %add3A_660 : i32 to index
          %swap3A_729 = arith.constant 112 : index
          %swap3A_730 = tpu.vector_load %arg12[%swap3A_728, %swap3A_729] {strides = array<i32>} : memref<128x128xf32, #tpu.memory_space<vmem>>, vector<1x16xf32>,
          %swap3A_731 = vector.shape_cast %swap3A_730 : vector<1x16xf32> to vector<16xf32>
          %swap3A_732 = vector.shape_cast %get3A_727 : vector<16xf32> to vector<1x16xf32>
          tpu.vector_store %arg12[%swap3A_728, %swap3A_729], %swap3A_732 {strides = array<i32>} : memref<128x128xf32, #tpu.memory_space<vmem>>, vector<1x16xf32>,
          %slice3A_733 = vector.extract_strided_slice %get3A_267 {offsets = [6], sizes = [1], strides = [1]} : vector<16xi32> to vector<1xi32>
          %squeeze3A_734 = vector.extract %slice3A_733[0] : i32 from vector<1xi32>
          %mul3A_735 = arith.constant 16 : i32
          %mul3A_736 = arith.muli %mul3A_735, %scan3A_261 : i32
          %add3A_737 = arith.constant 6 : i32
          %add3A_738 = arith.addi %mul3A_736, %add3A_737 : i32
          %get3A_739 = arith.index_cast %squeeze3A_734 : i32 to index
          %get3A_740 = arith.constant 0 : index
          %get3A_741 = tpu.vector_load %arg6[%get3A_739, %get3A_740] {strides = array<i32>} : memref<367x128xf32, #tpu.memory_space<vmem>>, vector<1x16xf32>,
          %get3A_742 = vector.shape_cast %get3A_741 : vector<1x16xf32> to vector<16xf32>
          %swap3A_743 = arith.index_cast %add3A_738 : i32 to index
          %swap3A_744 = arith.constant 0 : index
          %swap3A_745 = tpu.vector_load %arg12[%swap3A_743, %swap3A_744] {strides = array<i32>} : memref<128x128xf32, #tpu.memory_space<vmem>>, vector<1x16xf32>,
          %swap3A_746 = vector.shape_cast %swap3A_745 : vector<1x16xf32> to vector<16xf32>
          %swap3A_747 = vector.shape_cast %get3A_742 : vector<16xf32> to vector<1x16xf32>
          tpu.vector_store %arg12[%swap3A_743, %swap3A_744], %swap3A_747 {strides = array<i32>} : memref<128x128xf32, #tpu.memory_space<vmem>>, vector<1x16xf32>,
          %get3A_748 = arith.index_cast %squeeze3A_734 : i32 to index
          %get3A_749 = arith.constant 16 : index
          %get3A_750 = tpu.vector_load %arg6[%get3A_748, %get3A_749] {strides = array<i32>} : memref<367x128xf32, #tpu.memory_space<vmem>>, vector<1x16xf32>,
          %get3A_751 = vector.shape_cast %get3A_750 : vector<1x16xf32> to vector<16xf32>
          %swap3A_752 = arith.index_cast %add3A_738 : i32 to index
          %swap3A_753 = arith.constant 16 : index
          %swap3A_754 = tpu.vector_load %arg12[%swap3A_752, %swap3A_753] {strides = array<i32>} : memref<128x128xf32, #tpu.memory_space<vmem>>, vector<1x16xf32>,
          %swap3A_755 = vector.shape_cast %swap3A_754 : vector<1x16xf32> to vector<16xf32>
          %swap3A_756 = vector.shape_cast %get3A_751 : vector<16xf32> to vector<1x16xf32>
          tpu.vector_store %arg12[%swap3A_752, %swap3A_753], %swap3A_756 {strides = array<i32>} : memref<128x128xf32, #tpu.memory_space<vmem>>, vector<1x16xf32>,
          %get3A_757 = arith.index_cast %squeeze3A_734 : i32 to index
          %get3A_758 = arith.constant 32 : index
          %get3A_759 = tpu.vector_load %arg6[%get3A_757, %get3A_758] {strides = array<i32>} : memref<367x128xf32, #tpu.memory_space<vmem>>, vector<1x16xf32>,
          %get3A_760 = vector.shape_cast %get3A_759 : vector<1x16xf32> to vector<16xf32>
          %swap3A_761 = arith.index_cast %add3A_738 : i32 to index
          %swap3A_762 = arith.constant 32 : index
          %swap3A_763 = tpu.vector_load %arg12[%swap3A_761, %swap3A_762] {strides = array<i32>} : memref<128x128xf32, #tpu.memory_space<vmem>>, vector<1x16xf32>,
          %swap3A_764 = vector.shape_cast %swap3A_763 : vector<1x16xf32> to vector<16xf32>
          %swap3A_765 = vector.shape_cast %get3A_760 : vector<16xf32> to vector<1x16xf32>
          tpu.vector_store %arg12[%swap3A_761, %swap3A_762], %swap3A_765 {strides = array<i32>} : memref<128x128xf32, #tpu.memory_space<vmem>>, vector<1x16xf32>,
          %get3A_766 = arith.index_cast %squeeze3A_734 : i32 to index
          %get3A_767 = arith.constant 48 : index
          %get3A_768 = tpu.vector_load %arg6[%get3A_766, %get3A_767] {strides = array<i32>} : memref<367x128xf32, #tpu.memory_space<vmem>>, vector<1x16xf32>,
          %get3A_769 = vector.shape_cast %get3A_768 : vector<1x16xf32> to vector<16xf32>
          %swap3A_770 = arith.index_cast %add3A_738 : i32 to index
          %swap3A_771 = arith.constant 48 : index
          %swap3A_772 = tpu.vector_load %arg12[%swap3A_770, %swap3A_771] {strides = array<i32>} : memref<128x128xf32, #tpu.memory_space<vmem>>, vector<1x16xf32>,
          %swap3A_773 = vector.shape_cast %swap3A_772 : vector<1x16xf32> to vector<16xf32>
          %swap3A_774 = vector.shape_cast %get3A_769 : vector<16xf32> to vector<1x16xf32>
          tpu.vector_store %arg12[%swap3A_770, %swap3A_771], %swap3A_774 {strides = array<i32>} : memref<128x128xf32, #tpu.memory_space<vmem>>, vector<1x16xf32>,
          %get3A_775 = arith.index_cast %squeeze3A_734 : i32 to index
          %get3A_776 = arith.constant 64 : index
          %get3A_777 = tpu.vector_load %arg6[%get3A_775, %get3A_776] {strides = array<i32>} : memref<367x128xf32, #tpu.memory_space<vmem>>, vector<1x16xf32>,
          %get3A_778 = vector.shape_cast %get3A_777 : vector<1x16xf32> to vector<16xf32>
          %swap3A_779 = arith.index_cast %add3A_738 : i32 to index
          %swap3A_780 = arith.constant 64 : index
          %swap3A_781 = tpu.vector_load %arg12[%swap3A_779, %swap3A_780] {strides = array<i32>} : memref<128x128xf32, #tpu.memory_space<vmem>>, vector<1x16xf32>,
          %swap3A_782 = vector.shape_cast %swap3A_781 : vector<1x16xf32> to vector<16xf32>
          %swap3A_783 = vector.shape_cast %get3A_778 : vector<16xf32> to vector<1x16xf32>
          tpu.vector_store %arg12[%swap3A_779, %swap3A_780], %swap3A_783 {strides = array<i32>} : memref<128x128xf32, #tpu.memory_space<vmem>>, vector<1x16xf32>,
          %get3A_784 = arith.index_cast %squeeze3A_734 : i32 to index
          %get3A_785 = arith.constant 80 : index
          %get3A_786 = tpu.vector_load %arg6[%get3A_784, %get3A_785] {strides = array<i32>} : memref<367x128xf32, #tpu.memory_space<vmem>>, vector<1x16xf32>,
          %get3A_787 = vector.shape_cast %get3A_786 : vector<1x16xf32> to vector<16xf32>
          %swap3A_788 = arith.index_cast %add3A_738 : i32 to index
          %swap3A_789 = arith.constant 80 : index
          %swap3A_790 = tpu.vector_load %arg12[%swap3A_788, %swap3A_789] {strides = array<i32>} : memref<128x128xf32, #tpu.memory_space<vmem>>, vector<1x16xf32>,
          %swap3A_791 = vector.shape_cast %swap3A_790 : vector<1x16xf32> to vector<16xf32>
          %swap3A_792 = vector.shape_cast %get3A_787 : vector<16xf32> to vector<1x16xf32>
          tpu.vector_store %arg12[%swap3A_788, %swap3A_789], %swap3A_792 {strides = array<i32>} : memref<128x128xf32, #tpu.memory_space<vmem>>, vector<1x16xf32>,
          %get3A_793 = arith.index_cast %squeeze3A_734 : i32 to index
          %get3A_794 = arith.constant 96 : index
          %get3A_795 = tpu.vector_load %arg6[%get3A_793, %get3A_794] {strides = array<i32>} : memref<367x128xf32, #tpu.memory_space<vmem>>, vector<1x16xf32>,
          %get3A_796 = vector.shape_cast %get3A_795 : vector<1x16xf32> to vector<16xf32>
          %swap3A_797 = arith.index_cast %add3A_738 : i32 to index
          %swap3A_798 = arith.constant 96 : index
          %swap3A_799 = tpu.vector_load %arg12[%swap3A_797, %swap3A_798] {strides = array<i32>} : memref<128x128xf32, #tpu.memory_space<vmem>>, vector<1x16xf32>,
          %swap3A_800 = vector.shape_cast %swap3A_799 : vector<1x16xf32> to vector<16xf32>
          %swap3A_801 = vector.shape_cast %get3A_796 : vector<16xf32> to vector<1x16xf32>
          tpu.vector_store %arg12[%swap3A_797, %swap3A_798], %swap3A_801 {strides = array<i32>} : memref<128x128xf32, #tpu.memory_space<vmem>>, vector<1x16xf32>,
          %get3A_802 = arith.index_cast %squeeze3A_734 : i32 to index
          %get3A_803 = arith.constant 112 : index
          %get3A_804 = tpu.vector_load %arg6[%get3A_802, %get3A_803] {strides = array<i32>} : memref<367x128xf32, #tpu.memory_space<vmem>>, vector<1x16xf32>,
          %get3A_805 = vector.shape_cast %get3A_804 : vector<1x16xf32> to vector<16xf32>
          %swap3A_806 = arith.index_cast %add3A_738 : i32 to index
          %swap3A_807 = arith.constant 112 : index
          %swap3A_808 = tpu.vector_load %arg12[%swap3A_806, %swap3A_807] {strides = array<i32>} : memref<128x128xf32, #tpu.memory_space<vmem>>, vector<1x16xf32>,
          %swap3A_809 = vector.shape_cast %swap3A_808 : vector<1x16xf32> to vector<16xf32>
          %swap3A_810 = vector.shape_cast %get3A_805 : vector<16xf32> to vector<1x16xf32>
          tpu.vector_store %arg12[%swap3A_806, %swap3A_807], %swap3A_810 {strides = array<i32>} : memref<128x128xf32, #tpu.memory_space<vmem>>, vector<1x16xf32>,
          %slice3A_811 = vector.extract_strided_slice %get3A_267 {offsets = [7], sizes = [1], strides = [1]} : vector<16xi32> to vector<1xi32>
          %squeeze3A_812 = vector.extract %slice3A_811[0] : i32 from vector<1xi32>
          %mul3A_813 = arith.constant 16 : i32
          %mul3A_814 = arith.muli %mul3A_813, %scan3A_261 : i32
          %add3A_815 = arith.constant 7 : i32
          %add3A_816 = arith.addi %mul3A_814, %add3A_815 : i32
          %get3A_817 = arith.index_cast %squeeze3A_812 : i32 to index
          %get3A_818 = arith.constant 0 : index
          %get3A_819 = tpu.vector_load %arg6[%get3A_817, %get3A_818] {strides = array<i32>} : memref<367x128xf32, #tpu.memory_space<vmem>>, vector<1x16xf32>,
          %get3A_820 = vector.shape_cast %get3A_819 : vector<1x16xf32> to vector<16xf32>
          %swap3A_821 = arith.index_cast %add3A_816 : i32 to index
          %swap3A_822 = arith.constant 0 : index
          %swap3A_823 = tpu.vector_load %arg12[%swap3A_821, %swap3A_822] {strides = array<i32>} : memref<128x128xf32, #tpu.memory_space<vmem>>, vector<1x16xf32>,
          %swap3A_824 = vector.shape_cast %swap3A_823 : vector<1x16xf32> to vector<16xf32>
          %swap3A_825 = vector.shape_cast %get3A_820 : vector<16xf32> to vector<1x16xf32>
          tpu.vector_store %arg12[%swap3A_821, %swap3A_822], %swap3A_825 {strides = array<i32>} : memref<128x128xf32, #tpu.memory_space<vmem>>, vector<1x16xf32>,
          %get3A_826 = arith.index_cast %squeeze3A_812 : i32 to index
          %get3A_827 = arith.constant 16 : index
          %get3A_828 = tpu.vector_load %arg6[%get3A_826, %get3A_827] {strides = array<i32>} : memref<367x128xf32, #tpu.memory_space<vmem>>, vector<1x16xf32>,
          %get3A_829 = vector.shape_cast %get3A_828 : vector<1x16xf32> to vector<16xf32>
          %swap3A_830 = arith.index_cast %add3A_816 : i32 to index
          %swap3A_831 = arith.constant 16 : index
          %swap3A_832 = tpu.vector_load %arg12[%swap3A_830, %swap3A_831] {strides = array<i32>} : memref<128x128xf32, #tpu.memory_space<vmem>>, vector<1x16xf32>,
          %swap3A_833 = vector.shape_cast %swap3A_832 : vector<1x16xf32> to vector<16xf32>
          %swap3A_834 = vector.shape_cast %get3A_829 : vector<16xf32> to vector<1x16xf32>
          tpu.vector_store %arg12[%swap3A_830, %swap3A_831], %swap3A_834 {strides = array<i32>} : memref<128x128xf32, #tpu.memory_space<vmem>>, vector<1x16xf32>,
          %get3A_835 = arith.index_cast %squeeze3A_812 : i32 to index
          %get3A_836 = arith.constant 32 : index
          %get3A_837 = tpu.vector_load %arg6[%get3A_835, %get3A_836] {strides = array<i32>} : memref<367x128xf32, #tpu.memory_space<vmem>>, vector<1x16xf32>,
          %get3A_838 = vector.shape_cast %get3A_837 : vector<1x16xf32> to vector<16xf32>
          %swap3A_839 = arith.index_cast %add3A_816 : i32 to index
          %swap3A_840 = arith.constant 32 : index
          %swap3A_841 = tpu.vector_load %arg12[%swap3A_839, %swap3A_840] {strides = array<i32>} : memref<128x128xf32, #tpu.memory_space<vmem>>, vector<1x16xf32>,
          %swap3A_842 = vector.shape_cast %swap3A_841 : vector<1x16xf32> to vector<16xf32>
          %swap3A_843 = vector.shape_cast %get3A_838 : vector<16xf32> to vector<1x16xf32>
          tpu.vector_store %arg12[%swap3A_839, %swap3A_840], %swap3A_843 {strides = array<i32>} : memref<128x128xf32, #tpu.memory_space<vmem>>, vector<1x16xf32>,
          %get3A_844 = arith.index_cast %squeeze3A_812 : i32 to index
          %get3A_845 = arith.constant 48 : index
          %get3A_846 = tpu.vector_load %arg6[%get3A_844, %get3A_845] {strides = array<i32>} : memref<367x128xf32, #tpu.memory_space<vmem>>, vector<1x16xf32>,
          %get3A_847 = vector.shape_cast %get3A_846 : vector<1x16xf32> to vector<16xf32>
          %swap3A_848 = arith.index_cast %add3A_816 : i32 to index
          %swap3A_849 = arith.constant 48 : index
          %swap3A_850 = tpu.vector_load %arg12[%swap3A_848, %swap3A_849] {strides = array<i32>} : memref<128x128xf32, #tpu.memory_space<vmem>>, vector<1x16xf32>,
          %swap3A_851 = vector.shape_cast %swap3A_850 : vector<1x16xf32> to vector<16xf32>
          %swap3A_852 = vector.shape_cast %get3A_847 : vector<16xf32> to vector<1x16xf32>
          tpu.vector_store %arg12[%swap3A_848, %swap3A_849], %swap3A_852 {strides = array<i32>} : memref<128x128xf32, #tpu.memory_space<vmem>>, vector<1x16xf32>,
          %get3A_853 = arith.index_cast %squeeze3A_812 : i32 to index
          %get3A_854 = arith.constant 64 : index
          %get3A_855 = tpu.vector_load %arg6[%get3A_853, %get3A_854] {strides = array<i32>} : memref<367x128xf32, #tpu.memory_space<vmem>>, vector<1x16xf32>,
          %get3A_856 = vector.shape_cast %get3A_855 : vector<1x16xf32> to vector<16xf32>
          %swap3A_857 = arith.index_cast %add3A_816 : i32 to index
          %swap3A_858 = arith.constant 64 : index
          %swap3A_859 = tpu.vector_load %arg12[%swap3A_857, %swap3A_858] {strides = array<i32>} : memref<128x128xf32, #tpu.memory_space<vmem>>, vector<1x16xf32>,
          %swap3A_860 = vector.shape_cast %swap3A_859 : vector<1x16xf32> to vector<16xf32>
          %swap3A_861 = vector.shape_cast %get3A_856 : vector<16xf32> to vector<1x16xf32>
          tpu.vector_store %arg12[%swap3A_857, %swap3A_858], %swap3A_861 {strides = array<i32>} : memref<128x128xf32, #tpu.memory_space<vmem>>, vector<1x16xf32>,
          %get3A_862 = arith.index_cast %squeeze3A_812 : i32 to index
          %get3A_863 = arith.constant 80 : index
          %get3A_864 = tpu.vector_load %arg6[%get3A_862, %get3A_863] {strides = array<i32>} : memref<367x128xf32, #tpu.memory_space<vmem>>, vector<1x16xf32>,
          %get3A_865 = vector.shape_cast %get3A_864 : vector<1x16xf32> to vector<16xf32>
          %swap3A_866 = arith.index_cast %add3A_816 : i32 to index
          %swap3A_867 = arith.constant 80 : index
          %swap3A_868 = tpu.vector_load %arg12[%swap3A_866, %swap3A_867] {strides = array<i32>} : memref<128x128xf32, #tpu.memory_space<vmem>>, vector<1x16xf32>,
          %swap3A_869 = vector.shape_cast %swap3A_868 : vector<1x16xf32> to vector<16xf32>
          %swap3A_870 = vector.shape_cast %get3A_865 : vector<16xf32> to vector<1x16xf32>
          tpu.vector_store %arg12[%swap3A_866, %swap3A_867], %swap3A_870 {strides = array<i32>} : memref<128x128xf32, #tpu.memory_space<vmem>>, vector<1x16xf32>,
          %get3A_871 = arith.index_cast %squeeze3A_812 : i32 to index
          %get3A_872 = arith.constant 96 : index
          %get3A_873 = tpu.vector_load %arg6[%get3A_871, %get3A_872] {strides = array<i32>} : memref<367x128xf32, #tpu.memory_space<vmem>>, vector<1x16xf32>,
          %get3A_874 = vector.shape_cast %get3A_873 : vector<1x16xf32> to vector<16xf32>
          %swap3A_875 = arith.index_cast %add3A_816 : i32 to index
          %swap3A_876 = arith.constant 96 : index
          %swap3A_877 = tpu.vector_load %arg12[%swap3A_875, %swap3A_876] {strides = array<i32>} : memref<128x128xf32, #tpu.memory_space<vmem>>, vector<1x16xf32>,
          %swap3A_878 = vector.shape_cast %swap3A_877 : vector<1x16xf32> to vector<16xf32>
          %swap3A_879 = vector.shape_cast %get3A_874 : vector<16xf32> to vector<1x16xf32>
          tpu.vector_store %arg12[%swap3A_875, %swap3A_876], %swap3A_879 {strides = array<i32>} : memref<128x128xf32, #tpu.memory_space<vmem>>, vector<1x16xf32>,
          %get3A_880 = arith.index_cast %squeeze3A_812 : i32 to index
          %get3A_881 = arith.constant 112 : index
          %get3A_882 = tpu.vector_load %arg6[%get3A_880, %get3A_881] {strides = array<i32>} : memref<367x128xf32, #tpu.memory_space<vmem>>, vector<1x16xf32>,
          %get3A_883 = vector.shape_cast %get3A_882 : vector<1x16xf32> to vector<16xf32>
          %swap3A_884 = arith.index_cast %add3A_816 : i32 to index
          %swap3A_885 = arith.constant 112 : index
          %swap3A_886 = tpu.vector_load %arg12[%swap3A_884, %swap3A_885] {strides = array<i32>} : memref<128x128xf32, #tpu.memory_space<vmem>>, vector<1x16xf32>,
          %swap3A_887 = vector.shape_cast %swap3A_886 : vector<1x16xf32> to vector<16xf32>
          %swap3A_888 = vector.shape_cast %get3A_883 : vector<16xf32> to vector<1x16xf32>
          tpu.vector_store %arg12[%swap3A_884, %swap3A_885], %swap3A_888 {strides = array<i32>} : memref<128x128xf32, #tpu.memory_space<vmem>>, vector<1x16xf32>,
          %slice3A_889 = vector.extract_strided_slice %get3A_267 {offsets = [8], sizes = [1], strides = [1]} : vector<16xi32> to vector<1xi32>
          %squeeze3A_890 = vector.extract %slice3A_889[0] : i32 from vector<1xi32>
          %mul3A_891 = arith.constant 16 : i32
          %mul3A_892 = arith.muli %mul3A_891, %scan3A_261 : i32
          %add3A_893 = arith.constant 8 : i32
          %add3A_894 = arith.addi %mul3A_892, %add3A_893 : i32
          %get3A_895 = arith.index_cast %squeeze3A_890 : i32 to index
          %get3A_896 = arith.constant 0 : index
          %get3A_897 = tpu.vector_load %arg6[%get3A_895, %get3A_896] {strides = array<i32>} : memref<367x128xf32, #tpu.memory_space<vmem>>, vector<1x16xf32>,
          %get3A_898 = vector.shape_cast %get3A_897 : vector<1x16xf32> to vector<16xf32>
          %swap3A_899 = arith.index_cast %add3A_894 : i32 to index
          %swap3A_900 = arith.constant 0 : index
          %swap3A_901 = tpu.vector_load %arg12[%swap3A_899, %swap3A_900] {strides = array<i32>} : memref<128x128xf32, #tpu.memory_space<vmem>>, vector<1x16xf32>,
          %swap3A_902 = vector.shape_cast %swap3A_901 : vector<1x16xf32> to vector<16xf32>
          %swap3A_903 = vector.shape_cast %get3A_898 : vector<16xf32> to vector<1x16xf32>
          tpu.vector_store %arg12[%swap3A_899, %swap3A_900], %swap3A_903 {strides = array<i32>} : memref<128x128xf32, #tpu.memory_space<vmem>>, vector<1x16xf32>,
          %get3A_904 = arith.index_cast %squeeze3A_890 : i32 to index
          %get3A_905 = arith.constant 16 : index
          %get3A_906 = tpu.vector_load %arg6[%get3A_904, %get3A_905] {strides = array<i32>} : memref<367x128xf32, #tpu.memory_space<vmem>>, vector<1x16xf32>,
          %get3A_907 = vector.shape_cast %get3A_906 : vector<1x16xf32> to vector<16xf32>
          %swap3A_908 = arith.index_cast %add3A_894 : i32 to index
          %swap3A_909 = arith.constant 16 : index
          %swap3A_910 = tpu.vector_load %arg12[%swap3A_908, %swap3A_909] {strides = array<i32>} : memref<128x128xf32, #tpu.memory_space<vmem>>, vector<1x16xf32>,
          %swap3A_911 = vector.shape_cast %swap3A_910 : vector<1x16xf32> to vector<16xf32>
          %swap3A_912 = vector.shape_cast %get3A_907 : vector<16xf32> to vector<1x16xf32>
          tpu.vector_store %arg12[%swap3A_908, %swap3A_909], %swap3A_912 {strides = array<i32>} : memref<128x128xf32, #tpu.memory_space<vmem>>, vector<1x16xf32>,
          %get3A_913 = arith.index_cast %squeeze3A_890 : i32 to index
          %get3A_914 = arith.constant 32 : index
          %get3A_915 = tpu.vector_load %arg6[%get3A_913, %get3A_914] {strides = array<i32>} : memref<367x128xf32, #tpu.memory_space<vmem>>, vector<1x16xf32>,
          %get3A_916 = vector.shape_cast %get3A_915 : vector<1x16xf32> to vector<16xf32>
          %swap3A_917 = arith.index_cast %add3A_894 : i32 to index
          %swap3A_918 = arith.constant 32 : index
          %swap3A_919 = tpu.vector_load %arg12[%swap3A_917, %swap3A_918] {strides = array<i32>} : memref<128x128xf32, #tpu.memory_space<vmem>>, vector<1x16xf32>,
          %swap3A_920 = vector.shape_cast %swap3A_919 : vector<1x16xf32> to vector<16xf32>
          %swap3A_921 = vector.shape_cast %get3A_916 : vector<16xf32> to vector<1x16xf32>
          tpu.vector_store %arg12[%swap3A_917, %swap3A_918], %swap3A_921 {strides = array<i32>} : memref<128x128xf32, #tpu.memory_space<vmem>>, vector<1x16xf32>,
          %get3A_922 = arith.index_cast %squeeze3A_890 : i32 to index
          %get3A_923 = arith.constant 48 : index
          %get3A_924 = tpu.vector_load %arg6[%get3A_922, %get3A_923] {strides = array<i32>} : memref<367x128xf32, #tpu.memory_space<vmem>>, vector<1x16xf32>,
          %get3A_925 = vector.shape_cast %get3A_924 : vector<1x16xf32> to vector<16xf32>
          %swap3A_926 = arith.index_cast %add3A_894 : i32 to index
          %swap3A_927 = arith.constant 48 : index
          %swap3A_928 = tpu.vector_load %arg12[%swap3A_926, %swap3A_927] {strides = array<i32>} : memref<128x128xf32, #tpu.memory_space<vmem>>, vector<1x16xf32>,
          %swap3A_929 = vector.shape_cast %swap3A_928 : vector<1x16xf32> to vector<16xf32>
          %swap3A_930 = vector.shape_cast %get3A_925 : vector<16xf32> to vector<1x16xf32>
          tpu.vector_store %arg12[%swap3A_926, %swap3A_927], %swap3A_930 {strides = array<i32>} : memref<128x128xf32, #tpu.memory_space<vmem>>, vector<1x16xf32>,
          %get3A_931 = arith.index_cast %squeeze3A_890 : i32 to index
          %get3A_932 = arith.constant 64 : index
          %get3A_933 = tpu.vector_load %arg6[%get3A_931, %get3A_932] {strides = array<i32>} : memref<367x128xf32, #tpu.memory_space<vmem>>, vector<1x16xf32>,
          %get3A_934 = vector.shape_cast %get3A_933 : vector<1x16xf32> to vector<16xf32>
          %swap3A_935 = arith.index_cast %add3A_894 : i32 to index
          %swap3A_936 = arith.constant 64 : index
          %swap3A_937 = tpu.vector_load %arg12[%swap3A_935, %swap3A_936] {strides = array<i32>} : memref<128x128xf32, #tpu.memory_space<vmem>>, vector<1x16xf32>,
          %swap3A_938 = vector.shape_cast %swap3A_937 : vector<1x16xf32> to vector<16xf32>
          %swap3A_939 = vector.shape_cast %get3A_934 : vector<16xf32> to vector<1x16xf32>
          tpu.vector_store %arg12[%swap3A_935, %swap3A_936], %swap3A_939 {strides = array<i32>} : memref<128x128xf32, #tpu.memory_space<vmem>>, vector<1x16xf32>,
          %get3A_940 = arith.index_cast %squeeze3A_890 : i32 to index
          %get3A_941 = arith.constant 80 : index
          %get3A_942 = tpu.vector_load %arg6[%get3A_940, %get3A_941] {strides = array<i32>} : memref<367x128xf32, #tpu.memory_space<vmem>>, vector<1x16xf32>,
          %get3A_943 = vector.shape_cast %get3A_942 : vector<1x16xf32> to vector<16xf32>
          %swap3A_944 = arith.index_cast %add3A_894 : i32 to index
          %swap3A_945 = arith.constant 80 : index
          %swap3A_946 = tpu.vector_load %arg12[%swap3A_944, %swap3A_945] {strides = array<i32>} : memref<128x128xf32, #tpu.memory_space<vmem>>, vector<1x16xf32>,
          %swap3A_947 = vector.shape_cast %swap3A_946 : vector<1x16xf32> to vector<16xf32>
          %swap3A_948 = vector.shape_cast %get3A_943 : vector<16xf32> to vector<1x16xf32>
          tpu.vector_store %arg12[%swap3A_944, %swap3A_945], %swap3A_948 {strides = array<i32>} : memref<128x128xf32, #tpu.memory_space<vmem>>, vector<1x16xf32>,
          %get3A_949 = arith.index_cast %squeeze3A_890 : i32 to index
          %get3A_950 = arith.constant 96 : index
          %get3A_951 = tpu.vector_load %arg6[%get3A_949, %get3A_950] {strides = array<i32>} : memref<367x128xf32, #tpu.memory_space<vmem>>, vector<1x16xf32>,
          %get3A_952 = vector.shape_cast %get3A_951 : vector<1x16xf32> to vector<16xf32>
          %swap3A_953 = arith.index_cast %add3A_894 : i32 to index
          %swap3A_954 = arith.constant 96 : index
          %swap3A_955 = tpu.vector_load %arg12[%swap3A_953, %swap3A_954] {strides = array<i32>} : memref<128x128xf32, #tpu.memory_space<vmem>>, vector<1x16xf32>,
          %swap3A_956 = vector.shape_cast %swap3A_955 : vector<1x16xf32> to vector<16xf32>
          %swap3A_957 = vector.shape_cast %get3A_952 : vector<16xf32> to vector<1x16xf32>
          tpu.vector_store %arg12[%swap3A_953, %swap3A_954], %swap3A_957 {strides = array<i32>} : memref<128x128xf32, #tpu.memory_space<vmem>>, vector<1x16xf32>,
          %get3A_958 = arith.index_cast %squeeze3A_890 : i32 to index
          %get3A_959 = arith.constant 112 : index
          %get3A_960 = tpu.vector_load %arg6[%get3A_958, %get3A_959] {strides = array<i32>} : memref<367x128xf32, #tpu.memory_space<vmem>>, vector<1x16xf32>,
          %get3A_961 = vector.shape_cast %get3A_960 : vector<1x16xf32> to vector<16xf32>
          %swap3A_962 = arith.index_cast %add3A_894 : i32 to index
          %swap3A_963 = arith.constant 112 : index
          %swap3A_964 = tpu.vector_load %arg12[%swap3A_962, %swap3A_963] {strides = array<i32>} : memref<128x128xf32, #tpu.memory_space<vmem>>, vector<1x16xf32>,
          %swap3A_965 = vector.shape_cast %swap3A_964 : vector<1x16xf32> to vector<16xf32>
          %swap3A_966 = vector.shape_cast %get3A_961 : vector<16xf32> to vector<1x16xf32>
          tpu.vector_store %arg12[%swap3A_962, %swap3A_963], %swap3A_966 {strides = array<i32>} : memref<128x128xf32, #tpu.memory_space<vmem>>, vector<1x16xf32>,
          %slice3A_967 = vector.extract_strided_slice %get3A_267 {offsets = [9], sizes = [1], strides = [1]} : vector<16xi32> to vector<1xi32>
          %squeeze3A_968 = vector.extract %slice3A_967[0] : i32 from vector<1xi32>
          %mul3A_969 = arith.constant 16 : i32
          %mul3A_970 = arith.muli %mul3A_969, %scan3A_261 : i32
          %add3A_971 = arith.constant 9 : i32
          %add3A_972 = arith.addi %mul3A_970, %add3A_971 : i32
          %get3A_973 = arith.index_cast %squeeze3A_968 : i32 to index
          %get3A_974 = arith.constant 0 : index
          %get3A_975 = tpu.vector_load %arg6[%get3A_973, %get3A_974] {strides = array<i32>} : memref<367x128xf32, #tpu.memory_space<vmem>>, vector<1x16xf32>,
          %get3A_976 = vector.shape_cast %get3A_975 : vector<1x16xf32> to vector<16xf32>
          %swap3A_977 = arith.index_cast %add3A_972 : i32 to index
          %swap3A_978 = arith.constant 0 : index
          %swap3A_979 = tpu.vector_load %arg12[%swap3A_977, %swap3A_978] {strides = array<i32>} : memref<128x128xf32, #tpu.memory_space<vmem>>, vector<1x16xf32>,
          %swap3A_980 = vector.shape_cast %swap3A_979 : vector<1x16xf32> to vector<16xf32>
          %swap3A_981 = vector.shape_cast %get3A_976 : vector<16xf32> to vector<1x16xf32>
          tpu.vector_store %arg12[%swap3A_977, %swap3A_978], %swap3A_981 {strides = array<i32>} : memref<128x128xf32, #tpu.memory_space<vmem>>, vector<1x16xf32>,
          %get3A_982 = arith.index_cast %squeeze3A_968 : i32 to index
          %get3A_983 = arith.constant 16 : index
          %get3A_984 = tpu.vector_load %arg6[%get3A_982, %get3A_983] {strides = array<i32>} : memref<367x128xf32, #tpu.memory_space<vmem>>, vector<1x16xf32>,
          %get3A_985 = vector.shape_cast %get3A_984 : vector<1x16xf32> to vector<16xf32>
          %swap3A_986 = arith.index_cast %add3A_972 : i32 to index
          %swap3A_987 = arith.constant 16 : index
          %swap3A_988 = tpu.vector_load %arg12[%swap3A_986, %swap3A_987] {strides = array<i32>} : memref<128x128xf32, #tpu.memory_space<vmem>>, vector<1x16xf32>,
          %swap3A_989 = vector.shape_cast %swap3A_988 : vector<1x16xf32> to vector<16xf32>
          %swap3A_990 = vector.shape_cast %get3A_985 : vector<16xf32> to vector<1x16xf32>
          tpu.vector_store %arg12[%swap3A_986, %swap3A_987], %swap3A_990 {strides = array<i32>} : memref<128x128xf32, #tpu.memory_space<vmem>>, vector<1x16xf32>,
          %get3A_991 = arith.index_cast %squeeze3A_968 : i32 to index
          %get3A_992 = arith.constant 32 : index
          %get3A_993 = tpu.vector_load %arg6[%get3A_991, %get3A_992] {strides = array<i32>} : memref<367x128xf32, #tpu.memory_space<vmem>>, vector<1x16xf32>,
          %get3A_994 = vector.shape_cast %get3A_993 : vector<1x16xf32> to vector<16xf32>
          %swap3A_995 = arith.index_cast %add3A_972 : i32 to index
          %swap3A_996 = arith.constant 32 : index
          %swap3A_997 = tpu.vector_load %arg12[%swap3A_995, %swap3A_996] {strides = array<i32>} : memref<128x128xf32, #tpu.memory_space<vmem>>, vector<1x16xf32>,
          %swap3A_998 = vector.shape_cast %swap3A_997 : vector<1x16xf32> to vector<16xf32>
          %swap3A_999 = vector.shape_cast %get3A_994 : vector<16xf32> to vector<1x16xf32>
          tpu.vector_store %arg12[%swap3A_995, %swap3A_996], %swap3A_999 {strides = array<i32>} : memref<128x128xf32, #tpu.memory_space<vmem>>, vector<1x16xf32>,
          %get3A_1000 = arith.index_cast %squeeze3A_968 : i32 to index
          %get3A_1001 = arith.constant 48 : index
          %get3A_1002 = tpu.vector_load %arg6[%get3A_1000, %get3A_1001] {strides = array<i32>} : memref<367x128xf32, #tpu.memory_space<vmem>>, vector<1x16xf32>,
          %get3A_1003 = vector.shape_cast %get3A_1002 : vector<1x16xf32> to vector<16xf32>
          %swap3A_1004 = arith.index_cast %add3A_972 : i32 to index
          %swap3A_1005 = arith.constant 48 : index
          %swap3A_1006 = tpu.vector_load %arg12[%swap3A_1004, %swap3A_1005] {strides = array<i32>} : memref<128x128xf32, #tpu.memory_space<vmem>>, vector<1x16xf32>,
          %swap3A_1007 = vector.shape_cast %swap3A_1006 : vector<1x16xf32> to vector<16xf32>
          %swap3A_1008 = vector.shape_cast %get3A_1003 : vector<16xf32> to vector<1x16xf32>
          tpu.vector_store %arg12[%swap3A_1004, %swap3A_1005], %swap3A_1008 {strides = array<i32>} : memref<128x128xf32, #tpu.memory_space<vmem>>, vector<1x16xf32>,
          %get3A_1009 = arith.index_cast %squeeze3A_968 : i32 to index
          %get3A_1010 = arith.constant 64 : index
          %get3A_1011 = tpu.vector_load %arg6[%get3A_1009, %get3A_1010] {strides = array<i32>} : memref<367x128xf32, #tpu.memory_space<vmem>>, vector<1x16xf32>,
          %get3A_1012 = vector.shape_cast %get3A_1011 : vector<1x16xf32> to vector<16xf32>
          %swap3A_1013 = arith.index_cast %add3A_972 : i32 to index
          %swap3A_1014 = arith.constant 64 : index
          %swap3A_1015 = tpu.vector_load %arg12[%swap3A_1013, %swap3A_1014] {strides = array<i32>} : memref<128x128xf32, #tpu.memory_space<vmem>>, vector<1x16xf32>,
          %swap3A_1016 = vector.shape_cast %swap3A_1015 : vector<1x16xf32> to vector<16xf32>
          %swap3A_1017 = vector.shape_cast %get3A_1012 : vector<16xf32> to vector<1x16xf32>
          tpu.vector_store %arg12[%swap3A_1013, %swap3A_1014], %swap3A_1017 {strides = array<i32>} : memref<128x128xf32, #tpu.memory_space<vmem>>, vector<1x16xf32>,
          %get3A_1018 = arith.index_cast %squeeze3A_968 : i32 to index
          %get3A_1019 = arith.constant 80 : index
          %get3A_1020 = tpu.vector_load %arg6[%get3A_1018, %get3A_1019] {strides = array<i32>} : memref<367x128xf32, #tpu.memory_space<vmem>>, vector<1x16xf32>,
          %get3A_1021 = vector.shape_cast %get3A_1020 : vector<1x16xf32> to vector<16xf32>
          %swap3A_1022 = arith.index_cast %add3A_972 : i32 to index
          %swap3A_1023 = arith.constant 80 : index
          %swap3A_1024 = tpu.vector_load %arg12[%swap3A_1022, %swap3A_1023] {strides = array<i32>} : memref<128x128xf32, #tpu.memory_space<vmem>>, vector<1x16xf32>,
          %swap3A_1025 = vector.shape_cast %swap3A_1024 : vector<1x16xf32> to vector<16xf32>
          %swap3A_1026 = vector.shape_cast %get3A_1021 : vector<16xf32> to vector<1x16xf32>
          tpu.vector_store %arg12[%swap3A_1022, %swap3A_1023], %swap3A_1026 {strides = array<i32>} : memref<128x128xf32, #tpu.memory_space<vmem>>, vector<1x16xf32>,
          %get3A_1027 = arith.index_cast %squeeze3A_968 : i32 to index
          %get3A_1028 = arith.constant 96 : index
          %get3A_1029 = tpu.vector_load %arg6[%get3A_1027, %get3A_1028] {strides = array<i32>} : memref<367x128xf32, #tpu.memory_space<vmem>>, vector<1x16xf32>,
          %get3A_1030 = vector.shape_cast %get3A_1029 : vector<1x16xf32> to vector<16xf32>
          %swap3A_1031 = arith.index_cast %add3A_972 : i32 to index
          %swap3A_1032 = arith.constant 96 : index
          %swap3A_1033 = tpu.vector_load %arg12[%swap3A_1031, %swap3A_1032] {strides = array<i32>} : memref<128x128xf32, #tpu.memory_space<vmem>>, vector<1x16xf32>,
          %swap3A_1034 = vector.shape_cast %swap3A_1033 : vector<1x16xf32> to vector<16xf32>
          %swap3A_1035 = vector.shape_cast %get3A_1030 : vector<16xf32> to vector<1x16xf32>
          tpu.vector_store %arg12[%swap3A_1031, %swap3A_1032], %swap3A_1035 {strides = array<i32>} : memref<128x128xf32, #tpu.memory_space<vmem>>, vector<1x16xf32>,
          %get3A_1036 = arith.index_cast %squeeze3A_968 : i32 to index
          %get3A_1037 = arith.constant 112 : index
          %get3A_1038 = tpu.vector_load %arg6[%get3A_1036, %get3A_1037] {strides = array<i32>} : memref<367x128xf32, #tpu.memory_space<vmem>>, vector<1x16xf32>,
          %get3A_1039 = vector.shape_cast %get3A_1038 : vector<1x16xf32> to vector<16xf32>
          %swap3A_1040 = arith.index_cast %add3A_972 : i32 to index
          %swap3A_1041 = arith.constant 112 : index
          %swap3A_1042 = tpu.vector_load %arg12[%swap3A_1040, %swap3A_1041] {strides = array<i32>} : memref<128x128xf32, #tpu.memory_space<vmem>>, vector<1x16xf32>,
          %swap3A_1043 = vector.shape_cast %swap3A_1042 : vector<1x16xf32> to vector<16xf32>
          %swap3A_1044 = vector.shape_cast %get3A_1039 : vector<16xf32> to vector<1x16xf32>
          tpu.vector_store %arg12[%swap3A_1040, %swap3A_1041], %swap3A_1044 {strides = array<i32>} : memref<128x128xf32, #tpu.memory_space<vmem>>, vector<1x16xf32>,
          %slice3A_1045 = vector.extract_strided_slice %get3A_267 {offsets = [10], sizes = [1], strides = [1]} : vector<16xi32> to vector<1xi32>
          %squeeze3A_1046 = vector.extract %slice3A_1045[0] : i32 from vector<1xi32>
          %mul3A_1047 = arith.constant 16 : i32
          %mul3A_1048 = arith.muli %mul3A_1047, %scan3A_261 : i32
          %add3A_1049 = arith.constant 10 : i32
          %add3A_1050 = arith.addi %mul3A_1048, %add3A_1049 : i32
          %get3A_1051 = arith.index_cast %squeeze3A_1046 : i32 to index
          %get3A_1052 = arith.constant 0 : index
          %get3A_1053 = tpu.vector_load %arg6[%get3A_1051, %get3A_1052] {strides = array<i32>} : memref<367x128xf32, #tpu.memory_space<vmem>>, vector<1x16xf32>,
          %get3A_1054 = vector.shape_cast %get3A_1053 : vector<1x16xf32> to vector<16xf32>
          %swap3A_1055 = arith.index_cast %add3A_1050 : i32 to index
          %swap3A_1056 = arith.constant 0 : index
          %swap3A_1057 = tpu.vector_load %arg12[%swap3A_1055, %swap3A_1056] {strides = array<i32>} : memref<128x128xf32, #tpu.memory_space<vmem>>, vector<1x16xf32>,
          %swap3A_1058 = vector.shape_cast %swap3A_1057 : vector<1x16xf32> to vector<16xf32>
          %swap3A_1059 = vector.shape_cast %get3A_1054 : vector<16xf32> to vector<1x16xf32>
          tpu.vector_store %arg12[%swap3A_1055, %swap3A_1056], %swap3A_1059 {strides = array<i32>} : memref<128x128xf32, #tpu.memory_space<vmem>>, vector<1x16xf32>,
          %get3A_1060 = arith.index_cast %squeeze3A_1046 : i32 to index
          %get3A_1061 = arith.constant 16 : index
          %get3A_1062 = tpu.vector_load %arg6[%get3A_1060, %get3A_1061] {strides = array<i32>} : memref<367x128xf32, #tpu.memory_space<vmem>>, vector<1x16xf32>,
          %get3A_1063 = vector.shape_cast %get3A_1062 : vector<1x16xf32> to vector<16xf32>
          %swap3A_1064 = arith.index_cast %add3A_1050 : i32 to index
          %swap3A_1065 = arith.constant 16 : index
          %swap3A_1066 = tpu.vector_load %arg12[%swap3A_1064, %swap3A_1065] {strides = array<i32>} : memref<128x128xf32, #tpu.memory_space<vmem>>, vector<1x16xf32>,
          %swap3A_1067 = vector.shape_cast %swap3A_1066 : vector<1x16xf32> to vector<16xf32>
          %swap3A_1068 = vector.shape_cast %get3A_1063 : vector<16xf32> to vector<1x16xf32>
          tpu.vector_store %arg12[%swap3A_1064, %swap3A_1065], %swap3A_1068 {strides = array<i32>} : memref<128x128xf32, #tpu.memory_space<vmem>>, vector<1x16xf32>,
          %get3A_1069 = arith.index_cast %squeeze3A_1046 : i32 to index
          %get3A_1070 = arith.constant 32 : index
          %get3A_1071 = tpu.vector_load %arg6[%get3A_1069, %get3A_1070] {strides = array<i32>} : memref<367x128xf32, #tpu.memory_space<vmem>>, vector<1x16xf32>,
          %get3A_1072 = vector.shape_cast %get3A_1071 : vector<1x16xf32> to vector<16xf32>
          %swap3A_1073 = arith.index_cast %add3A_1050 : i32 to index
          %swap3A_1074 = arith.constant 32 : index
          %swap3A_1075 = tpu.vector_load %arg12[%swap3A_1073, %swap3A_1074] {strides = array<i32>} : memref<128x128xf32, #tpu.memory_space<vmem>>, vector<1x16xf32>,
          %swap3A_1076 = vector.shape_cast %swap3A_1075 : vector<1x16xf32> to vector<16xf32>
          %swap3A_1077 = vector.shape_cast %get3A_1072 : vector<16xf32> to vector<1x16xf32>
          tpu.vector_store %arg12[%swap3A_1073, %swap3A_1074], %swap3A_1077 {strides = array<i32>} : memref<128x128xf32, #tpu.memory_space<vmem>>, vector<1x16xf32>,
          %get3A_1078 = arith.index_cast %squeeze3A_1046 : i32 to index
          %get3A_1079 = arith.constant 48 : index
          %get3A_1080 = tpu.vector_load %arg6[%get3A_1078, %get3A_1079] {strides = array<i32>} : memref<367x128xf32, #tpu.memory_space<vmem>>, vector<1x16xf32>,
          %get3A_1081 = vector.shape_cast %get3A_1080 : vector<1x16xf32> to vector<16xf32>
          %swap3A_1082 = arith.index_cast %add3A_1050 : i32 to index
          %swap3A_1083 = arith.constant 48 : index
          %swap3A_1084 = tpu.vector_load %arg12[%swap3A_1082, %swap3A_1083] {strides = array<i32>} : memref<128x128xf32, #tpu.memory_space<vmem>>, vector<1x16xf32>,
          %swap3A_1085 = vector.shape_cast %swap3A_1084 : vector<1x16xf32> to vector<16xf32>
          %swap3A_1086 = vector.shape_cast %get3A_1081 : vector<16xf32> to vector<1x16xf32>
          tpu.vector_store %arg12[%swap3A_1082, %swap3A_1083], %swap3A_1086 {strides = array<i32>} : memref<128x128xf32, #tpu.memory_space<vmem>>, vector<1x16xf32>,
          %get3A_1087 = arith.index_cast %squeeze3A_1046 : i32 to index
          %get3A_1088 = arith.constant 64 : index
          %get3A_1089 = tpu.vector_load %arg6[%get3A_1087, %get3A_1088] {strides = array<i32>} : memref<367x128xf32, #tpu.memory_space<vmem>>, vector<1x16xf32>,
          %get3A_1090 = vector.shape_cast %get3A_1089 : vector<1x16xf32> to vector<16xf32>
          %swap3A_1091 = arith.index_cast %add3A_1050 : i32 to index
          %swap3A_1092 = arith.constant 64 : index
          %swap3A_1093 = tpu.vector_load %arg12[%swap3A_1091, %swap3A_1092] {strides = array<i32>} : memref<128x128xf32, #tpu.memory_space<vmem>>, vector<1x16xf32>,
          %swap3A_1094 = vector.shape_cast %swap3A_1093 : vector<1x16xf32> to vector<16xf32>
          %swap3A_1095 = vector.shape_cast %get3A_1090 : vector<16xf32> to vector<1x16xf32>
          tpu.vector_store %arg12[%swap3A_1091, %swap3A_1092], %swap3A_1095 {strides = array<i32>} : memref<128x128xf32, #tpu.memory_space<vmem>>, vector<1x16xf32>,
          %get3A_1096 = arith.index_cast %squeeze3A_1046 : i32 to index
          %get3A_1097 = arith.constant 80 : index
          %get3A_1098 = tpu.vector_load %arg6[%get3A_1096, %get3A_1097] {strides = array<i32>} : memref<367x128xf32, #tpu.memory_space<vmem>>, vector<1x16xf32>,
          %get3A_1099 = vector.shape_cast %get3A_1098 : vector<1x16xf32> to vector<16xf32>
          %swap3A_1100 = arith.index_cast %add3A_1050 : i32 to index
          %swap3A_1101 = arith.constant 80 : index
          %swap3A_1102 = tpu.vector_load %arg12[%swap3A_1100, %swap3A_1101] {strides = array<i32>} : memref<128x128xf32, #tpu.memory_space<vmem>>, vector<1x16xf32>,
          %swap3A_1103 = vector.shape_cast %swap3A_1102 : vector<1x16xf32> to vector<16xf32>
          %swap3A_1104 = vector.shape_cast %get3A_1099 : vector<16xf32> to vector<1x16xf32>
          tpu.vector_store %arg12[%swap3A_1100, %swap3A_1101], %swap3A_1104 {strides = array<i32>} : memref<128x128xf32, #tpu.memory_space<vmem>>, vector<1x16xf32>,
          %get3A_1105 = arith.index_cast %squeeze3A_1046 : i32 to index
          %get3A_1106 = arith.constant 96 : index
          %get3A_1107 = tpu.vector_load %arg6[%get3A_1105, %get3A_1106] {strides = array<i32>} : memref<367x128xf32, #tpu.memory_space<vmem>>, vector<1x16xf32>,
          %get3A_1108 = vector.shape_cast %get3A_1107 : vector<1x16xf32> to vector<16xf32>
          %swap3A_1109 = arith.index_cast %add3A_1050 : i32 to index
          %swap3A_1110 = arith.constant 96 : index
          %swap3A_1111 = tpu.vector_load %arg12[%swap3A_1109, %swap3A_1110] {strides = array<i32>} : memref<128x128xf32, #tpu.memory_space<vmem>>, vector<1x16xf32>,
          %swap3A_1112 = vector.shape_cast %swap3A_1111 : vector<1x16xf32> to vector<16xf32>
          %swap3A_1113 = vector.shape_cast %get3A_1108 : vector<16xf32> to vector<1x16xf32>
          tpu.vector_store %arg12[%swap3A_1109, %swap3A_1110], %swap3A_1113 {strides = array<i32>} : memref<128x128xf32, #tpu.memory_space<vmem>>, vector<1x16xf32>,
          %get3A_1114 = arith.index_cast %squeeze3A_1046 : i32 to index
          %get3A_1115 = arith.constant 112 : index
          %get3A_1116 = tpu.vector_load %arg6[%get3A_1114, %get3A_1115] {strides = array<i32>} : memref<367x128xf32, #tpu.memory_space<vmem>>, vector<1x16xf32>,
          %get3A_1117 = vector.shape_cast %get3A_1116 : vector<1x16xf32> to vector<16xf32>
          %swap3A_1118 = arith.index_cast %add3A_1050 : i32 to index
          %swap3A_1119 = arith.constant 112 : index
          %swap3A_1120 = tpu.vector_load %arg12[%swap3A_1118, %swap3A_1119] {strides = array<i32>} : memref<128x128xf32, #tpu.memory_space<vmem>>, vector<1x16xf32>,
          %swap3A_1121 = vector.shape_cast %swap3A_1120 : vector<1x16xf32> to vector<16xf32>
          %swap3A_1122 = vector.shape_cast %get3A_1117 : vector<16xf32> to vector<1x16xf32>
          tpu.vector_store %arg12[%swap3A_1118, %swap3A_1119], %swap3A_1122 {strides = array<i32>} : memref<128x128xf32, #tpu.memory_space<vmem>>, vector<1x16xf32>,
          %slice3A_1123 = vector.extract_strided_slice %get3A_267 {offsets = [11], sizes = [1], strides = [1]} : vector<16xi32> to vector<1xi32>
          %squeeze3A_1124 = vector.extract %slice3A_1123[0] : i32 from vector<1xi32>
          %mul3A_1125 = arith.constant 16 : i32
          %mul3A_1126 = arith.muli %mul3A_1125, %scan3A_261 : i32
          %add3A_1127 = arith.constant 11 : i32
          %add3A_1128 = arith.addi %mul3A_1126, %add3A_1127 : i32
          %get3A_1129 = arith.index_cast %squeeze3A_1124 : i32 to index
          %get3A_1130 = arith.constant 0 : index
          %get3A_1131 = tpu.vector_load %arg6[%get3A_1129, %get3A_1130] {strides = array<i32>} : memref<367x128xf32, #tpu.memory_space<vmem>>, vector<1x16xf32>,
          %get3A_1132 = vector.shape_cast %get3A_1131 : vector<1x16xf32> to vector<16xf32>
          %swap3A_1133 = arith.index_cast %add3A_1128 : i32 to index
          %swap3A_1134 = arith.constant 0 : index
          %swap3A_1135 = tpu.vector_load %arg12[%swap3A_1133, %swap3A_1134] {strides = array<i32>} : memref<128x128xf32, #tpu.memory_space<vmem>>, vector<1x16xf32>,
          %swap3A_1136 = vector.shape_cast %swap3A_1135 : vector<1x16xf32> to vector<16xf32>
          %swap3A_1137 = vector.shape_cast %get3A_1132 : vector<16xf32> to vector<1x16xf32>
          tpu.vector_store %arg12[%swap3A_1133, %swap3A_1134], %swap3A_1137 {strides = array<i32>} : memref<128x128xf32, #tpu.memory_space<vmem>>, vector<1x16xf32>,
          %get3A_1138 = arith.index_cast %squeeze3A_1124 : i32 to index
          %get3A_1139 = arith.constant 16 : index
          %get3A_1140 = tpu.vector_load %arg6[%get3A_1138, %get3A_1139] {strides = array<i32>} : memref<367x128xf32, #tpu.memory_space<vmem>>, vector<1x16xf32>,
          %get3A_1141 = vector.shape_cast %get3A_1140 : vector<1x16xf32> to vector<16xf32>
          %swap3A_1142 = arith.index_cast %add3A_1128 : i32 to index
          %swap3A_1143 = arith.constant 16 : index
          %swap3A_1144 = tpu.vector_load %arg12[%swap3A_1142, %swap3A_1143] {strides = array<i32>} : memref<128x128xf32, #tpu.memory_space<vmem>>, vector<1x16xf32>,
          %swap3A_1145 = vector.shape_cast %swap3A_1144 : vector<1x16xf32> to vector<16xf32>
          %swap3A_1146 = vector.shape_cast %get3A_1141 : vector<16xf32> to vector<1x16xf32>
          tpu.vector_store %arg12[%swap3A_1142, %swap3A_1143], %swap3A_1146 {strides = array<i32>} : memref<128x128xf32, #tpu.memory_space<vmem>>, vector<1x16xf32>,
          %get3A_1147 = arith.index_cast %squeeze3A_1124 : i32 to index
          %get3A_1148 = arith.constant 32 : index
          %get3A_1149 = tpu.vector_load %arg6[%get3A_1147, %get3A_1148] {strides = array<i32>} : memref<367x128xf32, #tpu.memory_space<vmem>>, vector<1x16xf32>,
          %get3A_1150 = vector.shape_cast %get3A_1149 : vector<1x16xf32> to vector<16xf32>
          %swap3A_1151 = arith.index_cast %add3A_1128 : i32 to index
          %swap3A_1152 = arith.constant 32 : index
          %swap3A_1153 = tpu.vector_load %arg12[%swap3A_1151, %swap3A_1152] {strides = array<i32>} : memref<128x128xf32, #tpu.memory_space<vmem>>, vector<1x16xf32>,
          %swap3A_1154 = vector.shape_cast %swap3A_1153 : vector<1x16xf32> to vector<16xf32>
          %swap3A_1155 = vector.shape_cast %get3A_1150 : vector<16xf32> to vector<1x16xf32>
          tpu.vector_store %arg12[%swap3A_1151, %swap3A_1152], %swap3A_1155 {strides = array<i32>} : memref<128x128xf32, #tpu.memory_space<vmem>>, vector<1x16xf32>,
          %get3A_1156 = arith.index_cast %squeeze3A_1124 : i32 to index
          %get3A_1157 = arith.constant 48 : index
          %get3A_1158 = tpu.vector_load %arg6[%get3A_1156, %get3A_1157] {strides = array<i32>} : memref<367x128xf32, #tpu.memory_space<vmem>>, vector<1x16xf32>,
          %get3A_1159 = vector.shape_cast %get3A_1158 : vector<1x16xf32> to vector<16xf32>
          %swap3A_1160 = arith.index_cast %add3A_1128 : i32 to index
          %swap3A_1161 = arith.constant 48 : index
          %swap3A_1162 = tpu.vector_load %arg12[%swap3A_1160, %swap3A_1161] {strides = array<i32>} : memref<128x128xf32, #tpu.memory_space<vmem>>, vector<1x16xf32>,
          %swap3A_1163 = vector.shape_cast %swap3A_1162 : vector<1x16xf32> to vector<16xf32>
          %swap3A_1164 = vector.shape_cast %get3A_1159 : vector<16xf32> to vector<1x16xf32>
          tpu.vector_store %arg12[%swap3A_1160, %swap3A_1161], %swap3A_1164 {strides = array<i32>} : memref<128x128xf32, #tpu.memory_space<vmem>>, vector<1x16xf32>,
          %get3A_1165 = arith.index_cast %squeeze3A_1124 : i32 to index
          %get3A_1166 = arith.constant 64 : index
          %get3A_1167 = tpu.vector_load %arg6[%get3A_1165, %get3A_1166] {strides = array<i32>} : memref<367x128xf32, #tpu.memory_space<vmem>>, vector<1x16xf32>,
          %get3A_1168 = vector.shape_cast %get3A_1167 : vector<1x16xf32> to vector<16xf32>
          %swap3A_1169 = arith.index_cast %add3A_1128 : i32 to index
          %swap3A_1170 = arith.constant 64 : index
          %swap3A_1171 = tpu.vector_load %arg12[%swap3A_1169, %swap3A_1170] {strides = array<i32>} : memref<128x128xf32, #tpu.memory_space<vmem>>, vector<1x16xf32>,
          %swap3A_1172 = vector.shape_cast %swap3A_1171 : vector<1x16xf32> to vector<16xf32>
          %swap3A_1173 = vector.shape_cast %get3A_1168 : vector<16xf32> to vector<1x16xf32>
          tpu.vector_store %arg12[%swap3A_1169, %swap3A_1170], %swap3A_1173 {strides = array<i32>} : memref<128x128xf32, #tpu.memory_space<vmem>>, vector<1x16xf32>,
          %get3A_1174 = arith.index_cast %squeeze3A_1124 : i32 to index
          %get3A_1175 = arith.constant 80 : index
          %get3A_1176 = tpu.vector_load %arg6[%get3A_1174, %get3A_1175] {strides = array<i32>} : memref<367x128xf32, #tpu.memory_space<vmem>>, vector<1x16xf32>,
          %get3A_1177 = vector.shape_cast %get3A_1176 : vector<1x16xf32> to vector<16xf32>
          %swap3A_1178 = arith.index_cast %add3A_1128 : i32 to index
          %swap3A_1179 = arith.constant 80 : index
          %swap3A_1180 = tpu.vector_load %arg12[%swap3A_1178, %swap3A_1179] {strides = array<i32>} : memref<128x128xf32, #tpu.memory_space<vmem>>, vector<1x16xf32>,
          %swap3A_1181 = vector.shape_cast %swap3A_1180 : vector<1x16xf32> to vector<16xf32>
          %swap3A_1182 = vector.shape_cast %get3A_1177 : vector<16xf32> to vector<1x16xf32>
          tpu.vector_store %arg12[%swap3A_1178, %swap3A_1179], %swap3A_1182 {strides = array<i32>} : memref<128x128xf32, #tpu.memory_space<vmem>>, vector<1x16xf32>,
          %get3A_1183 = arith.index_cast %squeeze3A_1124 : i32 to index
          %get3A_1184 = arith.constant 96 : index
          %get3A_1185 = tpu.vector_load %arg6[%get3A_1183, %get3A_1184] {strides = array<i32>} : memref<367x128xf32, #tpu.memory_space<vmem>>, vector<1x16xf32>,
          %get3A_1186 = vector.shape_cast %get3A_1185 : vector<1x16xf32> to vector<16xf32>
          %swap3A_1187 = arith.index_cast %add3A_1128 : i32 to index
          %swap3A_1188 = arith.constant 96 : index
          %swap3A_1189 = tpu.vector_load %arg12[%swap3A_1187, %swap3A_1188] {strides = array<i32>} : memref<128x128xf32, #tpu.memory_space<vmem>>, vector<1x16xf32>,
          %swap3A_1190 = vector.shape_cast %swap3A_1189 : vector<1x16xf32> to vector<16xf32>
          %swap3A_1191 = vector.shape_cast %get3A_1186 : vector<16xf32> to vector<1x16xf32>
          tpu.vector_store %arg12[%swap3A_1187, %swap3A_1188], %swap3A_1191 {strides = array<i32>} : memref<128x128xf32, #tpu.memory_space<vmem>>, vector<1x16xf32>,
          %get3A_1192 = arith.index_cast %squeeze3A_1124 : i32 to index
          %get3A_1193 = arith.constant 112 : index
          %get3A_1194 = tpu.vector_load %arg6[%get3A_1192, %get3A_1193] {strides = array<i32>} : memref<367x128xf32, #tpu.memory_space<vmem>>, vector<1x16xf32>,
          %get3A_1195 = vector.shape_cast %get3A_1194 : vector<1x16xf32> to vector<16xf32>
          %swap3A_1196 = arith.index_cast %add3A_1128 : i32 to index
          %swap3A_1197 = arith.constant 112 : index
          %swap3A_1198 = tpu.vector_load %arg12[%swap3A_1196, %swap3A_1197] {strides = array<i32>} : memref<128x128xf32, #tpu.memory_space<vmem>>, vector<1x16xf32>,
          %swap3A_1199 = vector.shape_cast %swap3A_1198 : vector<1x16xf32> to vector<16xf32>
          %swap3A_1200 = vector.shape_cast %get3A_1195 : vector<16xf32> to vector<1x16xf32>
          tpu.vector_store %arg12[%swap3A_1196, %swap3A_1197], %swap3A_1200 {strides = array<i32>} : memref<128x128xf32, #tpu.memory_space<vmem>>, vector<1x16xf32>,
          %slice3A_1201 = vector.extract_strided_slice %get3A_267 {offsets = [12], sizes = [1], strides = [1]} : vector<16xi32> to vector<1xi32>
          %squeeze3A_1202 = vector.extract %slice3A_1201[0] : i32 from vector<1xi32>
          %mul3A_1203 = arith.constant 16 : i32
          %mul3A_1204 = arith.muli %mul3A_1203, %scan3A_261 : i32
          %add3A_1205 = arith.constant 12 : i32
          %add3A_1206 = arith.addi %mul3A_1204, %add3A_1205 : i32
          %get3A_1207 = arith.index_cast %squeeze3A_1202 : i32 to index
          %get3A_1208 = arith.constant 0 : index
          %get3A_1209 = tpu.vector_load %arg6[%get3A_1207, %get3A_1208] {strides = array<i32>} : memref<367x128xf32, #tpu.memory_space<vmem>>, vector<1x16xf32>,
          %get3A_1210 = vector.shape_cast %get3A_1209 : vector<1x16xf32> to vector<16xf32>
          %swap3A_1211 = arith.index_cast %add3A_1206 : i32 to index
          %swap3A_1212 = arith.constant 0 : index
          %swap3A_1213 = tpu.vector_load %arg12[%swap3A_1211, %swap3A_1212] {strides = array<i32>} : memref<128x128xf32, #tpu.memory_space<vmem>>, vector<1x16xf32>,
          %swap3A_1214 = vector.shape_cast %swap3A_1213 : vector<1x16xf32> to vector<16xf32>
          %swap3A_1215 = vector.shape_cast %get3A_1210 : vector<16xf32> to vector<1x16xf32>
          tpu.vector_store %arg12[%swap3A_1211, %swap3A_1212], %swap3A_1215 {strides = array<i32>} : memref<128x128xf32, #tpu.memory_space<vmem>>, vector<1x16xf32>,
          %get3A_1216 = arith.index_cast %squeeze3A_1202 : i32 to index
          %get3A_1217 = arith.constant 16 : index
          %get3A_1218 = tpu.vector_load %arg6[%get3A_1216, %get3A_1217] {strides = array<i32>} : memref<367x128xf32, #tpu.memory_space<vmem>>, vector<1x16xf32>,
          %get3A_1219 = vector.shape_cast %get3A_1218 : vector<1x16xf32> to vector<16xf32>
          %swap3A_1220 = arith.index_cast %add3A_1206 : i32 to index
          %swap3A_1221 = arith.constant 16 : index
          %swap3A_1222 = tpu.vector_load %arg12[%swap3A_1220, %swap3A_1221] {strides = array<i32>} : memref<128x128xf32, #tpu.memory_space<vmem>>, vector<1x16xf32>,
          %swap3A_1223 = vector.shape_cast %swap3A_1222 : vector<1x16xf32> to vector<16xf32>
          %swap3A_1224 = vector.shape_cast %get3A_1219 : vector<16xf32> to vector<1x16xf32>
          tpu.vector_store %arg12[%swap3A_1220, %swap3A_1221], %swap3A_1224 {strides = array<i32>} : memref<128x128xf32, #tpu.memory_space<vmem>>, vector<1x16xf32>,
          %get3A_1225 = arith.index_cast %squeeze3A_1202 : i32 to index
          %get3A_1226 = arith.constant 32 : index
          %get3A_1227 = tpu.vector_load %arg6[%get3A_1225, %get3A_1226] {strides = array<i32>} : memref<367x128xf32, #tpu.memory_space<vmem>>, vector<1x16xf32>,
          %get3A_1228 = vector.shape_cast %get3A_1227 : vector<1x16xf32> to vector<16xf32>
          %swap3A_1229 = arith.index_cast %add3A_1206 : i32 to index
          %swap3A_1230 = arith.constant 32 : index
          %swap3A_1231 = tpu.vector_load %arg12[%swap3A_1229, %swap3A_1230] {strides = array<i32>} : memref<128x128xf32, #tpu.memory_space<vmem>>, vector<1x16xf32>,
          %swap3A_1232 = vector.shape_cast %swap3A_1231 : vector<1x16xf32> to vector<16xf32>
          %swap3A_1233 = vector.shape_cast %get3A_1228 : vector<16xf32> to vector<1x16xf32>
          tpu.vector_store %arg12[%swap3A_1229, %swap3A_1230], %swap3A_1233 {strides = array<i32>} : memref<128x128xf32, #tpu.memory_space<vmem>>, vector<1x16xf32>,
          %get3A_1234 = arith.index_cast %squeeze3A_1202 : i32 to index
          %get3A_1235 = arith.constant 48 : index
          %get3A_1236 = tpu.vector_load %arg6[%get3A_1234, %get3A_1235] {strides = array<i32>} : memref<367x128xf32, #tpu.memory_space<vmem>>, vector<1x16xf32>,
          %get3A_1237 = vector.shape_cast %get3A_1236 : vector<1x16xf32> to vector<16xf32>
          %swap3A_1238 = arith.index_cast %add3A_1206 : i32 to index
          %swap3A_1239 = arith.constant 48 : index
          %swap3A_1240 = tpu.vector_load %arg12[%swap3A_1238, %swap3A_1239] {strides = array<i32>} : memref<128x128xf32, #tpu.memory_space<vmem>>, vector<1x16xf32>,
          %swap3A_1241 = vector.shape_cast %swap3A_1240 : vector<1x16xf32> to vector<16xf32>
          %swap3A_1242 = vector.shape_cast %get3A_1237 : vector<16xf32> to vector<1x16xf32>
          tpu.vector_store %arg12[%swap3A_1238, %swap3A_1239], %swap3A_1242 {strides = array<i32>} : memref<128x128xf32, #tpu.memory_space<vmem>>, vector<1x16xf32>,
          %get3A_1243 = arith.index_cast %squeeze3A_1202 : i32 to index
          %get3A_1244 = arith.constant 64 : index
          %get3A_1245 = tpu.vector_load %arg6[%get3A_1243, %get3A_1244] {strides = array<i32>} : memref<367x128xf32, #tpu.memory_space<vmem>>, vector<1x16xf32>,
          %get3A_1246 = vector.shape_cast %get3A_1245 : vector<1x16xf32> to vector<16xf32>
          %swap3A_1247 = arith.index_cast %add3A_1206 : i32 to index
          %swap3A_1248 = arith.constant 64 : index
          %swap3A_1249 = tpu.vector_load %arg12[%swap3A_1247, %swap3A_1248] {strides = array<i32>} : memref<128x128xf32, #tpu.memory_space<vmem>>, vector<1x16xf32>,
          %swap3A_1250 = vector.shape_cast %swap3A_1249 : vector<1x16xf32> to vector<16xf32>
          %swap3A_1251 = vector.shape_cast %get3A_1246 : vector<16xf32> to vector<1x16xf32>
          tpu.vector_store %arg12[%swap3A_1247, %swap3A_1248], %swap3A_1251 {strides = array<i32>} : memref<128x128xf32, #tpu.memory_space<vmem>>, vector<1x16xf32>,
          %get3A_1252 = arith.index_cast %squeeze3A_1202 : i32 to index
          %get3A_1253 = arith.constant 80 : index
          %get3A_1254 = tpu.vector_load %arg6[%get3A_1252, %get3A_1253] {strides = array<i32>} : memref<367x128xf32, #tpu.memory_space<vmem>>, vector<1x16xf32>,
          %get3A_1255 = vector.shape_cast %get3A_1254 : vector<1x16xf32> to vector<16xf32>
          %swap3A_1256 = arith.index_cast %add3A_1206 : i32 to index
          %swap3A_1257 = arith.constant 80 : index
          %swap3A_1258 = tpu.vector_load %arg12[%swap3A_1256, %swap3A_1257] {strides = array<i32>} : memref<128x128xf32, #tpu.memory_space<vmem>>, vector<1x16xf32>,
          %swap3A_1259 = vector.shape_cast %swap3A_1258 : vector<1x16xf32> to vector<16xf32>
          %swap3A_1260 = vector.shape_cast %get3A_1255 : vector<16xf32> to vector<1x16xf32>
          tpu.vector_store %arg12[%swap3A_1256, %swap3A_1257], %swap3A_1260 {strides = array<i32>} : memref<128x128xf32, #tpu.memory_space<vmem>>, vector<1x16xf32>,
          %get3A_1261 = arith.index_cast %squeeze3A_1202 : i32 to index
          %get3A_1262 = arith.constant 96 : index
          %get3A_1263 = tpu.vector_load %arg6[%get3A_1261, %get3A_1262] {strides = array<i32>} : memref<367x128xf32, #tpu.memory_space<vmem>>, vector<1x16xf32>,
          %get3A_1264 = vector.shape_cast %get3A_1263 : vector<1x16xf32> to vector<16xf32>
          %swap3A_1265 = arith.index_cast %add3A_1206 : i32 to index
          %swap3A_1266 = arith.constant 96 : index
          %swap3A_1267 = tpu.vector_load %arg12[%swap3A_1265, %swap3A_1266] {strides = array<i32>} : memref<128x128xf32, #tpu.memory_space<vmem>>, vector<1x16xf32>,
          %swap3A_1268 = vector.shape_cast %swap3A_1267 : vector<1x16xf32> to vector<16xf32>
          %swap3A_1269 = vector.shape_cast %get3A_1264 : vector<16xf32> to vector<1x16xf32>
          tpu.vector_store %arg12[%swap3A_1265, %swap3A_1266], %swap3A_1269 {strides = array<i32>} : memref<128x128xf32, #tpu.memory_space<vmem>>, vector<1x16xf32>,
          %get3A_1270 = arith.index_cast %squeeze3A_1202 : i32 to index
          %get3A_1271 = arith.constant 112 : index
          %get3A_1272 = tpu.vector_load %arg6[%get3A_1270, %get3A_1271] {strides = array<i32>} : memref<367x128xf32, #tpu.memory_space<vmem>>, vector<1x16xf32>,
          %get3A_1273 = vector.shape_cast %get3A_1272 : vector<1x16xf32> to vector<16xf32>
          %swap3A_1274 = arith.index_cast %add3A_1206 : i32 to index
          %swap3A_1275 = arith.constant 112 : index
          %swap3A_1276 = tpu.vector_load %arg12[%swap3A_1274, %swap3A_1275] {strides = array<i32>} : memref<128x128xf32, #tpu.memory_space<vmem>>, vector<1x16xf32>,
          %swap3A_1277 = vector.shape_cast %swap3A_1276 : vector<1x16xf32> to vector<16xf32>
          %swap3A_1278 = vector.shape_cast %get3A_1273 : vector<16xf32> to vector<1x16xf32>
          tpu.vector_store %arg12[%swap3A_1274, %swap3A_1275], %swap3A_1278 {strides = array<i32>} : memref<128x128xf32, #tpu.memory_space<vmem>>, vector<1x16xf32>,
          %slice3A_1279 = vector.extract_strided_slice %get3A_267 {offsets = [13], sizes = [1], strides = [1]} : vector<16xi32> to vector<1xi32>
          %squeeze3A_1280 = vector.extract %slice3A_1279[0] : i32 from vector<1xi32>
          %mul3A_1281 = arith.constant 16 : i32
          %mul3A_1282 = arith.muli %mul3A_1281, %scan3A_261 : i32
          %add3A_1283 = arith.constant 13 : i32
          %add3A_1284 = arith.addi %mul3A_1282, %add3A_1283 : i32
          %get3A_1285 = arith.index_cast %squeeze3A_1280 : i32 to index
          %get3A_1286 = arith.constant 0 : index
          %get3A_1287 = tpu.vector_load %arg6[%get3A_1285, %get3A_1286] {strides = array<i32>} : memref<367x128xf32, #tpu.memory_space<vmem>>, vector<1x16xf32>,
          %get3A_1288 = vector.shape_cast %get3A_1287 : vector<1x16xf32> to vector<16xf32>
          %swap3A_1289 = arith.index_cast %add3A_1284 : i32 to index
          %swap3A_1290 = arith.constant 0 : index
          %swap3A_1291 = tpu.vector_load %arg12[%swap3A_1289, %swap3A_1290] {strides = array<i32>} : memref<128x128xf32, #tpu.memory_space<vmem>>, vector<1x16xf32>,
          %swap3A_1292 = vector.shape_cast %swap3A_1291 : vector<1x16xf32> to vector<16xf32>
          %swap3A_1293 = vector.shape_cast %get3A_1288 : vector<16xf32> to vector<1x16xf32>
          tpu.vector_store %arg12[%swap3A_1289, %swap3A_1290], %swap3A_1293 {strides = array<i32>} : memref<128x128xf32, #tpu.memory_space<vmem>>, vector<1x16xf32>,
          %get3A_1294 = arith.index_cast %squeeze3A_1280 : i32 to index
          %get3A_1295 = arith.constant 16 : index
          %get3A_1296 = tpu.vector_load %arg6[%get3A_1294, %get3A_1295] {strides = array<i32>} : memref<367x128xf32, #tpu.memory_space<vmem>>, vector<1x16xf32>,
          %get3A_1297 = vector.shape_cast %get3A_1296 : vector<1x16xf32> to vector<16xf32>
          %swap3A_1298 = arith.index_cast %add3A_1284 : i32 to index
          %swap3A_1299 = arith.constant 16 : index
          %swap3A_1300 = tpu.vector_load %arg12[%swap3A_1298, %swap3A_1299] {strides = array<i32>} : memref<128x128xf32, #tpu.memory_space<vmem>>, vector<1x16xf32>,
          %swap3A_1301 = vector.shape_cast %swap3A_1300 : vector<1x16xf32> to vector<16xf32>
          %swap3A_1302 = vector.shape_cast %get3A_1297 : vector<16xf32> to vector<1x16xf32>
          tpu.vector_store %arg12[%swap3A_1298, %swap3A_1299], %swap3A_1302 {strides = array<i32>} : memref<128x128xf32, #tpu.memory_space<vmem>>, vector<1x16xf32>,
          %get3A_1303 = arith.index_cast %squeeze3A_1280 : i32 to index
          %get3A_1304 = arith.constant 32 : index
          %get3A_1305 = tpu.vector_load %arg6[%get3A_1303, %get3A_1304] {strides = array<i32>} : memref<367x128xf32, #tpu.memory_space<vmem>>, vector<1x16xf32>,
          %get3A_1306 = vector.shape_cast %get3A_1305 : vector<1x16xf32> to vector<16xf32>
          %swap3A_1307 = arith.index_cast %add3A_1284 : i32 to index
          %swap3A_1308 = arith.constant 32 : index
          %swap3A_1309 = tpu.vector_load %arg12[%swap3A_1307, %swap3A_1308] {strides = array<i32>} : memref<128x128xf32, #tpu.memory_space<vmem>>, vector<1x16xf32>,
          %swap3A_1310 = vector.shape_cast %swap3A_1309 : vector<1x16xf32> to vector<16xf32>
          %swap3A_1311 = vector.shape_cast %get3A_1306 : vector<16xf32> to vector<1x16xf32>
          tpu.vector_store %arg12[%swap3A_1307, %swap3A_1308], %swap3A_1311 {strides = array<i32>} : memref<128x128xf32, #tpu.memory_space<vmem>>, vector<1x16xf32>,
          %get3A_1312 = arith.index_cast %squeeze3A_1280 : i32 to index
          %get3A_1313 = arith.constant 48 : index
          %get3A_1314 = tpu.vector_load %arg6[%get3A_1312, %get3A_1313] {strides = array<i32>} : memref<367x128xf32, #tpu.memory_space<vmem>>, vector<1x16xf32>,
          %get3A_1315 = vector.shape_cast %get3A_1314 : vector<1x16xf32> to vector<16xf32>
          %swap3A_1316 = arith.index_cast %add3A_1284 : i32 to index
          %swap3A_1317 = arith.constant 48 : index
          %swap3A_1318 = tpu.vector_load %arg12[%swap3A_1316, %swap3A_1317] {strides = array<i32>} : memref<128x128xf32, #tpu.memory_space<vmem>>, vector<1x16xf32>,
          %swap3A_1319 = vector.shape_cast %swap3A_1318 : vector<1x16xf32> to vector<16xf32>
          %swap3A_1320 = vector.shape_cast %get3A_1315 : vector<16xf32> to vector<1x16xf32>
          tpu.vector_store %arg12[%swap3A_1316, %swap3A_1317], %swap3A_1320 {strides = array<i32>} : memref<128x128xf32, #tpu.memory_space<vmem>>, vector<1x16xf32>,
          %get3A_1321 = arith.index_cast %squeeze3A_1280 : i32 to index
          %get3A_1322 = arith.constant 64 : index
          %get3A_1323 = tpu.vector_load %arg6[%get3A_1321, %get3A_1322] {strides = array<i32>} : memref<367x128xf32, #tpu.memory_space<vmem>>, vector<1x16xf32>,
          %get3A_1324 = vector.shape_cast %get3A_1323 : vector<1x16xf32> to vector<16xf32>
          %swap3A_1325 = arith.index_cast %add3A_1284 : i32 to index
          %swap3A_1326 = arith.constant 64 : index
          %swap3A_1327 = tpu.vector_load %arg12[%swap3A_1325, %swap3A_1326] {strides = array<i32>} : memref<128x128xf32, #tpu.memory_space<vmem>>, vector<1x16xf32>,
          %swap3A_1328 = vector.shape_cast %swap3A_1327 : vector<1x16xf32> to vector<16xf32>
          %swap3A_1329 = vector.shape_cast %get3A_1324 : vector<16xf32> to vector<1x16xf32>
          tpu.vector_store %arg12[%swap3A_1325, %swap3A_1326], %swap3A_1329 {strides = array<i32>} : memref<128x128xf32, #tpu.memory_space<vmem>>, vector<1x16xf32>,
          %get3A_1330 = arith.index_cast %squeeze3A_1280 : i32 to index
          %get3A_1331 = arith.constant 80 : index
          %get3A_1332 = tpu.vector_load %arg6[%get3A_1330, %get3A_1331] {strides = array<i32>} : memref<367x128xf32, #tpu.memory_space<vmem>>, vector<1x16xf32>,
          %get3A_1333 = vector.shape_cast %get3A_1332 : vector<1x16xf32> to vector<16xf32>
          %swap3A_1334 = arith.index_cast %add3A_1284 : i32 to index
          %swap3A_1335 = arith.constant 80 : index
          %swap3A_1336 = tpu.vector_load %arg12[%swap3A_1334, %swap3A_1335] {strides = array<i32>} : memref<128x128xf32, #tpu.memory_space<vmem>>, vector<1x16xf32>,
          %swap3A_1337 = vector.shape_cast %swap3A_1336 : vector<1x16xf32> to vector<16xf32>
          %swap3A_1338 = vector.shape_cast %get3A_1333 : vector<16xf32> to vector<1x16xf32>
          tpu.vector_store %arg12[%swap3A_1334, %swap3A_1335], %swap3A_1338 {strides = array<i32>} : memref<128x128xf32, #tpu.memory_space<vmem>>, vector<1x16xf32>,
          %get3A_1339 = arith.index_cast %squeeze3A_1280 : i32 to index
          %get3A_1340 = arith.constant 96 : index
          %get3A_1341 = tpu.vector_load %arg6[%get3A_1339, %get3A_1340] {strides = array<i32>} : memref<367x128xf32, #tpu.memory_space<vmem>>, vector<1x16xf32>,
          %get3A_1342 = vector.shape_cast %get3A_1341 : vector<1x16xf32> to vector<16xf32>
          %swap3A_1343 = arith.index_cast %add3A_1284 : i32 to index
          %swap3A_1344 = arith.constant 96 : index
          %swap3A_1345 = tpu.vector_load %arg12[%swap3A_1343, %swap3A_1344] {strides = array<i32>} : memref<128x128xf32, #tpu.memory_space<vmem>>, vector<1x16xf32>,
          %swap3A_1346 = vector.shape_cast %swap3A_1345 : vector<1x16xf32> to vector<16xf32>
          %swap3A_1347 = vector.shape_cast %get3A_1342 : vector<16xf32> to vector<1x16xf32>
          tpu.vector_store %arg12[%swap3A_1343, %swap3A_1344], %swap3A_1347 {strides = array<i32>} : memref<128x128xf32, #tpu.memory_space<vmem>>, vector<1x16xf32>,
          %get3A_1348 = arith.index_cast %squeeze3A_1280 : i32 to index
          %get3A_1349 = arith.constant 112 : index
          %get3A_1350 = tpu.vector_load %arg6[%get3A_1348, %get3A_1349] {strides = array<i32>} : memref<367x128xf32, #tpu.memory_space<vmem>>, vector<1x16xf32>,
          %get3A_1351 = vector.shape_cast %get3A_1350 : vector<1x16xf32> to vector<16xf32>
          %swap3A_1352 = arith.index_cast %add3A_1284 : i32 to index
          %swap3A_1353 = arith.constant 112 : index
          %swap3A_1354 = tpu.vector_load %arg12[%swap3A_1352, %swap3A_1353] {strides = array<i32>} : memref<128x128xf32, #tpu.memory_space<vmem>>, vector<1x16xf32>,
          %swap3A_1355 = vector.shape_cast %swap3A_1354 : vector<1x16xf32> to vector<16xf32>
          %swap3A_1356 = vector.shape_cast %get3A_1351 : vector<16xf32> to vector<1x16xf32>
          tpu.vector_store %arg12[%swap3A_1352, %swap3A_1353], %swap3A_1356 {strides = array<i32>} : memref<128x128xf32, #tpu.memory_space<vmem>>, vector<1x16xf32>,
          %slice3A_1357 = vector.extract_strided_slice %get3A_267 {offsets = [14], sizes = [1], strides = [1]} : vector<16xi32> to vector<1xi32>
          %squeeze3A_1358 = vector.extract %slice3A_1357[0] : i32 from vector<1xi32>
          %mul3A_1359 = arith.constant 16 : i32
          %mul3A_1360 = arith.muli %mul3A_1359, %scan3A_261 : i32
          %add3A_1361 = arith.constant 14 : i32
          %add3A_1362 = arith.addi %mul3A_1360, %add3A_1361 : i32
          %get3A_1363 = arith.index_cast %squeeze3A_1358 : i32 to index
          %get3A_1364 = arith.constant 0 : index
          %get3A_1365 = tpu.vector_load %arg6[%get3A_1363, %get3A_1364] {strides = array<i32>} : memref<367x128xf32, #tpu.memory_space<vmem>>, vector<1x16xf32>,
          %get3A_1366 = vector.shape_cast %get3A_1365 : vector<1x16xf32> to vector<16xf32>
          %swap3A_1367 = arith.index_cast %add3A_1362 : i32 to index
          %swap3A_1368 = arith.constant 0 : index
          %swap3A_1369 = tpu.vector_load %arg12[%swap3A_1367, %swap3A_1368] {strides = array<i32>} : memref<128x128xf32, #tpu.memory_space<vmem>>, vector<1x16xf32>,
          %swap3A_1370 = vector.shape_cast %swap3A_1369 : vector<1x16xf32> to vector<16xf32>
          %swap3A_1371 = vector.shape_cast %get3A_1366 : vector<16xf32> to vector<1x16xf32>
          tpu.vector_store %arg12[%swap3A_1367, %swap3A_1368], %swap3A_1371 {strides = array<i32>} : memref<128x128xf32, #tpu.memory_space<vmem>>, vector<1x16xf32>,
          %get3A_1372 = arith.index_cast %squeeze3A_1358 : i32 to index
          %get3A_1373 = arith.constant 16 : index
          %get3A_1374 = tpu.vector_load %arg6[%get3A_1372, %get3A_1373] {strides = array<i32>} : memref<367x128xf32, #tpu.memory_space<vmem>>, vector<1x16xf32>,
          %get3A_1375 = vector.shape_cast %get3A_1374 : vector<1x16xf32> to vector<16xf32>
          %swap3A_1376 = arith.index_cast %add3A_1362 : i32 to index
          %swap3A_1377 = arith.constant 16 : index
          %swap3A_1378 = tpu.vector_load %arg12[%swap3A_1376, %swap3A_1377] {strides = array<i32>} : memref<128x128xf32, #tpu.memory_space<vmem>>, vector<1x16xf32>,
          %swap3A_1379 = vector.shape_cast %swap3A_1378 : vector<1x16xf32> to vector<16xf32>
          %swap3A_1380 = vector.shape_cast %get3A_1375 : vector<16xf32> to vector<1x16xf32>
          tpu.vector_store %arg12[%swap3A_1376, %swap3A_1377], %swap3A_1380 {strides = array<i32>} : memref<128x128xf32, #tpu.memory_space<vmem>>, vector<1x16xf32>,
          %get3A_1381 = arith.index_cast %squeeze3A_1358 : i32 to index
          %get3A_1382 = arith.constant 32 : index
          %get3A_1383 = tpu.vector_load %arg6[%get3A_1381, %get3A_1382] {strides = array<i32>} : memref<367x128xf32, #tpu.memory_space<vmem>>, vector<1x16xf32>,
          %get3A_1384 = vector.shape_cast %get3A_1383 : vector<1x16xf32> to vector<16xf32>
          %swap3A_1385 = arith.index_cast %add3A_1362 : i32 to index
          %swap3A_1386 = arith.constant 32 : index
          %swap3A_1387 = tpu.vector_load %arg12[%swap3A_1385, %swap3A_1386] {strides = array<i32>} : memref<128x128xf32, #tpu.memory_space<vmem>>, vector<1x16xf32>,
          %swap3A_1388 = vector.shape_cast %swap3A_1387 : vector<1x16xf32> to vector<16xf32>
          %swap3A_1389 = vector.shape_cast %get3A_1384 : vector<16xf32> to vector<1x16xf32>
          tpu.vector_store %arg12[%swap3A_1385, %swap3A_1386], %swap3A_1389 {strides = array<i32>} : memref<128x128xf32, #tpu.memory_space<vmem>>, vector<1x16xf32>,
          %get3A_1390 = arith.index_cast %squeeze3A_1358 : i32 to index
          %get3A_1391 = arith.constant 48 : index
          %get3A_1392 = tpu.vector_load %arg6[%get3A_1390, %get3A_1391] {strides = array<i32>} : memref<367x128xf32, #tpu.memory_space<vmem>>, vector<1x16xf32>,
          %get3A_1393 = vector.shape_cast %get3A_1392 : vector<1x16xf32> to vector<16xf32>
          %swap3A_1394 = arith.index_cast %add3A_1362 : i32 to index
          %swap3A_1395 = arith.constant 48 : index
          %swap3A_1396 = tpu.vector_load %arg12[%swap3A_1394, %swap3A_1395] {strides = array<i32>} : memref<128x128xf32, #tpu.memory_space<vmem>>, vector<1x16xf32>,
          %swap3A_1397 = vector.shape_cast %swap3A_1396 : vector<1x16xf32> to vector<16xf32>
          %swap3A_1398 = vector.shape_cast %get3A_1393 : vector<16xf32> to vector<1x16xf32>
          tpu.vector_store %arg12[%swap3A_1394, %swap3A_1395], %swap3A_1398 {strides = array<i32>} : memref<128x128xf32, #tpu.memory_space<vmem>>, vector<1x16xf32>,
          %get3A_1399 = arith.index_cast %squeeze3A_1358 : i32 to index
          %get3A_1400 = arith.constant 64 : index
          %get3A_1401 = tpu.vector_load %arg6[%get3A_1399, %get3A_1400] {strides = array<i32>} : memref<367x128xf32, #tpu.memory_space<vmem>>, vector<1x16xf32>,
          %get3A_1402 = vector.shape_cast %get3A_1401 : vector<1x16xf32> to vector<16xf32>
          %swap3A_1403 = arith.index_cast %add3A_1362 : i32 to index
          %swap3A_1404 = arith.constant 64 : index
          %swap3A_1405 = tpu.vector_load %arg12[%swap3A_1403, %swap3A_1404] {strides = array<i32>} : memref<128x128xf32, #tpu.memory_space<vmem>>, vector<1x16xf32>,
          %swap3A_1406 = vector.shape_cast %swap3A_1405 : vector<1x16xf32> to vector<16xf32>
          %swap3A_1407 = vector.shape_cast %get3A_1402 : vector<16xf32> to vector<1x16xf32>
          tpu.vector_store %arg12[%swap3A_1403, %swap3A_1404], %swap3A_1407 {strides = array<i32>} : memref<128x128xf32, #tpu.memory_space<vmem>>, vector<1x16xf32>,
          %get3A_1408 = arith.index_cast %squeeze3A_1358 : i32 to index
          %get3A_1409 = arith.constant 80 : index
          %get3A_1410 = tpu.vector_load %arg6[%get3A_1408, %get3A_1409] {strides = array<i32>} : memref<367x128xf32, #tpu.memory_space<vmem>>, vector<1x16xf32>,
          %get3A_1411 = vector.shape_cast %get3A_1410 : vector<1x16xf32> to vector<16xf32>
          %swap3A_1412 = arith.index_cast %add3A_1362 : i32 to index
          %swap3A_1413 = arith.constant 80 : index
          %swap3A_1414 = tpu.vector_load %arg12[%swap3A_1412, %swap3A_1413] {strides = array<i32>} : memref<128x128xf32, #tpu.memory_space<vmem>>, vector<1x16xf32>,
          %swap3A_1415 = vector.shape_cast %swap3A_1414 : vector<1x16xf32> to vector<16xf32>
          %swap3A_1416 = vector.shape_cast %get3A_1411 : vector<16xf32> to vector<1x16xf32>
          tpu.vector_store %arg12[%swap3A_1412, %swap3A_1413], %swap3A_1416 {strides = array<i32>} : memref<128x128xf32, #tpu.memory_space<vmem>>, vector<1x16xf32>,
          %get3A_1417 = arith.index_cast %squeeze3A_1358 : i32 to index
          %get3A_1418 = arith.constant 96 : index
          %get3A_1419 = tpu.vector_load %arg6[%get3A_1417, %get3A_1418] {strides = array<i32>} : memref<367x128xf32, #tpu.memory_space<vmem>>, vector<1x16xf32>,
          %get3A_1420 = vector.shape_cast %get3A_1419 : vector<1x16xf32> to vector<16xf32>
          %swap3A_1421 = arith.index_cast %add3A_1362 : i32 to index
          %swap3A_1422 = arith.constant 96 : index
          %swap3A_1423 = tpu.vector_load %arg12[%swap3A_1421, %swap3A_1422] {strides = array<i32>} : memref<128x128xf32, #tpu.memory_space<vmem>>, vector<1x16xf32>,
          %swap3A_1424 = vector.shape_cast %swap3A_1423 : vector<1x16xf32> to vector<16xf32>
          %swap3A_1425 = vector.shape_cast %get3A_1420 : vector<16xf32> to vector<1x16xf32>
          tpu.vector_store %arg12[%swap3A_1421, %swap3A_1422], %swap3A_1425 {strides = array<i32>} : memref<128x128xf32, #tpu.memory_space<vmem>>, vector<1x16xf32>,
          %get3A_1426 = arith.index_cast %squeeze3A_1358 : i32 to index
          %get3A_1427 = arith.constant 112 : index
          %get3A_1428 = tpu.vector_load %arg6[%get3A_1426, %get3A_1427] {strides = array<i32>} : memref<367x128xf32, #tpu.memory_space<vmem>>, vector<1x16xf32>,
          %get3A_1429 = vector.shape_cast %get3A_1428 : vector<1x16xf32> to vector<16xf32>
          %swap3A_1430 = arith.index_cast %add3A_1362 : i32 to index
          %swap3A_1431 = arith.constant 112 : index
          %swap3A_1432 = tpu.vector_load %arg12[%swap3A_1430, %swap3A_1431] {strides = array<i32>} : memref<128x128xf32, #tpu.memory_space<vmem>>, vector<1x16xf32>,
          %swap3A_1433 = vector.shape_cast %swap3A_1432 : vector<1x16xf32> to vector<16xf32>
          %swap3A_1434 = vector.shape_cast %get3A_1429 : vector<16xf32> to vector<1x16xf32>
          tpu.vector_store %arg12[%swap3A_1430, %swap3A_1431], %swap3A_1434 {strides = array<i32>} : memref<128x128xf32, #tpu.memory_space<vmem>>, vector<1x16xf32>,
          %slice3A_1435 = vector.extract_strided_slice %get3A_267 {offsets = [15], sizes = [1], strides = [1]} : vector<16xi32> to vector<1xi32>
          %squeeze3A_1436 = vector.extract %slice3A_1435[0] : i32 from vector<1xi32>
          %mul3A_1437 = arith.constant 16 : i32
          %mul3A_1438 = arith.muli %mul3A_1437, %scan3A_261 : i32
          %add3A_1439 = arith.constant 15 : i32
          %add3A_1440 = arith.addi %mul3A_1438, %add3A_1439 : i32
          %get3A_1441 = arith.index_cast %squeeze3A_1436 : i32 to index
          %get3A_1442 = arith.constant 0 : index
          %get3A_1443 = tpu.vector_load %arg6[%get3A_1441, %get3A_1442] {strides = array<i32>} : memref<367x128xf32, #tpu.memory_space<vmem>>, vector<1x16xf32>,
          %get3A_1444 = vector.shape_cast %get3A_1443 : vector<1x16xf32> to vector<16xf32>
          %swap3A_1445 = arith.index_cast %add3A_1440 : i32 to index
          %swap3A_1446 = arith.constant 0 : index
          %swap3A_1447 = tpu.vector_load %arg12[%swap3A_1445, %swap3A_1446] {strides = array<i32>} : memref<128x128xf32, #tpu.memory_space<vmem>>, vector<1x16xf32>,
          %swap3A_1448 = vector.shape_cast %swap3A_1447 : vector<1x16xf32> to vector<16xf32>
          %swap3A_1449 = vector.shape_cast %get3A_1444 : vector<16xf32> to vector<1x16xf32>
          tpu.vector_store %arg12[%swap3A_1445, %swap3A_1446], %swap3A_1449 {strides = array<i32>} : memref<128x128xf32, #tpu.memory_space<vmem>>, vector<1x16xf32>,
          %get3A_1450 = arith.index_cast %squeeze3A_1436 : i32 to index
          %get3A_1451 = arith.constant 16 : index
          %get3A_1452 = tpu.vector_load %arg6[%get3A_1450, %get3A_1451] {strides = array<i32>} : memref<367x128xf32, #tpu.memory_space<vmem>>, vector<1x16xf32>,
          %get3A_1453 = vector.shape_cast %get3A_1452 : vector<1x16xf32> to vector<16xf32>
          %swap3A_1454 = arith.index_cast %add3A_1440 : i32 to index
          %swap3A_1455 = arith.constant 16 : index
          %swap3A_1456 = tpu.vector_load %arg12[%swap3A_1454, %swap3A_1455] {strides = array<i32>} : memref<128x128xf32, #tpu.memory_space<vmem>>, vector<1x16xf32>,
          %swap3A_1457 = vector.shape_cast %swap3A_1456 : vector<1x16xf32> to vector<16xf32>
          %swap3A_1458 = vector.shape_cast %get3A_1453 : vector<16xf32> to vector<1x16xf32>
          tpu.vector_store %arg12[%swap3A_1454, %swap3A_1455], %swap3A_1458 {strides = array<i32>} : memref<128x128xf32, #tpu.memory_space<vmem>>, vector<1x16xf32>,
          %get3A_1459 = arith.index_cast %squeeze3A_1436 : i32 to index
          %get3A_1460 = arith.constant 32 : index
          %get3A_1461 = tpu.vector_load %arg6[%get3A_1459, %get3A_1460] {strides = array<i32>} : memref<367x128xf32, #tpu.memory_space<vmem>>, vector<1x16xf32>,
          %get3A_1462 = vector.shape_cast %get3A_1461 : vector<1x16xf32> to vector<16xf32>
          %swap3A_1463 = arith.index_cast %add3A_1440 : i32 to index
          %swap3A_1464 = arith.constant 32 : index
          %swap3A_1465 = tpu.vector_load %arg12[%swap3A_1463, %swap3A_1464] {strides = array<i32>} : memref<128x128xf32, #tpu.memory_space<vmem>>, vector<1x16xf32>,
          %swap3A_1466 = vector.shape_cast %swap3A_1465 : vector<1x16xf32> to vector<16xf32>
          %swap3A_1467 = vector.shape_cast %get3A_1462 : vector<16xf32> to vector<1x16xf32>
          tpu.vector_store %arg12[%swap3A_1463, %swap3A_1464], %swap3A_1467 {strides = array<i32>} : memref<128x128xf32, #tpu.memory_space<vmem>>, vector<1x16xf32>,
          %get3A_1468 = arith.index_cast %squeeze3A_1436 : i32 to index
          %get3A_1469 = arith.constant 48 : index
          %get3A_1470 = tpu.vector_load %arg6[%get3A_1468, %get3A_1469] {strides = array<i32>} : memref<367x128xf32, #tpu.memory_space<vmem>>, vector<1x16xf32>,
          %get3A_1471 = vector.shape_cast %get3A_1470 : vector<1x16xf32> to vector<16xf32>
          %swap3A_1472 = arith.index_cast %add3A_1440 : i32 to index
          %swap3A_1473 = arith.constant 48 : index
          %swap3A_1474 = tpu.vector_load %arg12[%swap3A_1472, %swap3A_1473] {strides = array<i32>} : memref<128x128xf32, #tpu.memory_space<vmem>>, vector<1x16xf32>,
          %swap3A_1475 = vector.shape_cast %swap3A_1474 : vector<1x16xf32> to vector<16xf32>
          %swap3A_1476 = vector.shape_cast %get3A_1471 : vector<16xf32> to vector<1x16xf32>
          tpu.vector_store %arg12[%swap3A_1472, %swap3A_1473], %swap3A_1476 {strides = array<i32>} : memref<128x128xf32, #tpu.memory_space<vmem>>, vector<1x16xf32>,
          %get3A_1477 = arith.index_cast %squeeze3A_1436 : i32 to index
          %get3A_1478 = arith.constant 64 : index
          %get3A_1479 = tpu.vector_load %arg6[%get3A_1477, %get3A_1478] {strides = array<i32>} : memref<367x128xf32, #tpu.memory_space<vmem>>, vector<1x16xf32>,
          %get3A_1480 = vector.shape_cast %get3A_1479 : vector<1x16xf32> to vector<16xf32>
          %swap3A_1481 = arith.index_cast %add3A_1440 : i32 to index
          %swap3A_1482 = arith.constant 64 : index
          %swap3A_1483 = tpu.vector_load %arg12[%swap3A_1481, %swap3A_1482] {strides = array<i32>} : memref<128x128xf32, #tpu.memory_space<vmem>>, vector<1x16xf32>,
          %swap3A_1484 = vector.shape_cast %swap3A_1483 : vector<1x16xf32> to vector<16xf32>
          %swap3A_1485 = vector.shape_cast %get3A_1480 : vector<16xf32> to vector<1x16xf32>
          tpu.vector_store %arg12[%swap3A_1481, %swap3A_1482], %swap3A_1485 {strides = array<i32>} : memref<128x128xf32, #tpu.memory_space<vmem>>, vector<1x16xf32>,
          %get3A_1486 = arith.index_cast %squeeze3A_1436 : i32 to index
          %get3A_1487 = arith.constant 80 : index
          %get3A_1488 = tpu.vector_load %arg6[%get3A_1486, %get3A_1487] {strides = array<i32>} : memref<367x128xf32, #tpu.memory_space<vmem>>, vector<1x16xf32>,
          %get3A_1489 = vector.shape_cast %get3A_1488 : vector<1x16xf32> to vector<16xf32>
          %swap3A_1490 = arith.index_cast %add3A_1440 : i32 to index
          %swap3A_1491 = arith.constant 80 : index
          %swap3A_1492 = tpu.vector_load %arg12[%swap3A_1490, %swap3A_1491] {strides = array<i32>} : memref<128x128xf32, #tpu.memory_space<vmem>>, vector<1x16xf32>,
          %swap3A_1493 = vector.shape_cast %swap3A_1492 : vector<1x16xf32> to vector<16xf32>
          %swap3A_1494 = vector.shape_cast %get3A_1489 : vector<16xf32> to vector<1x16xf32>
          tpu.vector_store %arg12[%swap3A_1490, %swap3A_1491], %swap3A_1494 {strides = array<i32>} : memref<128x128xf32, #tpu.memory_space<vmem>>, vector<1x16xf32>,
          %get3A_1495 = arith.index_cast %squeeze3A_1436 : i32 to index
          %get3A_1496 = arith.constant 96 : index
          %get3A_1497 = tpu.vector_load %arg6[%get3A_1495, %get3A_1496] {strides = array<i32>} : memref<367x128xf32, #tpu.memory_space<vmem>>, vector<1x16xf32>,
          %get3A_1498 = vector.shape_cast %get3A_1497 : vector<1x16xf32> to vector<16xf32>
          %swap3A_1499 = arith.index_cast %add3A_1440 : i32 to index
          %swap3A_1500 = arith.constant 96 : index
          %swap3A_1501 = tpu.vector_load %arg12[%swap3A_1499, %swap3A_1500] {strides = array<i32>} : memref<128x128xf32, #tpu.memory_space<vmem>>, vector<1x16xf32>,
          %swap3A_1502 = vector.shape_cast %swap3A_1501 : vector<1x16xf32> to vector<16xf32>
          %swap3A_1503 = vector.shape_cast %get3A_1498 : vector<16xf32> to vector<1x16xf32>
          tpu.vector_store %arg12[%swap3A_1499, %swap3A_1500], %swap3A_1503 {strides = array<i32>} : memref<128x128xf32, #tpu.memory_space<vmem>>, vector<1x16xf32>,
          %get3A_1504 = arith.index_cast %squeeze3A_1436 : i32 to index
          %get3A_1505 = arith.constant 112 : index
          %get3A_1506 = tpu.vector_load %arg6[%get3A_1504, %get3A_1505] {strides = array<i32>} : memref<367x128xf32, #tpu.memory_space<vmem>>, vector<1x16xf32>,
          %get3A_1507 = vector.shape_cast %get3A_1506 : vector<1x16xf32> to vector<16xf32>
          %swap3A_1508 = arith.index_cast %add3A_1440 : i32 to index
          %swap3A_1509 = arith.constant 112 : index
          %swap3A_1510 = tpu.vector_load %arg12[%swap3A_1508, %swap3A_1509] {strides = array<i32>} : memref<128x128xf32, #tpu.memory_space<vmem>>, vector<1x16xf32>,
          %swap3A_1511 = vector.shape_cast %swap3A_1510 : vector<1x16xf32> to vector<16xf32>
          %swap3A_1512 = vector.shape_cast %get3A_1507 : vector<16xf32> to vector<1x16xf32>
          tpu.vector_store %arg12[%swap3A_1508, %swap3A_1509], %swap3A_1512 {strides = array<i32>} : memref<128x128xf32, #tpu.memory_space<vmem>>, vector<1x16xf32>,
          %scan3A_1513 = arith.constant 0 : i32
          scf.yield %scan3A_1513 : i32
        }
        %scan3A_251 = arith.constant 8 : i32
        %dma_start3A_252 = arith.constant 0 : i32
        %dma_start3A_253 = arith.constant 0 : i32
        %dma_start3A_254 = tpu.memref_slice %arg4[%add3A, %add3A_235, %dma_start3A_252, %dma_start3A_253] : memref<32x800x128x128xf32, #tpu.memory_space<hbm>> -> memref<1x1x128x128xf32, #tpu.memory_space<hbm>>
        %dma_start3A_255 = tpu.memref_squeeze %dma_start3A_254 : memref<1x1x128x128xf32, #tpu.memory_space<hbm>> -> memref<128x128xf32, #tpu.memory_space<hbm>>
        %dma_start3A_256 = arith.constant 0 : i32
        %dma_start3A_257 = arith.constant 0 : i32
        %dma_start3A_258 = tpu.memref_slice %arg4[%add3A, %add3A_235, %dma_start3A_256, %dma_start3A_257] : memref<32x800x128x128xf32, #tpu.memory_space<hbm>> -> memref<1x1x128x128xf32, #tpu.memory_space<hbm>>
        %dma_start3A_259 = tpu.memref_squeeze %dma_start3A_258 : memref<1x1x128x128xf32, #tpu.memory_space<hbm>> -> memref<128x128xf32, #tpu.memory_space<hbm>>
        tpu.enqueue_dma source(%arg12 : memref<128x128xf32, #tpu.memory_space<vmem>>) target(%dma_start3A_259 : memref<128x128xf32, #tpu.memory_space<hbm>>) target_semaphore(%arg20 : memref<!tpu.dma_semaphore, #tpu.memory_space<semaphore_mem>>)
        %scan3A_260 = arith.constant 0 : i32
        scf.yield %scan3A_260 : i32
      }
      %scan3A_106 = arith.constant 10 : i32
      %dma_wait3A_107 = arith.constant 0 : i32
      %dma_wait3A_108 = arith.constant 0 : i32
      %dma_wait3A_109 = tpu.memref_slice %arg8[%dma_wait3A_107, %dma_wait3A_108] : memref<40x128xi32, #tpu.memory_space<vmem>> -> memref<1x128xi32, #tpu.memory_space<vmem>>
      %dma_wait3A_110 = tpu.memref_squeeze %dma_wait3A_109 : memref<1x128xi32, #tpu.memory_space<vmem>> -> memref<128xi32, #tpu.memory_space<vmem>>
      %dma_wait3A_111 = arith.constant 0 : i32
      %dma_wait3A_112 = arith.constant 0 : i32
      %dma_wait3A_113 = tpu.memref_slice %arg5[%dma_wait3A_111, %dma_wait3A_112] : memref<367x128xf32, #tpu.memory_space<vmem_shared>> -> memref<367x128xf32, #tpu.memory_space<vmem_shared>>
      tpu.wait_indirect_dma semaphore(%arg15 : memref<!tpu.dma_semaphore, #tpu.memory_space<semaphore_mem>>) src(%dma_wait3A_113 : memref<367x128xf32, #tpu.memory_space<vmem_shared>>) dst(%arg11 : memref<128x128xf32, #tpu.memory_space<vmem>>)
      %mul3A_114 = arith.constant 40 : i32
      %mul3A_115 = arith.muli %add3A_51, %mul3A_114 : i32
      %add3A_116 = arith.constant 40 : i32
      %add3A_117 = arith.addi %mul3A_115, %add3A_116 : i32
      %sub3A_118 = arith.constant 2 : i32
      %sub3A_119 = arith.subi %add3A_117, %sub3A_118 : i32
      %dma_start3A_120 = arith.constant 0 : i32
      %dma_start3A_121 = arith.constant 0 : i32
      %dma_start3A_122 = tpu.memref_slice %arg4[%add3A, %sub3A_119, %dma_start3A_120, %dma_start3A_121] : memref<32x800x128x128xf32, #tpu.memory_space<hbm>> -> memref<1x1x128x128xf32, #tpu.memory_space<hbm>>
      %dma_start3A_123 = tpu.memref_squeeze %dma_start3A_122 : memref<1x1x128x128xf32, #tpu.memory_space<hbm>> -> memref<128x128xf32, #tpu.memory_space<hbm>>
      %dma_start3A_124 = arith.constant 0 : i32
      %dma_start3A_125 = arith.constant 0 : i32
      %dma_start3A_126 = tpu.memref_slice %arg4[%add3A, %sub3A_119, %dma_start3A_124, %dma_start3A_125] : memref<32x800x128x128xf32, #tpu.memory_space<hbm>> -> memref<1x1x128x128xf32, #tpu.memory_space<hbm>>
      %dma_start3A_127 = tpu.memref_squeeze %dma_start3A_126 : memref<1x1x128x128xf32, #tpu.memory_space<hbm>> -> memref<128x128xf32, #tpu.memory_space<hbm>>
      tpu.enqueue_dma source(%arg11 : memref<128x128xf32, #tpu.memory_space<vmem>>) target(%dma_start3A_127 : memref<128x128xf32, #tpu.memory_space<hbm>>) target_semaphore(%arg19 : memref<!tpu.dma_semaphore, #tpu.memory_space<semaphore_mem>>)
      %add3A_128 = arith.constant 1 : i32
      %add3A_129 = arith.addi %scan3A_44, %add3A_128 : i32
      %lt3A_130 = arith.constant 10 : i32
      %lt3A_131 = arith.cmpi slt, %add3A_129, %lt3A_130 : i32
      %convert_element_type3A_132 = arith.extui %lt3A_131 : i1 to i32
      %cond3A_133 = arith.constant 0 : i32
      %cond3A_134 = arith.cmpi ne, %convert_element_type3A_132, %cond3A_133 : i32
      scf.if %cond3A_134 {
        %add3A_136 = arith.constant 2 : i32
        %add3A_137 = arith.addi %mul3A_47, %add3A_136 : i32
        %mul3A_138 = arith.constant 40 : i32
        %mul3A_139 = arith.muli %add3A_137, %mul3A_138 : i32
        %dma_wait3A_140 = arith.constant 0 : i32
        %dma_wait3A_141 = tpu.memref_slice %arg2[%add3A, %mul3A_139, %dma_wait3A_140] : memref<32x800x128xi32, #tpu.memory_space<hbm>> -> memref<1x40x128xi32, #tpu.memory_space<hbm>>
        %dma_wait3A_142 = tpu.memref_squeeze %dma_wait3A_141 : memref<1x40x128xi32, #tpu.memory_space<hbm>> -> memref<40x128xi32, #tpu.memory_space<hbm>>
        %dma_wait3A_143 = arith.constant 0 : i32
        %dma_wait3A_144 = tpu.memref_slice %arg2[%add3A, %mul3A_139, %dma_wait3A_143] : memref<32x800x128xi32, #tpu.memory_space<hbm>> -> memref<1x40x128xi32, #tpu.memory_space<hbm>>
        %dma_wait3A_145 = tpu.memref_squeeze %dma_wait3A_144 : memref<1x40x128xi32, #tpu.memory_space<hbm>> -> memref<40x128xi32, #tpu.memory_space<hbm>>
        tpu.wait_dma2 semaphore(%arg21 : memref<!tpu.dma_semaphore, #tpu.memory_space<semaphore_mem>>) src(%dma_wait3A_145 : memref<40x128xi32, #tpu.memory_space<hbm>>) dst(%arg7 : memref<40x128xi32, #tpu.memory_space<vmem>>)
      } else {
      }
      %scan3A_135 = arith.constant 0 : i32
      scf.yield %scan3A_135 : i32
    }
    %scan3A_8 = arith.constant 10 : i32
    %dma_wait3A = arith.constant 799 : i32
    %dma_wait3A_9 = arith.constant 0 : i32
    %dma_wait3A_10 = arith.constant 0 : i32
    %dma_wait3A_11 = tpu.memref_slice %arg4[%add3A, %dma_wait3A, %dma_wait3A_9, %dma_wait3A_10] : memref<32x800x128x128xf32, #tpu.memory_space<hbm>> -> memref<1x1x128x128xf32, #tpu.memory_space<hbm>>
    %dma_wait3A_12 = tpu.memref_squeeze %dma_wait3A_11 : memref<1x1x128x128xf32, #tpu.memory_space<hbm>> -> memref<128x128xf32, #tpu.memory_space<hbm>>
    %dma_wait3A_13 = arith.constant 0 : i32
    %dma_wait3A_14 = arith.constant 0 : i32
    %dma_wait3A_15 = tpu.memref_slice %arg4[%add3A, %dma_wait3A, %dma_wait3A_13, %dma_wait3A_14] : memref<32x800x128x128xf32, #tpu.memory_space<hbm>> -> memref<1x1x128x128xf32, #tpu.memory_space<hbm>>
    %dma_wait3A_16 = tpu.memref_squeeze %dma_wait3A_15 : memref<1x1x128x128xf32, #tpu.memory_space<hbm>> -> memref<128x128xf32, #tpu.memory_space<hbm>>
    tpu.wait_dma2 semaphore(%arg17 : memref<!tpu.dma_semaphore, #tpu.memory_space<semaphore_mem>>) src(%arg9 : memref<128x128xf32, #tpu.memory_space<vmem>>) dst(%dma_wait3A_16 : memref<128x128xf32, #tpu.memory_space<hbm>>)
    %dma_wait3A_17 = arith.constant 799 : i32
    %dma_wait3A_18 = arith.constant 0 : i32
    %dma_wait3A_19 = arith.constant 0 : i32
    %dma_wait3A_20 = tpu.memref_slice %arg4[%add3A, %dma_wait3A_17, %dma_wait3A_18, %dma_wait3A_19] : memref<32x800x128x128xf32, #tpu.memory_space<hbm>> -> memref<1x1x128x128xf32, #tpu.memory_space<hbm>>
    %dma_wait3A_21 = tpu.memref_squeeze %dma_wait3A_20 : memref<1x1x128x128xf32, #tpu.memory_space<hbm>> -> memref<128x128xf32, #tpu.memory_space<hbm>>
    %dma_wait3A_22 = arith.constant 0 : i32
    %dma_wait3A_23 = arith.constant 0 : i32
    %dma_wait3A_24 = tpu.memref_slice %arg4[%add3A, %dma_wait3A_17, %dma_wait3A_22, %dma_wait3A_23] : memref<32x800x128x128xf32, #tpu.memory_space<hbm>> -> memref<1x1x128x128xf32, #tpu.memory_space<hbm>>
    %dma_wait3A_25 = tpu.memref_squeeze %dma_wait3A_24 : memref<1x1x128x128xf32, #tpu.memory_space<hbm>> -> memref<128x128xf32, #tpu.memory_space<hbm>>
    tpu.wait_dma2 semaphore(%arg18 : memref<!tpu.dma_semaphore, #tpu.memory_space<semaphore_mem>>) src(%arg10 : memref<128x128xf32, #tpu.memory_space<vmem>>) dst(%dma_wait3A_25 : memref<128x128xf32, #tpu.memory_space<hbm>>)
    %dma_wait3A_26 = arith.constant 799 : i32
    %dma_wait3A_27 = arith.constant 0 : i32
    %dma_wait3A_28 = arith.constant 0 : i32
    %dma_wait3A_29 = tpu.memref_slice %arg4[%add3A, %dma_wait3A_26, %dma_wait3A_27, %dma_wait3A_28] : memref<32x800x128x128xf32, #tpu.memory_space<hbm>> -> memref<1x1x128x128xf32, #tpu.memory_space<hbm>>
    %dma_wait3A_30 = tpu.memref_squeeze %dma_wait3A_29 : memref<1x1x128x128xf32, #tpu.memory_space<hbm>> -> memref<128x128xf32, #tpu.memory_space<hbm>>
    %dma_wait3A_31 = arith.constant 0 : i32
    %dma_wait3A_32 = arith.constant 0 : i32
    %dma_wait3A_33 = tpu.memref_slice %arg4[%add3A, %dma_wait3A_26, %dma_wait3A_31, %dma_wait3A_32] : memref<32x800x128x128xf32, #tpu.memory_space<hbm>> -> memref<1x1x128x128xf32, #tpu.memory_space<hbm>>
    %dma_wait3A_34 = tpu.memref_squeeze %dma_wait3A_33 : memref<1x1x128x128xf32, #tpu.memory_space<hbm>> -> memref<128x128xf32, #tpu.memory_space<hbm>>
    tpu.wait_dma2 semaphore(%arg19 : memref<!tpu.dma_semaphore, #tpu.memory_space<semaphore_mem>>) src(%arg11 : memref<128x128xf32, #tpu.memory_space<vmem>>) dst(%dma_wait3A_34 : memref<128x128xf32, #tpu.memory_space<hbm>>)
    %dma_wait3A_35 = arith.constant 799 : i32
    %dma_wait3A_36 = arith.constant 0 : i32
    %dma_wait3A_37 = arith.constant 0 : i32
    %dma_wait3A_38 = tpu.memref_slice %arg4[%add3A, %dma_wait3A_35, %dma_wait3A_36, %dma_wait3A_37] : memref<32x800x128x128xf32, #tpu.memory_space<hbm>> -> memref<1x1x128x128xf32, #tpu.memory_space<hbm>>
    %dma_wait3A_39 = tpu.memref_squeeze %dma_wait3A_38 : memref<1x1x128x128xf32, #tpu.memory_space<hbm>> -> memref<128x128xf32, #tpu.memory_space<hbm>>
    %dma_wait3A_40 = arith.constant 0 : i32
    %dma_wait3A_41 = arith.constant 0 : i32
    %dma_wait3A_42 = tpu.memref_slice %arg4[%add3A, %dma_wait3A_35, %dma_wait3A_40, %dma_wait3A_41] : memref<32x800x128x128xf32, #tpu.memory_space<hbm>> -> memref<1x1x128x128xf32, #tpu.memory_space<hbm>>
    %dma_wait3A_43 = tpu.memref_squeeze %dma_wait3A_42 : memref<1x1x128x128xf32, #tpu.memory_space<hbm>> -> memref<128x128xf32, #tpu.memory_space<hbm>>
    tpu.wait_dma2 semaphore(%arg20 : memref<!tpu.dma_semaphore, #tpu.memory_space<semaphore_mem>>) src(%arg12 : memref<128x128xf32, #tpu.memory_space<vmem>>) dst(%dma_wait3A_43 : memref<128x128xf32, #tpu.memory_space<hbm>>)
    return
  }
}

</mosaic_0001>

<sc_bundles>
// kernel: kernel.3.cloned.1.call-start
scs
__scs_entry_jumppad:
0x0: {  	(pc) =	sbr.rel $0x88, $3  }
0x1: {  	(tag) =	ssettag $0x0;
	lr =	simm.s32 $0x1  }
0x2: {  	[smem:$0x3F9F] =	sst lr;
	_ =	strace $0xD0000000  }
0x3: {  	_ = 	snop  }
0x4: {  	_ = 	snop  }
0x5: {  	_ = 	snop  }
0x6: {  	_ = 	snop  }
0x7: {  	_ = 	snop  }
__scs_overlays_trampoline_lowered:
0x8: {  	[smem:$0x3FAE] =	sst s0  }
0x9: {  	[smem:$0x3FAF] =	sst s1  }
0xa: {  	[smem:$0x3FB0] =	sst s2  }
0xb: {  	[smem:$0x3FB1] =	sst s3  }
0xc: {  	[smem:$0x3FB2] =	sst s4  }
0xd: {  	[smem:$0x3FB3] =	sst s5  }
0xe: {  	[smem:$0x3FB4] =	sst s6  }
0xf: {  	[smem:$0x3FB5] =	sst s7  }
0x10: {  	[smem:$0x3FB6] =	sst s8  }
0x11: {  	[smem:$0x3FB7] =	sst s9;
	s0 =	simm.s32 @!p0 $0x0  }
0x12: {  	s1 =	sld [smem:$0x3F9D];
	s0 =	simm.s32 @p0 $0x1  }
0x13: {  	[smem:$0x3FB8] =	sst s0;
	s0 =	simm.s32 @!p1 $0x0  }
0x14: {  	s2 =	sld [smem:$0x3F9C];
	s0 =	simm.s32 @p1 $0x1  }
0x15: {  	[smem:$0x3FB9] =	sst s0;
	s0 =	simm.s32 @!p2 $0x0  }
0x16: {  	s3 =	sld [smem:$0x3FDB];
	s0 =	simm.s32 @p2 $0x1  }
0x17: {  	s4 =	simm.s32 $0x1BF5;
	[smem:$0x3FBB] =	sst s0  }
0x18: {  	s0 =	sld [smem:$0x3F9E];
	_ =	swait.ge [sflag:s4], $0x0  }
0x19: {  	s7 =	sld [smem:$0x3F9F]  }
0x1a: {  	s8 =	sadd.s32 $0xFFFFE003, lr  }
0x1b: {  	s9 =	sadd.s32 $0xFFFFFEF7, lr;
	s5 =	simm.s32 $0xFFFFFFFF;
	p2 =	slt.u32 s8, $0xFFFFF086  }
0x1c: {  	p1 =	slt.u32 s9, $0xF7A;
	s5 =	simm.s32 @!p2 $0x0  }
0x1d: {  	s5 =	simm.s32 @p1 $0x1;
	p0 =	seq.s32 s7, s2  }
0x1e: {  	s7 =	smul.u32 @!p0 $0xF7A, s2;
	p2 =	seq.s32 @!p0 s5, $0x0  }
0x1f: {  	s9 =	smul.u32 $0xF7A, s1;
	s8 =	simm.s32 @!p0 $0x1BF5;
	p2 =	por !p2, p0  }
0x20: {  	[sflag:s8] =	ssyncset.s32 @!p0 $0xFFFFF086;
	s6 =	sadd.s32 @!p0 s3, s7;
	s7 =	simm.s32 @!p0 $0x108  }
0x21: {  	s3 =	sadd.s32 s3, s9;
	s6 =	sadd.s32 @!p0 $0x88, s6;
	s7 =	simm.s32 @p2 $0x1082  }
0x22: {  	[simem:s7], [sflag:s8] =	dma.local @!p0 [hbm:s6], $0xF7A  }
0x23: {  	s9 =	sor.u32 $0xD0000000, s2;
	s6 =	simm.s32 $0x108;
	_ =	swait.ge @!p0 [sflag:s8], $0x0  }
0x24: {  	s3 =	sadd.s32 $0x88, s3;
	s6 =	simm.s32 @!p1 $0x1082;
	[sflag:s4] =	ssyncset.s32 $0xFFFFF086  }
0x25: {  	[simem:s6], [sflag:s4] =	dma.local [hbm:s3], $0xF7A  }
0x26: {  	[smem:$0x3F9F] =	sst s1;
	(tag) =	ssettag s2;
	_ =	strace s9  }
0x27: {  	s1 =	sld [smem:$0x3FAF]  }
0x28: {  	s2 =	sld [smem:$0x3FB0]  }
0x29: {  	s4 =	sld [smem:$0x3FB2]  }
0x2a: {  	p0 =	seq.s32 s5, $0x0;
	s5 =	sld [smem:$0x3FB3]  }
0x2b: {  	s6 =	sld [smem:$0x3FB4]  }
0x2c: {  	s7 =	sld [smem:$0x3FB5]  }
0x2d: {  	s3 =	simm.s32 $0x108;
	s8 =	sld [smem:$0x3FB6]  }
0x2e: {  	s3 =	simm.s32 @!p0 $0x1082;
	s9 =	sld [smem:$0x3FB7]  }
0x2f: {  	lr =	sadd.s32 s0, s3;
	s0 =	sld [smem:$0x3FAE]  }
0x30: {  	s3 =	sld [smem:$0x3FB1]  }
0x31: {  	[smem:$0x3FBA] =	sst s10  }
0x32: {  	s10 =	sld [smem:$0x3FB8];
	_ =	sdelay $0x3  }
0x33: {  	p0 =	seq.s32 s10, $0x1;
	s10 =	sld [smem:$0x3FBA];
	_ =	sdelay $0x3  }
0x34: {  	[smem:$0x3FBA] =	sst s10  }
0x35: {  	s10 =	sld [smem:$0x3FB9];
	_ =	sdelay $0x3  }
0x36: {  	p1 =	seq.s32 s10, $0x1;
	s10 =	sld [smem:$0x3FBA];
	_ =	sdelay $0x3  }
0x37: {  	[smem:$0x3FBA] =	sst s10  }
0x38: {  	s10 =	sld [smem:$0x3FBB]  }
0x39: {  	_ = 	snop;
	(pc) =	sbr.ind lr, $3  }
0x3a: {  	_ = 	snop  }
0x3b: {  	_ = 	snop  }
0x3c: {  	p2 =	seq.s32 s10, $0x1;
	s10 =	sld [smem:$0x3FBA]  }
0x3d: {  	_ =	shalt  }
0x3e: {  	_ =	shalt  }
0x3f: {  	_ =	shalt  }
0x40: {  	_ =	shalt  }
0x41: {  	_ =	shalt  }
0x42: {  	_ =	shalt  }
0x43: {  	_ =	shalt  }
0x44: {  	_ =	shalt  }
0x45: {  	_ =	shalt  }
0x46: {  	_ =	shalt  }
0x47: {  	_ =	shalt  }
0x48: {  	_ =	shalt  }
0x49: {  	_ =	shalt  }
0x4a: {  	_ =	shalt  }
0x4b: {  	_ =	shalt  }
0x4c: {  	_ =	shalt  }
0x4d: {  	_ =	shalt  }
0x4e: {  	_ =	shalt  }
0x4f: {  	_ =	shalt  }
0x50: {  	_ =	shalt  }
0x51: {  	_ =	shalt  }
0x52: {  	_ =	shalt  }
0x53: {  	_ =	shalt  }
0x54: {  	_ =	shalt  }
0x55: {  	_ =	shalt  }
0x56: {  	_ =	shalt  }
0x57: {  	_ =	shalt  }
0x58: {  	_ =	shalt  }
0x59: {  	_ =	shalt  }
0x5a: {  	_ =	shalt  }
0x5b: {  	_ =	shalt  }
0x5c: {  	_ =	shalt  }
0x5d: {  	_ =	shalt  }
0x5e: {  	_ =	shalt  }
0x5f: {  	_ =	shalt  }
0x60: {  	_ =	shalt  }
0x61: {  	_ =	shalt  }
0x62: {  	_ =	shalt  }
0x63: {  	_ =	shalt  }
0x64: {  	_ =	shalt  }
0x65: {  	_ =	shalt  }
0x66: {  	_ =	shalt  }
0x67: {  	_ =	shalt  }
0x68: {  	_ =	shalt  }
0x69: {  	_ =	shalt  }
0x6a: {  	_ =	shalt  }
0x6b: {  	_ =	shalt  }
0x6c: {  	_ =	shalt  }
0x6d: {  	_ =	shalt  }
0x6e: {  	_ =	shalt  }
0x6f: {  	_ =	shalt  }
0x70: {  	_ =	shalt  }
0x71: {  	_ =	shalt  }
0x72: {  	_ =	shalt  }
0x73: {  	_ =	shalt  }
0x74: {  	_ =	shalt  }
0x75: {  	_ =	shalt  }
0x76: {  	_ =	shalt  }
0x77: {  	_ =	shalt  }
0x78: {  	_ =	shalt  }
0x79: {  	_ =	shalt  }
0x7a: {  	_ =	shalt  }
0x7b: {  	_ =	shalt  }
0x7c: {  	_ =	shalt  }
0x7d: {  	_ =	shalt  }
0x7e: {  	_ =	shalt  }
0x7f: {  	_ =	shalt  }
0x80: {  	_ =	shalt  }
0x81: {  	_ =	shalt  }
0x82: {  	_ =	shalt  }
0x83: {  	_ =	shalt  }
0x84: {  	_ =	shalt  }
0x85: {  	_ =	shalt  }
0x86: {  	_ =	shalt  }
0x87: {  	_ =	shalt  }
.Lfunc_end0:
.L_simem_size_0:
called_computation_lowered:
.L_overlay_start_0:
0x88: {  	s2 =	sld [smem:$0x3FD9]  }
0x89: {  	s3 =	sld [smem:$0x3FFE];
	_ =	sdelay $0x1  }
0x8a: {  	s1 =	srdreg.scid  }
0x8b: {  	s0 =	sand.u32 $0x1, s1  }
0x8c: {  	s17 =	sshll.u32 s0, $0xA;
	s2 =	sadd.s32 s3, s2  }
0x8d: {  	s2 =	sadd.s32 s2, s17  }
0x8e: {  	[smem:$0x3FC6] =	sst s2  }
0x8f: {  	_ = 	snop  }
0x90: {  	s2 =	sld [smem:$0x3FC8]  }
0x91: {  	s18 =	sld [smem:$0x3FD0];
	(tm) =	ssettm $0x1  }
0x92: {  	s4 =	sld [smem:$0x3FFB];
	_ =	sdelay $0x3  }
0x93: {  	_ =	strace s4  }
0x94: {  	s4 =	sld [smem:$0x3FFC];
	_ =	sdelay $0x3  }
0x95: {  	_ =	strace s4  }
0x96: {  	s4 =	sld [smem:$0x3FFD];
	_ =	sdelay $0x3  }
0x97: {  	_ =	strace s4  }
0x98: {  	_ =	strace $0x8FFFFFFF  }
0x99: {  	s19 =	sld [smem:$0x3FDB];
	_ =	sdelay $0x1  }
0x9a: {  	s5 =	simm.s32 $_scs_section_size  }
0x9b: {  	s6 =	simm.s32 $_size__tile_overlayer_lowered;
	s7 =	simm.s32 $_tile_overlayer_lowered  }
0x9c: {  	s22 =	simm.s32 $0x1BFF;
	s21 =	sshll.u32 s7, $0x1;
	s4 =	sadd.s32 s5, s19  }
0x9d: {  	s8 =	simm.s32 $0x0;
	s20 =	sshll.u32 s6, $0x1;
	s6 =	sadd.s32 s21, s4  }
0x9e: {  	[timem:s8], [sflag:s22] =	dma.local [hbm:s6], s20  }
0x9f: {  	_ =	swait.ge [sflag:s22], s20  }
0xa0: {  	s5 =	ssub.s32 $0x0, s20;
	[sflag:s22] =	ssyncset.done $0x0  }
0xa1: {  	[sflag:s22] =	ssyncadd.s32 s5;
	_ =	sdelay $0x1  }
0xa2: {  	s23 =	simm.s32 $0x1B8B  }
0xa3: {  	_ =	swait.ge [sflag:s23], $0x1  }
0xa4: {  	[sflag:s23] =	ssyncset.done $0x0  }
0xa5: {  	s25 =	simm.s32 $0x1B8E;
	s24 =	sld [smem:$0x3FFE];
	[sflag:s23] =	ssyncadd.s32 $0xFFFFFFFF  }
0xa6: {  	s26 =	simm.s32 $execute0_lowered;
	[smem:$0x3FD2] =	sst s25  }
0xa7: {  	s6 =	sshll.u32 s26, $0x1;
	_ =	strace $0x80000046;
	[dreg:$0x1] =	wrdreg $0xFFFFFFFF  }
0xa8: {  	s28 =	simm.s32 $_size_execute0_lowered;
	s4 =	sadd.s32 s4, s6;
	[dreg:$0x0] =	wrdreg $0x0  }
0xa9: {  	s6 =	sshll.u32 s28, $0x1;
	[dreg:$0x2] =	wrdreg s4  }
0xaa: {  	[dreg:$0x3] =	wrdreg s6  }
0xab: {  	[dreg:$0x4] =	wrdreg $0xC0  }
0xac: {  	_ =	task [dreg:s8], $0x5FFFF  }
0xad: {  	[dreg:$0x1] =	wrdreg $0xFFFFFFFF  }
0xae: {  	[dreg:$0x0] =	wrdreg $0x60  }
0xaf: {  	[dreg:$0x2] =	wrdreg s24  }
0xb0: {  	[dreg:$0x3] =	wrdreg s2  }
0xb1: {  	[dreg:$0x4] =	wrdreg s18  }
0xb2: {  	[dreg:$0x5] =	wrdreg $0x0  }
0xb3: {  	[dreg:$0x6] =	wrdreg $0x9  }
0xb4: {  	_ =	task.clear_ibuf [dreg:s8], $0x7FFFF;
	_ =	strace $0x90000046  }
0xb5: {  	s29 =	simm.s32 $0x9;
	_ =	strace $0x80000048  }
0xb6: {  	_ =	swait.ge [sflag:s29], $0x1  }
0xb7: {  	[sflag:s29] =	ssyncadd.s32 $0xFFFFFFFF  }
0xb8: {  	_ =	strace $0x90000048  }
0xb9: {  	_ =	sfence  }
0xba: {  	s30 =	sld [smem:$0x0];
	_ =	sdelay $0x2  }
0xbb: {  	s31 =	sshll.u32 s1, $0xD;
	s1 =	sshrl.u32 s1, $0x2  }
0xbc: {  	s3 =	sand.u32 $0x4000, s31;
	s1 =	sadd.s32 s1, s30  }
0xbd: {  	s0 =	sor.u32 s3, s0;
	s1 =	sshll.u32 s1, $0x11  }
0xbe: {  	s0 =	sor.u32 s1, s0  }
0xbf: {  	s0 =	sadd.s32 $0x8F2B, s0  }
0xc0: {  	[sflag:s0] =	ssyncadd.remote.s32 $0x1  }
0xc1: {  	_ =	sfence.sel $0xFFFF  }
0xc2: {  	[dreg:$0x0] =	wrdreg $0xFFFFFFFF;
	(pc) =	sbr.abs _section_cstart, $3  }
0xc3: {  	[dreg:$0x1] =	wrdreg $0xFFFFFFFF  }
0xc4: {  	_ =	task.clear_ibuf [dreg:s8], $0x2FFFF;
	_ =	strace $0x9FFFFFFF  }
0xc5: {  	(tm) =	ssettm $0x7FFFFFFF  }
tec
execute0_lowered:
.L_overlay_start_1:
0x0: {  	(tag) =	ssettag $0x1  }
0x1: {  	s0 =	rddreg [dreg:$0x0]  }
0x2: {  	s1 =	srdreg.scid;
	s2 =	rddreg [dreg:$0x2]  }
0x3: {  	s3 =	rddreg [dreg:$0x3];
	s4 =	simm.s32 $0x0;
	s1 =	sand.u32 $0x1, s1  }
0x4: {  	s5 =	stileid.u32;
	[smem:$0x7FF] =	sst s4;
	s6 =	sshll.u32 s1, $0x4  }
0x5: {  	s21 =	sadd.s32 $0x400, s0;
	s1 =	ssub.s32 $0x2, s1;
	s6 =	sor.u32 s5, s6  }
0x6: {  	_ =	strace $0x80000047;
	s7 =	sshrl.u32 s1, $0x1;
	s8 =	smul.u32 $0x19000, s6  }
0x7: {  	[dreg:$0x6] =	wrdreg s21;
	s11 =	smul.u32 $0xC80000, s6;
	s23 =	ssub.s32 s1, s7  }
0x8: {  	s0 =	smax.u32 s23, $0x1;
	[dreg:$0x5] =	wrdreg s8  }
0x9: {  	s25 =	sadd.s32 $0xFFFF8000, s11;
	[dreg:$0xe] =	wrdreg s0  }
0xa: {  	s26 =	sor.u32 $0x4000, s11;
	[dreg:$0x8] =	wrdreg s25  }
0xb: {  	s28 =	sor.u32 $0xC000, s11;
	[dreg:$0x9] =	wrdreg s26  }
0xc: {  	s20 =	simm.s32 $0x80;
	s29 =	sadd.s32 $0x98000, s11;
	[dreg:$0xa] =	wrdreg s28  }
0xd: {  	s22 =	simm.s32 $0x12B78;
	s30 =	sadd.s32 $0x2800, s8;
	[dreg:$0xb] =	wrdreg s29  }
0xe: {  	p0 =	sne.s32 s5, $0x0;
	s31 =	sadd.s32 $0x138000, s11;
	[dreg:$0xc] =	wrdreg s30  }
0xf: {  	s24 =	sshrl.u32 s8, $0x3;
	s0 =	sshrl.u32 @!p0 s3, $0x3;
	[dreg:$0xd] =	wrdreg s31  }
0x10: {  	s5 =	simm.s32 $0x0;
	s1 =	sadd.s32 s21, s24;
	[dreg:$0xf] =	wrdreg s0  }
0x11: {  	s23 =	simm.s32 $0x1;
	s25 =	simm.s32 $0x2;
	[dreg:$0x7] =	wrdreg s1  }
.LBB2_1:
0x12: {  	[dreg:$0x10] =	wrdreg s5  }
0x13: {  	s1 =	rddreg [dreg:$0x1]  }
0x14: {  	s0 =	simm.s32 @!p0 $0x1C09;
	s5 =	rddreg [dreg:$0xf]  }
0x15: {  	[spmem:s5], [sflag:s0] =	dma.local @!p0 [hbm:s1], $0x16F0  }
0x16: {  	s0 =	simm.s32 @!p0 $0x9  }
0x17: {  	_ =	swait.ge @!p0 [sflag:s0], $0x16F0  }
0x18: {  	[sflag:s0] =	ssyncset.done @!p0 $0x0  }
0x19: {  	s29 =	simm.s32 $0xB78;
	[sflag:s0] =	ssyncadd.s32 @!p0 $0xFFFFE910;
	s0 =	simm.s32 $0x9  }
0x1a: {  	[tilespmem:s29], [sflag:$0x9] =	stream.linear.gather [hbm4b:s1+s4], $0xB780, $0x38;
	[tilespmem:$0x1EB78] =	vst v63  }
0x1b: {  	_ =	swait.ge [sflag:s0], $0xB780  }
0x1c: {  	[sflag:s0] =	ssyncset.done $0x0  }
0x1d: {  	[sflag:s0] =	ssyncadd.s32 $0xFFFF4880  }
0x1e: {  	[bflag:$0x0] =	sbarrier.arrive $0xFFFF  }
0x1f: {  	s31 =	simm.s32 $0xC378;
	s1 =	simm.s32 $0x0;
	s30 =	rddreg [dreg:$0x7]  }
0x20: {  	[tilespmem:s31], [sflag:$0x9] =	stream.linear.gather [hbm4b:s30+s4], $0x1400, $0x38;
	[tilespmem:$0x1EB78] =	vst v63  }
.LBB2_2:
0x21: {  	s15 =	smul.u32 $0x50, s1;
	_ =	sdelay $0x1  }
0x22: {  	[dreg:$0x11] =	wrdreg s1;
	s1 =	sadd.s32 $0x28, s15  }
0x23: {  	[dreg:$0x12] =	wrdreg s1  }
0x24: {  	_ =	swait.ge [sflag:s0], $0x1400  }
0x25: {  	s1 =	sshll.u32 s1, $0x7;
	s5 =	rddreg [dreg:$0x5]  }
0x26: {  	s16 =	simm.s32 $0x0;
	s1 =	sadd.s32 s5, s1  }
0x27: {  	s31 =	simm.s32 $0xD778;
	[sflag:s0] =	ssyncset.done $0x0;
	s1 =	sshrl.u32 s1, $0x3  }
0x28: {  	s18 =	simm.s32 $0xC4F8;
	[sflag:s0] =	ssyncadd.s32 $0xFFFFEC00;
	s30 =	sadd.s32 s21, s1  }
0x29: {  	[tilespmem:s31], [sflag:$0x8] =	stream.linear.gather [hbm4b:s30+s16], $0x1400, $0x38;
	[tilespmem:$0x1EB78] =	vst v63  }
.LBB2_3:
0x2a: {  	s0 =	sshll.u32 s16, $0x2  }
0x2b: {  	s0 =	sadd.s32 s15, s0  }
0x2c: {  	p1 =	seq.s32 s0, $0x0  }
0x2d: {  	s1 =	simm.s32 @!p1 $0x4  }
0x2e: {  	s5 =	sshll.u32 s16, $0x9;
	s8 =	simm.s32 $0xEB78;
	_ =	swait.ge @!p1 [sflag:s1], $0x4000  }
0x2f: {  	p2 =	seq.s32 s16, $0x0;
	s6 =	sand.u32 $0x3FFFFE00, s5;
	[sflag:s1] =	ssyncset.done @!p1 $0x0  }
0x30: {  	s24 =	sadd.s32 $0xC378, s6;
	[sflag:s1] =	ssyncadd.s32 @!p1 $0xFFFFC000;
	s1 =	simm.s32 @!p2 $0x3  }
0x31: {  	[tilespmem:s8], [sflag:$0x1] =	stream.indirect.gather [spmem:s3], $0x80, s24, s20, $0xb8;
	[tilespmem:$0x1EB78] =	vst v63  }
0x32: {  	_ =	swait.ge @!p2 [sflag:s1], $0x4000  }
0x33: {  	s5 =	sshll.u32 @!p2 s0, $0xE;
	s7 =	rddreg [dreg:$0x8]  }
0x34: {  	[sflag:s1] =	ssyncset.done @!p2 $0x0;
	s5 =	sadd.s32 @!p2 s5, s7  }
0x35: {  	[sflag:s1] =	ssyncadd.s32 @!p2 $0xFFFFC000;
	s1 =	sshrl.u32 @!p2 s5, $0x3  }
0x36: {  	s7 =	simm.s32 @!p2 $0x16B78;
	s5 =	simm.s32 @!p2 $0x0;
	s1 =	sadd.s32 @!p2 s2, s1  }
0x37: {  	[hbm4b:s1+s5] =	stream.linear.scatter @!p2 [tilespmem:s7], [sflag:$0x6], $0x4000, $0x38;
	[tilespmem:$0x1EB78] =	vst v63  }
0x38: {  	s1 =	simm.s32 @!p1 $0x5  }
0x39: {  	_ =	swait.ge @!p1 [sflag:s1], $0x4000  }
0x3a: {  	[sflag:s1] =	ssyncset.done @!p1 $0x0  }
0x3b: {  	s26 =	sadd.s32 $0xC3F8, s6;
	s5 =	sshll.u32 s0, $0xE;
	[sflag:s1] =	ssyncadd.s32 @!p1 $0xFFFFC000  }
0x3c: {  	[tilespmem:s22], [sflag:$0x2] =	stream.indirect.gather [spmem:s3], $0x80, s26, s20, $0xb8;
	[tilespmem:$0x1EB78] =	vst v63  }
0x3d: {  	s0 =	sadd.s32 s11, s5;
	_ =	swait.ge [sflag:s23], $0x4000  }
0x3e: {  	s0 =	sshrl.u32 s0, $0x3;
	[sflag:s23] =	ssyncset.done $0x0  }
0x3f: {  	s0 =	sadd.s32 s2, s0;
	[sflag:s23] =	ssyncadd.s32 $0xFFFFC000  }
0x40: {  	[hbm4b:s0+s4] =	stream.linear.scatter [tilespmem:s8], [sflag:$0x4], $0x4000, $0x38;
	[tilespmem:$0x1EB78] =	vst v63  }
0x41: {  	s0 =	simm.s32 @!p1 $0x6  }
0x42: {  	_ =	swait.ge @!p1 [sflag:s0], $0x4000  }
0x43: {  	[sflag:s0] =	ssyncset.done @!p1 $0x0  }
0x44: {  	s29 =	simm.s32 $0x16B78;
	s28 =	sadd.s32 $0xC478, s6;
	[sflag:s0] =	ssyncadd.s32 @!p1 $0xFFFFC000  }
0x45: {  	[tilespmem:s29], [sflag:$0x3] =	stream.indirect.gather [spmem:s3], $0x80, s28, s20, $0xb8;
	[tilespmem:$0x1EB78] =	vst v63  }
0x46: {  	_ =	swait.ge [sflag:s25], $0x4000  }
0x47: {  	s30 =	rddreg [dreg:$0x9]  }
0x48: {  	s0 =	sadd.s32 s5, s30  }
0x49: {  	[sflag:s25] =	ssyncset.done $0x0;
	s0 =	sshrl.u32 s0, $0x3  }
0x4a: {  	[sflag:s25] =	ssyncadd.s32 $0xFFFFC000;
	s0 =	sadd.s32 s2, s0  }
0x4b: {  	v0 =	vmov s18;
	[hbm4b:s0+s4] =	stream.linear.scatter [tilespmem:s22], [sflag:$0x5], $0x4000, $0x38;
	[tilespmem:$0x1EB78] =	vst v63  }
0x4c: {  	s0 =	simm.s32 @!p1 $0x7  }
0x4d: {  	_ =	swait.ge @!p1 [sflag:s0], $0x4000  }
0x4e: {  	[sflag:s0] =	ssyncset.done @!p1 $0x0  }
0x4f: {  	s31 =	simm.s32 $0x0;
	[sflag:s0] =	ssyncadd.s32 @!p1 $0xFFFFC000  }
0x50: {  	v1 =	vld.idx.msk [tilespmem:v0+s31+$0x0 ss:$0x1], $0xffff;
	_ =	sdelay $0x4  }
0x51: {  	v1 =	vshll.u32 v1, $0x9  }
0x52: {  	v1 =	vshra.s32 v1, $0x2  }
0x53: {  	(v2sf) =	vpush v1, $0x0;
	_ =	sdelay $0xe  }
0x54: {  	s1 =	spop (v2sf)  }
0x55: {  	v2 =	vld [tilespmem:s1+$0xB78];
	_ =	sdelay $0x3  }
0x56: {  	s12 =	simm.s32 $0x1AF78  }
0x57: {  	[tilespmem:s12+$0xFFFFFC00] =	vst v2  }
0x58: {  	v2 =	vld [tilespmem:s1+$0xB88];
	_ =	sdelay $0x4  }
0x59: {  	[tilespmem:s12+$0xFFFFFC10] =	vst v2  }
0x5a: {  	v2 =	vld [tilespmem:s1+$0xB98];
	_ =	sdelay $0x4  }
0x5b: {  	[tilespmem:s12+$0xFFFFFC20] =	vst v2  }
0x5c: {  	v2 =	vld [tilespmem:s1+$0xBA8];
	_ =	sdelay $0x4  }
0x5d: {  	[tilespmem:s12+$0xFFFFFC30] =	vst v2  }
0x5e: {  	v2 =	vld [tilespmem:s1+$0xBB8];
	_ =	sdelay $0x4  }
0x5f: {  	[tilespmem:s12+$0xFFFFFC40] =	vst v2  }
0x60: {  	v2 =	vld [tilespmem:s1+$0xBC8];
	_ =	sdelay $0x1  }
0x61: {  	(v2sf) =	vpush v1, $0x1;
	_ =	sdelay $0x2  }
0x62: {  	[tilespmem:s12+$0xFFFFFC50] =	vst v2  }
0x63: {  	v2 =	vld [tilespmem:s1+$0xBD8];
	_ =	sdelay $0x4  }
0x64: {  	[tilespmem:s12+$0xFFFFFC60] =	vst v2  }
0x65: {  	v2 =	vld [tilespmem:s1+$0xBE8];
	_ =	sdelay $0x4  }
0x66: {  	s6 =	spop (v2sf);
	[tilespmem:s12+$0xFFFFFC70] =	vst v2  }
0x67: {  	v2 =	vld [tilespmem:s6+$0xB78];
	_ =	sdelay $0x4  }
0x68: {  	[tilespmem:s12+$0xFFFFFC80] =	vst v2  }
0x69: {  	v2 =	vld [tilespmem:s6+$0xB88];
	_ =	sdelay $0x4  }
0x6a: {  	[tilespmem:s12+$0xFFFFFC90] =	vst v2  }
0x6b: {  	v2 =	vld [tilespmem:s6+$0xB98];
	_ =	sdelay $0x4  }
0x6c: {  	[tilespmem:s12+$0xFFFFFCA0] =	vst v2  }
0x6d: {  	v2 =	vld [tilespmem:s6+$0xBA8];
	_ =	sdelay $0x4  }
0x6e: {  	[tilespmem:s12+$0xFFFFFCB0] =	vst v2  }
0x6f: {  	v2 =	vld [tilespmem:s6+$0xBB8];
	_ =	sdelay $0x4  }
0x70: {  	[tilespmem:s12+$0xFFFFFCC0] =	vst v2  }
0x71: {  	v2 =	vld [tilespmem:s6+$0xBC8];
	_ =	sdelay $0x1  }
0x72: {  	(v2sf) =	vpush v1, $0x2;
	_ =	sdelay $0x2  }
0x73: {  	[tilespmem:s12+$0xFFFFFCD0] =	vst v2  }
0x74: {  	v2 =	vld [tilespmem:s6+$0xBD8];
	_ =	sdelay $0x4  }
0x75: {  	[tilespmem:s12+$0xFFFFFCE0] =	vst v2  }
0x76: {  	v2 =	vld [tilespmem:s6+$0xBE8];
	_ =	sdelay $0x4  }
0x77: {  	s7 =	spop (v2sf);
	[tilespmem:s12+$0xFFFFFCF0] =	vst v2  }
0x78: {  	v2 =	vld [tilespmem:s7+$0xB78];
	_ =	sdelay $0x4  }
0x79: {  	[tilespmem:s12+$0xFFFFFD00] =	vst v2  }
0x7a: {  	v2 =	vld [tilespmem:s7+$0xB88];
	_ =	sdelay $0x4  }
0x7b: {  	[tilespmem:s12+$0xFFFFFD10] =	vst v2  }
0x7c: {  	v2 =	vld [tilespmem:s7+$0xB98];
	_ =	sdelay $0x4  }
0x7d: {  	[tilespmem:s12+$0xFFFFFD20] =	vst v2  }
0x7e: {  	v2 =	vld [tilespmem:s7+$0xBA8];
	_ =	sdelay $0x4  }
0x7f: {  	[tilespmem:s12+$0xFFFFFD30] =	vst v2  }
0x80: {  	v2 =	vld [tilespmem:s7+$0xBB8];
	_ =	sdelay $0x4  }
0x81: {  	[tilespmem:s12+$0xFFFFFD40] =	vst v2  }
0x82: {  	v2 =	vld [tilespmem:s7+$0xBC8];
	_ =	sdelay $0x1  }
0x83: {  	(v2sf) =	vpush v1, $0x3;
	_ =	sdelay $0x2  }
0x84: {  	[tilespmem:s12+$0xFFFFFD50] =	vst v2  }
0x85: {  	v2 =	vld [tilespmem:s7+$0xBD8];
	_ =	sdelay $0x4  }
0x86: {  	[tilespmem:s12+$0xFFFFFD60] =	vst v2  }
0x87: {  	v2 =	vld [tilespmem:s7+$0xBE8];
	_ =	sdelay $0x4  }
0x88: {  	s8 =	spop (v2sf);
	[tilespmem:s12+$0xFFFFFD70] =	vst v2  }
0x89: {  	v2 =	vld [tilespmem:s8+$0xB78];
	_ =	sdelay $0x4  }
0x8a: {  	[tilespmem:s12+$0xFFFFFD80] =	vst v2  }
0x8b: {  	v2 =	vld [tilespmem:s8+$0xB88];
	_ =	sdelay $0x4  }
0x8c: {  	[tilespmem:s12+$0xFFFFFD90] =	vst v2  }
0x8d: {  	v2 =	vld [tilespmem:s8+$0xB98];
	_ =	sdelay $0x4  }
0x8e: {  	[tilespmem:s12+$0xFFFFFDA0] =	vst v2  }
0x8f: {  	v2 =	vld [tilespmem:s8+$0xBA8];
	_ =	sdelay $0x4  }
0x90: {  	[tilespmem:s12+$0xFFFFFDB0] =	vst v2  }
0x91: {  	v2 =	vld [tilespmem:s8+$0xBB8];
	_ =	sdelay $0x4  }
0x92: {  	[tilespmem:s12+$0xFFFFFDC0] =	vst v2  }
0x93: {  	v2 =	vld [tilespmem:s8+$0xBC8];
	_ =	sdelay $0x1  }
0x94: {  	(v2sf) =	vpush v1, $0x4;
	_ =	sdelay $0x2  }
0x95: {  	[tilespmem:s12+$0xFFFFFDD0] =	vst v2  }
0x96: {  	v2 =	vld [tilespmem:s8+$0xBD8];
	_ =	sdelay $0x4  }
0x97: {  	[tilespmem:s12+$0xFFFFFDE0] =	vst v2  }
0x98: {  	v2 =	vld [tilespmem:s8+$0xBE8];
	_ =	sdelay $0x4  }
0x99: {  	s9 =	spop (v2sf);
	[tilespmem:s12+$0xFFFFFDF0] =	vst v2  }
0x9a: {  	v2 =	vld [tilespmem:s9+$0xB78];
	_ =	sdelay $0x4  }
0x9b: {  	[tilespmem:s12+$0xFFFFFE00] =	vst v2  }
0x9c: {  	v2 =	vld [tilespmem:s9+$0xB88];
	_ =	sdelay $0x4  }
0x9d: {  	[tilespmem:s12+$0xFFFFFE10] =	vst v2  }
0x9e: {  	v2 =	vld [tilespmem:s9+$0xB98];
	_ =	sdelay $0x4  }
0x9f: {  	[tilespmem:s12+$0xFFFFFE20] =	vst v2  }
0xa0: {  	v2 =	vld [tilespmem:s9+$0xBA8];
	_ =	sdelay $0x4  }
0xa1: {  	[tilespmem:s12+$0xFFFFFE30] =	vst v2  }
0xa2: {  	v2 =	vld [tilespmem:s9+$0xBB8];
	_ =	sdelay $0x4  }
0xa3: {  	[tilespmem:s12+$0xFFFFFE40] =	vst v2  }
0xa4: {  	v2 =	vld [tilespmem:s9+$0xBC8];
	_ =	sdelay $0x1  }
0xa5: {  	(v2sf) =	vpush v1, $0x5;
	_ =	sdelay $0x2  }
0xa6: {  	[tilespmem:s12+$0xFFFFFE50] =	vst v2  }
0xa7: {  	v2 =	vld [tilespmem:s9+$0xBD8];
	_ =	sdelay $0x4  }
0xa8: {  	[tilespmem:s12+$0xFFFFFE60] =	vst v2  }
0xa9: {  	v2 =	vld [tilespmem:s9+$0xBE8];
	_ =	sdelay $0x4  }
0xaa: {  	s10 =	spop (v2sf);
	[tilespmem:s12+$0xFFFFFE70] =	vst v2  }
0xab: {  	v2 =	vld [tilespmem:s10+$0xB78];
	_ =	sdelay $0x4  }
0xac: {  	[tilespmem:s12+$0xFFFFFE80] =	vst v2  }
0xad: {  	v2 =	vld [tilespmem:s10+$0xB88];
	_ =	sdelay $0x4  }
0xae: {  	[tilespmem:s12+$0xFFFFFE90] =	vst v2  }
0xaf: {  	v2 =	vld [tilespmem:s10+$0xB98];
	_ =	sdelay $0x4  }
0xb0: {  	[tilespmem:s12+$0xFFFFFEA0] =	vst v2  }
0xb1: {  	v2 =	vld [tilespmem:s10+$0xBA8];
	_ =	sdelay $0x4  }
0xb2: {  	[tilespmem:s12+$0xFFFFFEB0] =	vst v2  }
0xb3: {  	v2 =	vld [tilespmem:s10+$0xBB8];
	_ =	sdelay $0x4  }
0xb4: {  	[tilespmem:s12+$0xFFFFFEC0] =	vst v2  }
0xb5: {  	v2 =	vld [tilespmem:s10+$0xBC8];
	_ =	sdelay $0x1  }
0xb6: {  	(v2sf) =	vpush v1, $0x6;
	_ =	sdelay $0x2  }
0xb7: {  	[tilespmem:s12+$0xFFFFFED0] =	vst v2  }
0xb8: {  	v2 =	vld [tilespmem:s10+$0xBD8];
	_ =	sdelay $0x4  }
0xb9: {  	[tilespmem:s12+$0xFFFFFEE0] =	vst v2  }
0xba: {  	v2 =	vld [tilespmem:s10+$0xBE8];
	_ =	sdelay $0x4  }
0xbb: {  	s13 =	spop (v2sf);
	[tilespmem:s12+$0xFFFFFEF0] =	vst v2  }
0xbc: {  	v2 =	vld [tilespmem:s13+$0xB78];
	_ =	sdelay $0x4  }
0xbd: {  	[tilespmem:s12+$0xFFFFFF00] =	vst v2  }
0xbe: {  	v2 =	vld [tilespmem:s13+$0xB88];
	_ =	sdelay $0x4  }
0xbf: {  	[tilespmem:s12+$0xFFFFFF10] =	vst v2  }
0xc0: {  	v2 =	vld [tilespmem:s13+$0xB98];
	_ =	sdelay $0x4  }
0xc1: {  	[tilespmem:s12+$0xFFFFFF20] =	vst v2  }
0xc2: {  	v2 =	vld [tilespmem:s13+$0xBA8];
	_ =	sdelay $0x4  }
0xc3: {  	[tilespmem:s12+$0xFFFFFF30] =	vst v2  }
0xc4: {  	v2 =	vld [tilespmem:s13+$0xBB8];
	_ =	sdelay $0x4  }
0xc5: {  	[tilespmem:s12+$0xFFFFFF40] =	vst v2  }
0xc6: {  	v2 =	vld [tilespmem:s13+$0xBC8];
	_ =	sdelay $0x1  }
0xc7: {  	(v2sf) =	vpush v1, $0x7;
	_ =	sdelay $0x2  }
0xc8: {  	[tilespmem:s12+$0xFFFFFF50] =	vst v2  }
0xc9: {  	v2 =	vld [tilespmem:s13+$0xBD8];
	_ =	sdelay $0x4  }
0xca: {  	[tilespmem:s12+$0xFFFFFF60] =	vst v2  }
0xcb: {  	v2 =	vld [tilespmem:s13+$0xBE8];
	_ =	sdelay $0x4  }
0xcc: {  	s14 =	spop (v2sf);
	[tilespmem:s12+$0xFFFFFF70] =	vst v2  }
0xcd: {  	v2 =	vld [tilespmem:s14+$0xB78];
	_ =	sdelay $0x4  }
0xce: {  	[tilespmem:s12+$0xFFFFFF80] =	vst v2  }
0xcf: {  	v2 =	vld [tilespmem:s14+$0xB88];
	_ =	sdelay $0x4  }
0xd0: {  	[tilespmem:s12+$0xFFFFFF90] =	vst v2  }
0xd1: {  	v2 =	vld [tilespmem:s14+$0xB98];
	_ =	sdelay $0x4  }
0xd2: {  	[tilespmem:s12+$0xFFFFFFA0] =	vst v2  }
0xd3: {  	v2 =	vld [tilespmem:s14+$0xBA8];
	_ =	sdelay $0x4  }
0xd4: {  	[tilespmem:s12+$0xFFFFFFB0] =	vst v2  }
0xd5: {  	v2 =	vld [tilespmem:s14+$0xBB8];
	_ =	sdelay $0x4  }
0xd6: {  	[tilespmem:s12+$0xFFFFFFC0] =	vst v2  }
0xd7: {  	v2 =	vld [tilespmem:s14+$0xBC8];
	_ =	sdelay $0x1  }
0xd8: {  	(v2sf) =	vpush v1, $0x8;
	_ =	sdelay $0x2  }
0xd9: {  	[tilespmem:s12+$0xFFFFFFD0] =	vst v2  }
0xda: {  	v2 =	vld [tilespmem:s14+$0xBD8];
	_ =	sdelay $0x4  }
0xdb: {  	[tilespmem:s12+$0xFFFFFFE0] =	vst v2  }
0xdc: {  	v2 =	vld [tilespmem:s14+$0xBE8];
	_ =	sdelay $0x4  }
0xdd: {  	s17 =	spop (v2sf);
	[tilespmem:s12+$0xFFFFFFF0] =	vst v2  }
0xde: {  	v2 =	vld [tilespmem:s17+$0xB78];
	_ =	sdelay $0x4  }
0xdf: {  	[tilespmem:s12+$0x0] =	vst v2  }
0xe0: {  	v2 =	vld [tilespmem:s17+$0xB88];
	_ =	sdelay $0x4  }
0xe1: {  	[tilespmem:s12+$0x10] =	vst v2  }
0xe2: {  	v2 =	vld [tilespmem:s17+$0xB98];
	_ =	sdelay $0x4  }
0xe3: {  	[tilespmem:s12+$0x20] =	vst v2  }
0xe4: {  	v2 =	vld [tilespmem:s17+$0xBA8];
	_ =	sdelay $0x4  }
0xe5: {  	[tilespmem:s12+$0x30] =	vst v2  }
0xe6: {  	v2 =	vld [tilespmem:s17+$0xBB8];
	_ =	sdelay $0x4  }
0xe7: {  	[tilespmem:s12+$0x40] =	vst v2  }
0xe8: {  	v2 =	vld [tilespmem:s17+$0xBC8];
	_ =	sdelay $0x1  }
0xe9: {  	(v2sf) =	vpush v1, $0x9;
	_ =	sdelay $0x2  }
0xea: {  	[tilespmem:s12+$0x50] =	vst v2  }
0xeb: {  	v2 =	vld [tilespmem:s17+$0xBD8];
	_ =	sdelay $0x4  }
0xec: {  	[tilespmem:s12+$0x60] =	vst v2  }
0xed: {  	v2 =	vld [tilespmem:s17+$0xBE8];
	_ =	sdelay $0x4  }
0xee: {  	s19 =	spop (v2sf);
	[tilespmem:s12+$0x70] =	vst v2  }
0xef: {  	v2 =	vld [tilespmem:s19+$0xB78];
	_ =	sdelay $0x4  }
0xf0: {  	[tilespmem:s12+$0x80] =	vst v2  }
0xf1: {  	v2 =	vld [tilespmem:s19+$0xB88];
	_ =	sdelay $0x4  }
0xf2: {  	[tilespmem:s12+$0x90] =	vst v2  }
0xf3: {  	v2 =	vld [tilespmem:s19+$0xB98];
	_ =	sdelay $0x4  }
0xf4: {  	[tilespmem:s12+$0xA0] =	vst v2  }
0xf5: {  	v2 =	vld [tilespmem:s19+$0xBA8];
	_ =	sdelay $0x4  }
0xf6: {  	[tilespmem:s12+$0xB0] =	vst v2  }
0xf7: {  	v2 =	vld [tilespmem:s19+$0xBB8];
	_ =	sdelay $0x4  }
0xf8: {  	[tilespmem:s12+$0xC0] =	vst v2  }
0xf9: {  	v2 =	vld [tilespmem:s19+$0xBC8];
	_ =	sdelay $0x1  }
0xfa: {  	(v2sf) =	vpush v1, $0xA;
	_ =	sdelay $0x2  }
0xfb: {  	[tilespmem:s12+$0xD0] =	vst v2  }
0xfc: {  	v2 =	vld [tilespmem:s19+$0xBD8];
	_ =	sdelay $0x4  }
0xfd: {  	[tilespmem:s12+$0xE0] =	vst v2  }
0xfe: {  	v2 =	vld [tilespmem:s19+$0xBE8];
	_ =	sdelay $0x4  }
0xff: {  	s24 =	spop (v2sf);
	[tilespmem:s12+$0xF0] =	vst v2  }
0x100: {  	v2 =	vld [tilespmem:s24+$0xB78];
	_ =	sdelay $0x4  }
0x101: {  	[tilespmem:s12+$0x100] =	vst v2  }
0x102: {  	v2 =	vld [tilespmem:s24+$0xB88];
	_ =	sdelay $0x4  }
0x103: {  	[tilespmem:s12+$0x110] =	vst v2  }
0x104: {  	v2 =	vld [tilespmem:s24+$0xB98];
	_ =	sdelay $0x4  }
0x105: {  	[tilespmem:s12+$0x120] =	vst v2  }
0x106: {  	v2 =	vld [tilespmem:s24+$0xBA8];
	_ =	sdelay $0x4  }
0x107: {  	[tilespmem:s12+$0x130] =	vst v2  }
0x108: {  	v2 =	vld [tilespmem:s24+$0xBB8];
	_ =	sdelay $0x4  }
0x109: {  	[tilespmem:s12+$0x140] =	vst v2  }
0x10a: {  	v2 =	vld [tilespmem:s24+$0xBC8];
	_ =	sdelay $0x1  }
0x10b: {  	(v2sf) =	vpush v1, $0xB;
	_ =	sdelay $0x2  }
0x10c: {  	[tilespmem:s12+$0x150] =	vst v2  }
0x10d: {  	v2 =	vld [tilespmem:s24+$0xBD8];
	_ =	sdelay $0x4  }
0x10e: {  	[tilespmem:s12+$0x160] =	vst v2  }
0x10f: {  	v2 =	vld [tilespmem:s24+$0xBE8];
	_ =	sdelay $0x4  }
0x110: {  	s26 =	spop (v2sf);
	[tilespmem:s12+$0x170] =	vst v2  }
0x111: {  	v2 =	vld [tilespmem:s26+$0xB78];
	_ =	sdelay $0x4  }
0x112: {  	[tilespmem:s12+$0x180] =	vst v2  }
0x113: {  	v2 =	vld [tilespmem:s26+$0xB88];
	_ =	sdelay $0x4  }
0x114: {  	[tilespmem:s12+$0x190] =	vst v2  }
0x115: {  	v2 =	vld [tilespmem:s26+$0xB98];
	_ =	sdelay $0x4  }
0x116: {  	[tilespmem:s12+$0x1A0] =	vst v2  }
0x117: {  	v2 =	vld [tilespmem:s26+$0xBA8];
	_ =	sdelay $0x4  }
0x118: {  	[tilespmem:s12+$0x1B0] =	vst v2  }
0x119: {  	v2 =	vld [tilespmem:s26+$0xBB8];
	_ =	sdelay $0x4  }
0x11a: {  	[tilespmem:s12+$0x1C0] =	vst v2  }
0x11b: {  	v2 =	vld [tilespmem:s26+$0xBC8];
	_ =	sdelay $0x1  }
0x11c: {  	(v2sf) =	vpush v1, $0xC;
	_ =	sdelay $0x2  }
0x11d: {  	[tilespmem:s12+$0x1D0] =	vst v2  }
0x11e: {  	v2 =	vld [tilespmem:s26+$0xBD8];
	_ =	sdelay $0x4  }
0x11f: {  	[tilespmem:s12+$0x1E0] =	vst v2  }
0x120: {  	v2 =	vld [tilespmem:s26+$0xBE8];
	_ =	sdelay $0x4  }
0x121: {  	s28 =	spop (v2sf);
	[tilespmem:s12+$0x1F0] =	vst v2  }
0x122: {  	v2 =	vld [tilespmem:s28+$0xB78];
	_ =	sdelay $0x4  }
0x123: {  	[tilespmem:s12+$0x200] =	vst v2  }
0x124: {  	v2 =	vld [tilespmem:s28+$0xB88];
	_ =	sdelay $0x4  }
0x125: {  	[tilespmem:s12+$0x210] =	vst v2  }
0x126: {  	v2 =	vld [tilespmem:s28+$0xB98];
	_ =	sdelay $0x4  }
0x127: {  	[tilespmem:s12+$0x220] =	vst v2  }
0x128: {  	v2 =	vld [tilespmem:s28+$0xBA8];
	_ =	sdelay $0x4  }
0x129: {  	[tilespmem:s12+$0x230] =	vst v2  }
0x12a: {  	v2 =	vld [tilespmem:s28+$0xBB8];
	_ =	sdelay $0x4  }
0x12b: {  	[tilespmem:s12+$0x240] =	vst v2  }
0x12c: {  	v2 =	vld [tilespmem:s28+$0xBC8];
	_ =	sdelay $0x1  }
0x12d: {  	(v2sf) =	vpush v1, $0xD;
	_ =	sdelay $0x2  }
0x12e: {  	[tilespmem:s12+$0x250] =	vst v2  }
0x12f: {  	v2 =	vld [tilespmem:s28+$0xBD8];
	_ =	sdelay $0x4  }
0x130: {  	[tilespmem:s12+$0x260] =	vst v2  }
0x131: {  	v2 =	vld [tilespmem:s28+$0xBE8];
	_ =	sdelay $0x4  }
0x132: {  	s29 =	spop (v2sf);
	[tilespmem:s12+$0x270] =	vst v2  }
0x133: {  	v2 =	vld [tilespmem:s29+$0xB78];
	_ =	sdelay $0x4  }
0x134: {  	[tilespmem:s12+$0x280] =	vst v2  }
0x135: {  	v2 =	vld [tilespmem:s29+$0xB88];
	_ =	sdelay $0x4  }
0x136: {  	[tilespmem:s12+$0x290] =	vst v2  }
0x137: {  	v2 =	vld [tilespmem:s29+$0xB98];
	_ =	sdelay $0x4  }
0x138: {  	[tilespmem:s12+$0x2A0] =	vst v2  }
0x139: {  	v2 =	vld [tilespmem:s29+$0xBA8];
	_ =	sdelay $0x4  }
0x13a: {  	[tilespmem:s12+$0x2B0] =	vst v2  }
0x13b: {  	v2 =	vld [tilespmem:s29+$0xBB8];
	_ =	sdelay $0x4  }
0x13c: {  	[tilespmem:s12+$0x2C0] =	vst v2  }
0x13d: {  	v2 =	vld [tilespmem:s29+$0xBC8];
	_ =	sdelay $0x1  }
0x13e: {  	(v2sf) =	vpush v1, $0xE;
	_ =	sdelay $0x2  }
0x13f: {  	[tilespmem:s12+$0x2D0] =	vst v2  }
0x140: {  	v2 =	vld [tilespmem:s29+$0xBD8];
	_ =	sdelay $0x4  }
0x141: {  	[tilespmem:s12+$0x2E0] =	vst v2  }
0x142: {  	v2 =	vld [tilespmem:s29+$0xBE8];
	_ =	sdelay $0x4  }
0x143: {  	s30 =	spop (v2sf);
	[tilespmem:s12+$0x2F0] =	vst v2  }
0x144: {  	v2 =	vld [tilespmem:s30+$0xB78];
	_ =	sdelay $0x4  }
0x145: {  	[tilespmem:s12+$0x300] =	vst v2  }
0x146: {  	v2 =	vld [tilespmem:s30+$0xB88];
	_ =	sdelay $0x4  }
0x147: {  	[tilespmem:s12+$0x310] =	vst v2  }
0x148: {  	v2 =	vld [tilespmem:s30+$0xB98];
	_ =	sdelay $0x4  }
0x149: {  	[tilespmem:s12+$0x320] =	vst v2  }
0x14a: {  	v2 =	vld [tilespmem:s30+$0xBA8];
	_ =	sdelay $0x4  }
0x14b: {  	[tilespmem:s12+$0x330] =	vst v2  }
0x14c: {  	v2 =	vld [tilespmem:s30+$0xBB8];
	_ =	sdelay $0x4  }
0x14d: {  	[tilespmem:s12+$0x340] =	vst v2  }
0x14e: {  	v2 =	vld [tilespmem:s30+$0xBC8];
	_ =	sdelay $0x1  }
0x14f: {  	(v2sf) =	vpush v1, $0xF;
	_ =	sdelay $0x2  }
0x150: {  	[tilespmem:s12+$0x350] =	vst v2  }
0x151: {  	v1 =	vld [tilespmem:s30+$0xBD8];
	_ =	sdelay $0x4  }
0x152: {  	[tilespmem:s12+$0x360] =	vst v1  }
0x153: {  	v1 =	vld [tilespmem:s30+$0xBE8];
	_ =	sdelay $0x4  }
0x154: {  	s31 =	spop (v2sf);
	[tilespmem:s12+$0x370] =	vst v1  }
0x155: {  	v1 =	vld [tilespmem:s31+$0xB78];
	_ =	sdelay $0x4  }
0x156: {  	[tilespmem:s12+$0x380] =	vst v1  }
0x157: {  	v1 =	vld [tilespmem:s31+$0xB88];
	_ =	sdelay $0x4  }
0x158: {  	[tilespmem:s12+$0x390] =	vst v1  }
0x159: {  	v1 =	vld [tilespmem:s31+$0xB98];
	_ =	sdelay $0x4  }
0x15a: {  	[tilespmem:s12+$0x3A0] =	vst v1  }
0x15b: {  	v1 =	vld [tilespmem:s31+$0xBA8];
	_ =	sdelay $0x4  }
0x15c: {  	[tilespmem:s12+$0x3B0] =	vst v1  }
0x15d: {  	v1 =	vld [tilespmem:s31+$0xBB8];
	_ =	sdelay $0x4  }
0x15e: {  	[tilespmem:s12+$0x3C0] =	vst v1  }
0x15f: {  	v1 =	vld [tilespmem:s31+$0xBC8];
	_ =	sdelay $0x4  }
0x160: {  	[tilespmem:s12+$0x3D0] =	vst v1  }
0x161: {  	v1 =	vld [tilespmem:s31+$0xBD8];
	_ =	sdelay $0x4  }
0x162: {  	[tilespmem:s12+$0x3E0] =	vst v1  }
0x163: {  	v1 =	vld [tilespmem:s31+$0xBE8];
	_ =	sdelay $0x4  }
0x164: {  	s0 =	simm.s32 $0x10;
	s13 =	simm.s32 $0x80;
	[tilespmem:s12+$0x3F0] =	vst v1  }
.LBB2_4:
0x165: {  	p1 =	sne.s32 s13, $0x1C0;
	v1 =	vld.idx.msk [tilespmem:v0+s0+$0x0 ss:$0x1], $0xffff;
	_ =	sdelay $0x5  }
0x166: {  	v1 =	vshll.u32 v1, $0x9  }
0x167: {  	v1 =	vshra.s32 v1, $0x2  }
0x168: {  	(v2sf) =	vpush v1, $0x0  }
0x169: {  	(v2sf) =	vpush v1, $0x1  }
0x16a: {  	(v2sf) =	vpush v1, $0x2  }
0x16b: {  	(v2sf) =	vpush v1, $0x3  }
0x16c: {  	(v2sf) =	vpush v1, $0x4  }
0x16d: {  	(v2sf) =	vpush v1, $0x5  }
0x16e: {  	(v2sf) =	vpush v1, $0x6  }
0x16f: {  	(v2sf) =	vpush v1, $0x7  }
0x170: {  	(v2sf) =	vpush v1, $0x8  }
0x171: {  	(v2sf) =	vpush v1, $0x9  }
0x172: {  	(v2sf) =	vpush v1, $0xA  }
0x173: {  	(v2sf) =	vpush v1, $0xB  }
0x174: {  	(v2sf) =	vpush v1, $0xC  }
0x175: {  	(v2sf) =	vpush v1, $0xD  }
0x176: {  	(v2sf) =	vpush v1, $0xE  }
0x177: {  	s10 =	spop (v2sf);
	(v2sf) =	vpush v1, $0xF  }
0x178: {  	v1 =	vld [tilespmem:s10+$0xB78];
	s9 =	spop (v2sf)  }
0x179: {  	s6 =	spop (v2sf)  }
0x17a: {  	s17 =	spop (v2sf)  }
0x17b: {  	s1 =	spop (v2sf)  }
0x17c: {  	s12 =	sadd.s32 $0x800, s12;
	s31 =	spop (v2sf)  }
0x17d: {  	[tilespmem:s12+$0xFFFFFC00] =	vst v1;
	s30 =	spop (v2sf)  }
0x17e: {  	v1 =	vld [tilespmem:s10+$0xB88];
	s24 =	spop (v2sf)  }
0x17f: {  	s26 =	spop (v2sf)  }
0x180: {  	s0 =	spop (v2sf)  }
0x181: {  	s8 =	spop (v2sf)  }
0x182: {  	s29 =	spop (v2sf)  }
0x183: {  	[tilespmem:s12+$0xFFFFFC10] =	vst v1;
	s28 =	spop (v2sf)  }
0x184: {  	v1 =	vld [tilespmem:s10+$0xB98];
	s7 =	spop (v2sf)  }
0x185: {  	s19 =	spop (v2sf)  }
0x186: {  	s14 =	spop (v2sf);
	_ =	sdelay $0x2  }
0x187: {  	[tilespmem:s12+$0xFFFFFC20] =	vst v1  }
0x188: {  	v1 =	vld [tilespmem:s10+$0xBA8];
	_ =	sdelay $0x4  }
0x189: {  	[tilespmem:s12+$0xFFFFFC30] =	vst v1  }
0x18a: {  	v1 =	vld [tilespmem:s10+$0xBB8];
	_ =	sdelay $0x4  }
0x18b: {  	[tilespmem:s12+$0xFFFFFC40] =	vst v1  }
0x18c: {  	v1 =	vld [tilespmem:s10+$0xBC8];
	_ =	sdelay $0x4  }
0x18d: {  	[tilespmem:s12+$0xFFFFFC50] =	vst v1  }
0x18e: {  	v1 =	vld [tilespmem:s10+$0xBD8];
	_ =	sdelay $0x4  }
0x18f: {  	[tilespmem:s12+$0xFFFFFC60] =	vst v1  }
0x190: {  	v1 =	vld [tilespmem:s10+$0xBE8];
	_ =	sdelay $0x4  }
0x191: {  	[tilespmem:s12+$0xFFFFFC70] =	vst v1  }
0x192: {  	v1 =	vld [tilespmem:s9+$0xB78];
	_ =	sdelay $0x4  }
0x193: {  	[tilespmem:s12+$0xFFFFFC80] =	vst v1  }
0x194: {  	v1 =	vld [tilespmem:s9+$0xB88];
	_ =	sdelay $0x4  }
0x195: {  	[tilespmem:s12+$0xFFFFFC90] =	vst v1  }
0x196: {  	v1 =	vld [tilespmem:s9+$0xB98];
	_ =	sdelay $0x4  }
0x197: {  	[tilespmem:s12+$0xFFFFFCA0] =	vst v1  }
0x198: {  	v1 =	vld [tilespmem:s9+$0xBA8];
	_ =	sdelay $0x4  }
0x199: {  	[tilespmem:s12+$0xFFFFFCB0] =	vst v1  }
0x19a: {  	v1 =	vld [tilespmem:s9+$0xBB8];
	_ =	sdelay $0x4  }
0x19b: {  	[tilespmem:s12+$0xFFFFFCC0] =	vst v1  }
0x19c: {  	v1 =	vld [tilespmem:s9+$0xBC8];
	_ =	sdelay $0x4  }
0x19d: {  	[tilespmem:s12+$0xFFFFFCD0] =	vst v1  }
0x19e: {  	v1 =	vld [tilespmem:s9+$0xBD8];
	_ =	sdelay $0x4  }
0x19f: {  	[tilespmem:s12+$0xFFFFFCE0] =	vst v1  }
0x1a0: {  	v1 =	vld [tilespmem:s9+$0xBE8];
	_ =	sdelay $0x4  }
0x1a1: {  	[tilespmem:s12+$0xFFFFFCF0] =	vst v1  }
0x1a2: {  	v1 =	vld [tilespmem:s6+$0xB78];
	_ =	sdelay $0x4  }
0x1a3: {  	[tilespmem:s12+$0xFFFFFD00] =	vst v1  }
0x1a4: {  	v1 =	vld [tilespmem:s6+$0xB88];
	_ =	sdelay $0x4  }
0x1a5: {  	[tilespmem:s12+$0xFFFFFD10] =	vst v1  }
0x1a6: {  	v1 =	vld [tilespmem:s6+$0xB98];
	_ =	sdelay $0x4  }
0x1a7: {  	[tilespmem:s12+$0xFFFFFD20] =	vst v1  }
0x1a8: {  	v1 =	vld [tilespmem:s6+$0xBA8];
	_ =	sdelay $0x4  }
0x1a9: {  	[tilespmem:s12+$0xFFFFFD30] =	vst v1  }
0x1aa: {  	v1 =	vld [tilespmem:s6+$0xBB8];
	_ =	sdelay $0x4  }
0x1ab: {  	[tilespmem:s12+$0xFFFFFD40] =	vst v1  }
0x1ac: {  	v1 =	vld [tilespmem:s6+$0xBC8];
	_ =	sdelay $0x4  }
0x1ad: {  	[tilespmem:s12+$0xFFFFFD50] =	vst v1  }
0x1ae: {  	v1 =	vld [tilespmem:s6+$0xBD8];
	_ =	sdelay $0x4  }
0x1af: {  	[tilespmem:s12+$0xFFFFFD60] =	vst v1  }
0x1b0: {  	v1 =	vld [tilespmem:s6+$0xBE8];
	_ =	sdelay $0x4  }
0x1b1: {  	[tilespmem:s12+$0xFFFFFD70] =	vst v1  }
0x1b2: {  	v1 =	vld [tilespmem:s17+$0xB78];
	_ =	sdelay $0x4  }
0x1b3: {  	[tilespmem:s12+$0xFFFFFD80] =	vst v1  }
0x1b4: {  	v1 =	vld [tilespmem:s17+$0xB88];
	_ =	sdelay $0x4  }
0x1b5: {  	[tilespmem:s12+$0xFFFFFD90] =	vst v1  }
0x1b6: {  	v1 =	vld [tilespmem:s17+$0xB98];
	_ =	sdelay $0x4  }
0x1b7: {  	[tilespmem:s12+$0xFFFFFDA0] =	vst v1  }
0x1b8: {  	v1 =	vld [tilespmem:s17+$0xBA8];
	_ =	sdelay $0x4  }
0x1b9: {  	[tilespmem:s12+$0xFFFFFDB0] =	vst v1  }
0x1ba: {  	v1 =	vld [tilespmem:s17+$0xBB8];
	_ =	sdelay $0x4  }
0x1bb: {  	[tilespmem:s12+$0xFFFFFDC0] =	vst v1  }
0x1bc: {  	v1 =	vld [tilespmem:s17+$0xBC8];
	_ =	sdelay $0x4  }
0x1bd: {  	[tilespmem:s12+$0xFFFFFDD0] =	vst v1  }
0x1be: {  	v1 =	vld [tilespmem:s17+$0xBD8];
	_ =	sdelay $0x4  }
0x1bf: {  	[tilespmem:s12+$0xFFFFFDE0] =	vst v1  }
0x1c0: {  	v1 =	vld [tilespmem:s17+$0xBE8];
	_ =	sdelay $0x4  }
0x1c1: {  	[tilespmem:s12+$0xFFFFFDF0] =	vst v1  }
0x1c2: {  	v1 =	vld [tilespmem:s1+$0xB78];
	_ =	sdelay $0x4  }
0x1c3: {  	[tilespmem:s12+$0xFFFFFE00] =	vst v1  }
0x1c4: {  	v1 =	vld [tilespmem:s1+$0xB88];
	_ =	sdelay $0x4  }
0x1c5: {  	[tilespmem:s12+$0xFFFFFE10] =	vst v1  }
0x1c6: {  	v1 =	vld [tilespmem:s1+$0xB98];
	_ =	sdelay $0x4  }
0x1c7: {  	[tilespmem:s12+$0xFFFFFE20] =	vst v1  }
0x1c8: {  	v1 =	vld [tilespmem:s1+$0xBA8];
	_ =	sdelay $0x4  }
0x1c9: {  	[tilespmem:s12+$0xFFFFFE30] =	vst v1  }
0x1ca: {  	v1 =	vld [tilespmem:s1+$0xBB8];
	_ =	sdelay $0x4  }
0x1cb: {  	[tilespmem:s12+$0xFFFFFE40] =	vst v1  }
0x1cc: {  	v1 =	vld [tilespmem:s1+$0xBC8];
	_ =	sdelay $0x4  }
0x1cd: {  	[tilespmem:s12+$0xFFFFFE50] =	vst v1  }
0x1ce: {  	v1 =	vld [tilespmem:s1+$0xBD8];
	_ =	sdelay $0x4  }
0x1cf: {  	[tilespmem:s12+$0xFFFFFE60] =	vst v1  }
0x1d0: {  	v1 =	vld [tilespmem:s1+$0xBE8];
	_ =	sdelay $0x4  }
0x1d1: {  	[tilespmem:s12+$0xFFFFFE70] =	vst v1  }
0x1d2: {  	v1 =	vld [tilespmem:s31+$0xB78];
	_ =	sdelay $0x4  }
0x1d3: {  	[tilespmem:s12+$0xFFFFFE80] =	vst v1  }
0x1d4: {  	v1 =	vld [tilespmem:s31+$0xB88];
	_ =	sdelay $0x4  }
0x1d5: {  	[tilespmem:s12+$0xFFFFFE90] =	vst v1  }
0x1d6: {  	v1 =	vld [tilespmem:s31+$0xB98];
	_ =	sdelay $0x4  }
0x1d7: {  	[tilespmem:s12+$0xFFFFFEA0] =	vst v1  }
0x1d8: {  	v1 =	vld [tilespmem:s31+$0xBA8];
	_ =	sdelay $0x4  }
0x1d9: {  	[tilespmem:s12+$0xFFFFFEB0] =	vst v1  }
0x1da: {  	v1 =	vld [tilespmem:s31+$0xBB8];
	_ =	sdelay $0x4  }
0x1db: {  	[tilespmem:s12+$0xFFFFFEC0] =	vst v1  }
0x1dc: {  	v1 =	vld [tilespmem:s31+$0xBC8];
	_ =	sdelay $0x4  }
0x1dd: {  	[tilespmem:s12+$0xFFFFFED0] =	vst v1  }
0x1de: {  	v1 =	vld [tilespmem:s31+$0xBD8];
	_ =	sdelay $0x4  }
0x1df: {  	[tilespmem:s12+$0xFFFFFEE0] =	vst v1  }
0x1e0: {  	v1 =	vld [tilespmem:s31+$0xBE8];
	_ =	sdelay $0x4  }
0x1e1: {  	[tilespmem:s12+$0xFFFFFEF0] =	vst v1  }
0x1e2: {  	v1 =	vld [tilespmem:s30+$0xB78];
	_ =	sdelay $0x4  }
0x1e3: {  	[tilespmem:s12+$0xFFFFFF00] =	vst v1  }
0x1e4: {  	v1 =	vld [tilespmem:s30+$0xB88];
	_ =	sdelay $0x4  }
0x1e5: {  	[tilespmem:s12+$0xFFFFFF10] =	vst v1  }
0x1e6: {  	v1 =	vld [tilespmem:s30+$0xB98];
	_ =	sdelay $0x4  }
0x1e7: {  	[tilespmem:s12+$0xFFFFFF20] =	vst v1  }
0x1e8: {  	v1 =	vld [tilespmem:s30+$0xBA8];
	_ =	sdelay $0x4  }
0x1e9: {  	[tilespmem:s12+$0xFFFFFF30] =	vst v1  }
0x1ea: {  	v1 =	vld [tilespmem:s30+$0xBB8];
	_ =	sdelay $0x4  }
0x1eb: {  	[tilespmem:s12+$0xFFFFFF40] =	vst v1  }
0x1ec: {  	v1 =	vld [tilespmem:s30+$0xBC8];
	_ =	sdelay $0x4  }
0x1ed: {  	[tilespmem:s12+$0xFFFFFF50] =	vst v1  }
0x1ee: {  	v1 =	vld [tilespmem:s30+$0xBD8];
	_ =	sdelay $0x4  }
0x1ef: {  	[tilespmem:s12+$0xFFFFFF60] =	vst v1  }
0x1f0: {  	v1 =	vld [tilespmem:s30+$0xBE8];
	_ =	sdelay $0x4  }
0x1f1: {  	[tilespmem:s12+$0xFFFFFF70] =	vst v1  }
0x1f2: {  	v1 =	vld [tilespmem:s24+$0xB78];
	_ =	sdelay $0x4  }
0x1f3: {  	[tilespmem:s12+$0xFFFFFF80] =	vst v1  }
0x1f4: {  	v1 =	vld [tilespmem:s24+$0xB88];
	_ =	sdelay $0x4  }
0x1f5: {  	[tilespmem:s12+$0xFFFFFF90] =	vst v1  }
0x1f6: {  	v1 =	vld [tilespmem:s24+$0xB98];
	_ =	sdelay $0x4  }
0x1f7: {  	[tilespmem:s12+$0xFFFFFFA0] =	vst v1  }
0x1f8: {  	v1 =	vld [tilespmem:s24+$0xBA8];
	_ =	sdelay $0x4  }
0x1f9: {  	[tilespmem:s12+$0xFFFFFFB0] =	vst v1  }
0x1fa: {  	v1 =	vld [tilespmem:s24+$0xBB8];
	_ =	sdelay $0x4  }
0x1fb: {  	[tilespmem:s12+$0xFFFFFFC0] =	vst v1  }
0x1fc: {  	v1 =	vld [tilespmem:s24+$0xBC8];
	_ =	sdelay $0x4  }
0x1fd: {  	[tilespmem:s12+$0xFFFFFFD0] =	vst v1  }
0x1fe: {  	v1 =	vld [tilespmem:s24+$0xBD8];
	_ =	sdelay $0x4  }
0x1ff: {  	[tilespmem:s12+$0xFFFFFFE0] =	vst v1  }
0x200: {  	v1 =	vld [tilespmem:s24+$0xBE8];
	_ =	sdelay $0x4  }
0x201: {  	[tilespmem:s12+$0xFFFFFFF0] =	vst v1  }
0x202: {  	v1 =	vld [tilespmem:s26+$0xB78];
	_ =	sdelay $0x4  }
0x203: {  	[tilespmem:s12+$0x0] =	vst v1  }
0x204: {  	v1 =	vld [tilespmem:s26+$0xB88];
	_ =	sdelay $0x4  }
0x205: {  	[tilespmem:s12+$0x10] =	vst v1  }
0x206: {  	v1 =	vld [tilespmem:s26+$0xB98];
	_ =	sdelay $0x4  }
0x207: {  	[tilespmem:s12+$0x20] =	vst v1  }
0x208: {  	v1 =	vld [tilespmem:s26+$0xBA8];
	_ =	sdelay $0x4  }
0x209: {  	[tilespmem:s12+$0x30] =	vst v1  }
0x20a: {  	v1 =	vld [tilespmem:s26+$0xBB8];
	_ =	sdelay $0x4  }
0x20b: {  	[tilespmem:s12+$0x40] =	vst v1  }
0x20c: {  	v1 =	vld [tilespmem:s26+$0xBC8];
	_ =	sdelay $0x4  }
0x20d: {  	[tilespmem:s12+$0x50] =	vst v1  }
0x20e: {  	v1 =	vld [tilespmem:s26+$0xBD8];
	_ =	sdelay $0x4  }
0x20f: {  	[tilespmem:s12+$0x60] =	vst v1  }
0x210: {  	v1 =	vld [tilespmem:s26+$0xBE8];
	_ =	sdelay $0x4  }
0x211: {  	[tilespmem:s12+$0x70] =	vst v1  }
0x212: {  	v1 =	vld [tilespmem:s0+$0xB78];
	_ =	sdelay $0x4  }
0x213: {  	[tilespmem:s12+$0x80] =	vst v1  }
0x214: {  	v1 =	vld [tilespmem:s0+$0xB88];
	_ =	sdelay $0x4  }
0x215: {  	[tilespmem:s12+$0x90] =	vst v1  }
0x216: {  	v1 =	vld [tilespmem:s0+$0xB98];
	_ =	sdelay $0x4  }
0x217: {  	[tilespmem:s12+$0xA0] =	vst v1  }
0x218: {  	v1 =	vld [tilespmem:s0+$0xBA8];
	_ =	sdelay $0x4  }
0x219: {  	[tilespmem:s12+$0xB0] =	vst v1  }
0x21a: {  	v1 =	vld [tilespmem:s0+$0xBB8];
	_ =	sdelay $0x4  }
0x21b: {  	[tilespmem:s12+$0xC0] =	vst v1  }
0x21c: {  	v1 =	vld [tilespmem:s0+$0xBC8];
	_ =	sdelay $0x4  }
0x21d: {  	[tilespmem:s12+$0xD0] =	vst v1  }
0x21e: {  	v1 =	vld [tilespmem:s0+$0xBD8];
	_ =	sdelay $0x4  }
0x21f: {  	[tilespmem:s12+$0xE0] =	vst v1  }
0x220: {  	v1 =	vld [tilespmem:s0+$0xBE8];
	_ =	sdelay $0x4  }
0x221: {  	[tilespmem:s12+$0xF0] =	vst v1  }
0x222: {  	v1 =	vld [tilespmem:s8+$0xB78];
	_ =	sdelay $0x4  }
0x223: {  	[tilespmem:s12+$0x100] =	vst v1  }
0x224: {  	v1 =	vld [tilespmem:s8+$0xB88];
	_ =	sdelay $0x4  }
0x225: {  	[tilespmem:s12+$0x110] =	vst v1  }
0x226: {  	v1 =	vld [tilespmem:s8+$0xB98];
	_ =	sdelay $0x4  }
0x227: {  	[tilespmem:s12+$0x120] =	vst v1  }
0x228: {  	v1 =	vld [tilespmem:s8+$0xBA8];
	_ =	sdelay $0x4  }
0x229: {  	[tilespmem:s12+$0x130] =	vst v1  }
0x22a: {  	v1 =	vld [tilespmem:s8+$0xBB8];
	_ =	sdelay $0x4  }
0x22b: {  	[tilespmem:s12+$0x140] =	vst v1  }
0x22c: {  	v1 =	vld [tilespmem:s8+$0xBC8];
	_ =	sdelay $0x4  }
0x22d: {  	[tilespmem:s12+$0x150] =	vst v1  }
0x22e: {  	v1 =	vld [tilespmem:s8+$0xBD8];
	_ =	sdelay $0x4  }
0x22f: {  	[tilespmem:s12+$0x160] =	vst v1  }
0x230: {  	v1 =	vld [tilespmem:s8+$0xBE8];
	_ =	sdelay $0x4  }
0x231: {  	[tilespmem:s12+$0x170] =	vst v1  }
0x232: {  	v1 =	vld [tilespmem:s29+$0xB78];
	_ =	sdelay $0x4  }
0x233: {  	[tilespmem:s12+$0x180] =	vst v1  }
0x234: {  	v1 =	vld [tilespmem:s29+$0xB88];
	_ =	sdelay $0x4  }
0x235: {  	[tilespmem:s12+$0x190] =	vst v1  }
0x236: {  	v1 =	vld [tilespmem:s29+$0xB98];
	_ =	sdelay $0x4  }
0x237: {  	[tilespmem:s12+$0x1A0] =	vst v1  }
0x238: {  	v1 =	vld [tilespmem:s29+$0xBA8];
	_ =	sdelay $0x4  }
0x239: {  	[tilespmem:s12+$0x1B0] =	vst v1  }
0x23a: {  	v1 =	vld [tilespmem:s29+$0xBB8];
	_ =	sdelay $0x4  }
0x23b: {  	[tilespmem:s12+$0x1C0] =	vst v1  }
0x23c: {  	v1 =	vld [tilespmem:s29+$0xBC8];
	_ =	sdelay $0x4  }
0x23d: {  	[tilespmem:s12+$0x1D0] =	vst v1  }
0x23e: {  	v1 =	vld [tilespmem:s29+$0xBD8];
	_ =	sdelay $0x4  }
0x23f: {  	[tilespmem:s12+$0x1E0] =	vst v1  }
0x240: {  	v1 =	vld [tilespmem:s29+$0xBE8];
	_ =	sdelay $0x4  }
0x241: {  	[tilespmem:s12+$0x1F0] =	vst v1  }
0x242: {  	v1 =	vld [tilespmem:s28+$0xB78];
	_ =	sdelay $0x4  }
0x243: {  	[tilespmem:s12+$0x200] =	vst v1  }
0x244: {  	v1 =	vld [tilespmem:s28+$0xB88];
	_ =	sdelay $0x4  }
0x245: {  	[tilespmem:s12+$0x210] =	vst v1  }
0x246: {  	v1 =	vld [tilespmem:s28+$0xB98];
	_ =	sdelay $0x4  }
0x247: {  	[tilespmem:s12+$0x220] =	vst v1  }
0x248: {  	v1 =	vld [tilespmem:s28+$0xBA8];
	_ =	sdelay $0x4  }
0x249: {  	[tilespmem:s12+$0x230] =	vst v1  }
0x24a: {  	v1 =	vld [tilespmem:s28+$0xBB8];
	_ =	sdelay $0x4  }
0x24b: {  	[tilespmem:s12+$0x240] =	vst v1  }
0x24c: {  	v1 =	vld [tilespmem:s28+$0xBC8];
	_ =	sdelay $0x4  }
0x24d: {  	[tilespmem:s12+$0x250] =	vst v1  }
0x24e: {  	v1 =	vld [tilespmem:s28+$0xBD8];
	_ =	sdelay $0x4  }
0x24f: {  	[tilespmem:s12+$0x260] =	vst v1  }
0x250: {  	v1 =	vld [tilespmem:s28+$0xBE8];
	_ =	sdelay $0x4  }
0x251: {  	[tilespmem:s12+$0x270] =	vst v1  }
0x252: {  	v1 =	vld [tilespmem:s7+$0xB78];
	_ =	sdelay $0x4  }
0x253: {  	[tilespmem:s12+$0x280] =	vst v1  }
0x254: {  	v1 =	vld [tilespmem:s7+$0xB88];
	_ =	sdelay $0x4  }
0x255: {  	[tilespmem:s12+$0x290] =	vst v1  }
0x256: {  	v1 =	vld [tilespmem:s7+$0xB98];
	_ =	sdelay $0x4  }
0x257: {  	[tilespmem:s12+$0x2A0] =	vst v1  }
0x258: {  	v1 =	vld [tilespmem:s7+$0xBA8];
	_ =	sdelay $0x4  }
0x259: {  	[tilespmem:s12+$0x2B0] =	vst v1  }
0x25a: {  	v1 =	vld [tilespmem:s7+$0xBB8];
	_ =	sdelay $0x4  }
0x25b: {  	[tilespmem:s12+$0x2C0] =	vst v1  }
0x25c: {  	v1 =	vld [tilespmem:s7+$0xBC8];
	_ =	sdelay $0x4  }
0x25d: {  	[tilespmem:s12+$0x2D0] =	vst v1  }
0x25e: {  	v1 =	vld [tilespmem:s7+$0xBD8];
	_ =	sdelay $0x4  }
0x25f: {  	[tilespmem:s12+$0x2E0] =	vst v1  }
0x260: {  	v1 =	vld [tilespmem:s7+$0xBE8];
	_ =	sdelay $0x4  }
0x261: {  	[tilespmem:s12+$0x2F0] =	vst v1  }
0x262: {  	v1 =	vld [tilespmem:s19+$0xB78];
	_ =	sdelay $0x4  }
0x263: {  	[tilespmem:s12+$0x300] =	vst v1  }
0x264: {  	v1 =	vld [tilespmem:s19+$0xB88];
	_ =	sdelay $0x4  }
0x265: {  	[tilespmem:s12+$0x310] =	vst v1  }
0x266: {  	v1 =	vld [tilespmem:s19+$0xB98];
	_ =	sdelay $0x4  }
0x267: {  	[tilespmem:s12+$0x320] =	vst v1  }
0x268: {  	v1 =	vld [tilespmem:s19+$0xBA8];
	_ =	sdelay $0x4  }
0x269: {  	[tilespmem:s12+$0x330] =	vst v1  }
0x26a: {  	v1 =	vld [tilespmem:s19+$0xBB8];
	_ =	sdelay $0x4  }
0x26b: {  	[tilespmem:s12+$0x340] =	vst v1  }
0x26c: {  	v1 =	vld [tilespmem:s19+$0xBC8];
	_ =	sdelay $0x4  }
0x26d: {  	[tilespmem:s12+$0x350] =	vst v1  }
0x26e: {  	v1 =	vld [tilespmem:s19+$0xBD8];
	_ =	sdelay $0x4  }
0x26f: {  	[tilespmem:s12+$0x360] =	vst v1  }
0x270: {  	v1 =	vld [tilespmem:s19+$0xBE8];
	_ =	sdelay $0x4  }
0x271: {  	[tilespmem:s12+$0x370] =	vst v1  }
0x272: {  	v1 =	vld [tilespmem:s14+$0xB78];
	_ =	sdelay $0x4  }
0x273: {  	[tilespmem:s12+$0x380] =	vst v1  }
0x274: {  	v1 =	vld [tilespmem:s14+$0xB88];
	_ =	sdelay $0x4  }
0x275: {  	[tilespmem:s12+$0x390] =	vst v1  }
0x276: {  	v1 =	vld [tilespmem:s14+$0xB98];
	_ =	sdelay $0x4  }
0x277: {  	[tilespmem:s12+$0x3A0] =	vst v1  }
0x278: {  	v1 =	vld [tilespmem:s14+$0xBA8];
	_ =	sdelay $0x4  }
0x279: {  	[tilespmem:s12+$0x3B0] =	vst v1  }
0x27a: {  	v1 =	vld [tilespmem:s14+$0xBB8];
	_ =	sdelay $0x4  }
0x27b: {  	[tilespmem:s12+$0x3C0] =	vst v1  }
0x27c: {  	v1 =	vld [tilespmem:s14+$0xBC8];
	_ =	sdelay $0x4  }
0x27d: {  	[tilespmem:s12+$0x3D0] =	vst v1  }
0x27e: {  	v1 =	vld [tilespmem:s14+$0xBD8];
	_ =	sdelay $0x4  }
0x27f: {  	[tilespmem:s12+$0x3E0] =	vst v1  }
0x280: {  	v1 =	vld [tilespmem:s14+$0xBE8]  }
.Ltmp0:
0x281: {  	(pc) =	sbr.rel @p1 .LBB2_4-.Ltmp0, $2  }
0x282: {  	_ =	sdelay $0x2  }
0x283: {  	s0 =	sshra.s32 s13, $0x2;
	s13 =	sadd.s32 $0x40, s13;
	[tilespmem:s12+$0x3F0] =	vst v1  }
0x284: {  	_ =	sdelay $0x3  }
0x285: {  	v0 =	vld.idx.msk [tilespmem:v0+s0+$0x0 ss:$0x1], $0xffff;
	_ =	sdelay $0x4  }
0x286: {  	v0 =	vshll.u32 v0, $0x9  }
0x287: {  	v0 =	vshra.s32 v0, $0x2  }
0x288: {  	(v2sf) =	vpush v0, $0x0;
	_ =	sdelay $0xe  }
0x289: {  	s1 =	spop (v2sf)  }
0x28a: {  	v1 =	vld [tilespmem:s1+$0xB78];
	_ =	sdelay $0x3  }
0x28b: {  	s0 =	sadd.s32 $0x800, s12  }
0x28c: {  	[tilespmem:s0+$0xFFFFFC00] =	vst v1  }
0x28d: {  	v1 =	vld [tilespmem:s1+$0xB88];
	_ =	sdelay $0x4  }
0x28e: {  	[tilespmem:s0+$0xFFFFFC10] =	vst v1  }
0x28f: {  	v1 =	vld [tilespmem:s1+$0xB98];
	_ =	sdelay $0x4  }
0x290: {  	[tilespmem:s0+$0xFFFFFC20] =	vst v1  }
0x291: {  	v1 =	vld [tilespmem:s1+$0xBA8];
	_ =	sdelay $0x4  }
0x292: {  	[tilespmem:s0+$0xFFFFFC30] =	vst v1  }
0x293: {  	v1 =	vld [tilespmem:s1+$0xBB8];
	_ =	sdelay $0x4  }
0x294: {  	[tilespmem:s0+$0xFFFFFC40] =	vst v1  }
0x295: {  	v1 =	vld [tilespmem:s1+$0xBC8];
	_ =	sdelay $0x1  }
0x296: {  	(v2sf) =	vpush v0, $0x1;
	_ =	sdelay $0x2  }
0x297: {  	[tilespmem:s0+$0xFFFFFC50] =	vst v1  }
0x298: {  	v1 =	vld [tilespmem:s1+$0xBD8];
	_ =	sdelay $0x4  }
0x299: {  	[tilespmem:s0+$0xFFFFFC60] =	vst v1  }
0x29a: {  	v1 =	vld [tilespmem:s1+$0xBE8];
	_ =	sdelay $0x4  }
0x29b: {  	s30 =	spop (v2sf);
	[tilespmem:s0+$0xFFFFFC70] =	vst v1  }
0x29c: {  	v1 =	vld [tilespmem:s30+$0xB78];
	_ =	sdelay $0x4  }
0x29d: {  	[tilespmem:s0+$0xFFFFFC80] =	vst v1  }
0x29e: {  	v1 =	vld [tilespmem:s30+$0xB88];
	_ =	sdelay $0x4  }
0x29f: {  	[tilespmem:s0+$0xFFFFFC90] =	vst v1  }
0x2a0: {  	v1 =	vld [tilespmem:s30+$0xB98];
	_ =	sdelay $0x4  }
0x2a1: {  	[tilespmem:s0+$0xFFFFFCA0] =	vst v1  }
0x2a2: {  	v1 =	vld [tilespmem:s30+$0xBA8];
	_ =	sdelay $0x4  }
0x2a3: {  	[tilespmem:s0+$0xFFFFFCB0] =	vst v1  }
0x2a4: {  	v1 =	vld [tilespmem:s30+$0xBB8];
	_ =	sdelay $0x4  }
0x2a5: {  	[tilespmem:s0+$0xFFFFFCC0] =	vst v1  }
0x2a6: {  	v1 =	vld [tilespmem:s30+$0xBC8];
	_ =	sdelay $0x1  }
0x2a7: {  	(v2sf) =	vpush v0, $0x2;
	_ =	sdelay $0x2  }
0x2a8: {  	[tilespmem:s0+$0xFFFFFCD0] =	vst v1  }
0x2a9: {  	v1 =	vld [tilespmem:s30+$0xBD8];
	_ =	sdelay $0x4  }
0x2aa: {  	[tilespmem:s0+$0xFFFFFCE0] =	vst v1  }
0x2ab: {  	v1 =	vld [tilespmem:s30+$0xBE8];
	_ =	sdelay $0x4  }
0x2ac: {  	s31 =	spop (v2sf);
	[tilespmem:s0+$0xFFFFFCF0] =	vst v1  }
0x2ad: {  	v1 =	vld [tilespmem:s31+$0xB78];
	_ =	sdelay $0x4  }
0x2ae: {  	[tilespmem:s0+$0xFFFFFD00] =	vst v1  }
0x2af: {  	v1 =	vld [tilespmem:s31+$0xB88];
	_ =	sdelay $0x4  }
0x2b0: {  	[tilespmem:s0+$0xFFFFFD10] =	vst v1  }
0x2b1: {  	v1 =	vld [tilespmem:s31+$0xB98];
	_ =	sdelay $0x4  }
0x2b2: {  	[tilespmem:s0+$0xFFFFFD20] =	vst v1  }
0x2b3: {  	v1 =	vld [tilespmem:s31+$0xBA8];
	_ =	sdelay $0x4  }
0x2b4: {  	[tilespmem:s0+$0xFFFFFD30] =	vst v1  }
0x2b5: {  	v1 =	vld [tilespmem:s31+$0xBB8];
	_ =	sdelay $0x4  }
0x2b6: {  	[tilespmem:s0+$0xFFFFFD40] =	vst v1  }
0x2b7: {  	v1 =	vld [tilespmem:s31+$0xBC8];
	_ =	sdelay $0x1  }
0x2b8: {  	(v2sf) =	vpush v0, $0x3;
	_ =	sdelay $0x2  }
0x2b9: {  	[tilespmem:s0+$0xFFFFFD50] =	vst v1  }
0x2ba: {  	v1 =	vld [tilespmem:s31+$0xBD8];
	_ =	sdelay $0x4  }
0x2bb: {  	[tilespmem:s0+$0xFFFFFD60] =	vst v1  }
0x2bc: {  	v1 =	vld [tilespmem:s31+$0xBE8];
	_ =	sdelay $0x4  }
0x2bd: {  	s6 =	spop (v2sf);
	[tilespmem:s0+$0xFFFFFD70] =	vst v1  }
0x2be: {  	v1 =	vld [tilespmem:s6+$0xB78];
	_ =	sdelay $0x4  }
0x2bf: {  	[tilespmem:s0+$0xFFFFFD80] =	vst v1  }
0x2c0: {  	v1 =	vld [tilespmem:s6+$0xB88];
	_ =	sdelay $0x4  }
0x2c1: {  	[tilespmem:s0+$0xFFFFFD90] =	vst v1  }
0x2c2: {  	v1 =	vld [tilespmem:s6+$0xB98];
	_ =	sdelay $0x4  }
0x2c3: {  	[tilespmem:s0+$0xFFFFFDA0] =	vst v1  }
0x2c4: {  	v1 =	vld [tilespmem:s6+$0xBA8];
	_ =	sdelay $0x4  }
0x2c5: {  	[tilespmem:s0+$0xFFFFFDB0] =	vst v1  }
0x2c6: {  	v1 =	vld [tilespmem:s6+$0xBB8];
	_ =	sdelay $0x4  }
0x2c7: {  	[tilespmem:s0+$0xFFFFFDC0] =	vst v1  }
0x2c8: {  	v1 =	vld [tilespmem:s6+$0xBC8];
	_ =	sdelay $0x1  }
0x2c9: {  	(v2sf) =	vpush v0, $0x4;
	_ =	sdelay $0x2  }
0x2ca: {  	[tilespmem:s0+$0xFFFFFDD0] =	vst v1  }
0x2cb: {  	v1 =	vld [tilespmem:s6+$0xBD8];
	_ =	sdelay $0x4  }
0x2cc: {  	[tilespmem:s0+$0xFFFFFDE0] =	vst v1  }
0x2cd: {  	v1 =	vld [tilespmem:s6+$0xBE8];
	_ =	sdelay $0x4  }
0x2ce: {  	s7 =	spop (v2sf);
	[tilespmem:s0+$0xFFFFFDF0] =	vst v1  }
0x2cf: {  	v1 =	vld [tilespmem:s7+$0xB78];
	_ =	sdelay $0x4  }
0x2d0: {  	[tilespmem:s0+$0xFFFFFE00] =	vst v1  }
0x2d1: {  	v1 =	vld [tilespmem:s7+$0xB88];
	_ =	sdelay $0x4  }
0x2d2: {  	[tilespmem:s0+$0xFFFFFE10] =	vst v1  }
0x2d3: {  	v1 =	vld [tilespmem:s7+$0xB98];
	_ =	sdelay $0x4  }
0x2d4: {  	[tilespmem:s0+$0xFFFFFE20] =	vst v1  }
0x2d5: {  	v1 =	vld [tilespmem:s7+$0xBA8];
	_ =	sdelay $0x4  }
0x2d6: {  	[tilespmem:s0+$0xFFFFFE30] =	vst v1  }
0x2d7: {  	v1 =	vld [tilespmem:s7+$0xBB8];
	_ =	sdelay $0x4  }
0x2d8: {  	[tilespmem:s0+$0xFFFFFE40] =	vst v1  }
0x2d9: {  	v1 =	vld [tilespmem:s7+$0xBC8];
	_ =	sdelay $0x1  }
0x2da: {  	(v2sf) =	vpush v0, $0x5;
	_ =	sdelay $0x2  }
0x2db: {  	[tilespmem:s0+$0xFFFFFE50] =	vst v1  }
0x2dc: {  	v1 =	vld [tilespmem:s7+$0xBD8];
	_ =	sdelay $0x4  }
0x2dd: {  	[tilespmem:s0+$0xFFFFFE60] =	vst v1  }
0x2de: {  	v1 =	vld [tilespmem:s7+$0xBE8];
	_ =	sdelay $0x4  }
0x2df: {  	s8 =	spop (v2sf);
	[tilespmem:s0+$0xFFFFFE70] =	vst v1  }
0x2e0: {  	v1 =	vld [tilespmem:s8+$0xB78];
	_ =	sdelay $0x4  }
0x2e1: {  	[tilespmem:s0+$0xFFFFFE80] =	vst v1  }
0x2e2: {  	v1 =	vld [tilespmem:s8+$0xB88];
	_ =	sdelay $0x4  }
0x2e3: {  	[tilespmem:s0+$0xFFFFFE90] =	vst v1  }
0x2e4: {  	v1 =	vld [tilespmem:s8+$0xB98];
	_ =	sdelay $0x4  }
0x2e5: {  	[tilespmem:s0+$0xFFFFFEA0] =	vst v1  }
0x2e6: {  	v1 =	vld [tilespmem:s8+$0xBA8];
	_ =	sdelay $0x4  }
0x2e7: {  	[tilespmem:s0+$0xFFFFFEB0] =	vst v1  }
0x2e8: {  	v1 =	vld [tilespmem:s8+$0xBB8];
	_ =	sdelay $0x4  }
0x2e9: {  	[tilespmem:s0+$0xFFFFFEC0] =	vst v1  }
0x2ea: {  	v1 =	vld [tilespmem:s8+$0xBC8];
	_ =	sdelay $0x1  }
0x2eb: {  	(v2sf) =	vpush v0, $0x6;
	_ =	sdelay $0x2  }
0x2ec: {  	[tilespmem:s0+$0xFFFFFED0] =	vst v1  }
0x2ed: {  	v1 =	vld [tilespmem:s8+$0xBD8];
	_ =	sdelay $0x4  }
0x2ee: {  	[tilespmem:s0+$0xFFFFFEE0] =	vst v1  }
0x2ef: {  	v1 =	vld [tilespmem:s8+$0xBE8];
	_ =	sdelay $0x4  }
0x2f0: {  	s9 =	spop (v2sf);
	[tilespmem:s0+$0xFFFFFEF0] =	vst v1  }
0x2f1: {  	v1 =	vld [tilespmem:s9+$0xB78];
	_ =	sdelay $0x4  }
0x2f2: {  	[tilespmem:s0+$0xFFFFFF00] =	vst v1  }
0x2f3: {  	v1 =	vld [tilespmem:s9+$0xB88];
	_ =	sdelay $0x4  }
0x2f4: {  	[tilespmem:s0+$0xFFFFFF10] =	vst v1  }
0x2f5: {  	v1 =	vld [tilespmem:s9+$0xB98];
	_ =	sdelay $0x4  }
0x2f6: {  	[tilespmem:s0+$0xFFFFFF20] =	vst v1  }
0x2f7: {  	v1 =	vld [tilespmem:s9+$0xBA8];
	_ =	sdelay $0x4  }
0x2f8: {  	[tilespmem:s0+$0xFFFFFF30] =	vst v1  }
0x2f9: {  	v1 =	vld [tilespmem:s9+$0xBB8];
	_ =	sdelay $0x4  }
0x2fa: {  	[tilespmem:s0+$0xFFFFFF40] =	vst v1  }
0x2fb: {  	v1 =	vld [tilespmem:s9+$0xBC8];
	_ =	sdelay $0x1  }
0x2fc: {  	(v2sf) =	vpush v0, $0x7;
	_ =	sdelay $0x2  }
0x2fd: {  	[tilespmem:s0+$0xFFFFFF50] =	vst v1  }
0x2fe: {  	v1 =	vld [tilespmem:s9+$0xBD8];
	_ =	sdelay $0x4  }
0x2ff: {  	[tilespmem:s0+$0xFFFFFF60] =	vst v1  }
0x300: {  	v1 =	vld [tilespmem:s9+$0xBE8];
	_ =	sdelay $0x4  }
0x301: {  	s10 =	spop (v2sf);
	[tilespmem:s0+$0xFFFFFF70] =	vst v1  }
0x302: {  	v1 =	vld [tilespmem:s10+$0xB78];
	_ =	sdelay $0x4  }
0x303: {  	[tilespmem:s0+$0xFFFFFF80] =	vst v1  }
0x304: {  	v1 =	vld [tilespmem:s10+$0xB88];
	_ =	sdelay $0x4  }
0x305: {  	[tilespmem:s0+$0xFFFFFF90] =	vst v1  }
0x306: {  	v1 =	vld [tilespmem:s10+$0xB98];
	_ =	sdelay $0x4  }
0x307: {  	[tilespmem:s0+$0xFFFFFFA0] =	vst v1  }
0x308: {  	v1 =	vld [tilespmem:s10+$0xBA8];
	_ =	sdelay $0x4  }
0x309: {  	[tilespmem:s0+$0xFFFFFFB0] =	vst v1  }
0x30a: {  	v1 =	vld [tilespmem:s10+$0xBB8];
	_ =	sdelay $0x4  }
0x30b: {  	[tilespmem:s0+$0xFFFFFFC0] =	vst v1  }
0x30c: {  	v1 =	vld [tilespmem:s10+$0xBC8];
	_ =	sdelay $0x1  }
0x30d: {  	(v2sf) =	vpush v0, $0x8;
	_ =	sdelay $0x2  }
0x30e: {  	[tilespmem:s0+$0xFFFFFFD0] =	vst v1  }
0x30f: {  	v1 =	vld [tilespmem:s10+$0xBD8];
	_ =	sdelay $0x4  }
0x310: {  	[tilespmem:s0+$0xFFFFFFE0] =	vst v1  }
0x311: {  	v1 =	vld [tilespmem:s10+$0xBE8];
	_ =	sdelay $0x4  }
0x312: {  	s12 =	spop (v2sf);
	[tilespmem:s0+$0xFFFFFFF0] =	vst v1  }
0x313: {  	v1 =	vld [tilespmem:s12+$0xB78];
	_ =	sdelay $0x4  }
0x314: {  	[tilespmem:s0+$0x0] =	vst v1  }
0x315: {  	v1 =	vld [tilespmem:s12+$0xB88];
	_ =	sdelay $0x4  }
0x316: {  	[tilespmem:s0+$0x10] =	vst v1  }
0x317: {  	v1 =	vld [tilespmem:s12+$0xB98];
	_ =	sdelay $0x4  }
0x318: {  	[tilespmem:s0+$0x20] =	vst v1  }
0x319: {  	v1 =	vld [tilespmem:s12+$0xBA8];
	_ =	sdelay $0x4  }
0x31a: {  	[tilespmem:s0+$0x30] =	vst v1  }
0x31b: {  	v1 =	vld [tilespmem:s12+$0xBB8];
	_ =	sdelay $0x4  }
0x31c: {  	[tilespmem:s0+$0x40] =	vst v1  }
0x31d: {  	v1 =	vld [tilespmem:s12+$0xBC8];
	_ =	sdelay $0x1  }
0x31e: {  	(v2sf) =	vpush v0, $0x9;
	_ =	sdelay $0x2  }
0x31f: {  	[tilespmem:s0+$0x50] =	vst v1  }
0x320: {  	v1 =	vld [tilespmem:s12+$0xBD8];
	_ =	sdelay $0x4  }
0x321: {  	[tilespmem:s0+$0x60] =	vst v1  }
0x322: {  	v1 =	vld [tilespmem:s12+$0xBE8];
	_ =	sdelay $0x4  }
0x323: {  	s13 =	spop (v2sf);
	[tilespmem:s0+$0x70] =	vst v1  }
0x324: {  	v1 =	vld [tilespmem:s13+$0xB78];
	_ =	sdelay $0x4  }
0x325: {  	[tilespmem:s0+$0x80] =	vst v1  }
0x326: {  	v1 =	vld [tilespmem:s13+$0xB88];
	_ =	sdelay $0x4  }
0x327: {  	[tilespmem:s0+$0x90] =	vst v1  }
0x328: {  	v1 =	vld [tilespmem:s13+$0xB98];
	_ =	sdelay $0x4  }
0x329: {  	[tilespmem:s0+$0xA0] =	vst v1  }
0x32a: {  	v1 =	vld [tilespmem:s13+$0xBA8];
	_ =	sdelay $0x4  }
0x32b: {  	[tilespmem:s0+$0xB0] =	vst v1  }
0x32c: {  	v1 =	vld [tilespmem:s13+$0xBB8];
	_ =	sdelay $0x4  }
0x32d: {  	[tilespmem:s0+$0xC0] =	vst v1  }
0x32e: {  	v1 =	vld [tilespmem:s13+$0xBC8];
	_ =	sdelay $0x1  }
0x32f: {  	(v2sf) =	vpush v0, $0xA;
	_ =	sdelay $0x2  }
0x330: {  	[tilespmem:s0+$0xD0] =	vst v1  }
0x331: {  	v1 =	vld [tilespmem:s13+$0xBD8];
	_ =	sdelay $0x4  }
0x332: {  	[tilespmem:s0+$0xE0] =	vst v1  }
0x333: {  	v1 =	vld [tilespmem:s13+$0xBE8];
	_ =	sdelay $0x4  }
0x334: {  	s14 =	spop (v2sf);
	[tilespmem:s0+$0xF0] =	vst v1  }
0x335: {  	v1 =	vld [tilespmem:s14+$0xB78];
	_ =	sdelay $0x4  }
0x336: {  	[tilespmem:s0+$0x100] =	vst v1  }
0x337: {  	v1 =	vld [tilespmem:s14+$0xB88];
	_ =	sdelay $0x4  }
0x338: {  	[tilespmem:s0+$0x110] =	vst v1  }
0x339: {  	v1 =	vld [tilespmem:s14+$0xB98];
	_ =	sdelay $0x4  }
0x33a: {  	[tilespmem:s0+$0x120] =	vst v1  }
0x33b: {  	v1 =	vld [tilespmem:s14+$0xBA8];
	_ =	sdelay $0x4  }
0x33c: {  	[tilespmem:s0+$0x130] =	vst v1  }
0x33d: {  	v1 =	vld [tilespmem:s14+$0xBB8];
	_ =	sdelay $0x4  }
0x33e: {  	[tilespmem:s0+$0x140] =	vst v1  }
0x33f: {  	v1 =	vld [tilespmem:s14+$0xBC8];
	_ =	sdelay $0x1  }
0x340: {  	(v2sf) =	vpush v0, $0xB;
	_ =	sdelay $0x2  }
0x341: {  	[tilespmem:s0+$0x150] =	vst v1  }
0x342: {  	v1 =	vld [tilespmem:s14+$0xBD8];
	_ =	sdelay $0x4  }
0x343: {  	[tilespmem:s0+$0x160] =	vst v1  }
0x344: {  	v1 =	vld [tilespmem:s14+$0xBE8];
	_ =	sdelay $0x4  }
0x345: {  	s17 =	spop (v2sf);
	[tilespmem:s0+$0x170] =	vst v1  }
0x346: {  	v1 =	vld [tilespmem:s17+$0xB78];
	_ =	sdelay $0x4  }
0x347: {  	[tilespmem:s0+$0x180] =	vst v1  }
0x348: {  	v1 =	vld [tilespmem:s17+$0xB88];
	_ =	sdelay $0x4  }
0x349: {  	[tilespmem:s0+$0x190] =	vst v1  }
0x34a: {  	v1 =	vld [tilespmem:s17+$0xB98];
	_ =	sdelay $0x4  }
0x34b: {  	[tilespmem:s0+$0x1A0] =	vst v1  }
0x34c: {  	v1 =	vld [tilespmem:s17+$0xBA8];
	_ =	sdelay $0x4  }
0x34d: {  	[tilespmem:s0+$0x1B0] =	vst v1  }
0x34e: {  	v1 =	vld [tilespmem:s17+$0xBB8];
	_ =	sdelay $0x4  }
0x34f: {  	[tilespmem:s0+$0x1C0] =	vst v1  }
0x350: {  	v1 =	vld [tilespmem:s17+$0xBC8];
	_ =	sdelay $0x1  }
0x351: {  	(v2sf) =	vpush v0, $0xC;
	_ =	sdelay $0x2  }
0x352: {  	[tilespmem:s0+$0x1D0] =	vst v1  }
0x353: {  	v1 =	vld [tilespmem:s17+$0xBD8];
	_ =	sdelay $0x4  }
0x354: {  	[tilespmem:s0+$0x1E0] =	vst v1  }
0x355: {  	v1 =	vld [tilespmem:s17+$0xBE8];
	_ =	sdelay $0x4  }
0x356: {  	s19 =	spop (v2sf);
	[tilespmem:s0+$0x1F0] =	vst v1  }
0x357: {  	v1 =	vld [tilespmem:s19+$0xB78];
	_ =	sdelay $0x4  }
0x358: {  	[tilespmem:s0+$0x200] =	vst v1  }
0x359: {  	v1 =	vld [tilespmem:s19+$0xB88];
	_ =	sdelay $0x4  }
0x35a: {  	[tilespmem:s0+$0x210] =	vst v1  }
0x35b: {  	v1 =	vld [tilespmem:s19+$0xB98];
	_ =	sdelay $0x4  }
0x35c: {  	[tilespmem:s0+$0x220] =	vst v1  }
0x35d: {  	v1 =	vld [tilespmem:s19+$0xBA8];
	_ =	sdelay $0x4  }
0x35e: {  	[tilespmem:s0+$0x230] =	vst v1  }
0x35f: {  	v1 =	vld [tilespmem:s19+$0xBB8];
	_ =	sdelay $0x4  }
0x360: {  	[tilespmem:s0+$0x240] =	vst v1  }
0x361: {  	v1 =	vld [tilespmem:s19+$0xBC8];
	_ =	sdelay $0x1  }
0x362: {  	(v2sf) =	vpush v0, $0xD;
	_ =	sdelay $0x2  }
0x363: {  	[tilespmem:s0+$0x250] =	vst v1  }
0x364: {  	v1 =	vld [tilespmem:s19+$0xBD8];
	_ =	sdelay $0x4  }
0x365: {  	[tilespmem:s0+$0x260] =	vst v1  }
0x366: {  	v1 =	vld [tilespmem:s19+$0xBE8];
	_ =	sdelay $0x4  }
0x367: {  	s24 =	spop (v2sf);
	[tilespmem:s0+$0x270] =	vst v1  }
0x368: {  	v1 =	vld [tilespmem:s24+$0xB78];
	_ =	sdelay $0x4  }
0x369: {  	[tilespmem:s0+$0x280] =	vst v1  }
0x36a: {  	v1 =	vld [tilespmem:s24+$0xB88];
	_ =	sdelay $0x4  }
0x36b: {  	[tilespmem:s0+$0x290] =	vst v1  }
0x36c: {  	v1 =	vld [tilespmem:s24+$0xB98];
	_ =	sdelay $0x4  }
0x36d: {  	[tilespmem:s0+$0x2A0] =	vst v1  }
0x36e: {  	v1 =	vld [tilespmem:s24+$0xBA8];
	_ =	sdelay $0x4  }
0x36f: {  	[tilespmem:s0+$0x2B0] =	vst v1  }
0x370: {  	v1 =	vld [tilespmem:s24+$0xBB8];
	_ =	sdelay $0x4  }
0x371: {  	[tilespmem:s0+$0x2C0] =	vst v1  }
0x372: {  	v1 =	vld [tilespmem:s24+$0xBC8];
	_ =	sdelay $0x1  }
0x373: {  	(v2sf) =	vpush v0, $0xE;
	_ =	sdelay $0x2  }
0x374: {  	[tilespmem:s0+$0x2D0] =	vst v1  }
0x375: {  	v1 =	vld [tilespmem:s24+$0xBD8];
	_ =	sdelay $0x4  }
0x376: {  	[tilespmem:s0+$0x2E0] =	vst v1  }
0x377: {  	v1 =	vld [tilespmem:s24+$0xBE8];
	_ =	sdelay $0x4  }
0x378: {  	s26 =	spop (v2sf);
	[tilespmem:s0+$0x2F0] =	vst v1  }
0x379: {  	v1 =	vld [tilespmem:s26+$0xB78];
	_ =	sdelay $0x4  }
0x37a: {  	[tilespmem:s0+$0x300] =	vst v1  }
0x37b: {  	v1 =	vld [tilespmem:s26+$0xB88];
	_ =	sdelay $0x4  }
0x37c: {  	[tilespmem:s0+$0x310] =	vst v1  }
0x37d: {  	v1 =	vld [tilespmem:s26+$0xB98];
	_ =	sdelay $0x4  }
0x37e: {  	[tilespmem:s0+$0x320] =	vst v1  }
0x37f: {  	v1 =	vld [tilespmem:s26+$0xBA8];
	_ =	sdelay $0x4  }
0x380: {  	[tilespmem:s0+$0x330] =	vst v1  }
0x381: {  	v1 =	vld [tilespmem:s26+$0xBB8];
	_ =	sdelay $0x4  }
0x382: {  	[tilespmem:s0+$0x340] =	vst v1  }
0x383: {  	v1 =	vld [tilespmem:s26+$0xBC8];
	_ =	sdelay $0x1  }
0x384: {  	(v2sf) =	vpush v0, $0xF;
	_ =	sdelay $0x2  }
0x385: {  	[tilespmem:s0+$0x350] =	vst v1  }
0x386: {  	v63 =	vld [tilespmem:s26+$0xBD8];
	_ =	sdelay $0x4  }
0x387: {  	[tilespmem:s0+$0x360] =	vst v63  }
0x388: {  	v0 =	vld [tilespmem:s26+$0xBE8];
	_ =	sdelay $0x4  }
0x389: {  	s28 =	spop (v2sf);
	[tilespmem:s0+$0x370] =	vst v0  }
0x38a: {  	v0 =	vld [tilespmem:s28+$0xB78];
	_ =	sdelay $0x4  }
0x38b: {  	[tilespmem:s0+$0x380] =	vst v0  }
0x38c: {  	v0 =	vld [tilespmem:s28+$0xB88];
	_ =	sdelay $0x4  }
0x38d: {  	[tilespmem:s0+$0x390] =	vst v0  }
0x38e: {  	v0 =	vld [tilespmem:s28+$0xB98];
	_ =	sdelay $0x4  }
0x38f: {  	[tilespmem:s0+$0x3A0] =	vst v0  }
0x390: {  	v0 =	vld [tilespmem:s28+$0xBA8];
	_ =	sdelay $0x4  }
0x391: {  	[tilespmem:s0+$0x3B0] =	vst v0  }
0x392: {  	v0 =	vld [tilespmem:s28+$0xBB8];
	_ =	sdelay $0x4  }
0x393: {  	[tilespmem:s0+$0x3C0] =	vst v0  }
0x394: {  	v0 =	vld [tilespmem:s28+$0xBC8];
	_ =	sdelay $0x4  }
0x395: {  	[tilespmem:s0+$0x3D0] =	vst v0  }
0x396: {  	v0 =	vld [tilespmem:s28+$0xBD8];
	_ =	sdelay $0x4  }
0x397: {  	[tilespmem:s0+$0x3E0] =	vst v0  }
0x398: {  	s16 =	sadd.s32 $0x1, s16;
	v0 =	vld [tilespmem:s28+$0xBE8]  }
0x399: {  	p1 =	sne.s32 s16, $0xA  }
.Ltmp1:
0x39a: {  	s29 =	rddreg [dreg:$0xa];
	(pc) =	sbr.rel @p1 .LBB2_3-.Ltmp1, $4  }
0x39b: {  	s1 =	sadd.s32 s5, s29  }
0x39c: {  	s1 =	sshrl.u32 s1, $0x3  }
0x39d: {  	s18 =	sadd.s32 $0x200, s18;
	s30 =	sadd.s32 s2, s1;
	s31 =	simm.s32 $0x1AB78;
	[tilespmem:s0+$0x3F0] =	vst v0  }
0x39e: {  	[hbm4b:s30+s4] =	stream.linear.scatter [tilespmem:s31], [sflag:$0x7], $0x4000, $0x38;
	[tilespmem:$0x1EB78] =	vst v63  }
0x39f: {  	s6 =	rddreg [dreg:$0x11];
	s1 =	simm.s32 $0x3  }
0x3a0: {  	s5 =	smul.u32 $0x140000, s6;
	_ =	swait.ge [sflag:s1], $0x4000  }
0x3a1: {  	s0 =	rddreg [dreg:$0xb]  }
0x3a2: {  	s28 =	simm.s32 $0x16B78;
	s29 =	simm.s32 $0x8;
	s0 =	sadd.s32 s0, s5  }
0x3a3: {  	p1 =	seq.s32 s6, $0x9;
	[sflag:s1] =	ssyncset.done $0x0;
	s0 =	sshrl.u32 s0, $0x3  }
0x3a4: {  	[dreg:$0x13] =	wrdreg s5;
	[sflag:s1] =	ssyncadd.s32 $0xFFFFC000;
	s0 =	sadd.s32 s2, s0  }
0x3a5: {  	[hbm4b:s0+s4] =	stream.linear.scatter [tilespmem:s28], [sflag:$0x6], $0x4000, $0x38;
	[tilespmem:$0x1EB78] =	vst v63  }
0x3a6: {  	s0 =	smul.u32 @!p1 $0x2800, s6;
	_ =	swait.ge [sflag:s29], $0x1400  }
0x3a7: {  	s18 =	simm.s32 $0x0;
	s19 =	simm.s32 $0xD8F8;
	s1 =	rddreg [dreg:$0xc]  }
0x3a8: {  	s30 =	sadd.s32 $0x1, s6;
	s5 =	simm.s32 @!p1 $0xC378;
	s0 =	sadd.s32 @!p1 s0, s1  }
0x3a9: {  	[sflag:s29] =	ssyncset.done $0x0;
	s31 =	rddreg [dreg:$0x12];
	s0 =	sshrl.u32 @!p1 s0, $0x3  }
0x3aa: {  	[sflag:s29] =	ssyncadd.s32 $0xFFFFEC00;
	s1 =	simm.s32 @!p1 $0x0;
	s0 =	sadd.s32 @!p1 s21, s0  }
0x3ab: {  	[tilespmem:s5], [sflag:$0x8] =	stream.linear.gather @!p1 [hbm4b:s0+s1], $0x1400, $0x38;
	[tilespmem:$0x1EB78] =	vst v63  }
0x3ac: {  	[dreg:$0x14] =	wrdreg s30;
	s8 =	sshll.u32 s31, $0xE;
	s5 =	simm.s32 $0x0  }
.LBB2_7:
0x3ad: {  	s1 =	simm.s32 $0x4  }
0x3ae: {  	s0 =	sshll.u32 s5, $0x9;
	s9 =	simm.s32 $0xEB78;
	_ =	swait.ge [sflag:s1], $0x4000  }
0x3af: {  	p1 =	seq.s32 s5, $0x0;
	s0 =	sand.u32 $0x3FFFFE00, s0;
	[sflag:s1] =	ssyncset.done $0x0  }
0x3b0: {  	s16 =	sadd.s32 $0xD778, s0;
	[sflag:s1] =	ssyncadd.s32 $0xFFFFC000;
	s1 =	simm.s32 @!p1 $0x3  }
0x3b1: {  	[tilespmem:s9], [sflag:$0x1] =	stream.indirect.gather [spmem:s3], $0x80, s16, s20, $0xb8;
	[tilespmem:$0x1EB78] =	vst v63  }
0x3b2: {  	s6 =	sshll.u32 @!p1 s5, $0x10;
	_ =	swait.ge @!p1 [sflag:s1], $0x4000  }
0x3b3: {  	s12 =	sadd.s32 @!p1 s8, s6;
	s6 =	rddreg [dreg:$0x8]  }
0x3b4: {  	[sflag:s1] =	ssyncset.done @!p1 $0x0;
	s6 =	sadd.s32 @!p1 s12, s6  }
0x3b5: {  	s17 =	simm.s32 $0x5;
	[sflag:s1] =	ssyncadd.s32 @!p1 $0xFFFFC000;
	s1 =	sshrl.u32 @!p1 s6, $0x3  }
0x3b6: {  	s7 =	simm.s32 @!p1 $0x16B78;
	s6 =	simm.s32 @!p1 $0x0;
	s1 =	sadd.s32 @!p1 s2, s1  }
0x3b7: {  	[hbm4b:s1+s6] =	stream.linear.scatter @!p1 [tilespmem:s7], [sflag:$0x6], $0x4000, $0x38;
	[tilespmem:$0x1EB78] =	vst v63  }
0x3b8: {  	_ =	swait.ge [sflag:s17], $0x4000  }
0x3b9: {  	[sflag:s17] =	ssyncset.done $0x0  }
0x3ba: {  	s21 =	sadd.s32 $0xD7F8, s0;
	s12 =	smov.u32 @p1 s8;
	[sflag:s17] =	ssyncadd.s32 $0xFFFFC000  }
0x3bb: {  	[tilespmem:s22], [sflag:$0x2] =	stream.indirect.gather [spmem:s3], $0x80, s21, s20, $0xb8;
	[tilespmem:$0x1EB78] =	vst v63  }
0x3bc: {  	s24 =	sadd.s32 s11, s12;
	_ =	swait.ge [sflag:s23], $0x4000  }
0x3bd: {  	s1 =	sshrl.u32 s24, $0x3;
	[sflag:s23] =	ssyncset.done $0x0  }
0x3be: {  	s26 =	simm.s32 $0x6;
	s1 =	sadd.s32 s2, s1;
	[sflag:s23] =	ssyncadd.s32 $0xFFFFC000  }
0x3bf: {  	[hbm4b:s1+s18] =	stream.linear.scatter [tilespmem:s9], [sflag:$0x4], $0x4000, $0x38;
	[tilespmem:$0x1EB78] =	vst v63  }
0x3c0: {  	_ =	swait.ge [sflag:s26], $0x4000  }
0x3c1: {  	[sflag:s26] =	ssyncset.done $0x0  }
0x3c2: {  	s28 =	simm.s32 $0x16B78;
	s0 =	sadd.s32 $0xD878, s0;
	[sflag:s26] =	ssyncadd.s32 $0xFFFFC000  }
0x3c3: {  	[tilespmem:s28], [sflag:$0x3] =	stream.indirect.gather [spmem:s3], $0x80, s0, s20, $0xb8;
	[tilespmem:$0x1EB78] =	vst v63  }
0x3c4: {  	_ =	swait.ge [sflag:s25], $0x4000  }
0x3c5: {  	s29 =	rddreg [dreg:$0x9]  }
0x3c6: {  	s0 =	sadd.s32 s12, s29  }
0x3c7: {  	[sflag:s25] =	ssyncset.done $0x0;
	s0 =	sshrl.u32 s0, $0x3  }
0x3c8: {  	v0 =	vmov s19;
	s30 =	simm.s32 $0x7;
	[sflag:s25] =	ssyncadd.s32 $0xFFFFC000;
	s0 =	sadd.s32 s2, s0  }
0x3c9: {  	[hbm4b:s0+s18] =	stream.linear.scatter [tilespmem:s22], [sflag:$0x5], $0x4000, $0x38;
	[tilespmem:$0x1EB78] =	vst v63  }
0x3ca: {  	_ =	swait.ge [sflag:s30], $0x4000  }
0x3cb: {  	[sflag:s30] =	ssyncset.done $0x0  }
0x3cc: {  	s31 =	simm.s32 $0x0;
	[sflag:s30] =	ssyncadd.s32 $0xFFFFC000  }
0x3cd: {  	v1 =	vld.idx.msk [tilespmem:v0+s31+$0x0 ss:$0x1], $0xffff;
	_ =	sdelay $0x4  }
0x3ce: {  	v1 =	vshll.u32 v1, $0x9  }
0x3cf: {  	v1 =	vshra.s32 v1, $0x2  }
0x3d0: {  	(v2sf) =	vpush v1, $0x0;
	_ =	sdelay $0xe  }
0x3d1: {  	s1 =	spop (v2sf)  }
0x3d2: {  	v2 =	vld [tilespmem:s1+$0xB78];
	_ =	sdelay $0x3  }
0x3d3: {  	s13 =	simm.s32 $0x1AF78  }
0x3d4: {  	[tilespmem:s13+$0xFFFFFC00] =	vst v2  }
0x3d5: {  	v2 =	vld [tilespmem:s1+$0xB88];
	_ =	sdelay $0x4  }
0x3d6: {  	[tilespmem:s13+$0xFFFFFC10] =	vst v2  }
0x3d7: {  	v2 =	vld [tilespmem:s1+$0xB98];
	_ =	sdelay $0x4  }
0x3d8: {  	[tilespmem:s13+$0xFFFFFC20] =	vst v2  }
0x3d9: {  	v2 =	vld [tilespmem:s1+$0xBA8];
	_ =	sdelay $0x4  }
0x3da: {  	[tilespmem:s13+$0xFFFFFC30] =	vst v2  }
0x3db: {  	v2 =	vld [tilespmem:s1+$0xBB8];
	_ =	sdelay $0x4  }
0x3dc: {  	[tilespmem:s13+$0xFFFFFC40] =	vst v2  }
0x3dd: {  	v2 =	vld [tilespmem:s1+$0xBC8];
	_ =	sdelay $0x1  }
0x3de: {  	(v2sf) =	vpush v1, $0x1;
	_ =	sdelay $0x2  }
0x3df: {  	[tilespmem:s13+$0xFFFFFC50] =	vst v2  }
0x3e0: {  	v2 =	vld [tilespmem:s1+$0xBD8];
	_ =	sdelay $0x4  }
0x3e1: {  	[tilespmem:s13+$0xFFFFFC60] =	vst v2  }
0x3e2: {  	v2 =	vld [tilespmem:s1+$0xBE8];
	_ =	sdelay $0x4  }
0x3e3: {  	s6 =	spop (v2sf);
	[tilespmem:s13+$0xFFFFFC70] =	vst v2  }
0x3e4: {  	v2 =	vld [tilespmem:s6+$0xB78];
	_ =	sdelay $0x4  }
0x3e5: {  	[tilespmem:s13+$0xFFFFFC80] =	vst v2  }
0x3e6: {  	v2 =	vld [tilespmem:s6+$0xB88];
	_ =	sdelay $0x4  }
0x3e7: {  	[tilespmem:s13+$0xFFFFFC90] =	vst v2  }
0x3e8: {  	v2 =	vld [tilespmem:s6+$0xB98];
	_ =	sdelay $0x4  }
0x3e9: {  	[tilespmem:s13+$0xFFFFFCA0] =	vst v2  }
0x3ea: {  	v2 =	vld [tilespmem:s6+$0xBA8];
	_ =	sdelay $0x4  }
0x3eb: {  	[tilespmem:s13+$0xFFFFFCB0] =	vst v2  }
0x3ec: {  	v2 =	vld [tilespmem:s6+$0xBB8];
	_ =	sdelay $0x4  }
0x3ed: {  	[tilespmem:s13+$0xFFFFFCC0] =	vst v2  }
0x3ee: {  	v2 =	vld [tilespmem:s6+$0xBC8];
	_ =	sdelay $0x1  }
0x3ef: {  	(v2sf) =	vpush v1, $0x2;
	_ =	sdelay $0x2  }
0x3f0: {  	[tilespmem:s13+$0xFFFFFCD0] =	vst v2  }
0x3f1: {  	v2 =	vld [tilespmem:s6+$0xBD8];
	_ =	sdelay $0x4  }
0x3f2: {  	[tilespmem:s13+$0xFFFFFCE0] =	vst v2  }
0x3f3: {  	v2 =	vld [tilespmem:s6+$0xBE8];
	_ =	sdelay $0x4  }
0x3f4: {  	s7 =	spop (v2sf);
	[tilespmem:s13+$0xFFFFFCF0] =	vst v2  }
0x3f5: {  	v2 =	vld [tilespmem:s7+$0xB78];
	_ =	sdelay $0x4  }
0x3f6: {  	[tilespmem:s13+$0xFFFFFD00] =	vst v2  }
0x3f7: {  	v2 =	vld [tilespmem:s7+$0xB88];
	_ =	sdelay $0x4  }
0x3f8: {  	[tilespmem:s13+$0xFFFFFD10] =	vst v2  }
0x3f9: {  	v2 =	vld [tilespmem:s7+$0xB98];
	_ =	sdelay $0x4  }
0x3fa: {  	[tilespmem:s13+$0xFFFFFD20] =	vst v2  }
0x3fb: {  	v2 =	vld [tilespmem:s7+$0xBA8];
	_ =	sdelay $0x4  }
0x3fc: {  	[tilespmem:s13+$0xFFFFFD30] =	vst v2  }
0x3fd: {  	v2 =	vld [tilespmem:s7+$0xBB8];
	_ =	sdelay $0x4  }
0x3fe: {  	[tilespmem:s13+$0xFFFFFD40] =	vst v2  }
0x3ff: {  	v2 =	vld [tilespmem:s7+$0xBC8];
	_ =	sdelay $0x1  }
0x400: {  	(v2sf) =	vpush v1, $0x3;
	_ =	sdelay $0x2  }
0x401: {  	[tilespmem:s13+$0xFFFFFD50] =	vst v2  }
0x402: {  	v2 =	vld [tilespmem:s7+$0xBD8];
	_ =	sdelay $0x4  }
0x403: {  	[tilespmem:s13+$0xFFFFFD60] =	vst v2  }
0x404: {  	v2 =	vld [tilespmem:s7+$0xBE8];
	_ =	sdelay $0x4  }
0x405: {  	s9 =	spop (v2sf);
	[tilespmem:s13+$0xFFFFFD70] =	vst v2  }
0x406: {  	v2 =	vld [tilespmem:s9+$0xB78];
	_ =	sdelay $0x4  }
0x407: {  	[tilespmem:s13+$0xFFFFFD80] =	vst v2  }
0x408: {  	v2 =	vld [tilespmem:s9+$0xB88];
	_ =	sdelay $0x4  }
0x409: {  	[tilespmem:s13+$0xFFFFFD90] =	vst v2  }
0x40a: {  	v2 =	vld [tilespmem:s9+$0xB98];
	_ =	sdelay $0x4  }
0x40b: {  	[tilespmem:s13+$0xFFFFFDA0] =	vst v2  }
0x40c: {  	v2 =	vld [tilespmem:s9+$0xBA8];
	_ =	sdelay $0x4  }
0x40d: {  	[tilespmem:s13+$0xFFFFFDB0] =	vst v2  }
0x40e: {  	v2 =	vld [tilespmem:s9+$0xBB8];
	_ =	sdelay $0x4  }
0x40f: {  	[tilespmem:s13+$0xFFFFFDC0] =	vst v2  }
0x410: {  	v2 =	vld [tilespmem:s9+$0xBC8];
	_ =	sdelay $0x1  }
0x411: {  	(v2sf) =	vpush v1, $0x4;
	_ =	sdelay $0x2  }
0x412: {  	[tilespmem:s13+$0xFFFFFDD0] =	vst v2  }
0x413: {  	v2 =	vld [tilespmem:s9+$0xBD8];
	_ =	sdelay $0x4  }
0x414: {  	[tilespmem:s13+$0xFFFFFDE0] =	vst v2  }
0x415: {  	v2 =	vld [tilespmem:s9+$0xBE8];
	_ =	sdelay $0x4  }
0x416: {  	s10 =	spop (v2sf);
	[tilespmem:s13+$0xFFFFFDF0] =	vst v2  }
0x417: {  	v2 =	vld [tilespmem:s10+$0xB78];
	_ =	sdelay $0x4  }
0x418: {  	[tilespmem:s13+$0xFFFFFE00] =	vst v2  }
0x419: {  	v2 =	vld [tilespmem:s10+$0xB88];
	_ =	sdelay $0x4  }
0x41a: {  	[tilespmem:s13+$0xFFFFFE10] =	vst v2  }
0x41b: {  	v2 =	vld [tilespmem:s10+$0xB98];
	_ =	sdelay $0x4  }
0x41c: {  	[tilespmem:s13+$0xFFFFFE20] =	vst v2  }
0x41d: {  	v2 =	vld [tilespmem:s10+$0xBA8];
	_ =	sdelay $0x4  }
0x41e: {  	[tilespmem:s13+$0xFFFFFE30] =	vst v2  }
0x41f: {  	v2 =	vld [tilespmem:s10+$0xBB8];
	_ =	sdelay $0x4  }
0x420: {  	[tilespmem:s13+$0xFFFFFE40] =	vst v2  }
0x421: {  	v2 =	vld [tilespmem:s10+$0xBC8];
	_ =	sdelay $0x1  }
0x422: {  	(v2sf) =	vpush v1, $0x5;
	_ =	sdelay $0x2  }
0x423: {  	[tilespmem:s13+$0xFFFFFE50] =	vst v2  }
0x424: {  	v2 =	vld [tilespmem:s10+$0xBD8];
	_ =	sdelay $0x4  }
0x425: {  	[tilespmem:s13+$0xFFFFFE60] =	vst v2  }
0x426: {  	v2 =	vld [tilespmem:s10+$0xBE8];
	_ =	sdelay $0x4  }
0x427: {  	s21 =	smov.u32 s11;
	s11 =	spop (v2sf);
	[tilespmem:s13+$0xFFFFFE70] =	vst v2  }
0x428: {  	v2 =	vld [tilespmem:s11+$0xB78];
	_ =	sdelay $0x4  }
0x429: {  	[tilespmem:s13+$0xFFFFFE80] =	vst v2  }
0x42a: {  	v2 =	vld [tilespmem:s11+$0xB88];
	_ =	sdelay $0x4  }
0x42b: {  	[tilespmem:s13+$0xFFFFFE90] =	vst v2  }
0x42c: {  	v2 =	vld [tilespmem:s11+$0xB98];
	_ =	sdelay $0x4  }
0x42d: {  	[tilespmem:s13+$0xFFFFFEA0] =	vst v2  }
0x42e: {  	v2 =	vld [tilespmem:s11+$0xBA8];
	_ =	sdelay $0x4  }
0x42f: {  	[tilespmem:s13+$0xFFFFFEB0] =	vst v2  }
0x430: {  	v2 =	vld [tilespmem:s11+$0xBB8];
	_ =	sdelay $0x4  }
0x431: {  	[tilespmem:s13+$0xFFFFFEC0] =	vst v2  }
0x432: {  	v2 =	vld [tilespmem:s11+$0xBC8];
	_ =	sdelay $0x1  }
0x433: {  	(v2sf) =	vpush v1, $0x6;
	_ =	sdelay $0x2  }
0x434: {  	[tilespmem:s13+$0xFFFFFED0] =	vst v2  }
0x435: {  	v2 =	vld [tilespmem:s11+$0xBD8];
	_ =	sdelay $0x4  }
0x436: {  	[tilespmem:s13+$0xFFFFFEE0] =	vst v2  }
0x437: {  	v2 =	vld [tilespmem:s11+$0xBE8];
	_ =	sdelay $0x4  }
0x438: {  	s14 =	spop (v2sf);
	[tilespmem:s13+$0xFFFFFEF0] =	vst v2  }
0x439: {  	v2 =	vld [tilespmem:s14+$0xB78];
	_ =	sdelay $0x4  }
0x43a: {  	[tilespmem:s13+$0xFFFFFF00] =	vst v2  }
0x43b: {  	v2 =	vld [tilespmem:s14+$0xB88];
	_ =	sdelay $0x4  }
0x43c: {  	[tilespmem:s13+$0xFFFFFF10] =	vst v2  }
0x43d: {  	v2 =	vld [tilespmem:s14+$0xB98];
	_ =	sdelay $0x4  }
0x43e: {  	[tilespmem:s13+$0xFFFFFF20] =	vst v2  }
0x43f: {  	v2 =	vld [tilespmem:s14+$0xBA8];
	_ =	sdelay $0x4  }
0x440: {  	[tilespmem:s13+$0xFFFFFF30] =	vst v2  }
0x441: {  	v2 =	vld [tilespmem:s14+$0xBB8];
	_ =	sdelay $0x4  }
0x442: {  	[tilespmem:s13+$0xFFFFFF40] =	vst v2  }
0x443: {  	v2 =	vld [tilespmem:s14+$0xBC8];
	_ =	sdelay $0x1  }
0x444: {  	(v2sf) =	vpush v1, $0x7;
	_ =	sdelay $0x2  }
0x445: {  	[tilespmem:s13+$0xFFFFFF50] =	vst v2  }
0x446: {  	v2 =	vld [tilespmem:s14+$0xBD8];
	_ =	sdelay $0x4  }
0x447: {  	[tilespmem:s13+$0xFFFFFF60] =	vst v2  }
0x448: {  	v2 =	vld [tilespmem:s14+$0xBE8];
	_ =	sdelay $0x4  }
0x449: {  	s15 =	spop (v2sf);
	[tilespmem:s13+$0xFFFFFF70] =	vst v2  }
0x44a: {  	v2 =	vld [tilespmem:s15+$0xB78];
	_ =	sdelay $0x4  }
0x44b: {  	[tilespmem:s13+$0xFFFFFF80] =	vst v2  }
0x44c: {  	v2 =	vld [tilespmem:s15+$0xB88];
	_ =	sdelay $0x4  }
0x44d: {  	[tilespmem:s13+$0xFFFFFF90] =	vst v2  }
0x44e: {  	v2 =	vld [tilespmem:s15+$0xB98];
	_ =	sdelay $0x4  }
0x44f: {  	[tilespmem:s13+$0xFFFFFFA0] =	vst v2  }
0x450: {  	v2 =	vld [tilespmem:s15+$0xBA8];
	_ =	sdelay $0x4  }
0x451: {  	[tilespmem:s13+$0xFFFFFFB0] =	vst v2  }
0x452: {  	v2 =	vld [tilespmem:s15+$0xBB8];
	_ =	sdelay $0x4  }
0x453: {  	[tilespmem:s13+$0xFFFFFFC0] =	vst v2  }
0x454: {  	v2 =	vld [tilespmem:s15+$0xBC8];
	_ =	sdelay $0x1  }
0x455: {  	(v2sf) =	vpush v1, $0x8;
	_ =	sdelay $0x2  }
0x456: {  	[tilespmem:s13+$0xFFFFFFD0] =	vst v2  }
0x457: {  	v2 =	vld [tilespmem:s15+$0xBD8];
	_ =	sdelay $0x4  }
0x458: {  	[tilespmem:s13+$0xFFFFFFE0] =	vst v2  }
0x459: {  	v2 =	vld [tilespmem:s15+$0xBE8];
	_ =	sdelay $0x4  }
0x45a: {  	s16 =	spop (v2sf);
	[tilespmem:s13+$0xFFFFFFF0] =	vst v2  }
0x45b: {  	v2 =	vld [tilespmem:s16+$0xB78];
	_ =	sdelay $0x4  }
0x45c: {  	[tilespmem:s13+$0x0] =	vst v2  }
0x45d: {  	v2 =	vld [tilespmem:s16+$0xB88];
	_ =	sdelay $0x4  }
0x45e: {  	[tilespmem:s13+$0x10] =	vst v2  }
0x45f: {  	v2 =	vld [tilespmem:s16+$0xB98];
	_ =	sdelay $0x4  }
0x460: {  	[tilespmem:s13+$0x20] =	vst v2  }
0x461: {  	v2 =	vld [tilespmem:s16+$0xBA8];
	_ =	sdelay $0x4  }
0x462: {  	[tilespmem:s13+$0x30] =	vst v2  }
0x463: {  	v2 =	vld [tilespmem:s16+$0xBB8];
	_ =	sdelay $0x4  }
0x464: {  	[tilespmem:s13+$0x40] =	vst v2  }
0x465: {  	v2 =	vld [tilespmem:s16+$0xBC8];
	_ =	sdelay $0x1  }
0x466: {  	(v2sf) =	vpush v1, $0x9;
	_ =	sdelay $0x2  }
0x467: {  	[tilespmem:s13+$0x50] =	vst v2  }
0x468: {  	v2 =	vld [tilespmem:s16+$0xBD8];
	_ =	sdelay $0x4  }
0x469: {  	[tilespmem:s13+$0x60] =	vst v2  }
0x46a: {  	v2 =	vld [tilespmem:s16+$0xBE8];
	_ =	sdelay $0x4  }
0x46b: {  	s17 =	spop (v2sf);
	[tilespmem:s13+$0x70] =	vst v2  }
0x46c: {  	v2 =	vld [tilespmem:s17+$0xB78];
	_ =	sdelay $0x4  }
0x46d: {  	[tilespmem:s13+$0x80] =	vst v2  }
0x46e: {  	v2 =	vld [tilespmem:s17+$0xB88];
	_ =	sdelay $0x4  }
0x46f: {  	[tilespmem:s13+$0x90] =	vst v2  }
0x470: {  	v2 =	vld [tilespmem:s17+$0xB98];
	_ =	sdelay $0x4  }
0x471: {  	[tilespmem:s13+$0xA0] =	vst v2  }
0x472: {  	v2 =	vld [tilespmem:s17+$0xBA8];
	_ =	sdelay $0x4  }
0x473: {  	[tilespmem:s13+$0xB0] =	vst v2  }
0x474: {  	v2 =	vld [tilespmem:s17+$0xBB8];
	_ =	sdelay $0x4  }
0x475: {  	[tilespmem:s13+$0xC0] =	vst v2  }
0x476: {  	v2 =	vld [tilespmem:s17+$0xBC8];
	_ =	sdelay $0x1  }
0x477: {  	(v2sf) =	vpush v1, $0xA;
	_ =	sdelay $0x2  }
0x478: {  	[tilespmem:s13+$0xD0] =	vst v2  }
0x479: {  	v2 =	vld [tilespmem:s17+$0xBD8];
	_ =	sdelay $0x4  }
0x47a: {  	[tilespmem:s13+$0xE0] =	vst v2  }
0x47b: {  	v2 =	vld [tilespmem:s17+$0xBE8];
	_ =	sdelay $0x4  }
0x47c: {  	s24 =	spop (v2sf);
	[tilespmem:s13+$0xF0] =	vst v2  }
0x47d: {  	v2 =	vld [tilespmem:s24+$0xB78];
	_ =	sdelay $0x4  }
0x47e: {  	[tilespmem:s13+$0x100] =	vst v2  }
0x47f: {  	v2 =	vld [tilespmem:s24+$0xB88];
	_ =	sdelay $0x4  }
0x480: {  	[tilespmem:s13+$0x110] =	vst v2  }
0x481: {  	v2 =	vld [tilespmem:s24+$0xB98];
	_ =	sdelay $0x4  }
0x482: {  	[tilespmem:s13+$0x120] =	vst v2  }
0x483: {  	v2 =	vld [tilespmem:s24+$0xBA8];
	_ =	sdelay $0x4  }
0x484: {  	[tilespmem:s13+$0x130] =	vst v2  }
0x485: {  	v2 =	vld [tilespmem:s24+$0xBB8];
	_ =	sdelay $0x4  }
0x486: {  	[tilespmem:s13+$0x140] =	vst v2  }
0x487: {  	v2 =	vld [tilespmem:s24+$0xBC8];
	_ =	sdelay $0x1  }
0x488: {  	(v2sf) =	vpush v1, $0xB;
	_ =	sdelay $0x2  }
0x489: {  	[tilespmem:s13+$0x150] =	vst v2  }
0x48a: {  	v2 =	vld [tilespmem:s24+$0xBD8];
	_ =	sdelay $0x4  }
0x48b: {  	[tilespmem:s13+$0x160] =	vst v2  }
0x48c: {  	v2 =	vld [tilespmem:s24+$0xBE8];
	_ =	sdelay $0x4  }
0x48d: {  	s26 =	spop (v2sf);
	[tilespmem:s13+$0x170] =	vst v2  }
0x48e: {  	v2 =	vld [tilespmem:s26+$0xB78];
	_ =	sdelay $0x4  }
0x48f: {  	[tilespmem:s13+$0x180] =	vst v2  }
0x490: {  	v2 =	vld [tilespmem:s26+$0xB88];
	_ =	sdelay $0x4  }
0x491: {  	[tilespmem:s13+$0x190] =	vst v2  }
0x492: {  	v2 =	vld [tilespmem:s26+$0xB98];
	_ =	sdelay $0x4  }
0x493: {  	[tilespmem:s13+$0x1A0] =	vst v2  }
0x494: {  	v2 =	vld [tilespmem:s26+$0xBA8];
	_ =	sdelay $0x4  }
0x495: {  	[tilespmem:s13+$0x1B0] =	vst v2  }
0x496: {  	v2 =	vld [tilespmem:s26+$0xBB8];
	_ =	sdelay $0x4  }
0x497: {  	[tilespmem:s13+$0x1C0] =	vst v2  }
0x498: {  	v2 =	vld [tilespmem:s26+$0xBC8];
	_ =	sdelay $0x1  }
0x499: {  	(v2sf) =	vpush v1, $0xC;
	_ =	sdelay $0x2  }
0x49a: {  	[tilespmem:s13+$0x1D0] =	vst v2  }
0x49b: {  	v2 =	vld [tilespmem:s26+$0xBD8];
	_ =	sdelay $0x4  }
0x49c: {  	[tilespmem:s13+$0x1E0] =	vst v2  }
0x49d: {  	v2 =	vld [tilespmem:s26+$0xBE8];
	_ =	sdelay $0x4  }
0x49e: {  	s28 =	spop (v2sf);
	[tilespmem:s13+$0x1F0] =	vst v2  }
0x49f: {  	v2 =	vld [tilespmem:s28+$0xB78];
	_ =	sdelay $0x4  }
0x4a0: {  	[tilespmem:s13+$0x200] =	vst v2  }
0x4a1: {  	v2 =	vld [tilespmem:s28+$0xB88];
	_ =	sdelay $0x4  }
0x4a2: {  	[tilespmem:s13+$0x210] =	vst v2  }
0x4a3: {  	v2 =	vld [tilespmem:s28+$0xB98];
	_ =	sdelay $0x4  }
0x4a4: {  	[tilespmem:s13+$0x220] =	vst v2  }
0x4a5: {  	v2 =	vld [tilespmem:s28+$0xBA8];
	_ =	sdelay $0x4  }
0x4a6: {  	[tilespmem:s13+$0x230] =	vst v2  }
0x4a7: {  	v2 =	vld [tilespmem:s28+$0xBB8];
	_ =	sdelay $0x4  }
0x4a8: {  	[tilespmem:s13+$0x240] =	vst v2  }
0x4a9: {  	v2 =	vld [tilespmem:s28+$0xBC8];
	_ =	sdelay $0x1  }
0x4aa: {  	(v2sf) =	vpush v1, $0xD;
	_ =	sdelay $0x2  }
0x4ab: {  	[tilespmem:s13+$0x250] =	vst v2  }
0x4ac: {  	v2 =	vld [tilespmem:s28+$0xBD8];
	_ =	sdelay $0x4  }
0x4ad: {  	[tilespmem:s13+$0x260] =	vst v2  }
0x4ae: {  	v2 =	vld [tilespmem:s28+$0xBE8];
	_ =	sdelay $0x4  }
0x4af: {  	s29 =	spop (v2sf);
	[tilespmem:s13+$0x270] =	vst v2  }
0x4b0: {  	v2 =	vld [tilespmem:s29+$0xB78];
	_ =	sdelay $0x4  }
0x4b1: {  	[tilespmem:s13+$0x280] =	vst v2  }
0x4b2: {  	v2 =	vld [tilespmem:s29+$0xB88];
	_ =	sdelay $0x4  }
0x4b3: {  	[tilespmem:s13+$0x290] =	vst v2  }
0x4b4: {  	v2 =	vld [tilespmem:s29+$0xB98];
	_ =	sdelay $0x4  }
0x4b5: {  	[tilespmem:s13+$0x2A0] =	vst v2  }
0x4b6: {  	v2 =	vld [tilespmem:s29+$0xBA8];
	_ =	sdelay $0x4  }
0x4b7: {  	[tilespmem:s13+$0x2B0] =	vst v2  }
0x4b8: {  	v2 =	vld [tilespmem:s29+$0xBB8];
	_ =	sdelay $0x4  }
0x4b9: {  	[tilespmem:s13+$0x2C0] =	vst v2  }
0x4ba: {  	v2 =	vld [tilespmem:s29+$0xBC8];
	_ =	sdelay $0x1  }
0x4bb: {  	(v2sf) =	vpush v1, $0xE;
	_ =	sdelay $0x2  }
0x4bc: {  	[tilespmem:s13+$0x2D0] =	vst v2  }
0x4bd: {  	v2 =	vld [tilespmem:s29+$0xBD8];
	_ =	sdelay $0x4  }
0x4be: {  	[tilespmem:s13+$0x2E0] =	vst v2  }
0x4bf: {  	v2 =	vld [tilespmem:s29+$0xBE8];
	_ =	sdelay $0x4  }
0x4c0: {  	s30 =	spop (v2sf);
	[tilespmem:s13+$0x2F0] =	vst v2  }
0x4c1: {  	v2 =	vld [tilespmem:s30+$0xB78];
	_ =	sdelay $0x4  }
0x4c2: {  	[tilespmem:s13+$0x300] =	vst v2  }
0x4c3: {  	v2 =	vld [tilespmem:s30+$0xB88];
	_ =	sdelay $0x4  }
0x4c4: {  	[tilespmem:s13+$0x310] =	vst v2  }
0x4c5: {  	v2 =	vld [tilespmem:s30+$0xB98];
	_ =	sdelay $0x4  }
0x4c6: {  	[tilespmem:s13+$0x320] =	vst v2  }
0x4c7: {  	v2 =	vld [tilespmem:s30+$0xBA8];
	_ =	sdelay $0x4  }
0x4c8: {  	[tilespmem:s13+$0x330] =	vst v2  }
0x4c9: {  	v2 =	vld [tilespmem:s30+$0xBB8];
	_ =	sdelay $0x4  }
0x4ca: {  	[tilespmem:s13+$0x340] =	vst v2  }
0x4cb: {  	v2 =	vld [tilespmem:s30+$0xBC8];
	_ =	sdelay $0x1  }
0x4cc: {  	(v2sf) =	vpush v1, $0xF;
	_ =	sdelay $0x2  }
0x4cd: {  	[tilespmem:s13+$0x350] =	vst v2  }
0x4ce: {  	v1 =	vld [tilespmem:s30+$0xBD8];
	_ =	sdelay $0x4  }
0x4cf: {  	[tilespmem:s13+$0x360] =	vst v1  }
0x4d0: {  	v1 =	vld [tilespmem:s30+$0xBE8];
	_ =	sdelay $0x4  }
0x4d1: {  	s31 =	spop (v2sf);
	[tilespmem:s13+$0x370] =	vst v1  }
0x4d2: {  	v1 =	vld [tilespmem:s31+$0xB78];
	_ =	sdelay $0x4  }
0x4d3: {  	[tilespmem:s13+$0x380] =	vst v1  }
0x4d4: {  	v1 =	vld [tilespmem:s31+$0xB88];
	_ =	sdelay $0x4  }
0x4d5: {  	[tilespmem:s13+$0x390] =	vst v1  }
0x4d6: {  	v1 =	vld [tilespmem:s31+$0xB98];
	_ =	sdelay $0x4  }
0x4d7: {  	[tilespmem:s13+$0x3A0] =	vst v1  }
0x4d8: {  	v1 =	vld [tilespmem:s31+$0xBA8];
	_ =	sdelay $0x4  }
0x4d9: {  	[tilespmem:s13+$0x3B0] =	vst v1  }
0x4da: {  	v1 =	vld [tilespmem:s31+$0xBB8];
	_ =	sdelay $0x4  }
0x4db: {  	[tilespmem:s13+$0x3C0] =	vst v1  }
0x4dc: {  	v1 =	vld [tilespmem:s31+$0xBC8];
	_ =	sdelay $0x4  }
0x4dd: {  	[tilespmem:s13+$0x3D0] =	vst v1  }
0x4de: {  	v1 =	vld [tilespmem:s31+$0xBD8];
	_ =	sdelay $0x4  }
0x4df: {  	[tilespmem:s13+$0x3E0] =	vst v1  }
0x4e0: {  	v1 =	vld [tilespmem:s31+$0xBE8];
	_ =	sdelay $0x4  }
0x4e1: {  	s0 =	simm.s32 $0x10;
	s14 =	simm.s32 $0x80;
	[tilespmem:s13+$0x3F0] =	vst v1  }
.LBB2_8:
0x4e2: {  	p1 =	sne.s32 s14, $0x1C0;
	v1 =	vld.idx.msk [tilespmem:v0+s0+$0x0 ss:$0x1], $0xffff;
	_ =	sdelay $0x5  }
0x4e3: {  	v1 =	vshll.u32 v1, $0x9  }
0x4e4: {  	v1 =	vshra.s32 v1, $0x2  }
0x4e5: {  	(v2sf) =	vpush v1, $0x0  }
0x4e6: {  	(v2sf) =	vpush v1, $0x1  }
0x4e7: {  	(v2sf) =	vpush v1, $0x2  }
0x4e8: {  	(v2sf) =	vpush v1, $0x3  }
0x4e9: {  	(v2sf) =	vpush v1, $0x4  }
0x4ea: {  	(v2sf) =	vpush v1, $0x5  }
0x4eb: {  	(v2sf) =	vpush v1, $0x6  }
0x4ec: {  	(v2sf) =	vpush v1, $0x7  }
0x4ed: {  	(v2sf) =	vpush v1, $0x8  }
0x4ee: {  	(v2sf) =	vpush v1, $0x9  }
0x4ef: {  	(v2sf) =	vpush v1, $0xA  }
0x4f0: {  	(v2sf) =	vpush v1, $0xB  }
0x4f1: {  	(v2sf) =	vpush v1, $0xC  }
0x4f2: {  	(v2sf) =	vpush v1, $0xD  }
0x4f3: {  	(v2sf) =	vpush v1, $0xE  }
0x4f4: {  	s11 =	spop (v2sf);
	(v2sf) =	vpush v1, $0xF  }
0x4f5: {  	v1 =	vld [tilespmem:s11+$0xB78];
	s10 =	spop (v2sf)  }
0x4f6: {  	s9 =	spop (v2sf)  }
0x4f7: {  	s6 =	spop (v2sf)  }
0x4f8: {  	s17 =	spop (v2sf)  }
0x4f9: {  	s13 =	sadd.s32 $0x800, s13;
	s1 =	spop (v2sf)  }
0x4fa: {  	[tilespmem:s13+$0xFFFFFC00] =	vst v1;
	s31 =	spop (v2sf)  }
0x4fb: {  	v1 =	vld [tilespmem:s11+$0xB88];
	s30 =	spop (v2sf)  }
0x4fc: {  	s24 =	spop (v2sf)  }
0x4fd: {  	s26 =	spop (v2sf)  }
0x4fe: {  	s0 =	spop (v2sf)  }
0x4ff: {  	s15 =	spop (v2sf)  }
0x500: {  	[tilespmem:s13+$0xFFFFFC10] =	vst v1;
	s16 =	spop (v2sf)  }
0x501: {  	v1 =	vld [tilespmem:s11+$0xB98];
	s28 =	spop (v2sf)  }
0x502: {  	s7 =	spop (v2sf)  }
0x503: {  	s29 =	spop (v2sf);
	_ =	sdelay $0x2  }
0x504: {  	[tilespmem:s13+$0xFFFFFC20] =	vst v1  }
0x505: {  	v1 =	vld [tilespmem:s11+$0xBA8];
	_ =	sdelay $0x4  }
0x506: {  	[tilespmem:s13+$0xFFFFFC30] =	vst v1  }
0x507: {  	v1 =	vld [tilespmem:s11+$0xBB8];
	_ =	sdelay $0x4  }
0x508: {  	[tilespmem:s13+$0xFFFFFC40] =	vst v1  }
0x509: {  	v1 =	vld [tilespmem:s11+$0xBC8];
	_ =	sdelay $0x4  }
0x50a: {  	[tilespmem:s13+$0xFFFFFC50] =	vst v1  }
0x50b: {  	v1 =	vld [tilespmem:s11+$0xBD8];
	_ =	sdelay $0x4  }
0x50c: {  	[tilespmem:s13+$0xFFFFFC60] =	vst v1  }
0x50d: {  	v1 =	vld [tilespmem:s11+$0xBE8];
	_ =	sdelay $0x4  }
0x50e: {  	[tilespmem:s13+$0xFFFFFC70] =	vst v1  }
0x50f: {  	v1 =	vld [tilespmem:s10+$0xB78];
	_ =	sdelay $0x4  }
0x510: {  	[tilespmem:s13+$0xFFFFFC80] =	vst v1  }
0x511: {  	v1 =	vld [tilespmem:s10+$0xB88];
	_ =	sdelay $0x4  }
0x512: {  	[tilespmem:s13+$0xFFFFFC90] =	vst v1  }
0x513: {  	v1 =	vld [tilespmem:s10+$0xB98];
	_ =	sdelay $0x4  }
0x514: {  	[tilespmem:s13+$0xFFFFFCA0] =	vst v1  }
0x515: {  	v1 =	vld [tilespmem:s10+$0xBA8];
	_ =	sdelay $0x4  }
0x516: {  	[tilespmem:s13+$0xFFFFFCB0] =	vst v1  }
0x517: {  	v1 =	vld [tilespmem:s10+$0xBB8];
	_ =	sdelay $0x4  }
0x518: {  	[tilespmem:s13+$0xFFFFFCC0] =	vst v1  }
0x519: {  	v1 =	vld [tilespmem:s10+$0xBC8];
	_ =	sdelay $0x4  }
0x51a: {  	[tilespmem:s13+$0xFFFFFCD0] =	vst v1  }
0x51b: {  	v1 =	vld [tilespmem:s10+$0xBD8];
	_ =	sdelay $0x4  }
0x51c: {  	[tilespmem:s13+$0xFFFFFCE0] =	vst v1  }
0x51d: {  	v1 =	vld [tilespmem:s10+$0xBE8];
	_ =	sdelay $0x4  }
0x51e: {  	[tilespmem:s13+$0xFFFFFCF0] =	vst v1  }
0x51f: {  	v1 =	vld [tilespmem:s9+$0xB78];
	_ =	sdelay $0x4  }
0x520: {  	[tilespmem:s13+$0xFFFFFD00] =	vst v1  }
0x521: {  	v1 =	vld [tilespmem:s9+$0xB88];
	_ =	sdelay $0x4  }
0x522: {  	[tilespmem:s13+$0xFFFFFD10] =	vst v1  }
0x523: {  	v1 =	vld [tilespmem:s9+$0xB98];
	_ =	sdelay $0x4  }
0x524: {  	[tilespmem:s13+$0xFFFFFD20] =	vst v1  }
0x525: {  	v1 =	vld [tilespmem:s9+$0xBA8];
	_ =	sdelay $0x4  }
0x526: {  	[tilespmem:s13+$0xFFFFFD30] =	vst v1  }
0x527: {  	v1 =	vld [tilespmem:s9+$0xBB8];
	_ =	sdelay $0x4  }
0x528: {  	[tilespmem:s13+$0xFFFFFD40] =	vst v1  }
0x529: {  	v1 =	vld [tilespmem:s9+$0xBC8];
	_ =	sdelay $0x4  }
0x52a: {  	[tilespmem:s13+$0xFFFFFD50] =	vst v1  }
0x52b: {  	v1 =	vld [tilespmem:s9+$0xBD8];
	_ =	sdelay $0x4  }
0x52c: {  	[tilespmem:s13+$0xFFFFFD60] =	vst v1  }
0x52d: {  	v1 =	vld [tilespmem:s9+$0xBE8];
	_ =	sdelay $0x4  }
0x52e: {  	[tilespmem:s13+$0xFFFFFD70] =	vst v1  }
0x52f: {  	v1 =	vld [tilespmem:s6+$0xB78];
	_ =	sdelay $0x4  }
0x530: {  	[tilespmem:s13+$0xFFFFFD80] =	vst v1  }
0x531: {  	v1 =	vld [tilespmem:s6+$0xB88];
	_ =	sdelay $0x4  }
0x532: {  	[tilespmem:s13+$0xFFFFFD90] =	vst v1  }
0x533: {  	v1 =	vld [tilespmem:s6+$0xB98];
	_ =	sdelay $0x4  }
0x534: {  	[tilespmem:s13+$0xFFFFFDA0] =	vst v1  }
0x535: {  	v1 =	vld [tilespmem:s6+$0xBA8];
	_ =	sdelay $0x4  }
0x536: {  	[tilespmem:s13+$0xFFFFFDB0] =	vst v1  }
0x537: {  	v1 =	vld [tilespmem:s6+$0xBB8];
	_ =	sdelay $0x4  }
0x538: {  	[tilespmem:s13+$0xFFFFFDC0] =	vst v1  }
0x539: {  	v1 =	vld [tilespmem:s6+$0xBC8];
	_ =	sdelay $0x4  }
0x53a: {  	[tilespmem:s13+$0xFFFFFDD0] =	vst v1  }
0x53b: {  	v1 =	vld [tilespmem:s6+$0xBD8];
	_ =	sdelay $0x4  }
0x53c: {  	[tilespmem:s13+$0xFFFFFDE0] =	vst v1  }
0x53d: {  	v1 =	vld [tilespmem:s6+$0xBE8];
	_ =	sdelay $0x4  }
0x53e: {  	[tilespmem:s13+$0xFFFFFDF0] =	vst v1  }
0x53f: {  	v1 =	vld [tilespmem:s17+$0xB78];
	_ =	sdelay $0x4  }
0x540: {  	[tilespmem:s13+$0xFFFFFE00] =	vst v1  }
0x541: {  	v1 =	vld [tilespmem:s17+$0xB88];
	_ =	sdelay $0x4  }
0x542: {  	[tilespmem:s13+$0xFFFFFE10] =	vst v1  }
0x543: {  	v1 =	vld [tilespmem:s17+$0xB98];
	_ =	sdelay $0x4  }
0x544: {  	[tilespmem:s13+$0xFFFFFE20] =	vst v1  }
0x545: {  	v1 =	vld [tilespmem:s17+$0xBA8];
	_ =	sdelay $0x4  }
0x546: {  	[tilespmem:s13+$0xFFFFFE30] =	vst v1  }
0x547: {  	v1 =	vld [tilespmem:s17+$0xBB8];
	_ =	sdelay $0x4  }
0x548: {  	[tilespmem:s13+$0xFFFFFE40] =	vst v1  }
0x549: {  	v1 =	vld [tilespmem:s17+$0xBC8];
	_ =	sdelay $0x4  }
0x54a: {  	[tilespmem:s13+$0xFFFFFE50] =	vst v1  }
0x54b: {  	v1 =	vld [tilespmem:s17+$0xBD8];
	_ =	sdelay $0x4  }
0x54c: {  	[tilespmem:s13+$0xFFFFFE60] =	vst v1  }
0x54d: {  	v1 =	vld [tilespmem:s17+$0xBE8];
	_ =	sdelay $0x4  }
0x54e: {  	[tilespmem:s13+$0xFFFFFE70] =	vst v1  }
0x54f: {  	v1 =	vld [tilespmem:s1+$0xB78];
	_ =	sdelay $0x4  }
0x550: {  	[tilespmem:s13+$0xFFFFFE80] =	vst v1  }
0x551: {  	v1 =	vld [tilespmem:s1+$0xB88];
	_ =	sdelay $0x4  }
0x552: {  	[tilespmem:s13+$0xFFFFFE90] =	vst v1  }
0x553: {  	v1 =	vld [tilespmem:s1+$0xB98];
	_ =	sdelay $0x4  }
0x554: {  	[tilespmem:s13+$0xFFFFFEA0] =	vst v1  }
0x555: {  	v1 =	vld [tilespmem:s1+$0xBA8];
	_ =	sdelay $0x4  }
0x556: {  	[tilespmem:s13+$0xFFFFFEB0] =	vst v1  }
0x557: {  	v1 =	vld [tilespmem:s1+$0xBB8];
	_ =	sdelay $0x4  }
0x558: {  	[tilespmem:s13+$0xFFFFFEC0] =	vst v1  }
0x559: {  	v1 =	vld [tilespmem:s1+$0xBC8];
	_ =	sdelay $0x4  }
0x55a: {  	[tilespmem:s13+$0xFFFFFED0] =	vst v1  }
0x55b: {  	v1 =	vld [tilespmem:s1+$0xBD8];
	_ =	sdelay $0x4  }
0x55c: {  	[tilespmem:s13+$0xFFFFFEE0] =	vst v1  }
0x55d: {  	v1 =	vld [tilespmem:s1+$0xBE8];
	_ =	sdelay $0x4  }
0x55e: {  	[tilespmem:s13+$0xFFFFFEF0] =	vst v1  }
0x55f: {  	v1 =	vld [tilespmem:s31+$0xB78];
	_ =	sdelay $0x4  }
0x560: {  	[tilespmem:s13+$0xFFFFFF00] =	vst v1  }
0x561: {  	v1 =	vld [tilespmem:s31+$0xB88];
	_ =	sdelay $0x4  }
0x562: {  	[tilespmem:s13+$0xFFFFFF10] =	vst v1  }
0x563: {  	v1 =	vld [tilespmem:s31+$0xB98];
	_ =	sdelay $0x4  }
0x564: {  	[tilespmem:s13+$0xFFFFFF20] =	vst v1  }
0x565: {  	v1 =	vld [tilespmem:s31+$0xBA8];
	_ =	sdelay $0x4  }
0x566: {  	[tilespmem:s13+$0xFFFFFF30] =	vst v1  }
0x567: {  	v1 =	vld [tilespmem:s31+$0xBB8];
	_ =	sdelay $0x4  }
0x568: {  	[tilespmem:s13+$0xFFFFFF40] =	vst v1  }
0x569: {  	v1 =	vld [tilespmem:s31+$0xBC8];
	_ =	sdelay $0x4  }
0x56a: {  	[tilespmem:s13+$0xFFFFFF50] =	vst v1  }
0x56b: {  	v1 =	vld [tilespmem:s31+$0xBD8];
	_ =	sdelay $0x4  }
0x56c: {  	[tilespmem:s13+$0xFFFFFF60] =	vst v1  }
0x56d: {  	v1 =	vld [tilespmem:s31+$0xBE8];
	_ =	sdelay $0x4  }
0x56e: {  	[tilespmem:s13+$0xFFFFFF70] =	vst v1  }
0x56f: {  	v1 =	vld [tilespmem:s30+$0xB78];
	_ =	sdelay $0x4  }
0x570: {  	[tilespmem:s13+$0xFFFFFF80] =	vst v1  }
0x571: {  	v1 =	vld [tilespmem:s30+$0xB88];
	_ =	sdelay $0x4  }
0x572: {  	[tilespmem:s13+$0xFFFFFF90] =	vst v1  }
0x573: {  	v1 =	vld [tilespmem:s30+$0xB98];
	_ =	sdelay $0x4  }
0x574: {  	[tilespmem:s13+$0xFFFFFFA0] =	vst v1  }
0x575: {  	v1 =	vld [tilespmem:s30+$0xBA8];
	_ =	sdelay $0x4  }
0x576: {  	[tilespmem:s13+$0xFFFFFFB0] =	vst v1  }
0x577: {  	v1 =	vld [tilespmem:s30+$0xBB8];
	_ =	sdelay $0x4  }
0x578: {  	[tilespmem:s13+$0xFFFFFFC0] =	vst v1  }
0x579: {  	v1 =	vld [tilespmem:s30+$0xBC8];
	_ =	sdelay $0x4  }
0x57a: {  	[tilespmem:s13+$0xFFFFFFD0] =	vst v1  }
0x57b: {  	v1 =	vld [tilespmem:s30+$0xBD8];
	_ =	sdelay $0x4  }
0x57c: {  	[tilespmem:s13+$0xFFFFFFE0] =	vst v1  }
0x57d: {  	v1 =	vld [tilespmem:s30+$0xBE8];
	_ =	sdelay $0x4  }
0x57e: {  	[tilespmem:s13+$0xFFFFFFF0] =	vst v1  }
0x57f: {  	v1 =	vld [tilespmem:s24+$0xB78];
	_ =	sdelay $0x4  }
0x580: {  	[tilespmem:s13+$0x0] =	vst v1  }
0x581: {  	v1 =	vld [tilespmem:s24+$0xB88];
	_ =	sdelay $0x4  }
0x582: {  	[tilespmem:s13+$0x10] =	vst v1  }
0x583: {  	v1 =	vld [tilespmem:s24+$0xB98];
	_ =	sdelay $0x4  }
0x584: {  	[tilespmem:s13+$0x20] =	vst v1  }
0x585: {  	v1 =	vld [tilespmem:s24+$0xBA8];
	_ =	sdelay $0x4  }
0x586: {  	[tilespmem:s13+$0x30] =	vst v1  }
0x587: {  	v1 =	vld [tilespmem:s24+$0xBB8];
	_ =	sdelay $0x4  }
0x588: {  	[tilespmem:s13+$0x40] =	vst v1  }
0x589: {  	v1 =	vld [tilespmem:s24+$0xBC8];
	_ =	sdelay $0x4  }
0x58a: {  	[tilespmem:s13+$0x50] =	vst v1  }
0x58b: {  	v1 =	vld [tilespmem:s24+$0xBD8];
	_ =	sdelay $0x4  }
0x58c: {  	[tilespmem:s13+$0x60] =	vst v1  }
0x58d: {  	v1 =	vld [tilespmem:s24+$0xBE8];
	_ =	sdelay $0x4  }
0x58e: {  	[tilespmem:s13+$0x70] =	vst v1  }
0x58f: {  	v1 =	vld [tilespmem:s26+$0xB78];
	_ =	sdelay $0x4  }
0x590: {  	[tilespmem:s13+$0x80] =	vst v1  }
0x591: {  	v1 =	vld [tilespmem:s26+$0xB88];
	_ =	sdelay $0x4  }
0x592: {  	[tilespmem:s13+$0x90] =	vst v1  }
0x593: {  	v1 =	vld [tilespmem:s26+$0xB98];
	_ =	sdelay $0x4  }
0x594: {  	[tilespmem:s13+$0xA0] =	vst v1  }
0x595: {  	v1 =	vld [tilespmem:s26+$0xBA8];
	_ =	sdelay $0x4  }
0x596: {  	[tilespmem:s13+$0xB0] =	vst v1  }
0x597: {  	v1 =	vld [tilespmem:s26+$0xBB8];
	_ =	sdelay $0x4  }
0x598: {  	[tilespmem:s13+$0xC0] =	vst v1  }
0x599: {  	v1 =	vld [tilespmem:s26+$0xBC8];
	_ =	sdelay $0x4  }
0x59a: {  	[tilespmem:s13+$0xD0] =	vst v1  }
0x59b: {  	v1 =	vld [tilespmem:s26+$0xBD8];
	_ =	sdelay $0x4  }
0x59c: {  	[tilespmem:s13+$0xE0] =	vst v1  }
0x59d: {  	v1 =	vld [tilespmem:s26+$0xBE8];
	_ =	sdelay $0x4  }
0x59e: {  	[tilespmem:s13+$0xF0] =	vst v1  }
0x59f: {  	v1 =	vld [tilespmem:s0+$0xB78];
	_ =	sdelay $0x4  }
0x5a0: {  	[tilespmem:s13+$0x100] =	vst v1  }
0x5a1: {  	v1 =	vld [tilespmem:s0+$0xB88];
	_ =	sdelay $0x4  }
0x5a2: {  	[tilespmem:s13+$0x110] =	vst v1  }
0x5a3: {  	v1 =	vld [tilespmem:s0+$0xB98];
	_ =	sdelay $0x4  }
0x5a4: {  	[tilespmem:s13+$0x120] =	vst v1  }
0x5a5: {  	v1 =	vld [tilespmem:s0+$0xBA8];
	_ =	sdelay $0x4  }
0x5a6: {  	[tilespmem:s13+$0x130] =	vst v1  }
0x5a7: {  	v1 =	vld [tilespmem:s0+$0xBB8];
	_ =	sdelay $0x4  }
0x5a8: {  	[tilespmem:s13+$0x140] =	vst v1  }
0x5a9: {  	v1 =	vld [tilespmem:s0+$0xBC8];
	_ =	sdelay $0x4  }
0x5aa: {  	[tilespmem:s13+$0x150] =	vst v1  }
0x5ab: {  	v1 =	vld [tilespmem:s0+$0xBD8];
	_ =	sdelay $0x4  }
0x5ac: {  	[tilespmem:s13+$0x160] =	vst v1  }
0x5ad: {  	v1 =	vld [tilespmem:s0+$0xBE8];
	_ =	sdelay $0x4  }
0x5ae: {  	[tilespmem:s13+$0x170] =	vst v1  }
0x5af: {  	v1 =	vld [tilespmem:s15+$0xB78];
	_ =	sdelay $0x4  }
0x5b0: {  	[tilespmem:s13+$0x180] =	vst v1  }
0x5b1: {  	v1 =	vld [tilespmem:s15+$0xB88];
	_ =	sdelay $0x4  }
0x5b2: {  	[tilespmem:s13+$0x190] =	vst v1  }
0x5b3: {  	v1 =	vld [tilespmem:s15+$0xB98];
	_ =	sdelay $0x4  }
0x5b4: {  	[tilespmem:s13+$0x1A0] =	vst v1  }
0x5b5: {  	v1 =	vld [tilespmem:s15+$0xBA8];
	_ =	sdelay $0x4  }
0x5b6: {  	[tilespmem:s13+$0x1B0] =	vst v1  }
0x5b7: {  	v1 =	vld [tilespmem:s15+$0xBB8];
	_ =	sdelay $0x4  }
0x5b8: {  	[tilespmem:s13+$0x1C0] =	vst v1  }
0x5b9: {  	v1 =	vld [tilespmem:s15+$0xBC8];
	_ =	sdelay $0x4  }
0x5ba: {  	[tilespmem:s13+$0x1D0] =	vst v1  }
0x5bb: {  	v1 =	vld [tilespmem:s15+$0xBD8];
	_ =	sdelay $0x4  }
0x5bc: {  	[tilespmem:s13+$0x1E0] =	vst v1  }
0x5bd: {  	v1 =	vld [tilespmem:s15+$0xBE8];
	_ =	sdelay $0x4  }
0x5be: {  	[tilespmem:s13+$0x1F0] =	vst v1  }
0x5bf: {  	v1 =	vld [tilespmem:s16+$0xB78];
	_ =	sdelay $0x4  }
0x5c0: {  	[tilespmem:s13+$0x200] =	vst v1  }
0x5c1: {  	v1 =	vld [tilespmem:s16+$0xB88];
	_ =	sdelay $0x4  }
0x5c2: {  	[tilespmem:s13+$0x210] =	vst v1  }
0x5c3: {  	v1 =	vld [tilespmem:s16+$0xB98];
	_ =	sdelay $0x4  }
0x5c4: {  	[tilespmem:s13+$0x220] =	vst v1  }
0x5c5: {  	v1 =	vld [tilespmem:s16+$0xBA8];
	_ =	sdelay $0x4  }
0x5c6: {  	[tilespmem:s13+$0x230] =	vst v1  }
0x5c7: {  	v1 =	vld [tilespmem:s16+$0xBB8];
	_ =	sdelay $0x4  }
0x5c8: {  	[tilespmem:s13+$0x240] =	vst v1  }
0x5c9: {  	v1 =	vld [tilespmem:s16+$0xBC8];
	_ =	sdelay $0x4  }
0x5ca: {  	[tilespmem:s13+$0x250] =	vst v1  }
0x5cb: {  	v1 =	vld [tilespmem:s16+$0xBD8];
	_ =	sdelay $0x4  }
0x5cc: {  	[tilespmem:s13+$0x260] =	vst v1  }
0x5cd: {  	v1 =	vld [tilespmem:s16+$0xBE8];
	_ =	sdelay $0x4  }
0x5ce: {  	[tilespmem:s13+$0x270] =	vst v1  }
0x5cf: {  	v1 =	vld [tilespmem:s28+$0xB78];
	_ =	sdelay $0x4  }
0x5d0: {  	[tilespmem:s13+$0x280] =	vst v1  }
0x5d1: {  	v1 =	vld [tilespmem:s28+$0xB88];
	_ =	sdelay $0x4  }
0x5d2: {  	[tilespmem:s13+$0x290] =	vst v1  }
0x5d3: {  	v1 =	vld [tilespmem:s28+$0xB98];
	_ =	sdelay $0x4  }
0x5d4: {  	[tilespmem:s13+$0x2A0] =	vst v1  }
0x5d5: {  	v1 =	vld [tilespmem:s28+$0xBA8];
	_ =	sdelay $0x4  }
0x5d6: {  	[tilespmem:s13+$0x2B0] =	vst v1  }
0x5d7: {  	v1 =	vld [tilespmem:s28+$0xBB8];
	_ =	sdelay $0x4  }
0x5d8: {  	[tilespmem:s13+$0x2C0] =	vst v1  }
0x5d9: {  	v1 =	vld [tilespmem:s28+$0xBC8];
	_ =	sdelay $0x4  }
0x5da: {  	[tilespmem:s13+$0x2D0] =	vst v1  }
0x5db: {  	v1 =	vld [tilespmem:s28+$0xBD8];
	_ =	sdelay $0x4  }
0x5dc: {  	[tilespmem:s13+$0x2E0] =	vst v1  }
0x5dd: {  	v1 =	vld [tilespmem:s28+$0xBE8];
	_ =	sdelay $0x4  }
0x5de: {  	[tilespmem:s13+$0x2F0] =	vst v1  }
0x5df: {  	v1 =	vld [tilespmem:s7+$0xB78];
	_ =	sdelay $0x4  }
0x5e0: {  	[tilespmem:s13+$0x300] =	vst v1  }
0x5e1: {  	v1 =	vld [tilespmem:s7+$0xB88];
	_ =	sdelay $0x4  }
0x5e2: {  	[tilespmem:s13+$0x310] =	vst v1  }
0x5e3: {  	v1 =	vld [tilespmem:s7+$0xB98];
	_ =	sdelay $0x4  }
0x5e4: {  	[tilespmem:s13+$0x320] =	vst v1  }
0x5e5: {  	v1 =	vld [tilespmem:s7+$0xBA8];
	_ =	sdelay $0x4  }
0x5e6: {  	[tilespmem:s13+$0x330] =	vst v1  }
0x5e7: {  	v1 =	vld [tilespmem:s7+$0xBB8];
	_ =	sdelay $0x4  }
0x5e8: {  	[tilespmem:s13+$0x340] =	vst v1  }
0x5e9: {  	v1 =	vld [tilespmem:s7+$0xBC8];
	_ =	sdelay $0x4  }
0x5ea: {  	[tilespmem:s13+$0x350] =	vst v1  }
0x5eb: {  	v1 =	vld [tilespmem:s7+$0xBD8];
	_ =	sdelay $0x4  }
0x5ec: {  	[tilespmem:s13+$0x360] =	vst v1  }
0x5ed: {  	v1 =	vld [tilespmem:s7+$0xBE8];
	_ =	sdelay $0x4  }
0x5ee: {  	[tilespmem:s13+$0x370] =	vst v1  }
0x5ef: {  	v1 =	vld [tilespmem:s29+$0xB78];
	_ =	sdelay $0x4  }
0x5f0: {  	[tilespmem:s13+$0x380] =	vst v1  }
0x5f1: {  	v1 =	vld [tilespmem:s29+$0xB88];
	_ =	sdelay $0x4  }
0x5f2: {  	[tilespmem:s13+$0x390] =	vst v1  }
0x5f3: {  	v1 =	vld [tilespmem:s29+$0xB98];
	_ =	sdelay $0x4  }
0x5f4: {  	[tilespmem:s13+$0x3A0] =	vst v1  }
0x5f5: {  	v1 =	vld [tilespmem:s29+$0xBA8];
	_ =	sdelay $0x4  }
0x5f6: {  	[tilespmem:s13+$0x3B0] =	vst v1  }
0x5f7: {  	v1 =	vld [tilespmem:s29+$0xBB8];
	_ =	sdelay $0x4  }
0x5f8: {  	[tilespmem:s13+$0x3C0] =	vst v1  }
0x5f9: {  	v1 =	vld [tilespmem:s29+$0xBC8];
	_ =	sdelay $0x4  }
0x5fa: {  	[tilespmem:s13+$0x3D0] =	vst v1  }
0x5fb: {  	v1 =	vld [tilespmem:s29+$0xBD8];
	_ =	sdelay $0x4  }
0x5fc: {  	[tilespmem:s13+$0x3E0] =	vst v1  }
0x5fd: {  	v1 =	vld [tilespmem:s29+$0xBE8]  }
.Ltmp2:
0x5fe: {  	(pc) =	sbr.rel @p1 .LBB2_8-.Ltmp2, $2  }
0x5ff: {  	_ =	sdelay $0x2  }
0x600: {  	s0 =	sshra.s32 s14, $0x2;
	s14 =	sadd.s32 $0x40, s14;
	[tilespmem:s13+$0x3F0] =	vst v1  }
0x601: {  	_ =	sdelay $0x3  }
0x602: {  	v0 =	vld.idx.msk [tilespmem:v0+s0+$0x0 ss:$0x1], $0xffff;
	_ =	sdelay $0x4  }
0x603: {  	v0 =	vshll.u32 v0, $0x9  }
0x604: {  	v0 =	vshra.s32 v0, $0x2  }
0x605: {  	(v2sf) =	vpush v0, $0x0;
	_ =	sdelay $0xe  }
0x606: {  	s1 =	spop (v2sf)  }
0x607: {  	v1 =	vld [tilespmem:s1+$0xB78];
	_ =	sdelay $0x3  }
0x608: {  	s0 =	sadd.s32 $0x800, s13  }
0x609: {  	[tilespmem:s0+$0xFFFFFC00] =	vst v1  }
0x60a: {  	v1 =	vld [tilespmem:s1+$0xB88];
	_ =	sdelay $0x4  }
0x60b: {  	[tilespmem:s0+$0xFFFFFC10] =	vst v1  }
0x60c: {  	v1 =	vld [tilespmem:s1+$0xB98];
	_ =	sdelay $0x4  }
0x60d: {  	[tilespmem:s0+$0xFFFFFC20] =	vst v1  }
0x60e: {  	v1 =	vld [tilespmem:s1+$0xBA8];
	_ =	sdelay $0x4  }
0x60f: {  	[tilespmem:s0+$0xFFFFFC30] =	vst v1  }
0x610: {  	v1 =	vld [tilespmem:s1+$0xBB8];
	_ =	sdelay $0x4  }
0x611: {  	[tilespmem:s0+$0xFFFFFC40] =	vst v1  }
0x612: {  	v1 =	vld [tilespmem:s1+$0xBC8];
	_ =	sdelay $0x1  }
0x613: {  	(v2sf) =	vpush v0, $0x1;
	_ =	sdelay $0x2  }
0x614: {  	[tilespmem:s0+$0xFFFFFC50] =	vst v1  }
0x615: {  	v1 =	vld [tilespmem:s1+$0xBD8];
	_ =	sdelay $0x4  }
0x616: {  	[tilespmem:s0+$0xFFFFFC60] =	vst v1  }
0x617: {  	v1 =	vld [tilespmem:s1+$0xBE8];
	_ =	sdelay $0x4  }
0x618: {  	s30 =	spop (v2sf);
	[tilespmem:s0+$0xFFFFFC70] =	vst v1  }
0x619: {  	v1 =	vld [tilespmem:s30+$0xB78];
	_ =	sdelay $0x4  }
0x61a: {  	[tilespmem:s0+$0xFFFFFC80] =	vst v1  }
0x61b: {  	v1 =	vld [tilespmem:s30+$0xB88];
	_ =	sdelay $0x4  }
0x61c: {  	[tilespmem:s0+$0xFFFFFC90] =	vst v1  }
0x61d: {  	v1 =	vld [tilespmem:s30+$0xB98];
	_ =	sdelay $0x4  }
0x61e: {  	[tilespmem:s0+$0xFFFFFCA0] =	vst v1  }
0x61f: {  	v1 =	vld [tilespmem:s30+$0xBA8];
	_ =	sdelay $0x4  }
0x620: {  	[tilespmem:s0+$0xFFFFFCB0] =	vst v1  }
0x621: {  	v1 =	vld [tilespmem:s30+$0xBB8];
	_ =	sdelay $0x4  }
0x622: {  	[tilespmem:s0+$0xFFFFFCC0] =	vst v1  }
0x623: {  	v1 =	vld [tilespmem:s30+$0xBC8];
	_ =	sdelay $0x1  }
0x624: {  	(v2sf) =	vpush v0, $0x2;
	_ =	sdelay $0x2  }
0x625: {  	[tilespmem:s0+$0xFFFFFCD0] =	vst v1  }
0x626: {  	v1 =	vld [tilespmem:s30+$0xBD8];
	_ =	sdelay $0x4  }
0x627: {  	[tilespmem:s0+$0xFFFFFCE0] =	vst v1  }
0x628: {  	v1 =	vld [tilespmem:s30+$0xBE8];
	_ =	sdelay $0x4  }
0x629: {  	s31 =	spop (v2sf);
	[tilespmem:s0+$0xFFFFFCF0] =	vst v1  }
0x62a: {  	v1 =	vld [tilespmem:s31+$0xB78];
	_ =	sdelay $0x4  }
0x62b: {  	[tilespmem:s0+$0xFFFFFD00] =	vst v1  }
0x62c: {  	v1 =	vld [tilespmem:s31+$0xB88];
	_ =	sdelay $0x4  }
0x62d: {  	[tilespmem:s0+$0xFFFFFD10] =	vst v1  }
0x62e: {  	v1 =	vld [tilespmem:s31+$0xB98];
	_ =	sdelay $0x4  }
0x62f: {  	[tilespmem:s0+$0xFFFFFD20] =	vst v1  }
0x630: {  	v1 =	vld [tilespmem:s31+$0xBA8];
	_ =	sdelay $0x4  }
0x631: {  	[tilespmem:s0+$0xFFFFFD30] =	vst v1  }
0x632: {  	v1 =	vld [tilespmem:s31+$0xBB8];
	_ =	sdelay $0x4  }
0x633: {  	[tilespmem:s0+$0xFFFFFD40] =	vst v1  }
0x634: {  	v1 =	vld [tilespmem:s31+$0xBC8];
	_ =	sdelay $0x1  }
0x635: {  	(v2sf) =	vpush v0, $0x3;
	_ =	sdelay $0x2  }
0x636: {  	[tilespmem:s0+$0xFFFFFD50] =	vst v1  }
0x637: {  	v1 =	vld [tilespmem:s31+$0xBD8];
	_ =	sdelay $0x4  }
0x638: {  	[tilespmem:s0+$0xFFFFFD60] =	vst v1  }
0x639: {  	v1 =	vld [tilespmem:s31+$0xBE8];
	_ =	sdelay $0x4  }
0x63a: {  	s6 =	spop (v2sf);
	[tilespmem:s0+$0xFFFFFD70] =	vst v1  }
0x63b: {  	v1 =	vld [tilespmem:s6+$0xB78];
	_ =	sdelay $0x4  }
0x63c: {  	[tilespmem:s0+$0xFFFFFD80] =	vst v1  }
0x63d: {  	v1 =	vld [tilespmem:s6+$0xB88];
	_ =	sdelay $0x4  }
0x63e: {  	[tilespmem:s0+$0xFFFFFD90] =	vst v1  }
0x63f: {  	v1 =	vld [tilespmem:s6+$0xB98];
	_ =	sdelay $0x4  }
0x640: {  	[tilespmem:s0+$0xFFFFFDA0] =	vst v1  }
0x641: {  	v1 =	vld [tilespmem:s6+$0xBA8];
	_ =	sdelay $0x4  }
0x642: {  	[tilespmem:s0+$0xFFFFFDB0] =	vst v1  }
0x643: {  	v1 =	vld [tilespmem:s6+$0xBB8];
	_ =	sdelay $0x4  }
0x644: {  	[tilespmem:s0+$0xFFFFFDC0] =	vst v1  }
0x645: {  	v1 =	vld [tilespmem:s6+$0xBC8];
	_ =	sdelay $0x1  }
0x646: {  	(v2sf) =	vpush v0, $0x4;
	_ =	sdelay $0x2  }
0x647: {  	[tilespmem:s0+$0xFFFFFDD0] =	vst v1  }
0x648: {  	v1 =	vld [tilespmem:s6+$0xBD8];
	_ =	sdelay $0x4  }
0x649: {  	[tilespmem:s0+$0xFFFFFDE0] =	vst v1  }
0x64a: {  	v1 =	vld [tilespmem:s6+$0xBE8];
	_ =	sdelay $0x4  }
0x64b: {  	s7 =	spop (v2sf);
	[tilespmem:s0+$0xFFFFFDF0] =	vst v1  }
0x64c: {  	v1 =	vld [tilespmem:s7+$0xB78];
	_ =	sdelay $0x4  }
0x64d: {  	[tilespmem:s0+$0xFFFFFE00] =	vst v1  }
0x64e: {  	v1 =	vld [tilespmem:s7+$0xB88];
	_ =	sdelay $0x4  }
0x64f: {  	[tilespmem:s0+$0xFFFFFE10] =	vst v1  }
0x650: {  	v1 =	vld [tilespmem:s7+$0xB98];
	_ =	sdelay $0x4  }
0x651: {  	[tilespmem:s0+$0xFFFFFE20] =	vst v1  }
0x652: {  	v1 =	vld [tilespmem:s7+$0xBA8];
	_ =	sdelay $0x4  }
0x653: {  	[tilespmem:s0+$0xFFFFFE30] =	vst v1  }
0x654: {  	v1 =	vld [tilespmem:s7+$0xBB8];
	_ =	sdelay $0x4  }
0x655: {  	[tilespmem:s0+$0xFFFFFE40] =	vst v1  }
0x656: {  	v1 =	vld [tilespmem:s7+$0xBC8];
	_ =	sdelay $0x1  }
0x657: {  	(v2sf) =	vpush v0, $0x5;
	_ =	sdelay $0x2  }
0x658: {  	[tilespmem:s0+$0xFFFFFE50] =	vst v1  }
0x659: {  	v1 =	vld [tilespmem:s7+$0xBD8];
	_ =	sdelay $0x4  }
0x65a: {  	[tilespmem:s0+$0xFFFFFE60] =	vst v1  }
0x65b: {  	v1 =	vld [tilespmem:s7+$0xBE8];
	_ =	sdelay $0x4  }
0x65c: {  	s9 =	spop (v2sf);
	[tilespmem:s0+$0xFFFFFE70] =	vst v1  }
0x65d: {  	v1 =	vld [tilespmem:s9+$0xB78];
	_ =	sdelay $0x4  }
0x65e: {  	[tilespmem:s0+$0xFFFFFE80] =	vst v1  }
0x65f: {  	v1 =	vld [tilespmem:s9+$0xB88];
	_ =	sdelay $0x4  }
0x660: {  	[tilespmem:s0+$0xFFFFFE90] =	vst v1  }
0x661: {  	v1 =	vld [tilespmem:s9+$0xB98];
	_ =	sdelay $0x4  }
0x662: {  	[tilespmem:s0+$0xFFFFFEA0] =	vst v1  }
0x663: {  	v1 =	vld [tilespmem:s9+$0xBA8];
	_ =	sdelay $0x4  }
0x664: {  	[tilespmem:s0+$0xFFFFFEB0] =	vst v1  }
0x665: {  	v1 =	vld [tilespmem:s9+$0xBB8];
	_ =	sdelay $0x4  }
0x666: {  	[tilespmem:s0+$0xFFFFFEC0] =	vst v1  }
0x667: {  	v1 =	vld [tilespmem:s9+$0xBC8];
	_ =	sdelay $0x1  }
0x668: {  	(v2sf) =	vpush v0, $0x6;
	_ =	sdelay $0x2  }
0x669: {  	[tilespmem:s0+$0xFFFFFED0] =	vst v1  }
0x66a: {  	v1 =	vld [tilespmem:s9+$0xBD8];
	_ =	sdelay $0x4  }
0x66b: {  	[tilespmem:s0+$0xFFFFFEE0] =	vst v1  }
0x66c: {  	v1 =	vld [tilespmem:s9+$0xBE8];
	_ =	sdelay $0x4  }
0x66d: {  	s10 =	spop (v2sf);
	[tilespmem:s0+$0xFFFFFEF0] =	vst v1  }
0x66e: {  	v1 =	vld [tilespmem:s10+$0xB78];
	_ =	sdelay $0x4  }
0x66f: {  	[tilespmem:s0+$0xFFFFFF00] =	vst v1  }
0x670: {  	v1 =	vld [tilespmem:s10+$0xB88];
	_ =	sdelay $0x4  }
0x671: {  	[tilespmem:s0+$0xFFFFFF10] =	vst v1  }
0x672: {  	v1 =	vld [tilespmem:s10+$0xB98];
	_ =	sdelay $0x4  }
0x673: {  	[tilespmem:s0+$0xFFFFFF20] =	vst v1  }
0x674: {  	v1 =	vld [tilespmem:s10+$0xBA8];
	_ =	sdelay $0x4  }
0x675: {  	[tilespmem:s0+$0xFFFFFF30] =	vst v1  }
0x676: {  	v1 =	vld [tilespmem:s10+$0xBB8];
	_ =	sdelay $0x4  }
0x677: {  	[tilespmem:s0+$0xFFFFFF40] =	vst v1  }
0x678: {  	v1 =	vld [tilespmem:s10+$0xBC8];
	_ =	sdelay $0x1  }
0x679: {  	(v2sf) =	vpush v0, $0x7;
	_ =	sdelay $0x2  }
0x67a: {  	[tilespmem:s0+$0xFFFFFF50] =	vst v1  }
0x67b: {  	v1 =	vld [tilespmem:s10+$0xBD8];
	_ =	sdelay $0x4  }
0x67c: {  	[tilespmem:s0+$0xFFFFFF60] =	vst v1  }
0x67d: {  	v1 =	vld [tilespmem:s10+$0xBE8];
	_ =	sdelay $0x4  }
0x67e: {  	s11 =	spop (v2sf);
	[tilespmem:s0+$0xFFFFFF70] =	vst v1  }
0x67f: {  	v1 =	vld [tilespmem:s11+$0xB78];
	_ =	sdelay $0x4  }
0x680: {  	[tilespmem:s0+$0xFFFFFF80] =	vst v1  }
0x681: {  	v1 =	vld [tilespmem:s11+$0xB88];
	_ =	sdelay $0x4  }
0x682: {  	[tilespmem:s0+$0xFFFFFF90] =	vst v1  }
0x683: {  	v1 =	vld [tilespmem:s11+$0xB98];
	_ =	sdelay $0x4  }
0x684: {  	[tilespmem:s0+$0xFFFFFFA0] =	vst v1  }
0x685: {  	v1 =	vld [tilespmem:s11+$0xBA8];
	_ =	sdelay $0x4  }
0x686: {  	[tilespmem:s0+$0xFFFFFFB0] =	vst v1  }
0x687: {  	v1 =	vld [tilespmem:s11+$0xBB8];
	_ =	sdelay $0x4  }
0x688: {  	[tilespmem:s0+$0xFFFFFFC0] =	vst v1  }
0x689: {  	v1 =	vld [tilespmem:s11+$0xBC8];
	_ =	sdelay $0x1  }
0x68a: {  	(v2sf) =	vpush v0, $0x8;
	_ =	sdelay $0x2  }
0x68b: {  	[tilespmem:s0+$0xFFFFFFD0] =	vst v1  }
0x68c: {  	v1 =	vld [tilespmem:s11+$0xBD8];
	_ =	sdelay $0x4  }
0x68d: {  	[tilespmem:s0+$0xFFFFFFE0] =	vst v1  }
0x68e: {  	v1 =	vld [tilespmem:s11+$0xBE8];
	_ =	sdelay $0x4  }
0x68f: {  	s13 =	spop (v2sf);
	[tilespmem:s0+$0xFFFFFFF0] =	vst v1  }
0x690: {  	v1 =	vld [tilespmem:s13+$0xB78];
	_ =	sdelay $0x4  }
0x691: {  	[tilespmem:s0+$0x0] =	vst v1  }
0x692: {  	v1 =	vld [tilespmem:s13+$0xB88];
	_ =	sdelay $0x4  }
0x693: {  	[tilespmem:s0+$0x10] =	vst v1  }
0x694: {  	v1 =	vld [tilespmem:s13+$0xB98];
	_ =	sdelay $0x4  }
0x695: {  	[tilespmem:s0+$0x20] =	vst v1  }
0x696: {  	v1 =	vld [tilespmem:s13+$0xBA8];
	_ =	sdelay $0x4  }
0x697: {  	[tilespmem:s0+$0x30] =	vst v1  }
0x698: {  	v1 =	vld [tilespmem:s13+$0xBB8];
	_ =	sdelay $0x4  }
0x699: {  	[tilespmem:s0+$0x40] =	vst v1  }
0x69a: {  	v1 =	vld [tilespmem:s13+$0xBC8];
	_ =	sdelay $0x1  }
0x69b: {  	(v2sf) =	vpush v0, $0x9;
	_ =	sdelay $0x2  }
0x69c: {  	[tilespmem:s0+$0x50] =	vst v1  }
0x69d: {  	v1 =	vld [tilespmem:s13+$0xBD8];
	_ =	sdelay $0x4  }
0x69e: {  	[tilespmem:s0+$0x60] =	vst v1  }
0x69f: {  	v1 =	vld [tilespmem:s13+$0xBE8];
	_ =	sdelay $0x4  }
0x6a0: {  	s14 =	spop (v2sf);
	[tilespmem:s0+$0x70] =	vst v1  }
0x6a1: {  	v1 =	vld [tilespmem:s14+$0xB78];
	_ =	sdelay $0x4  }
0x6a2: {  	[tilespmem:s0+$0x80] =	vst v1  }
0x6a3: {  	v1 =	vld [tilespmem:s14+$0xB88];
	_ =	sdelay $0x4  }
0x6a4: {  	[tilespmem:s0+$0x90] =	vst v1  }
0x6a5: {  	v1 =	vld [tilespmem:s14+$0xB98];
	_ =	sdelay $0x4  }
0x6a6: {  	[tilespmem:s0+$0xA0] =	vst v1  }
0x6a7: {  	v1 =	vld [tilespmem:s14+$0xBA8];
	_ =	sdelay $0x4  }
0x6a8: {  	[tilespmem:s0+$0xB0] =	vst v1  }
0x6a9: {  	v1 =	vld [tilespmem:s14+$0xBB8];
	_ =	sdelay $0x4  }
0x6aa: {  	[tilespmem:s0+$0xC0] =	vst v1  }
0x6ab: {  	v1 =	vld [tilespmem:s14+$0xBC8];
	_ =	sdelay $0x1  }
0x6ac: {  	(v2sf) =	vpush v0, $0xA;
	_ =	sdelay $0x2  }
0x6ad: {  	[tilespmem:s0+$0xD0] =	vst v1  }
0x6ae: {  	v1 =	vld [tilespmem:s14+$0xBD8];
	_ =	sdelay $0x4  }
0x6af: {  	[tilespmem:s0+$0xE0] =	vst v1  }
0x6b0: {  	v1 =	vld [tilespmem:s14+$0xBE8];
	_ =	sdelay $0x4  }
0x6b1: {  	s15 =	spop (v2sf);
	[tilespmem:s0+$0xF0] =	vst v1  }
0x6b2: {  	v1 =	vld [tilespmem:s15+$0xB78];
	_ =	sdelay $0x4  }
0x6b3: {  	[tilespmem:s0+$0x100] =	vst v1  }
0x6b4: {  	v1 =	vld [tilespmem:s15+$0xB88];
	_ =	sdelay $0x4  }
0x6b5: {  	[tilespmem:s0+$0x110] =	vst v1  }
0x6b6: {  	v1 =	vld [tilespmem:s15+$0xB98];
	_ =	sdelay $0x4  }
0x6b7: {  	[tilespmem:s0+$0x120] =	vst v1  }
0x6b8: {  	v1 =	vld [tilespmem:s15+$0xBA8];
	_ =	sdelay $0x4  }
0x6b9: {  	[tilespmem:s0+$0x130] =	vst v1  }
0x6ba: {  	v1 =	vld [tilespmem:s15+$0xBB8];
	_ =	sdelay $0x4  }
0x6bb: {  	[tilespmem:s0+$0x140] =	vst v1  }
0x6bc: {  	v1 =	vld [tilespmem:s15+$0xBC8];
	_ =	sdelay $0x1  }
0x6bd: {  	(v2sf) =	vpush v0, $0xB;
	_ =	sdelay $0x2  }
0x6be: {  	[tilespmem:s0+$0x150] =	vst v1  }
0x6bf: {  	v1 =	vld [tilespmem:s15+$0xBD8];
	_ =	sdelay $0x4  }
0x6c0: {  	[tilespmem:s0+$0x160] =	vst v1  }
0x6c1: {  	v1 =	vld [tilespmem:s15+$0xBE8];
	_ =	sdelay $0x4  }
0x6c2: {  	s16 =	spop (v2sf);
	[tilespmem:s0+$0x170] =	vst v1  }
0x6c3: {  	v1 =	vld [tilespmem:s16+$0xB78];
	_ =	sdelay $0x4  }
0x6c4: {  	[tilespmem:s0+$0x180] =	vst v1  }
0x6c5: {  	v1 =	vld [tilespmem:s16+$0xB88];
	_ =	sdelay $0x4  }
0x6c6: {  	[tilespmem:s0+$0x190] =	vst v1  }
0x6c7: {  	v1 =	vld [tilespmem:s16+$0xB98];
	_ =	sdelay $0x4  }
0x6c8: {  	[tilespmem:s0+$0x1A0] =	vst v1  }
0x6c9: {  	v1 =	vld [tilespmem:s16+$0xBA8];
	_ =	sdelay $0x4  }
0x6ca: {  	[tilespmem:s0+$0x1B0] =	vst v1  }
0x6cb: {  	v1 =	vld [tilespmem:s16+$0xBB8];
	_ =	sdelay $0x4  }
0x6cc: {  	[tilespmem:s0+$0x1C0] =	vst v1  }
0x6cd: {  	v1 =	vld [tilespmem:s16+$0xBC8];
	_ =	sdelay $0x1  }
0x6ce: {  	(v2sf) =	vpush v0, $0xC;
	_ =	sdelay $0x2  }
0x6cf: {  	[tilespmem:s0+$0x1D0] =	vst v1  }
0x6d0: {  	v1 =	vld [tilespmem:s16+$0xBD8];
	_ =	sdelay $0x4  }
0x6d1: {  	[tilespmem:s0+$0x1E0] =	vst v1  }
0x6d2: {  	v1 =	vld [tilespmem:s16+$0xBE8];
	_ =	sdelay $0x4  }
0x6d3: {  	s17 =	spop (v2sf);
	[tilespmem:s0+$0x1F0] =	vst v1  }
0x6d4: {  	v1 =	vld [tilespmem:s17+$0xB78];
	_ =	sdelay $0x4  }
0x6d5: {  	[tilespmem:s0+$0x200] =	vst v1  }
0x6d6: {  	v1 =	vld [tilespmem:s17+$0xB88];
	_ =	sdelay $0x4  }
0x6d7: {  	[tilespmem:s0+$0x210] =	vst v1  }
0x6d8: {  	v1 =	vld [tilespmem:s17+$0xB98];
	_ =	sdelay $0x4  }
0x6d9: {  	[tilespmem:s0+$0x220] =	vst v1  }
0x6da: {  	v1 =	vld [tilespmem:s17+$0xBA8];
	_ =	sdelay $0x4  }
0x6db: {  	[tilespmem:s0+$0x230] =	vst v1  }
0x6dc: {  	v1 =	vld [tilespmem:s17+$0xBB8];
	_ =	sdelay $0x4  }
0x6dd: {  	[tilespmem:s0+$0x240] =	vst v1  }
0x6de: {  	v1 =	vld [tilespmem:s17+$0xBC8];
	_ =	sdelay $0x1  }
0x6df: {  	(v2sf) =	vpush v0, $0xD;
	_ =	sdelay $0x2  }
0x6e0: {  	[tilespmem:s0+$0x250] =	vst v1  }
0x6e1: {  	v1 =	vld [tilespmem:s17+$0xBD8];
	_ =	sdelay $0x4  }
0x6e2: {  	[tilespmem:s0+$0x260] =	vst v1  }
0x6e3: {  	v1 =	vld [tilespmem:s17+$0xBE8];
	_ =	sdelay $0x4  }
0x6e4: {  	s24 =	spop (v2sf);
	[tilespmem:s0+$0x270] =	vst v1  }
0x6e5: {  	v1 =	vld [tilespmem:s24+$0xB78];
	_ =	sdelay $0x4  }
0x6e6: {  	[tilespmem:s0+$0x280] =	vst v1  }
0x6e7: {  	v1 =	vld [tilespmem:s24+$0xB88];
	_ =	sdelay $0x4  }
0x6e8: {  	[tilespmem:s0+$0x290] =	vst v1  }
0x6e9: {  	v1 =	vld [tilespmem:s24+$0xB98];
	_ =	sdelay $0x4  }
0x6ea: {  	[tilespmem:s0+$0x2A0] =	vst v1  }
0x6eb: {  	v1 =	vld [tilespmem:s24+$0xBA8];
	_ =	sdelay $0x4  }
0x6ec: {  	[tilespmem:s0+$0x2B0] =	vst v1  }
0x6ed: {  	v1 =	vld [tilespmem:s24+$0xBB8];
	_ =	sdelay $0x4  }
0x6ee: {  	[tilespmem:s0+$0x2C0] =	vst v1  }
0x6ef: {  	v1 =	vld [tilespmem:s24+$0xBC8];
	_ =	sdelay $0x1  }
0x6f0: {  	(v2sf) =	vpush v0, $0xE;
	_ =	sdelay $0x2  }
0x6f1: {  	[tilespmem:s0+$0x2D0] =	vst v1  }
0x6f2: {  	v1 =	vld [tilespmem:s24+$0xBD8];
	_ =	sdelay $0x4  }
0x6f3: {  	[tilespmem:s0+$0x2E0] =	vst v1  }
0x6f4: {  	v1 =	vld [tilespmem:s24+$0xBE8];
	_ =	sdelay $0x4  }
0x6f5: {  	s26 =	spop (v2sf);
	[tilespmem:s0+$0x2F0] =	vst v1  }
0x6f6: {  	v1 =	vld [tilespmem:s26+$0xB78];
	_ =	sdelay $0x4  }
0x6f7: {  	[tilespmem:s0+$0x300] =	vst v1  }
0x6f8: {  	v1 =	vld [tilespmem:s26+$0xB88];
	_ =	sdelay $0x4  }
0x6f9: {  	[tilespmem:s0+$0x310] =	vst v1  }
0x6fa: {  	v1 =	vld [tilespmem:s26+$0xB98];
	_ =	sdelay $0x4  }
0x6fb: {  	[tilespmem:s0+$0x320] =	vst v1  }
0x6fc: {  	v1 =	vld [tilespmem:s26+$0xBA8];
	_ =	sdelay $0x4  }
0x6fd: {  	[tilespmem:s0+$0x330] =	vst v1  }
0x6fe: {  	v1 =	vld [tilespmem:s26+$0xBB8];
	_ =	sdelay $0x4  }
0x6ff: {  	[tilespmem:s0+$0x340] =	vst v1  }
0x700: {  	v1 =	vld [tilespmem:s26+$0xBC8];
	_ =	sdelay $0x1  }
0x701: {  	(v2sf) =	vpush v0, $0xF;
	_ =	sdelay $0x2  }
0x702: {  	[tilespmem:s0+$0x350] =	vst v1  }
0x703: {  	v63 =	vld [tilespmem:s26+$0xBD8];
	_ =	sdelay $0x4  }
0x704: {  	[tilespmem:s0+$0x360] =	vst v63  }
0x705: {  	v0 =	vld [tilespmem:s26+$0xBE8];
	_ =	sdelay $0x4  }
0x706: {  	s28 =	spop (v2sf);
	[tilespmem:s0+$0x370] =	vst v0  }
0x707: {  	v0 =	vld [tilespmem:s28+$0xB78];
	_ =	sdelay $0x4  }
0x708: {  	[tilespmem:s0+$0x380] =	vst v0  }
0x709: {  	v0 =	vld [tilespmem:s28+$0xB88];
	_ =	sdelay $0x4  }
0x70a: {  	[tilespmem:s0+$0x390] =	vst v0  }
0x70b: {  	v0 =	vld [tilespmem:s28+$0xB98];
	_ =	sdelay $0x4  }
0x70c: {  	[tilespmem:s0+$0x3A0] =	vst v0  }
0x70d: {  	v0 =	vld [tilespmem:s28+$0xBA8];
	_ =	sdelay $0x4  }
0x70e: {  	[tilespmem:s0+$0x3B0] =	vst v0  }
0x70f: {  	v0 =	vld [tilespmem:s28+$0xBB8];
	_ =	sdelay $0x4  }
0x710: {  	[tilespmem:s0+$0x3C0] =	vst v0  }
0x711: {  	v0 =	vld [tilespmem:s28+$0xBC8];
	_ =	sdelay $0x4  }
0x712: {  	[tilespmem:s0+$0x3D0] =	vst v0  }
0x713: {  	v0 =	vld [tilespmem:s28+$0xBD8];
	_ =	sdelay $0x4  }
0x714: {  	[tilespmem:s0+$0x3E0] =	vst v0  }
0x715: {  	s5 =	sadd.s32 $0x1, s5;
	v0 =	vld [tilespmem:s28+$0xBE8]  }
0x716: {  	p1 =	sne.s32 s5, $0xA  }
.Ltmp3:
0x717: {  	s29 =	rddreg [dreg:$0xa];
	(pc) =	sbr.rel @p1 .LBB2_7-.Ltmp3, $4  }
0x718: {  	s1 =	sadd.s32 s12, s29  }
0x719: {  	s19 =	sadd.s32 $0x200, s19;
	s1 =	sshrl.u32 s1, $0x3  }
0x71a: {  	s30 =	sadd.s32 s2, s1;
	s31 =	simm.s32 $0x1AB78;
	s11 =	smov.u32 s21;
	[tilespmem:s0+$0x3F0] =	vst v0  }
0x71b: {  	[hbm4b:s30+s4] =	stream.linear.scatter [tilespmem:s31], [sflag:$0x7], $0x4000, $0x38;
	[tilespmem:$0x1EB78] =	vst v63  }
0x71c: {  	s1 =	simm.s32 $0x3  }
0x71d: {  	_ =	swait.ge [sflag:s1], $0x4000  }
0x71e: {  	s0 =	rddreg [dreg:$0xd]  }
0x71f: {  	s31 =	rddreg [dreg:$0x11]  }
0x720: {  	s5 =	rddreg [dreg:$0x13];
	p1 =	sne.s32 s31, $0x9  }
.Ltmp4:
0x721: {  	s0 =	sadd.s32 s0, s5;
	(pc) =	sbr.rel @p1 .LBB2_2-.Ltmp4, $4  }
0x722: {  	s30 =	simm.s32 $0x16B78;
	[sflag:s1] =	ssyncset.done $0x0;
	s0 =	sshrl.u32 s0, $0x3  }
0x723: {  	s21 =	rddreg [dreg:$0x6];
	[sflag:s1] =	ssyncadd.s32 $0xFFFFC000;
	s0 =	sadd.s32 s2, s0  }
0x724: {  	[hbm4b:s0+s4] =	stream.linear.scatter [tilespmem:s30], [sflag:$0x6], $0x4000, $0x38;
	[tilespmem:$0x1EB78] =	vst v63  }
0x725: {  	s1 =	rddreg [dreg:$0x14];
	s0 =	simm.s32 $0x8  }
0x726: {  	s0 =	simm.s32 $0x4  }
0x727: {  	_ =	swait.ge [sflag:s0], $0x4000  }
0x728: {  	[sflag:s0] =	ssyncset.done $0x0  }
0x729: {  	s29 =	simm.s32 $0x5;
	[sflag:s0] =	ssyncadd.s32 $0xFFFFC000  }
0x72a: {  	_ =	swait.ge [sflag:s29], $0x4000  }
0x72b: {  	[sflag:s29] =	ssyncset.done $0x0  }
0x72c: {  	s30 =	simm.s32 $0x6;
	[sflag:s29] =	ssyncadd.s32 $0xFFFFC000  }
0x72d: {  	_ =	swait.ge [sflag:s30], $0x4000  }
0x72e: {  	[sflag:s30] =	ssyncset.done $0x0  }
0x72f: {  	s1 =	simm.s32 $0x7;
	[sflag:s30] =	ssyncadd.s32 $0xFFFFC000  }
0x730: {  	_ =	swait.ge [sflag:s1], $0x4000  }
0x731: {  	s5 =	rddreg [dreg:$0x10]  }
0x732: {  	s31 =	rddreg [dreg:$0xe];
	s5 =	sadd.s32 $0x1, s5  }
0x733: {  	p1 =	sne.s32 s5, s31  }
.Ltmp5:
0x734: {  	_ = 	snop;
	(pc) =	sbr.rel @p1 .LBB2_1-.Ltmp5, $3  }
0x735: {  	_ =	sdelay $0x1  }
0x736: {  	[sflag:s1] =	ssyncset.done $0x0  }
0x737: {  	[sflag:s1] =	ssyncadd.s32 $0xFFFFC000  }
0x738: {  	_ =	sfence.sel $0x180000  }
0x739: {  	[bflag:$0x0] =	sbarrier.arrive $0xFFFF  }
0x73a: {  	_ =	strace $0x90000047  }
0x73b: {  	[bflag:$0x2] =	sbarrier.arrive $0xFFFF  }
0x73c: {  	s0 =	rddreg [dreg:$0x4]  }
0x73d: {  	s0 =	sadd.s32 @!p0 $0x100000, s0  }
0x73e: {  	[sflag:s0] =	ssyncadd.tile.s32 @!p0 $0x1;
	_ =	shalt  }
.Lfunc_end2:
_tile_overlayer_lowered:
.L_overlay_start_2:
0x73f: {  	(tag) =	ssettag $0x2  }
0x740: {  	s0 =	rddreg [dreg:$0x0];
	s2 =	stileid.u32  }
0x741: {  	s1 =	rddreg [dreg:$0x1];
	p0 =	sne.s32 s2, $0x0  }
0x742: {  	s3 =	rddreg [dreg:$0x2];
	[bflag:$0x3] =	sbarrier.arrive $0xFFFF;
	s2 =	simm.s32 @!p0 $0x1C09  }
0x743: {  	[timem:s3], [sflag:s2] =	dma.local @!p0 [hbm:s0], s1  }
0x744: {  	s0 =	simm.s32 @!p0 $0x9  }
0x745: {  	_ =	swait.ge @!p0 [sflag:s0], s1  }
0x746: {  	s1 =	ssub.s32 @!p0 $0x0, s1;
	[sflag:s0] =	ssyncset.done @!p0 $0x0  }
0x747: {  	[sflag:s0] =	ssyncadd.s32 @!p0 s1  }
0x748: {  	[bflag:$0x3] =	sbarrier.arrive $0xFFFF  }
0x749: {  	_ =	shalt  }

</sc_bundles>
